<compile_context>
chip_gen: v7x
topology: tpu7x:2x2x1
jax: 0.10.2.dev20260603
libtpu: 0.0.44.dev20260713+nightly
codegen_flags: <defaults>
</compile_context>

<pallas_src>
import functools

import jax
import jax.numpy as jnp
from jax.experimental import pallas as pl
from jax.experimental.pallas import tpu as pltpu
from jax.experimental.pallas import tpu_sc as plsc

K = 8
E = 64
L = 16
NW = 32



def _gate_body(x_ref, w_ref, b_ref, o_ref):
    o_ref[0] = jax.lax.dot_general(
        x_ref[0], w_ref[...], (((0,), (1,)), ((), ())),
        preferred_element_type=jnp.float32,
    ) + b_ref[...]


def _gate_logits(x, W, b):
    B, C, H, Wd = x.shape
    T = H * Wd
    xr = x.reshape(B, C, T)
    b2 = b.reshape(1, E)
    logits = pl.pallas_call(
        _gate_body,
        grid=(B,),
        in_specs=[
            pl.BlockSpec((1, C, T), lambda i: (i, 0, 0)),
            pl.BlockSpec((E, C), lambda i: (0, 0)),
            pl.BlockSpec((1, E), lambda i: (0, 0)),
        ],
        out_specs=pl.BlockSpec((1, T, E), lambda i: (i, 0, 0)),
        out_shape=jax.ShapeDtypeStruct((B, T, E), jnp.float32),
    )(xr, W, b2)
    return logits.reshape(B * T // L, L, E)



def _lane_iota():
    return jax.lax.broadcasted_iota(jnp.int32, (L,), 0)


def _permute(v, idx):
    return jax.lax.gather(
        v, idx[:, None],
        jax.lax.GatherDimensionNumbers(
            offset_dims=(), collapsed_slice_dims=(0,), start_index_map=(0,)),
        (1,),
        mode=jax.lax.GatherScatterMode.PROMISE_IN_BOUNDS,
    )


def _merge_top8(a, b, *, descending):
    ak, av = a
    bk, bv = b
    lo = _lane_iota() < 8
    if descending:
        ck = jnp.where(lo, ak, bk)
        cv = jnp.where(lo, av, bv)
    else:
        ck = jnp.where(lo, bk, ak)
        cv = jnp.where(lo, bv, av)
    return plsc.sort_key_val(ck, cv, descending=descending)


def _topk_group(in_ref, wb_ref, ib_ref):
    lanes = _lane_iota()
    last_idx = jnp.full((L,), L - 1, jnp.int32)
    topk_mask = lanes < K
    descs = (True, False, False, True)
    for l in range(L):
        chunks = []
        for c in range(E // L):
            v = in_ref[l, pl.ds(c * L, L)]
            ids = lanes + (c * L)
            chunks.append(plsc.sort_key_val(v, ids, descending=descs[c]))
        m01 = _merge_top8(chunks[0], chunks[1], descending=True)
        m23 = _merge_top8(chunks[2], chunks[3], descending=False)
        mk, mv = _merge_top8(m01, m23, descending=True)
        ez = jnp.where(topk_mask, jnp.exp(mk), jnp.float32(0.0))
        tot = _permute(plsc.cumsum(ez), last_idx)
        wb_ref[l] = ez / tot
        ib_ref[l] = mv


def _topk_sc(logits):
    G = logits.shape[0]
    per = G // NW
    mesh = plsc.VectorSubcoreMesh(
        core_axis_name="c", subcore_axis_name="s", num_cores=2, num_subcores=16)

    @functools.partial(
        pl.kernel,
        out_type=[
            jax.ShapeDtypeStruct((G, L, L), jnp.float32),
            jax.ShapeDtypeStruct((G, L, L), jnp.int32),
        ],
        mesh=mesh,
        compiler_params=pltpu.CompilerParams(needs_layout_passes=False),
        scratch_types=[
            pltpu.VMEM((L, E), jnp.float32),
            pltpu.VMEM((L, E), jnp.float32),
            pltpu.VMEM((L, L), jnp.float32),
            pltpu.VMEM((L, L), jnp.int32),
            pltpu.VMEM((L, L), jnp.float32),
            pltpu.VMEM((L, L), jnp.int32),
            pltpu.SemaphoreType.DMA((2,)),
            pltpu.SemaphoreType.DMA((4,)),
        ],
    )
    def run(lg_hbm, ow_hbm, oi_hbm, in0, in1, wb0, ib0, wb1, ib1, isem, osem):
        wid = jax.lax.axis_index("s") * 2 + jax.lax.axis_index("c")
        base = wid * per

        def in_copy(g, buf, slot):
            return pltpu.make_async_copy(lg_hbm.at[g], buf, isem.at[slot])

        def out_copies(g, wb, ib, so):
            return (
                pltpu.make_async_copy(wb, ow_hbm.at[g], osem.at[so]),
                pltpu.make_async_copy(ib, oi_hbm.at[g], osem.at[so + 1]),
            )

        in_copy(base, in0, 0).start()

        def pair(p, carry):
            g0 = base + 2 * p
            g1 = g0 + 1
            in_copy(g1, in1, 1).start()
            in_copy(g0, in0, 0).wait()

            @pl.when(p > 0)
            def _():
                for cp in out_copies(g0 - 2, wb0, ib0, 0) + out_copies(
                        g1 - 2, wb1, ib1, 2):
                    cp.wait()

            _topk_group(in0, wb0, ib0)
            for cp in out_copies(g0, wb0, ib0, 0):
                cp.start()

            @pl.when(p + 1 < per // 2)
            def _():
                in_copy(g0 + 2, in0, 0).start()

            in_copy(g1, in1, 1).wait()
            _topk_group(in1, wb1, ib1)
            for cp in out_copies(g1, wb1, ib1, 2):
                cp.start()
            return carry

        jax.lax.fori_loop(0, per // 2, pair, 0)
        for cp in out_copies(base, wb0, ib0, 0) + out_copies(base, wb1, ib1, 2):
            cp.wait()

    return run(logits)


def kernel(x, W, b):
    B, C, H, Wd = x.shape
    logits = _gate_logits(x, W, b)
    w16, i16 = _topk_sc(logits)
    return (w16[:, :, :K].reshape(B, H, Wd, K),
            i16[:, :, :K].reshape(B, H, Wd, K))

# --- scband reference (transcript-rebuilt; emitter-appended) ---
"""Pipeline reference for scband-router-43808666419671 (READ-ONLY COPY).

The authoritative reference and input builder live on the scoring server;
editing this copy changes nothing except your own understanding.
"""

import jax, jax.numpy as jnp
import numpy as np

K = 8

def setup_inputs(seed: int = 0) -> dict:
    key = jax.random.key(seed)
    k1, k2, k3 = jax.random.split(key, 3)
    x = jax.random.normal(k1, (16, 768, 32, 32), dtype=jnp.float32)
    # gate: nn.Linear(768, 64) -> weight [64, 768], bias [64]
    W = jax.random.normal(k2, (64, 768), dtype=jnp.float32) * 0.02
    b = jax.random.normal(k3, (64,), dtype=jnp.float32) * 0.02
    return {"x": x, "W": W, "b": b}

def reference(x, W, b):
    # routing_type == 'patch': permute [B, C, H, W] -> [B, H, W, C]
    xp = jnp.transpose(x, (0, 2, 3, 1))
    logits = xp @ W.T + b  # [B, H, W, E]
    # temperature == 1.0 -> no scaling
    top_vals, top_idx = jax.lax.top_k(logits, K)  # [B, H, W, K]
    weights = jax.nn.softmax(top_vals, axis=-1)
    return (weights, top_idx)

if __name__ == "__main__":
    import jax
    _d = setup_inputs()
    print(jax.jit(kernel)(*tuple(_d.values())))

</pallas_src>

<mosaic_0001>
#map = affine_map<(d0, d1) -> (0, 0, 0)>
module attributes {stable_mosaic.version = 14 : i64} {
  func.func @run(%arg0: i32, %arg1: i32, %arg2: memref<1024x16x64xf32, #tpu.memory_space<hbm>>, %arg3: memref<1024x16x16xf32, #tpu.memory_space<hbm>>, %arg4: memref<1024x16x16xi32, #tpu.memory_space<hbm>>, %arg5: memref<16x64xf32, #tpu.memory_space<vmem>>, %arg6: memref<16x64xf32, #tpu.memory_space<vmem>>, %arg7: memref<16x16xf32, #tpu.memory_space<vmem>>, %arg8: memref<16x16xi32, #tpu.memory_space<vmem>>, %arg9: memref<16x16xf32, #tpu.memory_space<vmem>>, %arg10: memref<16x16xi32, #tpu.memory_space<vmem>>, %arg11: memref<2x!tpu.dma_semaphore, #tpu.memory_space<semaphore_mem>>, %arg12: memref<4x!tpu.dma_semaphore, #tpu.memory_space<semaphore_mem>>) attributes {dimension_semantics = [#tpu.dimension_semantics<core_parallel>, #tpu.dimension_semantics<subcore_parallel>], iteration_bounds = array<i64: 2, 16>, scalar_prefetch = 0 : i64, scratch_operands = 8 : i64, tpu.core_type = #tpu.core_type<sc_vector_subcore>, window_params = [{transform_indices = #map}, {transform_indices = #map}, {transform_indices = #map}]} {
    %mul3A = arith.constant 2 : i32
    %mul3A_0 = arith.muli %arg1, %mul3A : i32
    %add3A = arith.addi %mul3A_0, %arg0 : i32
    %mul3A_1 = arith.constant 32 : i32
    %mul3A_2 = arith.muli %add3A, %mul3A_1 : i32
    %dma_start3A = arith.constant 0 : i32
    %dma_start3A_3 = arith.constant 0 : i32
    %dma_start3A_4 = arith.constant 0 : i32
    %dma_start3A_5 = tpu.memref_slice %arg2[%mul3A_2, %dma_start3A_3, %dma_start3A_4] : memref<1024x16x64xf32, #tpu.memory_space<hbm>> -> memref<1x16x64xf32, #tpu.memory_space<hbm>>
    %dma_start3A_6 = tpu.memref_squeeze %dma_start3A_5 : memref<1x16x64xf32, #tpu.memory_space<hbm>> -> memref<16x64xf32, #tpu.memory_space<hbm>>
    %dma_start3A_7 = tpu.memref_slice %arg11[%dma_start3A] : memref<2x!tpu.dma_semaphore, #tpu.memory_space<semaphore_mem>> -> memref<1x!tpu.dma_semaphore, #tpu.memory_space<semaphore_mem>>
    %dma_start3A_8 = tpu.memref_squeeze %dma_start3A_7 : memref<1x!tpu.dma_semaphore, #tpu.memory_space<semaphore_mem>> -> memref<!tpu.dma_semaphore, #tpu.memory_space<semaphore_mem>>
    %dma_start3A_9 = arith.constant 0 : i32
    %dma_start3A_10 = arith.constant 0 : i32
    %dma_start3A_11 = tpu.memref_slice %arg2[%mul3A_2, %dma_start3A_9, %dma_start3A_10] : memref<1024x16x64xf32, #tpu.memory_space<hbm>> -> memref<1x16x64xf32, #tpu.memory_space<hbm>>
    %dma_start3A_12 = tpu.memref_squeeze %dma_start3A_11 : memref<1x16x64xf32, #tpu.memory_space<hbm>> -> memref<16x64xf32, #tpu.memory_space<hbm>>
    tpu.enqueue_dma source(%dma_start3A_12 : memref<16x64xf32, #tpu.memory_space<hbm>>) target(%arg5 : memref<16x64xf32, #tpu.memory_space<vmem>>) target_semaphore(%dma_start3A_8 : memref<!tpu.dma_semaphore, #tpu.memory_space<semaphore_mem>>)
    %scan3A = arith.constant 0 : i32
    %scan3A_13 = arith.constant 0 : i32
    %scan3A_14 = arith.constant 16 : i32
    %scan3A_15 = arith.addi %scan3A_13, %scan3A_14 : i32
    %scan3A_16 = arith.constant 1 : i32
    scf.for %scan3A_61 = %scan3A_13 to %scan3A_15 step %scan3A_16  : i32 {
      %mul3A_62 = arith.constant 2 : i32
      %mul3A_63 = arith.muli %mul3A_62, %scan3A_61 : i32
      %add3A_64 = arith.addi %mul3A_2, %mul3A_63 : i32
      %add3A_65 = arith.constant 1 : i32
      %add3A_66 = arith.addi %add3A_64, %add3A_65 : i32
      %dma_start3A_67 = arith.constant 1 : i32
      %dma_start3A_68 = arith.constant 0 : i32
      %dma_start3A_69 = arith.constant 0 : i32
      %dma_start3A_70 = tpu.memref_slice %arg2[%add3A_66, %dma_start3A_68, %dma_start3A_69] : memref<1024x16x64xf32, #tpu.memory_space<hbm>> -> memref<1x16x64xf32, #tpu.memory_space<hbm>>
      %dma_start3A_71 = tpu.memref_squeeze %dma_start3A_70 : memref<1x16x64xf32, #tpu.memory_space<hbm>> -> memref<16x64xf32, #tpu.memory_space<hbm>>
      %dma_start3A_72 = tpu.memref_slice %arg11[%dma_start3A_67] : memref<2x!tpu.dma_semaphore, #tpu.memory_space<semaphore_mem>> -> memref<1x!tpu.dma_semaphore, #tpu.memory_space<semaphore_mem>>
      %dma_start3A_73 = tpu.memref_squeeze %dma_start3A_72 : memref<1x!tpu.dma_semaphore, #tpu.memory_space<semaphore_mem>> -> memref<!tpu.dma_semaphore, #tpu.memory_space<semaphore_mem>>
      %dma_start3A_74 = arith.constant 0 : i32
      %dma_start3A_75 = arith.constant 0 : i32
      %dma_start3A_76 = tpu.memref_slice %arg2[%add3A_66, %dma_start3A_74, %dma_start3A_75] : memref<1024x16x64xf32, #tpu.memory_space<hbm>> -> memref<1x16x64xf32, #tpu.memory_space<hbm>>
      %dma_start3A_77 = tpu.memref_squeeze %dma_start3A_76 : memref<1x16x64xf32, #tpu.memory_space<hbm>> -> memref<16x64xf32, #tpu.memory_space<hbm>>
      tpu.enqueue_dma source(%dma_start3A_77 : memref<16x64xf32, #tpu.memory_space<hbm>>) target(%arg6 : memref<16x64xf32, #tpu.memory_space<vmem>>) target_semaphore(%dma_start3A_73 : memref<!tpu.dma_semaphore, #tpu.memory_space<semaphore_mem>>)
      %dma_wait3A_78 = arith.constant 0 : i32
      %dma_wait3A_79 = arith.constant 0 : i32
      %dma_wait3A_80 = arith.constant 0 : i32
      %dma_wait3A_81 = tpu.memref_slice %arg2[%add3A_64, %dma_wait3A_79, %dma_wait3A_80] : memref<1024x16x64xf32, #tpu.memory_space<hbm>> -> memref<1x16x64xf32, #tpu.memory_space<hbm>>
      %dma_wait3A_82 = tpu.memref_squeeze %dma_wait3A_81 : memref<1x16x64xf32, #tpu.memory_space<hbm>> -> memref<16x64xf32, #tpu.memory_space<hbm>>
      %dma_wait3A_83 = tpu.memref_slice %arg11[%dma_wait3A_78] : memref<2x!tpu.dma_semaphore, #tpu.memory_space<semaphore_mem>> -> memref<1x!tpu.dma_semaphore, #tpu.memory_space<semaphore_mem>>
      %dma_wait3A_84 = tpu.memref_squeeze %dma_wait3A_83 : memref<1x!tpu.dma_semaphore, #tpu.memory_space<semaphore_mem>> -> memref<!tpu.dma_semaphore, #tpu.memory_space<semaphore_mem>>
      %dma_wait3A_85 = arith.constant 0 : i32
      %dma_wait3A_86 = arith.constant 0 : i32
      %dma_wait3A_87 = tpu.memref_slice %arg2[%add3A_64, %dma_wait3A_85, %dma_wait3A_86] : memref<1024x16x64xf32, #tpu.memory_space<hbm>> -> memref<1x16x64xf32, #tpu.memory_space<hbm>>
      %dma_wait3A_88 = tpu.memref_squeeze %dma_wait3A_87 : memref<1x16x64xf32, #tpu.memory_space<hbm>> -> memref<16x64xf32, #tpu.memory_space<hbm>>
      tpu.wait_dma2 semaphore(%dma_wait3A_84 : memref<!tpu.dma_semaphore, #tpu.memory_space<semaphore_mem>>) src(%dma_wait3A_88 : memref<16x64xf32, #tpu.memory_space<hbm>>) dst(%arg5 : memref<16x64xf32, #tpu.memory_space<vmem>>)
      %gt3A = arith.constant 0 : i32
      %gt3A_89 = arith.cmpi sgt, %scan3A_61, %gt3A : i32
      %convert_element_type3A = arith.extui %gt3A_89 : i1 to i32
      %cond3A = arith.constant 0 : i32
      %cond3A_90 = arith.cmpi ne, %convert_element_type3A, %cond3A : i32
      scf.if %cond3A_90 {
        %sub3A = arith.constant 2 : i32
        %sub3A_3129 = arith.subi %add3A_64, %sub3A : i32
        %sub3A_3130 = arith.constant 2 : i32
        %sub3A_3131 = arith.subi %add3A_66, %sub3A_3130 : i32
        %dma_wait3A_3132 = arith.constant 0 : i32
        %dma_wait3A_3133 = arith.constant 0 : i32
        %dma_wait3A_3134 = arith.constant 0 : i32
        %dma_wait3A_3135 = tpu.memref_slice %arg3[%sub3A_3129, %dma_wait3A_3133, %dma_wait3A_3134] : memref<1024x16x16xf32, #tpu.memory_space<hbm>> -> memref<1x16x16xf32, #tpu.memory_space<hbm>>
        %dma_wait3A_3136 = tpu.memref_squeeze %dma_wait3A_3135 : memref<1x16x16xf32, #tpu.memory_space<hbm>> -> memref<16x16xf32, #tpu.memory_space<hbm>>
        %dma_wait3A_3137 = tpu.memref_slice %arg12[%dma_wait3A_3132] : memref<4x!tpu.dma_semaphore, #tpu.memory_space<semaphore_mem>> -> memref<1x!tpu.dma_semaphore, #tpu.memory_space<semaphore_mem>>
        %dma_wait3A_3138 = tpu.memref_squeeze %dma_wait3A_3137 : memref<1x!tpu.dma_semaphore, #tpu.memory_space<semaphore_mem>> -> memref<!tpu.dma_semaphore, #tpu.memory_space<semaphore_mem>>
        %dma_wait3A_3139 = arith.constant 0 : i32
        %dma_wait3A_3140 = arith.constant 0 : i32
        %dma_wait3A_3141 = tpu.memref_slice %arg3[%sub3A_3129, %dma_wait3A_3139, %dma_wait3A_3140] : memref<1024x16x16xf32, #tpu.memory_space<hbm>> -> memref<1x16x16xf32, #tpu.memory_space<hbm>>
        %dma_wait3A_3142 = tpu.memref_squeeze %dma_wait3A_3141 : memref<1x16x16xf32, #tpu.memory_space<hbm>> -> memref<16x16xf32, #tpu.memory_space<hbm>>
        tpu.wait_dma2 semaphore(%dma_wait3A_3138 : memref<!tpu.dma_semaphore, #tpu.memory_space<semaphore_mem>>) src(%arg7 : memref<16x16xf32, #tpu.memory_space<vmem>>) dst(%dma_wait3A_3142 : memref<16x16xf32, #tpu.memory_space<hbm>>)
        %dma_wait3A_3143 = arith.constant 1 : i32
        %dma_wait3A_3144 = arith.constant 0 : i32
        %dma_wait3A_3145 = arith.constant 0 : i32
        %dma_wait3A_3146 = tpu.memref_slice %arg4[%sub3A_3129, %dma_wait3A_3144, %dma_wait3A_3145] : memref<1024x16x16xi32, #tpu.memory_space<hbm>> -> memref<1x16x16xi32, #tpu.memory_space<hbm>>
        %dma_wait3A_3147 = tpu.memref_squeeze %dma_wait3A_3146 : memref<1x16x16xi32, #tpu.memory_space<hbm>> -> memref<16x16xi32, #tpu.memory_space<hbm>>
        %dma_wait3A_3148 = tpu.memref_slice %arg12[%dma_wait3A_3143] : memref<4x!tpu.dma_semaphore, #tpu.memory_space<semaphore_mem>> -> memref<1x!tpu.dma_semaphore, #tpu.memory_space<semaphore_mem>>
        %dma_wait3A_3149 = tpu.memref_squeeze %dma_wait3A_3148 : memref<1x!tpu.dma_semaphore, #tpu.memory_space<semaphore_mem>> -> memref<!tpu.dma_semaphore, #tpu.memory_space<semaphore_mem>>
        %dma_wait3A_3150 = arith.constant 0 : i32
        %dma_wait3A_3151 = arith.constant 0 : i32
        %dma_wait3A_3152 = tpu.memref_slice %arg4[%sub3A_3129, %dma_wait3A_3150, %dma_wait3A_3151] : memref<1024x16x16xi32, #tpu.memory_space<hbm>> -> memref<1x16x16xi32, #tpu.memory_space<hbm>>
        %dma_wait3A_3153 = tpu.memref_squeeze %dma_wait3A_3152 : memref<1x16x16xi32, #tpu.memory_space<hbm>> -> memref<16x16xi32, #tpu.memory_space<hbm>>
        tpu.wait_dma2 semaphore(%dma_wait3A_3149 : memref<!tpu.dma_semaphore, #tpu.memory_space<semaphore_mem>>) src(%arg8 : memref<16x16xi32, #tpu.memory_space<vmem>>) dst(%dma_wait3A_3153 : memref<16x16xi32, #tpu.memory_space<hbm>>)
        %dma_wait3A_3154 = arith.constant 2 : i32
        %dma_wait3A_3155 = arith.constant 0 : i32
        %dma_wait3A_3156 = arith.constant 0 : i32
        %dma_wait3A_3157 = tpu.memref_slice %arg3[%sub3A_3131, %dma_wait3A_3155, %dma_wait3A_3156] : memref<1024x16x16xf32, #tpu.memory_space<hbm>> -> memref<1x16x16xf32, #tpu.memory_space<hbm>>
        %dma_wait3A_3158 = tpu.memref_squeeze %dma_wait3A_3157 : memref<1x16x16xf32, #tpu.memory_space<hbm>> -> memref<16x16xf32, #tpu.memory_space<hbm>>
        %dma_wait3A_3159 = tpu.memref_slice %arg12[%dma_wait3A_3154] : memref<4x!tpu.dma_semaphore, #tpu.memory_space<semaphore_mem>> -> memref<1x!tpu.dma_semaphore, #tpu.memory_space<semaphore_mem>>
        %dma_wait3A_3160 = tpu.memref_squeeze %dma_wait3A_3159 : memref<1x!tpu.dma_semaphore, #tpu.memory_space<semaphore_mem>> -> memref<!tpu.dma_semaphore, #tpu.memory_space<semaphore_mem>>
        %dma_wait3A_3161 = arith.constant 0 : i32
        %dma_wait3A_3162 = arith.constant 0 : i32
        %dma_wait3A_3163 = tpu.memref_slice %arg3[%sub3A_3131, %dma_wait3A_3161, %dma_wait3A_3162] : memref<1024x16x16xf32, #tpu.memory_space<hbm>> -> memref<1x16x16xf32, #tpu.memory_space<hbm>>
        %dma_wait3A_3164 = tpu.memref_squeeze %dma_wait3A_3163 : memref<1x16x16xf32, #tpu.memory_space<hbm>> -> memref<16x16xf32, #tpu.memory_space<hbm>>
        tpu.wait_dma2 semaphore(%dma_wait3A_3160 : memref<!tpu.dma_semaphore, #tpu.memory_space<semaphore_mem>>) src(%arg9 : memref<16x16xf32, #tpu.memory_space<vmem>>) dst(%dma_wait3A_3164 : memref<16x16xf32, #tpu.memory_space<hbm>>)
        %dma_wait3A_3165 = arith.constant 3 : i32
        %dma_wait3A_3166 = arith.constant 0 : i32
        %dma_wait3A_3167 = arith.constant 0 : i32
        %dma_wait3A_3168 = tpu.memref_slice %arg4[%sub3A_3131, %dma_wait3A_3166, %dma_wait3A_3167] : memref<1024x16x16xi32, #tpu.memory_space<hbm>> -> memref<1x16x16xi32, #tpu.memory_space<hbm>>
        %dma_wait3A_3169 = tpu.memref_squeeze %dma_wait3A_3168 : memref<1x16x16xi32, #tpu.memory_space<hbm>> -> memref<16x16xi32, #tpu.memory_space<hbm>>
        %dma_wait3A_3170 = tpu.memref_slice %arg12[%dma_wait3A_3165] : memref<4x!tpu.dma_semaphore, #tpu.memory_space<semaphore_mem>> -> memref<1x!tpu.dma_semaphore, #tpu.memory_space<semaphore_mem>>
        %dma_wait3A_3171 = tpu.memref_squeeze %dma_wait3A_3170 : memref<1x!tpu.dma_semaphore, #tpu.memory_space<semaphore_mem>> -> memref<!tpu.dma_semaphore, #tpu.memory_space<semaphore_mem>>
        %dma_wait3A_3172 = arith.constant 0 : i32
        %dma_wait3A_3173 = arith.constant 0 : i32
        %dma_wait3A_3174 = tpu.memref_slice %arg4[%sub3A_3131, %dma_wait3A_3172, %dma_wait3A_3173] : memref<1024x16x16xi32, #tpu.memory_space<hbm>> -> memref<1x16x16xi32, #tpu.memory_space<hbm>>
        %dma_wait3A_3175 = tpu.memref_squeeze %dma_wait3A_3174 : memref<1x16x16xi32, #tpu.memory_space<hbm>> -> memref<16x16xi32, #tpu.memory_space<hbm>>
        tpu.wait_dma2 semaphore(%dma_wait3A_3171 : memref<!tpu.dma_semaphore, #tpu.memory_space<semaphore_mem>>) src(%arg10 : memref<16x16xi32, #tpu.memory_space<vmem>>) dst(%dma_wait3A_3175 : memref<16x16xi32, #tpu.memory_space<hbm>>)
      } else {
      }
      %iota3A = tpu.iota {dimensions = array<i32: 0>} : vector<16xi32>
      %broadcast_in_dim3A = arith.constant 15 : i32
      %broadcast_in_dim3A_91 = vector.broadcast %broadcast_in_dim3A : i32 to vector<16xi32>
      %lt3A = arith.constant 8 : i32
      %lt3A_92 = vector.broadcast %lt3A : i32 to vector<16xi32>
      %lt3A_93 = arith.cmpi slt, %iota3A, %lt3A_92 : vector<16xi32>
      %get3A = arith.constant 0 : i32
      %get3A_94 = arith.index_cast %get3A : i32 to index
      %get3A_95 = arith.constant 0 : index
      %get3A_96 = tpu.vector_load %arg5[%get3A_94, %get3A_95] {strides = array<i32>} : memref<16x64xf32, #tpu.memory_space<vmem>>, vector<16xf32>,
      %add3A_97 = arith.constant 0 : i32
      %add3A_98 = vector.broadcast %add3A_97 : i32 to vector<16xi32>
      %add3A_99 = arith.addi %iota3A, %add3A_98 : vector<16xi32>
      %masked_sort3A = arith.constant dense<true> : vector<16xi1>
      %masked_sort3A_100, %masked_sort3A_101, %masked_sort3A_102 = tpu.sort %get3A_96, %add3A_99 masked %masked_sort3A {descending = true} : (vector<16xf32>, vector<16xi32>, vector<16xi1>) -> (vector<16xi1>, vector<16xf32>, vector<16xi32>)
      %get3A_103 = arith.constant 0 : i32
      %get3A_104 = arith.index_cast %get3A_103 : i32 to index
      %get3A_105 = arith.constant 16 : index
      %get3A_106 = tpu.vector_load %arg5[%get3A_104, %get3A_105] {strides = array<i32>} : memref<16x64xf32, #tpu.memory_space<vmem>>, vector<16xf32>,
      %add3A_107 = arith.constant 16 : i32
      %add3A_108 = vector.broadcast %add3A_107 : i32 to vector<16xi32>
      %add3A_109 = arith.addi %iota3A, %add3A_108 : vector<16xi32>
      %masked_sort3A_110 = arith.constant dense<true> : vector<16xi1>
      %masked_sort3A_111, %masked_sort3A_112, %masked_sort3A_113 = tpu.sort %get3A_106, %add3A_109 masked %masked_sort3A_110 : (vector<16xf32>, vector<16xi32>, vector<16xi1>) -> (vector<16xi1>, vector<16xf32>, vector<16xi32>)
      %get3A_114 = arith.constant 0 : i32
      %get3A_115 = arith.index_cast %get3A_114 : i32 to index
      %get3A_116 = arith.constant 32 : index
      %get3A_117 = tpu.vector_load %arg5[%get3A_115, %get3A_116] {strides = array<i32>} : memref<16x64xf32, #tpu.memory_space<vmem>>, vector<16xf32>,
      %add3A_118 = arith.constant 32 : i32
      %add3A_119 = vector.broadcast %add3A_118 : i32 to vector<16xi32>
      %add3A_120 = arith.addi %iota3A, %add3A_119 : vector<16xi32>
      %masked_sort3A_121 = arith.constant dense<true> : vector<16xi1>
      %masked_sort3A_122, %masked_sort3A_123, %masked_sort3A_124 = tpu.sort %get3A_117, %add3A_120 masked %masked_sort3A_121 : (vector<16xf32>, vector<16xi32>, vector<16xi1>) -> (vector<16xi1>, vector<16xf32>, vector<16xi32>)
      %get3A_125 = arith.constant 0 : i32
      %get3A_126 = arith.index_cast %get3A_125 : i32 to index
      %get3A_127 = arith.constant 48 : index
      %get3A_128 = tpu.vector_load %arg5[%get3A_126, %get3A_127] {strides = array<i32>} : memref<16x64xf32, #tpu.memory_space<vmem>>, vector<16xf32>,
      %add3A_129 = arith.constant 48 : i32
      %add3A_130 = vector.broadcast %add3A_129 : i32 to vector<16xi32>
      %add3A_131 = arith.addi %iota3A, %add3A_130 : vector<16xi32>
      %masked_sort3A_132 = arith.constant dense<true> : vector<16xi1>
      %masked_sort3A_133, %masked_sort3A_134, %masked_sort3A_135 = tpu.sort %get3A_128, %add3A_131 masked %masked_sort3A_132 {descending = true} : (vector<16xf32>, vector<16xi32>, vector<16xi1>) -> (vector<16xi1>, vector<16xf32>, vector<16xi32>)
      %iota3A_136 = tpu.iota {dimensions = array<i32: 0>} : vector<16xi32>
      %lt3A_137 = arith.constant 8 : i32
      %lt3A_138 = vector.broadcast %lt3A_137 : i32 to vector<16xi32>
      %lt3A_139 = arith.cmpi slt, %iota3A_136, %lt3A_138 : vector<16xi32>
      %select_n3A = arith.select %lt3A_139, %masked_sort3A_101, %masked_sort3A_112 : vector<16xi1>, vector<16xf32>
      %select_n3A_140 = arith.select %lt3A_139, %masked_sort3A_102, %masked_sort3A_113 : vector<16xi1>, vector<16xi32>
      %masked_sort3A_141 = arith.constant dense<true> : vector<16xi1>
      %masked_sort3A_142, %masked_sort3A_143, %masked_sort3A_144 = tpu.sort %select_n3A, %select_n3A_140 masked %masked_sort3A_141 {descending = true} : (vector<16xf32>, vector<16xi32>, vector<16xi1>) -> (vector<16xi1>, vector<16xf32>, vector<16xi32>)
      %iota3A_145 = tpu.iota {dimensions = array<i32: 0>} : vector<16xi32>
      %lt3A_146 = arith.constant 8 : i32
      %lt3A_147 = vector.broadcast %lt3A_146 : i32 to vector<16xi32>
      %lt3A_148 = arith.cmpi slt, %iota3A_145, %lt3A_147 : vector<16xi32>
      %select_n3A_149 = arith.select %lt3A_148, %masked_sort3A_134, %masked_sort3A_123 : vector<16xi1>, vector<16xf32>
      %select_n3A_150 = arith.select %lt3A_148, %masked_sort3A_135, %masked_sort3A_124 : vector<16xi1>, vector<16xi32>
      %masked_sort3A_151 = arith.constant dense<true> : vector<16xi1>
      %masked_sort3A_152, %masked_sort3A_153, %masked_sort3A_154 = tpu.sort %select_n3A_149, %select_n3A_150 masked %masked_sort3A_151 : (vector<16xf32>, vector<16xi32>, vector<16xi1>) -> (vector<16xi1>, vector<16xf32>, vector<16xi32>)
      %iota3A_155 = tpu.iota {dimensions = array<i32: 0>} : vector<16xi32>
      %lt3A_156 = arith.constant 8 : i32
      %lt3A_157 = vector.broadcast %lt3A_156 : i32 to vector<16xi32>
      %lt3A_158 = arith.cmpi slt, %iota3A_155, %lt3A_157 : vector<16xi32>
      %select_n3A_159 = arith.select %lt3A_158, %masked_sort3A_143, %masked_sort3A_153 : vector<16xi1>, vector<16xf32>
      %select_n3A_160 = arith.select %lt3A_158, %masked_sort3A_144, %masked_sort3A_154 : vector<16xi1>, vector<16xi32>
      %masked_sort3A_161 = arith.constant dense<true> : vector<16xi1>
      %masked_sort3A_162, %masked_sort3A_163, %masked_sort3A_164 = tpu.sort %select_n3A_159, %select_n3A_160 masked %masked_sort3A_161 {descending = true} : (vector<16xf32>, vector<16xi32>, vector<16xi1>) -> (vector<16xi1>, vector<16xf32>, vector<16xi32>)
      %exp3A = math.exp %masked_sort3A_163 : vector<16xf32>
      %jit3A = arith.constant 0.000000e+00 : f32
      %broadcast_in_dim3A_165 = vector.broadcast %jit3A : f32 to vector<16xf32>
      %select_n3A_166 = arith.select %lt3A_93, %exp3A, %broadcast_in_dim3A_165 : vector<16xi1>, vector<16xf32>
      %broadcast_in_dim3A_167 = arith.constant true
      %broadcast_in_dim3A_168 = vector.broadcast %broadcast_in_dim3A_167 : i1 to vector<16xi1>
      %masked_cumsum3A = tpu.scan <sum>, %select_n3A_166 masked %broadcast_in_dim3A_168 : vector<16xf32>, vector<16xi1> -> vector<16xf32>
      %broadcast_in_dim3A_169 = vector.shape_cast %broadcast_in_dim3A_91 : vector<16xi32> to vector<16x1xi32>
      %gather3A = vector.shape_cast %broadcast_in_dim3A_169 : vector<16x1xi32> to vector<16xi32>
      %gather3A_170 = tpu.dynamic_gather %masked_cumsum3A[%gather3A] in [0] : vector<16xf32>, vector<16xi32> -> vector<16xf32>
      %div3A = arith.divf %select_n3A_166, %gather3A_170 : vector<16xf32>
      %swap3A = arith.constant 0 : i32
      %swap3A_171 = arith.index_cast %swap3A : i32 to index
      %swap3A_172 = arith.constant 0 : index
      %swap3A_173 = tpu.vector_load %arg7[%swap3A_171, %swap3A_172] {strides = array<i32>} : memref<16x16xf32, #tpu.memory_space<vmem>>, vector<16xf32>,
      tpu.vector_store %arg7[%swap3A_171, %swap3A_172], %div3A {strides = array<i32>} : memref<16x16xf32, #tpu.memory_space<vmem>>, vector<16xf32>,
      %swap3A_174 = arith.constant 0 : i32
      %swap3A_175 = arith.index_cast %swap3A_174 : i32 to index
      %swap3A_176 = arith.constant 0 : index
      %swap3A_177 = tpu.vector_load %arg8[%swap3A_175, %swap3A_176] {strides = array<i32>} : memref<16x16xi32, #tpu.memory_space<vmem>>, vector<16xi32>,
      tpu.vector_store %arg8[%swap3A_175, %swap3A_176], %masked_sort3A_164 {strides = array<i32>} : memref<16x16xi32, #tpu.memory_space<vmem>>, vector<16xi32>,
      %get3A_178 = arith.constant 1 : i32
      %get3A_179 = arith.index_cast %get3A_178 : i32 to index
      %get3A_180 = arith.constant 0 : index
      %get3A_181 = tpu.vector_load %arg5[%get3A_179, %get3A_180] {strides = array<i32>} : memref<16x64xf32, #tpu.memory_space<vmem>>, vector<16xf32>,
      %add3A_182 = arith.constant 0 : i32
      %add3A_183 = vector.broadcast %add3A_182 : i32 to vector<16xi32>
      %add3A_184 = arith.addi %iota3A, %add3A_183 : vector<16xi32>
      %masked_sort3A_185 = arith.constant dense<true> : vector<16xi1>
      %masked_sort3A_186, %masked_sort3A_187, %masked_sort3A_188 = tpu.sort %get3A_181, %add3A_184 masked %masked_sort3A_185 {descending = true} : (vector<16xf32>, vector<16xi32>, vector<16xi1>) -> (vector<16xi1>, vector<16xf32>, vector<16xi32>)
      %get3A_189 = arith.constant 1 : i32
      %get3A_190 = arith.index_cast %get3A_189 : i32 to index
      %get3A_191 = arith.constant 16 : index
      %get3A_192 = tpu.vector_load %arg5[%get3A_190, %get3A_191] {strides = array<i32>} : memref<16x64xf32, #tpu.memory_space<vmem>>, vector<16xf32>,
      %add3A_193 = arith.constant 16 : i32
      %add3A_194 = vector.broadcast %add3A_193 : i32 to vector<16xi32>
      %add3A_195 = arith.addi %iota3A, %add3A_194 : vector<16xi32>
      %masked_sort3A_196 = arith.constant dense<true> : vector<16xi1>
      %masked_sort3A_197, %masked_sort3A_198, %masked_sort3A_199 = tpu.sort %get3A_192, %add3A_195 masked %masked_sort3A_196 : (vector<16xf32>, vector<16xi32>, vector<16xi1>) -> (vector<16xi1>, vector<16xf32>, vector<16xi32>)
      %get3A_200 = arith.constant 1 : i32
      %get3A_201 = arith.index_cast %get3A_200 : i32 to index
      %get3A_202 = arith.constant 32 : index
      %get3A_203 = tpu.vector_load %arg5[%get3A_201, %get3A_202] {strides = array<i32>} : memref<16x64xf32, #tpu.memory_space<vmem>>, vector<16xf32>,
      %add3A_204 = arith.constant 32 : i32
      %add3A_205 = vector.broadcast %add3A_204 : i32 to vector<16xi32>
      %add3A_206 = arith.addi %iota3A, %add3A_205 : vector<16xi32>
      %masked_sort3A_207 = arith.constant dense<true> : vector<16xi1>
      %masked_sort3A_208, %masked_sort3A_209, %masked_sort3A_210 = tpu.sort %get3A_203, %add3A_206 masked %masked_sort3A_207 : (vector<16xf32>, vector<16xi32>, vector<16xi1>) -> (vector<16xi1>, vector<16xf32>, vector<16xi32>)
      %get3A_211 = arith.constant 1 : i32
      %get3A_212 = arith.index_cast %get3A_211 : i32 to index
      %get3A_213 = arith.constant 48 : index
      %get3A_214 = tpu.vector_load %arg5[%get3A_212, %get3A_213] {strides = array<i32>} : memref<16x64xf32, #tpu.memory_space<vmem>>, vector<16xf32>,
      %add3A_215 = arith.constant 48 : i32
      %add3A_216 = vector.broadcast %add3A_215 : i32 to vector<16xi32>
      %add3A_217 = arith.addi %iota3A, %add3A_216 : vector<16xi32>
      %masked_sort3A_218 = arith.constant dense<true> : vector<16xi1>
      %masked_sort3A_219, %masked_sort3A_220, %masked_sort3A_221 = tpu.sort %get3A_214, %add3A_217 masked %masked_sort3A_218 {descending = true} : (vector<16xf32>, vector<16xi32>, vector<16xi1>) -> (vector<16xi1>, vector<16xf32>, vector<16xi32>)
      %iota3A_222 = tpu.iota {dimensions = array<i32: 0>} : vector<16xi32>
      %lt3A_223 = arith.constant 8 : i32
      %lt3A_224 = vector.broadcast %lt3A_223 : i32 to vector<16xi32>
      %lt3A_225 = arith.cmpi slt, %iota3A_222, %lt3A_224 : vector<16xi32>
      %select_n3A_226 = arith.select %lt3A_225, %masked_sort3A_187, %masked_sort3A_198 : vector<16xi1>, vector<16xf32>
      %select_n3A_227 = arith.select %lt3A_225, %masked_sort3A_188, %masked_sort3A_199 : vector<16xi1>, vector<16xi32>
      %masked_sort3A_228 = arith.constant dense<true> : vector<16xi1>
      %masked_sort3A_229, %masked_sort3A_230, %masked_sort3A_231 = tpu.sort %select_n3A_226, %select_n3A_227 masked %masked_sort3A_228 {descending = true} : (vector<16xf32>, vector<16xi32>, vector<16xi1>) -> (vector<16xi1>, vector<16xf32>, vector<16xi32>)
      %iota3A_232 = tpu.iota {dimensions = array<i32: 0>} : vector<16xi32>
      %lt3A_233 = arith.constant 8 : i32
      %lt3A_234 = vector.broadcast %lt3A_233 : i32 to vector<16xi32>
      %lt3A_235 = arith.cmpi slt, %iota3A_232, %lt3A_234 : vector<16xi32>
      %select_n3A_236 = arith.select %lt3A_235, %masked_sort3A_220, %masked_sort3A_209 : vector<16xi1>, vector<16xf32>
      %select_n3A_237 = arith.select %lt3A_235, %masked_sort3A_221, %masked_sort3A_210 : vector<16xi1>, vector<16xi32>
      %masked_sort3A_238 = arith.constant dense<true> : vector<16xi1>
      %masked_sort3A_239, %masked_sort3A_240, %masked_sort3A_241 = tpu.sort %select_n3A_236, %select_n3A_237 masked %masked_sort3A_238 : (vector<16xf32>, vector<16xi32>, vector<16xi1>) -> (vector<16xi1>, vector<16xf32>, vector<16xi32>)
      %iota3A_242 = tpu.iota {dimensions = array<i32: 0>} : vector<16xi32>
      %lt3A_243 = arith.constant 8 : i32
      %lt3A_244 = vector.broadcast %lt3A_243 : i32 to vector<16xi32>
      %lt3A_245 = arith.cmpi slt, %iota3A_242, %lt3A_244 : vector<16xi32>
      %select_n3A_246 = arith.select %lt3A_245, %masked_sort3A_230, %masked_sort3A_240 : vector<16xi1>, vector<16xf32>
      %select_n3A_247 = arith.select %lt3A_245, %masked_sort3A_231, %masked_sort3A_241 : vector<16xi1>, vector<16xi32>
      %masked_sort3A_248 = arith.constant dense<true> : vector<16xi1>
      %masked_sort3A_249, %masked_sort3A_250, %masked_sort3A_251 = tpu.sort %select_n3A_246, %select_n3A_247 masked %masked_sort3A_248 {descending = true} : (vector<16xf32>, vector<16xi32>, vector<16xi1>) -> (vector<16xi1>, vector<16xf32>, vector<16xi32>)
      %exp3A_252 = math.exp %masked_sort3A_250 : vector<16xf32>
      %jit3A_253 = arith.constant 0.000000e+00 : f32
      %broadcast_in_dim3A_254 = vector.broadcast %jit3A_253 : f32 to vector<16xf32>
      %select_n3A_255 = arith.select %lt3A_93, %exp3A_252, %broadcast_in_dim3A_254 : vector<16xi1>, vector<16xf32>
      %broadcast_in_dim3A_256 = arith.constant true
      %broadcast_in_dim3A_257 = vector.broadcast %broadcast_in_dim3A_256 : i1 to vector<16xi1>
      %masked_cumsum3A_258 = tpu.scan <sum>, %select_n3A_255 masked %broadcast_in_dim3A_257 : vector<16xf32>, vector<16xi1> -> vector<16xf32>
      %broadcast_in_dim3A_259 = vector.shape_cast %broadcast_in_dim3A_91 : vector<16xi32> to vector<16x1xi32>
      %gather3A_260 = vector.shape_cast %broadcast_in_dim3A_259 : vector<16x1xi32> to vector<16xi32>
      %gather3A_261 = tpu.dynamic_gather %masked_cumsum3A_258[%gather3A_260] in [0] : vector<16xf32>, vector<16xi32> -> vector<16xf32>
      %div3A_262 = arith.divf %select_n3A_255, %gather3A_261 : vector<16xf32>
      %swap3A_263 = arith.constant 1 : i32
      %swap3A_264 = arith.index_cast %swap3A_263 : i32 to index
      %swap3A_265 = arith.constant 0 : index
      %swap3A_266 = tpu.vector_load %arg7[%swap3A_264, %swap3A_265] {strides = array<i32>} : memref<16x16xf32, #tpu.memory_space<vmem>>, vector<16xf32>,
      tpu.vector_store %arg7[%swap3A_264, %swap3A_265], %div3A_262 {strides = array<i32>} : memref<16x16xf32, #tpu.memory_space<vmem>>, vector<16xf32>,
      %swap3A_267 = arith.constant 1 : i32
      %swap3A_268 = arith.index_cast %swap3A_267 : i32 to index
      %swap3A_269 = arith.constant 0 : index
      %swap3A_270 = tpu.vector_load %arg8[%swap3A_268, %swap3A_269] {strides = array<i32>} : memref<16x16xi32, #tpu.memory_space<vmem>>, vector<16xi32>,
      tpu.vector_store %arg8[%swap3A_268, %swap3A_269], %masked_sort3A_251 {strides = array<i32>} : memref<16x16xi32, #tpu.memory_space<vmem>>, vector<16xi32>,
      %get3A_271 = arith.constant 2 : i32
      %get3A_272 = arith.index_cast %get3A_271 : i32 to index
      %get3A_273 = arith.constant 0 : index
      %get3A_274 = tpu.vector_load %arg5[%get3A_272, %get3A_273] {strides = array<i32>} : memref<16x64xf32, #tpu.memory_space<vmem>>, vector<16xf32>,
      %add3A_275 = arith.constant 0 : i32
      %add3A_276 = vector.broadcast %add3A_275 : i32 to vector<16xi32>
      %add3A_277 = arith.addi %iota3A, %add3A_276 : vector<16xi32>
      %masked_sort3A_278 = arith.constant dense<true> : vector<16xi1>
      %masked_sort3A_279, %masked_sort3A_280, %masked_sort3A_281 = tpu.sort %get3A_274, %add3A_277 masked %masked_sort3A_278 {descending = true} : (vector<16xf32>, vector<16xi32>, vector<16xi1>) -> (vector<16xi1>, vector<16xf32>, vector<16xi32>)
      %get3A_282 = arith.constant 2 : i32
      %get3A_283 = arith.index_cast %get3A_282 : i32 to index
      %get3A_284 = arith.constant 16 : index
      %get3A_285 = tpu.vector_load %arg5[%get3A_283, %get3A_284] {strides = array<i32>} : memref<16x64xf32, #tpu.memory_space<vmem>>, vector<16xf32>,
      %add3A_286 = arith.constant 16 : i32
      %add3A_287 = vector.broadcast %add3A_286 : i32 to vector<16xi32>
      %add3A_288 = arith.addi %iota3A, %add3A_287 : vector<16xi32>
      %masked_sort3A_289 = arith.constant dense<true> : vector<16xi1>
      %masked_sort3A_290, %masked_sort3A_291, %masked_sort3A_292 = tpu.sort %get3A_285, %add3A_288 masked %masked_sort3A_289 : (vector<16xf32>, vector<16xi32>, vector<16xi1>) -> (vector<16xi1>, vector<16xf32>, vector<16xi32>)
      %get3A_293 = arith.constant 2 : i32
      %get3A_294 = arith.index_cast %get3A_293 : i32 to index
      %get3A_295 = arith.constant 32 : index
      %get3A_296 = tpu.vector_load %arg5[%get3A_294, %get3A_295] {strides = array<i32>} : memref<16x64xf32, #tpu.memory_space<vmem>>, vector<16xf32>,
      %add3A_297 = arith.constant 32 : i32
      %add3A_298 = vector.broadcast %add3A_297 : i32 to vector<16xi32>
      %add3A_299 = arith.addi %iota3A, %add3A_298 : vector<16xi32>
      %masked_sort3A_300 = arith.constant dense<true> : vector<16xi1>
      %masked_sort3A_301, %masked_sort3A_302, %masked_sort3A_303 = tpu.sort %get3A_296, %add3A_299 masked %masked_sort3A_300 : (vector<16xf32>, vector<16xi32>, vector<16xi1>) -> (vector<16xi1>, vector<16xf32>, vector<16xi32>)
      %get3A_304 = arith.constant 2 : i32
      %get3A_305 = arith.index_cast %get3A_304 : i32 to index
      %get3A_306 = arith.constant 48 : index
      %get3A_307 = tpu.vector_load %arg5[%get3A_305, %get3A_306] {strides = array<i32>} : memref<16x64xf32, #tpu.memory_space<vmem>>, vector<16xf32>,
      %add3A_308 = arith.constant 48 : i32
      %add3A_309 = vector.broadcast %add3A_308 : i32 to vector<16xi32>
      %add3A_310 = arith.addi %iota3A, %add3A_309 : vector<16xi32>
      %masked_sort3A_311 = arith.constant dense<true> : vector<16xi1>
      %masked_sort3A_312, %masked_sort3A_313, %masked_sort3A_314 = tpu.sort %get3A_307, %add3A_310 masked %masked_sort3A_311 {descending = true} : (vector<16xf32>, vector<16xi32>, vector<16xi1>) -> (vector<16xi1>, vector<16xf32>, vector<16xi32>)
      %iota3A_315 = tpu.iota {dimensions = array<i32: 0>} : vector<16xi32>
      %lt3A_316 = arith.constant 8 : i32
      %lt3A_317 = vector.broadcast %lt3A_316 : i32 to vector<16xi32>
      %lt3A_318 = arith.cmpi slt, %iota3A_315, %lt3A_317 : vector<16xi32>
      %select_n3A_319 = arith.select %lt3A_318, %masked_sort3A_280, %masked_sort3A_291 : vector<16xi1>, vector<16xf32>
      %select_n3A_320 = arith.select %lt3A_318, %masked_sort3A_281, %masked_sort3A_292 : vector<16xi1>, vector<16xi32>
      %masked_sort3A_321 = arith.constant dense<true> : vector<16xi1>
      %masked_sort3A_322, %masked_sort3A_323, %masked_sort3A_324 = tpu.sort %select_n3A_319, %select_n3A_320 masked %masked_sort3A_321 {descending = true} : (vector<16xf32>, vector<16xi32>, vector<16xi1>) -> (vector<16xi1>, vector<16xf32>, vector<16xi32>)
      %iota3A_325 = tpu.iota {dimensions = array<i32: 0>} : vector<16xi32>
      %lt3A_326 = arith.constant 8 : i32
      %lt3A_327 = vector.broadcast %lt3A_326 : i32 to vector<16xi32>
      %lt3A_328 = arith.cmpi slt, %iota3A_325, %lt3A_327 : vector<16xi32>
      %select_n3A_329 = arith.select %lt3A_328, %masked_sort3A_313, %masked_sort3A_302 : vector<16xi1>, vector<16xf32>
      %select_n3A_330 = arith.select %lt3A_328, %masked_sort3A_314, %masked_sort3A_303 : vector<16xi1>, vector<16xi32>
      %masked_sort3A_331 = arith.constant dense<true> : vector<16xi1>
      %masked_sort3A_332, %masked_sort3A_333, %masked_sort3A_334 = tpu.sort %select_n3A_329, %select_n3A_330 masked %masked_sort3A_331 : (vector<16xf32>, vector<16xi32>, vector<16xi1>) -> (vector<16xi1>, vector<16xf32>, vector<16xi32>)
      %iota3A_335 = tpu.iota {dimensions = array<i32: 0>} : vector<16xi32>
      %lt3A_336 = arith.constant 8 : i32
      %lt3A_337 = vector.broadcast %lt3A_336 : i32 to vector<16xi32>
      %lt3A_338 = arith.cmpi slt, %iota3A_335, %lt3A_337 : vector<16xi32>
      %select_n3A_339 = arith.select %lt3A_338, %masked_sort3A_323, %masked_sort3A_333 : vector<16xi1>, vector<16xf32>
      %select_n3A_340 = arith.select %lt3A_338, %masked_sort3A_324, %masked_sort3A_334 : vector<16xi1>, vector<16xi32>
      %masked_sort3A_341 = arith.constant dense<true> : vector<16xi1>
      %masked_sort3A_342, %masked_sort3A_343, %masked_sort3A_344 = tpu.sort %select_n3A_339, %select_n3A_340 masked %masked_sort3A_341 {descending = true} : (vector<16xf32>, vector<16xi32>, vector<16xi1>) -> (vector<16xi1>, vector<16xf32>, vector<16xi32>)
      %exp3A_345 = math.exp %masked_sort3A_343 : vector<16xf32>
      %jit3A_346 = arith.constant 0.000000e+00 : f32
      %broadcast_in_dim3A_347 = vector.broadcast %jit3A_346 : f32 to vector<16xf32>
      %select_n3A_348 = arith.select %lt3A_93, %exp3A_345, %broadcast_in_dim3A_347 : vector<16xi1>, vector<16xf32>
      %broadcast_in_dim3A_349 = arith.constant true
      %broadcast_in_dim3A_350 = vector.broadcast %broadcast_in_dim3A_349 : i1 to vector<16xi1>
      %masked_cumsum3A_351 = tpu.scan <sum>, %select_n3A_348 masked %broadcast_in_dim3A_350 : vector<16xf32>, vector<16xi1> -> vector<16xf32>
      %broadcast_in_dim3A_352 = vector.shape_cast %broadcast_in_dim3A_91 : vector<16xi32> to vector<16x1xi32>
      %gather3A_353 = vector.shape_cast %broadcast_in_dim3A_352 : vector<16x1xi32> to vector<16xi32>
      %gather3A_354 = tpu.dynamic_gather %masked_cumsum3A_351[%gather3A_353] in [0] : vector<16xf32>, vector<16xi32> -> vector<16xf32>
      %div3A_355 = arith.divf %select_n3A_348, %gather3A_354 : vector<16xf32>
      %swap3A_356 = arith.constant 2 : i32
      %swap3A_357 = arith.index_cast %swap3A_356 : i32 to index
      %swap3A_358 = arith.constant 0 : index
      %swap3A_359 = tpu.vector_load %arg7[%swap3A_357, %swap3A_358] {strides = array<i32>} : memref<16x16xf32, #tpu.memory_space<vmem>>, vector<16xf32>,
      tpu.vector_store %arg7[%swap3A_357, %swap3A_358], %div3A_355 {strides = array<i32>} : memref<16x16xf32, #tpu.memory_space<vmem>>, vector<16xf32>,
      %swap3A_360 = arith.constant 2 : i32
      %swap3A_361 = arith.index_cast %swap3A_360 : i32 to index
      %swap3A_362 = arith.constant 0 : index
      %swap3A_363 = tpu.vector_load %arg8[%swap3A_361, %swap3A_362] {strides = array<i32>} : memref<16x16xi32, #tpu.memory_space<vmem>>, vector<16xi32>,
      tpu.vector_store %arg8[%swap3A_361, %swap3A_362], %masked_sort3A_344 {strides = array<i32>} : memref<16x16xi32, #tpu.memory_space<vmem>>, vector<16xi32>,
      %get3A_364 = arith.constant 3 : i32
      %get3A_365 = arith.index_cast %get3A_364 : i32 to index
      %get3A_366 = arith.constant 0 : index
      %get3A_367 = tpu.vector_load %arg5[%get3A_365, %get3A_366] {strides = array<i32>} : memref<16x64xf32, #tpu.memory_space<vmem>>, vector<16xf32>,
      %add3A_368 = arith.constant 0 : i32
      %add3A_369 = vector.broadcast %add3A_368 : i32 to vector<16xi32>
      %add3A_370 = arith.addi %iota3A, %add3A_369 : vector<16xi32>
      %masked_sort3A_371 = arith.constant dense<true> : vector<16xi1>
      %masked_sort3A_372, %masked_sort3A_373, %masked_sort3A_374 = tpu.sort %get3A_367, %add3A_370 masked %masked_sort3A_371 {descending = true} : (vector<16xf32>, vector<16xi32>, vector<16xi1>) -> (vector<16xi1>, vector<16xf32>, vector<16xi32>)
      %get3A_375 = arith.constant 3 : i32
      %get3A_376 = arith.index_cast %get3A_375 : i32 to index
      %get3A_377 = arith.constant 16 : index
      %get3A_378 = tpu.vector_load %arg5[%get3A_376, %get3A_377] {strides = array<i32>} : memref<16x64xf32, #tpu.memory_space<vmem>>, vector<16xf32>,
      %add3A_379 = arith.constant 16 : i32
      %add3A_380 = vector.broadcast %add3A_379 : i32 to vector<16xi32>
      %add3A_381 = arith.addi %iota3A, %add3A_380 : vector<16xi32>
      %masked_sort3A_382 = arith.constant dense<true> : vector<16xi1>
      %masked_sort3A_383, %masked_sort3A_384, %masked_sort3A_385 = tpu.sort %get3A_378, %add3A_381 masked %masked_sort3A_382 : (vector<16xf32>, vector<16xi32>, vector<16xi1>) -> (vector<16xi1>, vector<16xf32>, vector<16xi32>)
      %get3A_386 = arith.constant 3 : i32
      %get3A_387 = arith.index_cast %get3A_386 : i32 to index
      %get3A_388 = arith.constant 32 : index
      %get3A_389 = tpu.vector_load %arg5[%get3A_387, %get3A_388] {strides = array<i32>} : memref<16x64xf32, #tpu.memory_space<vmem>>, vector<16xf32>,
      %add3A_390 = arith.constant 32 : i32
      %add3A_391 = vector.broadcast %add3A_390 : i32 to vector<16xi32>
      %add3A_392 = arith.addi %iota3A, %add3A_391 : vector<16xi32>
      %masked_sort3A_393 = arith.constant dense<true> : vector<16xi1>
      %masked_sort3A_394, %masked_sort3A_395, %masked_sort3A_396 = tpu.sort %get3A_389, %add3A_392 masked %masked_sort3A_393 : (vector<16xf32>, vector<16xi32>, vector<16xi1>) -> (vector<16xi1>, vector<16xf32>, vector<16xi32>)
      %get3A_397 = arith.constant 3 : i32
      %get3A_398 = arith.index_cast %get3A_397 : i32 to index
      %get3A_399 = arith.constant 48 : index
      %get3A_400 = tpu.vector_load %arg5[%get3A_398, %get3A_399] {strides = array<i32>} : memref<16x64xf32, #tpu.memory_space<vmem>>, vector<16xf32>,
      %add3A_401 = arith.constant 48 : i32
      %add3A_402 = vector.broadcast %add3A_401 : i32 to vector<16xi32>
      %add3A_403 = arith.addi %iota3A, %add3A_402 : vector<16xi32>
      %masked_sort3A_404 = arith.constant dense<true> : vector<16xi1>
      %masked_sort3A_405, %masked_sort3A_406, %masked_sort3A_407 = tpu.sort %get3A_400, %add3A_403 masked %masked_sort3A_404 {descending = true} : (vector<16xf32>, vector<16xi32>, vector<16xi1>) -> (vector<16xi1>, vector<16xf32>, vector<16xi32>)
      %iota3A_408 = tpu.iota {dimensions = array<i32: 0>} : vector<16xi32>
      %lt3A_409 = arith.constant 8 : i32
      %lt3A_410 = vector.broadcast %lt3A_409 : i32 to vector<16xi32>
      %lt3A_411 = arith.cmpi slt, %iota3A_408, %lt3A_410 : vector<16xi32>
      %select_n3A_412 = arith.select %lt3A_411, %masked_sort3A_373, %masked_sort3A_384 : vector<16xi1>, vector<16xf32>
      %select_n3A_413 = arith.select %lt3A_411, %masked_sort3A_374, %masked_sort3A_385 : vector<16xi1>, vector<16xi32>
      %masked_sort3A_414 = arith.constant dense<true> : vector<16xi1>
      %masked_sort3A_415, %masked_sort3A_416, %masked_sort3A_417 = tpu.sort %select_n3A_412, %select_n3A_413 masked %masked_sort3A_414 {descending = true} : (vector<16xf32>, vector<16xi32>, vector<16xi1>) -> (vector<16xi1>, vector<16xf32>, vector<16xi32>)
      %iota3A_418 = tpu.iota {dimensions = array<i32: 0>} : vector<16xi32>
      %lt3A_419 = arith.constant 8 : i32
      %lt3A_420 = vector.broadcast %lt3A_419 : i32 to vector<16xi32>
      %lt3A_421 = arith.cmpi slt, %iota3A_418, %lt3A_420 : vector<16xi32>
      %select_n3A_422 = arith.select %lt3A_421, %masked_sort3A_406, %masked_sort3A_395 : vector<16xi1>, vector<16xf32>
      %select_n3A_423 = arith.select %lt3A_421, %masked_sort3A_407, %masked_sort3A_396 : vector<16xi1>, vector<16xi32>
      %masked_sort3A_424 = arith.constant dense<true> : vector<16xi1>
      %masked_sort3A_425, %masked_sort3A_426, %masked_sort3A_427 = tpu.sort %select_n3A_422, %select_n3A_423 masked %masked_sort3A_424 : (vector<16xf32>, vector<16xi32>, vector<16xi1>) -> (vector<16xi1>, vector<16xf32>, vector<16xi32>)
      %iota3A_428 = tpu.iota {dimensions = array<i32: 0>} : vector<16xi32>
      %lt3A_429 = arith.constant 8 : i32
      %lt3A_430 = vector.broadcast %lt3A_429 : i32 to vector<16xi32>
      %lt3A_431 = arith.cmpi slt, %iota3A_428, %lt3A_430 : vector<16xi32>
      %select_n3A_432 = arith.select %lt3A_431, %masked_sort3A_416, %masked_sort3A_426 : vector<16xi1>, vector<16xf32>
      %select_n3A_433 = arith.select %lt3A_431, %masked_sort3A_417, %masked_sort3A_427 : vector<16xi1>, vector<16xi32>
      %masked_sort3A_434 = arith.constant dense<true> : vector<16xi1>
      %masked_sort3A_435, %masked_sort3A_436, %masked_sort3A_437 = tpu.sort %select_n3A_432, %select_n3A_433 masked %masked_sort3A_434 {descending = true} : (vector<16xf32>, vector<16xi32>, vector<16xi1>) -> (vector<16xi1>, vector<16xf32>, vector<16xi32>)
      %exp3A_438 = math.exp %masked_sort3A_436 : vector<16xf32>
      %jit3A_439 = arith.constant 0.000000e+00 : f32
      %broadcast_in_dim3A_440 = vector.broadcast %jit3A_439 : f32 to vector<16xf32>
      %select_n3A_441 = arith.select %lt3A_93, %exp3A_438, %broadcast_in_dim3A_440 : vector<16xi1>, vector<16xf32>
      %broadcast_in_dim3A_442 = arith.constant true
      %broadcast_in_dim3A_443 = vector.broadcast %broadcast_in_dim3A_442 : i1 to vector<16xi1>
      %masked_cumsum3A_444 = tpu.scan <sum>, %select_n3A_441 masked %broadcast_in_dim3A_443 : vector<16xf32>, vector<16xi1> -> vector<16xf32>
      %broadcast_in_dim3A_445 = vector.shape_cast %broadcast_in_dim3A_91 : vector<16xi32> to vector<16x1xi32>
      %gather3A_446 = vector.shape_cast %broadcast_in_dim3A_445 : vector<16x1xi32> to vector<16xi32>
      %gather3A_447 = tpu.dynamic_gather %masked_cumsum3A_444[%gather3A_446] in [0] : vector<16xf32>, vector<16xi32> -> vector<16xf32>
      %div3A_448 = arith.divf %select_n3A_441, %gather3A_447 : vector<16xf32>
      %swap3A_449 = arith.constant 3 : i32
      %swap3A_450 = arith.index_cast %swap3A_449 : i32 to index
      %swap3A_451 = arith.constant 0 : index
      %swap3A_452 = tpu.vector_load %arg7[%swap3A_450, %swap3A_451] {strides = array<i32>} : memref<16x16xf32, #tpu.memory_space<vmem>>, vector<16xf32>,
      tpu.vector_store %arg7[%swap3A_450, %swap3A_451], %div3A_448 {strides = array<i32>} : memref<16x16xf32, #tpu.memory_space<vmem>>, vector<16xf32>,
      %swap3A_453 = arith.constant 3 : i32
      %swap3A_454 = arith.index_cast %swap3A_453 : i32 to index
      %swap3A_455 = arith.constant 0 : index
      %swap3A_456 = tpu.vector_load %arg8[%swap3A_454, %swap3A_455] {strides = array<i32>} : memref<16x16xi32, #tpu.memory_space<vmem>>, vector<16xi32>,
      tpu.vector_store %arg8[%swap3A_454, %swap3A_455], %masked_sort3A_437 {strides = array<i32>} : memref<16x16xi32, #tpu.memory_space<vmem>>, vector<16xi32>,
      %get3A_457 = arith.constant 4 : i32
      %get3A_458 = arith.index_cast %get3A_457 : i32 to index
      %get3A_459 = arith.constant 0 : index
      %get3A_460 = tpu.vector_load %arg5[%get3A_458, %get3A_459] {strides = array<i32>} : memref<16x64xf32, #tpu.memory_space<vmem>>, vector<16xf32>,
      %add3A_461 = arith.constant 0 : i32
      %add3A_462 = vector.broadcast %add3A_461 : i32 to vector<16xi32>
      %add3A_463 = arith.addi %iota3A, %add3A_462 : vector<16xi32>
      %masked_sort3A_464 = arith.constant dense<true> : vector<16xi1>
      %masked_sort3A_465, %masked_sort3A_466, %masked_sort3A_467 = tpu.sort %get3A_460, %add3A_463 masked %masked_sort3A_464 {descending = true} : (vector<16xf32>, vector<16xi32>, vector<16xi1>) -> (vector<16xi1>, vector<16xf32>, vector<16xi32>)
      %get3A_468 = arith.constant 4 : i32
      %get3A_469 = arith.index_cast %get3A_468 : i32 to index
      %get3A_470 = arith.constant 16 : index
      %get3A_471 = tpu.vector_load %arg5[%get3A_469, %get3A_470] {strides = array<i32>} : memref<16x64xf32, #tpu.memory_space<vmem>>, vector<16xf32>,
      %add3A_472 = arith.constant 16 : i32
      %add3A_473 = vector.broadcast %add3A_472 : i32 to vector<16xi32>
      %add3A_474 = arith.addi %iota3A, %add3A_473 : vector<16xi32>
      %masked_sort3A_475 = arith.constant dense<true> : vector<16xi1>
      %masked_sort3A_476, %masked_sort3A_477, %masked_sort3A_478 = tpu.sort %get3A_471, %add3A_474 masked %masked_sort3A_475 : (vector<16xf32>, vector<16xi32>, vector<16xi1>) -> (vector<16xi1>, vector<16xf32>, vector<16xi32>)
      %get3A_479 = arith.constant 4 : i32
      %get3A_480 = arith.index_cast %get3A_479 : i32 to index
      %get3A_481 = arith.constant 32 : index
      %get3A_482 = tpu.vector_load %arg5[%get3A_480, %get3A_481] {strides = array<i32>} : memref<16x64xf32, #tpu.memory_space<vmem>>, vector<16xf32>,
      %add3A_483 = arith.constant 32 : i32
      %add3A_484 = vector.broadcast %add3A_483 : i32 to vector<16xi32>
      %add3A_485 = arith.addi %iota3A, %add3A_484 : vector<16xi32>
      %masked_sort3A_486 = arith.constant dense<true> : vector<16xi1>
      %masked_sort3A_487, %masked_sort3A_488, %masked_sort3A_489 = tpu.sort %get3A_482, %add3A_485 masked %masked_sort3A_486 : (vector<16xf32>, vector<16xi32>, vector<16xi1>) -> (vector<16xi1>, vector<16xf32>, vector<16xi32>)
      %get3A_490 = arith.constant 4 : i32
      %get3A_491 = arith.index_cast %get3A_490 : i32 to index
      %get3A_492 = arith.constant 48 : index
      %get3A_493 = tpu.vector_load %arg5[%get3A_491, %get3A_492] {strides = array<i32>} : memref<16x64xf32, #tpu.memory_space<vmem>>, vector<16xf32>,
      %add3A_494 = arith.constant 48 : i32
      %add3A_495 = vector.broadcast %add3A_494 : i32 to vector<16xi32>
      %add3A_496 = arith.addi %iota3A, %add3A_495 : vector<16xi32>
      %masked_sort3A_497 = arith.constant dense<true> : vector<16xi1>
      %masked_sort3A_498, %masked_sort3A_499, %masked_sort3A_500 = tpu.sort %get3A_493, %add3A_496 masked %masked_sort3A_497 {descending = true} : (vector<16xf32>, vector<16xi32>, vector<16xi1>) -> (vector<16xi1>, vector<16xf32>, vector<16xi32>)
      %iota3A_501 = tpu.iota {dimensions = array<i32: 0>} : vector<16xi32>
      %lt3A_502 = arith.constant 8 : i32
      %lt3A_503 = vector.broadcast %lt3A_502 : i32 to vector<16xi32>
      %lt3A_504 = arith.cmpi slt, %iota3A_501, %lt3A_503 : vector<16xi32>
      %select_n3A_505 = arith.select %lt3A_504, %masked_sort3A_466, %masked_sort3A_477 : vector<16xi1>, vector<16xf32>
      %select_n3A_506 = arith.select %lt3A_504, %masked_sort3A_467, %masked_sort3A_478 : vector<16xi1>, vector<16xi32>
      %masked_sort3A_507 = arith.constant dense<true> : vector<16xi1>
      %masked_sort3A_508, %masked_sort3A_509, %masked_sort3A_510 = tpu.sort %select_n3A_505, %select_n3A_506 masked %masked_sort3A_507 {descending = true} : (vector<16xf32>, vector<16xi32>, vector<16xi1>) -> (vector<16xi1>, vector<16xf32>, vector<16xi32>)
      %iota3A_511 = tpu.iota {dimensions = array<i32: 0>} : vector<16xi32>
      %lt3A_512 = arith.constant 8 : i32
      %lt3A_513 = vector.broadcast %lt3A_512 : i32 to vector<16xi32>
      %lt3A_514 = arith.cmpi slt, %iota3A_511, %lt3A_513 : vector<16xi32>
      %select_n3A_515 = arith.select %lt3A_514, %masked_sort3A_499, %masked_sort3A_488 : vector<16xi1>, vector<16xf32>
      %select_n3A_516 = arith.select %lt3A_514, %masked_sort3A_500, %masked_sort3A_489 : vector<16xi1>, vector<16xi32>
      %masked_sort3A_517 = arith.constant dense<true> : vector<16xi1>
      %masked_sort3A_518, %masked_sort3A_519, %masked_sort3A_520 = tpu.sort %select_n3A_515, %select_n3A_516 masked %masked_sort3A_517 : (vector<16xf32>, vector<16xi32>, vector<16xi1>) -> (vector<16xi1>, vector<16xf32>, vector<16xi32>)
      %iota3A_521 = tpu.iota {dimensions = array<i32: 0>} : vector<16xi32>
      %lt3A_522 = arith.constant 8 : i32
      %lt3A_523 = vector.broadcast %lt3A_522 : i32 to vector<16xi32>
      %lt3A_524 = arith.cmpi slt, %iota3A_521, %lt3A_523 : vector<16xi32>
      %select_n3A_525 = arith.select %lt3A_524, %masked_sort3A_509, %masked_sort3A_519 : vector<16xi1>, vector<16xf32>
      %select_n3A_526 = arith.select %lt3A_524, %masked_sort3A_510, %masked_sort3A_520 : vector<16xi1>, vector<16xi32>
      %masked_sort3A_527 = arith.constant dense<true> : vector<16xi1>
      %masked_sort3A_528, %masked_sort3A_529, %masked_sort3A_530 = tpu.sort %select_n3A_525, %select_n3A_526 masked %masked_sort3A_527 {descending = true} : (vector<16xf32>, vector<16xi32>, vector<16xi1>) -> (vector<16xi1>, vector<16xf32>, vector<16xi32>)
      %exp3A_531 = math.exp %masked_sort3A_529 : vector<16xf32>
      %jit3A_532 = arith.constant 0.000000e+00 : f32
      %broadcast_in_dim3A_533 = vector.broadcast %jit3A_532 : f32 to vector<16xf32>
      %select_n3A_534 = arith.select %lt3A_93, %exp3A_531, %broadcast_in_dim3A_533 : vector<16xi1>, vector<16xf32>
      %broadcast_in_dim3A_535 = arith.constant true
      %broadcast_in_dim3A_536 = vector.broadcast %broadcast_in_dim3A_535 : i1 to vector<16xi1>
      %masked_cumsum3A_537 = tpu.scan <sum>, %select_n3A_534 masked %broadcast_in_dim3A_536 : vector<16xf32>, vector<16xi1> -> vector<16xf32>
      %broadcast_in_dim3A_538 = vector.shape_cast %broadcast_in_dim3A_91 : vector<16xi32> to vector<16x1xi32>
      %gather3A_539 = vector.shape_cast %broadcast_in_dim3A_538 : vector<16x1xi32> to vector<16xi32>
      %gather3A_540 = tpu.dynamic_gather %masked_cumsum3A_537[%gather3A_539] in [0] : vector<16xf32>, vector<16xi32> -> vector<16xf32>
      %div3A_541 = arith.divf %select_n3A_534, %gather3A_540 : vector<16xf32>
      %swap3A_542 = arith.constant 4 : i32
      %swap3A_543 = arith.index_cast %swap3A_542 : i32 to index
      %swap3A_544 = arith.constant 0 : index
      %swap3A_545 = tpu.vector_load %arg7[%swap3A_543, %swap3A_544] {strides = array<i32>} : memref<16x16xf32, #tpu.memory_space<vmem>>, vector<16xf32>,
      tpu.vector_store %arg7[%swap3A_543, %swap3A_544], %div3A_541 {strides = array<i32>} : memref<16x16xf32, #tpu.memory_space<vmem>>, vector<16xf32>,
      %swap3A_546 = arith.constant 4 : i32
      %swap3A_547 = arith.index_cast %swap3A_546 : i32 to index
      %swap3A_548 = arith.constant 0 : index
      %swap3A_549 = tpu.vector_load %arg8[%swap3A_547, %swap3A_548] {strides = array<i32>} : memref<16x16xi32, #tpu.memory_space<vmem>>, vector<16xi32>,
      tpu.vector_store %arg8[%swap3A_547, %swap3A_548], %masked_sort3A_530 {strides = array<i32>} : memref<16x16xi32, #tpu.memory_space<vmem>>, vector<16xi32>,
      %get3A_550 = arith.constant 5 : i32
      %get3A_551 = arith.index_cast %get3A_550 : i32 to index
      %get3A_552 = arith.constant 0 : index
      %get3A_553 = tpu.vector_load %arg5[%get3A_551, %get3A_552] {strides = array<i32>} : memref<16x64xf32, #tpu.memory_space<vmem>>, vector<16xf32>,
      %add3A_554 = arith.constant 0 : i32
      %add3A_555 = vector.broadcast %add3A_554 : i32 to vector<16xi32>
      %add3A_556 = arith.addi %iota3A, %add3A_555 : vector<16xi32>
      %masked_sort3A_557 = arith.constant dense<true> : vector<16xi1>
      %masked_sort3A_558, %masked_sort3A_559, %masked_sort3A_560 = tpu.sort %get3A_553, %add3A_556 masked %masked_sort3A_557 {descending = true} : (vector<16xf32>, vector<16xi32>, vector<16xi1>) -> (vector<16xi1>, vector<16xf32>, vector<16xi32>)
      %get3A_561 = arith.constant 5 : i32
      %get3A_562 = arith.index_cast %get3A_561 : i32 to index
      %get3A_563 = arith.constant 16 : index
      %get3A_564 = tpu.vector_load %arg5[%get3A_562, %get3A_563] {strides = array<i32>} : memref<16x64xf32, #tpu.memory_space<vmem>>, vector<16xf32>,
      %add3A_565 = arith.constant 16 : i32
      %add3A_566 = vector.broadcast %add3A_565 : i32 to vector<16xi32>
      %add3A_567 = arith.addi %iota3A, %add3A_566 : vector<16xi32>
      %masked_sort3A_568 = arith.constant dense<true> : vector<16xi1>
      %masked_sort3A_569, %masked_sort3A_570, %masked_sort3A_571 = tpu.sort %get3A_564, %add3A_567 masked %masked_sort3A_568 : (vector<16xf32>, vector<16xi32>, vector<16xi1>) -> (vector<16xi1>, vector<16xf32>, vector<16xi32>)
      %get3A_572 = arith.constant 5 : i32
      %get3A_573 = arith.index_cast %get3A_572 : i32 to index
      %get3A_574 = arith.constant 32 : index
      %get3A_575 = tpu.vector_load %arg5[%get3A_573, %get3A_574] {strides = array<i32>} : memref<16x64xf32, #tpu.memory_space<vmem>>, vector<16xf32>,
      %add3A_576 = arith.constant 32 : i32
      %add3A_577 = vector.broadcast %add3A_576 : i32 to vector<16xi32>
      %add3A_578 = arith.addi %iota3A, %add3A_577 : vector<16xi32>
      %masked_sort3A_579 = arith.constant dense<true> : vector<16xi1>
      %masked_sort3A_580, %masked_sort3A_581, %masked_sort3A_582 = tpu.sort %get3A_575, %add3A_578 masked %masked_sort3A_579 : (vector<16xf32>, vector<16xi32>, vector<16xi1>) -> (vector<16xi1>, vector<16xf32>, vector<16xi32>)
      %get3A_583 = arith.constant 5 : i32
      %get3A_584 = arith.index_cast %get3A_583 : i32 to index
      %get3A_585 = arith.constant 48 : index
      %get3A_586 = tpu.vector_load %arg5[%get3A_584, %get3A_585] {strides = array<i32>} : memref<16x64xf32, #tpu.memory_space<vmem>>, vector<16xf32>,
      %add3A_587 = arith.constant 48 : i32
      %add3A_588 = vector.broadcast %add3A_587 : i32 to vector<16xi32>
      %add3A_589 = arith.addi %iota3A, %add3A_588 : vector<16xi32>
      %masked_sort3A_590 = arith.constant dense<true> : vector<16xi1>
      %masked_sort3A_591, %masked_sort3A_592, %masked_sort3A_593 = tpu.sort %get3A_586, %add3A_589 masked %masked_sort3A_590 {descending = true} : (vector<16xf32>, vector<16xi32>, vector<16xi1>) -> (vector<16xi1>, vector<16xf32>, vector<16xi32>)
      %iota3A_594 = tpu.iota {dimensions = array<i32: 0>} : vector<16xi32>
      %lt3A_595 = arith.constant 8 : i32
      %lt3A_596 = vector.broadcast %lt3A_595 : i32 to vector<16xi32>
      %lt3A_597 = arith.cmpi slt, %iota3A_594, %lt3A_596 : vector<16xi32>
      %select_n3A_598 = arith.select %lt3A_597, %masked_sort3A_559, %masked_sort3A_570 : vector<16xi1>, vector<16xf32>
      %select_n3A_599 = arith.select %lt3A_597, %masked_sort3A_560, %masked_sort3A_571 : vector<16xi1>, vector<16xi32>
      %masked_sort3A_600 = arith.constant dense<true> : vector<16xi1>
      %masked_sort3A_601, %masked_sort3A_602, %masked_sort3A_603 = tpu.sort %select_n3A_598, %select_n3A_599 masked %masked_sort3A_600 {descending = true} : (vector<16xf32>, vector<16xi32>, vector<16xi1>) -> (vector<16xi1>, vector<16xf32>, vector<16xi32>)
      %iota3A_604 = tpu.iota {dimensions = array<i32: 0>} : vector<16xi32>
      %lt3A_605 = arith.constant 8 : i32
      %lt3A_606 = vector.broadcast %lt3A_605 : i32 to vector<16xi32>
      %lt3A_607 = arith.cmpi slt, %iota3A_604, %lt3A_606 : vector<16xi32>
      %select_n3A_608 = arith.select %lt3A_607, %masked_sort3A_592, %masked_sort3A_581 : vector<16xi1>, vector<16xf32>
      %select_n3A_609 = arith.select %lt3A_607, %masked_sort3A_593, %masked_sort3A_582 : vector<16xi1>, vector<16xi32>
      %masked_sort3A_610 = arith.constant dense<true> : vector<16xi1>
      %masked_sort3A_611, %masked_sort3A_612, %masked_sort3A_613 = tpu.sort %select_n3A_608, %select_n3A_609 masked %masked_sort3A_610 : (vector<16xf32>, vector<16xi32>, vector<16xi1>) -> (vector<16xi1>, vector<16xf32>, vector<16xi32>)
      %iota3A_614 = tpu.iota {dimensions = array<i32: 0>} : vector<16xi32>
      %lt3A_615 = arith.constant 8 : i32
      %lt3A_616 = vector.broadcast %lt3A_615 : i32 to vector<16xi32>
      %lt3A_617 = arith.cmpi slt, %iota3A_614, %lt3A_616 : vector<16xi32>
      %select_n3A_618 = arith.select %lt3A_617, %masked_sort3A_602, %masked_sort3A_612 : vector<16xi1>, vector<16xf32>
      %select_n3A_619 = arith.select %lt3A_617, %masked_sort3A_603, %masked_sort3A_613 : vector<16xi1>, vector<16xi32>
      %masked_sort3A_620 = arith.constant dense<true> : vector<16xi1>
      %masked_sort3A_621, %masked_sort3A_622, %masked_sort3A_623 = tpu.sort %select_n3A_618, %select_n3A_619 masked %masked_sort3A_620 {descending = true} : (vector<16xf32>, vector<16xi32>, vector<16xi1>) -> (vector<16xi1>, vector<16xf32>, vector<16xi32>)
      %exp3A_624 = math.exp %masked_sort3A_622 : vector<16xf32>
      %jit3A_625 = arith.constant 0.000000e+00 : f32
      %broadcast_in_dim3A_626 = vector.broadcast %jit3A_625 : f32 to vector<16xf32>
      %select_n3A_627 = arith.select %lt3A_93, %exp3A_624, %broadcast_in_dim3A_626 : vector<16xi1>, vector<16xf32>
      %broadcast_in_dim3A_628 = arith.constant true
      %broadcast_in_dim3A_629 = vector.broadcast %broadcast_in_dim3A_628 : i1 to vector<16xi1>
      %masked_cumsum3A_630 = tpu.scan <sum>, %select_n3A_627 masked %broadcast_in_dim3A_629 : vector<16xf32>, vector<16xi1> -> vector<16xf32>
      %broadcast_in_dim3A_631 = vector.shape_cast %broadcast_in_dim3A_91 : vector<16xi32> to vector<16x1xi32>
      %gather3A_632 = vector.shape_cast %broadcast_in_dim3A_631 : vector<16x1xi32> to vector<16xi32>
      %gather3A_633 = tpu.dynamic_gather %masked_cumsum3A_630[%gather3A_632] in [0] : vector<16xf32>, vector<16xi32> -> vector<16xf32>
      %div3A_634 = arith.divf %select_n3A_627, %gather3A_633 : vector<16xf32>
      %swap3A_635 = arith.constant 5 : i32
      %swap3A_636 = arith.index_cast %swap3A_635 : i32 to index
      %swap3A_637 = arith.constant 0 : index
      %swap3A_638 = tpu.vector_load %arg7[%swap3A_636, %swap3A_637] {strides = array<i32>} : memref<16x16xf32, #tpu.memory_space<vmem>>, vector<16xf32>,
      tpu.vector_store %arg7[%swap3A_636, %swap3A_637], %div3A_634 {strides = array<i32>} : memref<16x16xf32, #tpu.memory_space<vmem>>, vector<16xf32>,
      %swap3A_639 = arith.constant 5 : i32
      %swap3A_640 = arith.index_cast %swap3A_639 : i32 to index
      %swap3A_641 = arith.constant 0 : index
      %swap3A_642 = tpu.vector_load %arg8[%swap3A_640, %swap3A_641] {strides = array<i32>} : memref<16x16xi32, #tpu.memory_space<vmem>>, vector<16xi32>,
      tpu.vector_store %arg8[%swap3A_640, %swap3A_641], %masked_sort3A_623 {strides = array<i32>} : memref<16x16xi32, #tpu.memory_space<vmem>>, vector<16xi32>,
      %get3A_643 = arith.constant 6 : i32
      %get3A_644 = arith.index_cast %get3A_643 : i32 to index
      %get3A_645 = arith.constant 0 : index
      %get3A_646 = tpu.vector_load %arg5[%get3A_644, %get3A_645] {strides = array<i32>} : memref<16x64xf32, #tpu.memory_space<vmem>>, vector<16xf32>,
      %add3A_647 = arith.constant 0 : i32
      %add3A_648 = vector.broadcast %add3A_647 : i32 to vector<16xi32>
      %add3A_649 = arith.addi %iota3A, %add3A_648 : vector<16xi32>
      %masked_sort3A_650 = arith.constant dense<true> : vector<16xi1>
      %masked_sort3A_651, %masked_sort3A_652, %masked_sort3A_653 = tpu.sort %get3A_646, %add3A_649 masked %masked_sort3A_650 {descending = true} : (vector<16xf32>, vector<16xi32>, vector<16xi1>) -> (vector<16xi1>, vector<16xf32>, vector<16xi32>)
      %get3A_654 = arith.constant 6 : i32
      %get3A_655 = arith.index_cast %get3A_654 : i32 to index
      %get3A_656 = arith.constant 16 : index
      %get3A_657 = tpu.vector_load %arg5[%get3A_655, %get3A_656] {strides = array<i32>} : memref<16x64xf32, #tpu.memory_space<vmem>>, vector<16xf32>,
      %add3A_658 = arith.constant 16 : i32
      %add3A_659 = vector.broadcast %add3A_658 : i32 to vector<16xi32>
      %add3A_660 = arith.addi %iota3A, %add3A_659 : vector<16xi32>
      %masked_sort3A_661 = arith.constant dense<true> : vector<16xi1>
      %masked_sort3A_662, %masked_sort3A_663, %masked_sort3A_664 = tpu.sort %get3A_657, %add3A_660 masked %masked_sort3A_661 : (vector<16xf32>, vector<16xi32>, vector<16xi1>) -> (vector<16xi1>, vector<16xf32>, vector<16xi32>)
      %get3A_665 = arith.constant 6 : i32
      %get3A_666 = arith.index_cast %get3A_665 : i32 to index
      %get3A_667 = arith.constant 32 : index
      %get3A_668 = tpu.vector_load %arg5[%get3A_666, %get3A_667] {strides = array<i32>} : memref<16x64xf32, #tpu.memory_space<vmem>>, vector<16xf32>,
      %add3A_669 = arith.constant 32 : i32
      %add3A_670 = vector.broadcast %add3A_669 : i32 to vector<16xi32>
      %add3A_671 = arith.addi %iota3A, %add3A_670 : vector<16xi32>
      %masked_sort3A_672 = arith.constant dense<true> : vector<16xi1>
      %masked_sort3A_673, %masked_sort3A_674, %masked_sort3A_675 = tpu.sort %get3A_668, %add3A_671 masked %masked_sort3A_672 : (vector<16xf32>, vector<16xi32>, vector<16xi1>) -> (vector<16xi1>, vector<16xf32>, vector<16xi32>)
      %get3A_676 = arith.constant 6 : i32
      %get3A_677 = arith.index_cast %get3A_676 : i32 to index
      %get3A_678 = arith.constant 48 : index
      %get3A_679 = tpu.vector_load %arg5[%get3A_677, %get3A_678] {strides = array<i32>} : memref<16x64xf32, #tpu.memory_space<vmem>>, vector<16xf32>,
      %add3A_680 = arith.constant 48 : i32
      %add3A_681 = vector.broadcast %add3A_680 : i32 to vector<16xi32>
      %add3A_682 = arith.addi %iota3A, %add3A_681 : vector<16xi32>
      %masked_sort3A_683 = arith.constant dense<true> : vector<16xi1>
      %masked_sort3A_684, %masked_sort3A_685, %masked_sort3A_686 = tpu.sort %get3A_679, %add3A_682 masked %masked_sort3A_683 {descending = true} : (vector<16xf32>, vector<16xi32>, vector<16xi1>) -> (vector<16xi1>, vector<16xf32>, vector<16xi32>)
      %iota3A_687 = tpu.iota {dimensions = array<i32: 0>} : vector<16xi32>
      %lt3A_688 = arith.constant 8 : i32
      %lt3A_689 = vector.broadcast %lt3A_688 : i32 to vector<16xi32>
      %lt3A_690 = arith.cmpi slt, %iota3A_687, %lt3A_689 : vector<16xi32>
      %select_n3A_691 = arith.select %lt3A_690, %masked_sort3A_652, %masked_sort3A_663 : vector<16xi1>, vector<16xf32>
      %select_n3A_692 = arith.select %lt3A_690, %masked_sort3A_653, %masked_sort3A_664 : vector<16xi1>, vector<16xi32>
      %masked_sort3A_693 = arith.constant dense<true> : vector<16xi1>
      %masked_sort3A_694, %masked_sort3A_695, %masked_sort3A_696 = tpu.sort %select_n3A_691, %select_n3A_692 masked %masked_sort3A_693 {descending = true} : (vector<16xf32>, vector<16xi32>, vector<16xi1>) -> (vector<16xi1>, vector<16xf32>, vector<16xi32>)
      %iota3A_697 = tpu.iota {dimensions = array<i32: 0>} : vector<16xi32>
      %lt3A_698 = arith.constant 8 : i32
      %lt3A_699 = vector.broadcast %lt3A_698 : i32 to vector<16xi32>
      %lt3A_700 = arith.cmpi slt, %iota3A_697, %lt3A_699 : vector<16xi32>
      %select_n3A_701 = arith.select %lt3A_700, %masked_sort3A_685, %masked_sort3A_674 : vector<16xi1>, vector<16xf32>
      %select_n3A_702 = arith.select %lt3A_700, %masked_sort3A_686, %masked_sort3A_675 : vector<16xi1>, vector<16xi32>
      %masked_sort3A_703 = arith.constant dense<true> : vector<16xi1>
      %masked_sort3A_704, %masked_sort3A_705, %masked_sort3A_706 = tpu.sort %select_n3A_701, %select_n3A_702 masked %masked_sort3A_703 : (vector<16xf32>, vector<16xi32>, vector<16xi1>) -> (vector<16xi1>, vector<16xf32>, vector<16xi32>)
      %iota3A_707 = tpu.iota {dimensions = array<i32: 0>} : vector<16xi32>
      %lt3A_708 = arith.constant 8 : i32
      %lt3A_709 = vector.broadcast %lt3A_708 : i32 to vector<16xi32>
      %lt3A_710 = arith.cmpi slt, %iota3A_707, %lt3A_709 : vector<16xi32>
      %select_n3A_711 = arith.select %lt3A_710, %masked_sort3A_695, %masked_sort3A_705 : vector<16xi1>, vector<16xf32>
      %select_n3A_712 = arith.select %lt3A_710, %masked_sort3A_696, %masked_sort3A_706 : vector<16xi1>, vector<16xi32>
      %masked_sort3A_713 = arith.constant dense<true> : vector<16xi1>
      %masked_sort3A_714, %masked_sort3A_715, %masked_sort3A_716 = tpu.sort %select_n3A_711, %select_n3A_712 masked %masked_sort3A_713 {descending = true} : (vector<16xf32>, vector<16xi32>, vector<16xi1>) -> (vector<16xi1>, vector<16xf32>, vector<16xi32>)
      %exp3A_717 = math.exp %masked_sort3A_715 : vector<16xf32>
      %jit3A_718 = arith.constant 0.000000e+00 : f32
      %broadcast_in_dim3A_719 = vector.broadcast %jit3A_718 : f32 to vector<16xf32>
      %select_n3A_720 = arith.select %lt3A_93, %exp3A_717, %broadcast_in_dim3A_719 : vector<16xi1>, vector<16xf32>
      %broadcast_in_dim3A_721 = arith.constant true
      %broadcast_in_dim3A_722 = vector.broadcast %broadcast_in_dim3A_721 : i1 to vector<16xi1>
      %masked_cumsum3A_723 = tpu.scan <sum>, %select_n3A_720 masked %broadcast_in_dim3A_722 : vector<16xf32>, vector<16xi1> -> vector<16xf32>
      %broadcast_in_dim3A_724 = vector.shape_cast %broadcast_in_dim3A_91 : vector<16xi32> to vector<16x1xi32>
      %gather3A_725 = vector.shape_cast %broadcast_in_dim3A_724 : vector<16x1xi32> to vector<16xi32>
      %gather3A_726 = tpu.dynamic_gather %masked_cumsum3A_723[%gather3A_725] in [0] : vector<16xf32>, vector<16xi32> -> vector<16xf32>
      %div3A_727 = arith.divf %select_n3A_720, %gather3A_726 : vector<16xf32>
      %swap3A_728 = arith.constant 6 : i32
      %swap3A_729 = arith.index_cast %swap3A_728 : i32 to index
      %swap3A_730 = arith.constant 0 : index
      %swap3A_731 = tpu.vector_load %arg7[%swap3A_729, %swap3A_730] {strides = array<i32>} : memref<16x16xf32, #tpu.memory_space<vmem>>, vector<16xf32>,
      tpu.vector_store %arg7[%swap3A_729, %swap3A_730], %div3A_727 {strides = array<i32>} : memref<16x16xf32, #tpu.memory_space<vmem>>, vector<16xf32>,
      %swap3A_732 = arith.constant 6 : i32
      %swap3A_733 = arith.index_cast %swap3A_732 : i32 to index
      %swap3A_734 = arith.constant 0 : index
      %swap3A_735 = tpu.vector_load %arg8[%swap3A_733, %swap3A_734] {strides = array<i32>} : memref<16x16xi32, #tpu.memory_space<vmem>>, vector<16xi32>,
      tpu.vector_store %arg8[%swap3A_733, %swap3A_734], %masked_sort3A_716 {strides = array<i32>} : memref<16x16xi32, #tpu.memory_space<vmem>>, vector<16xi32>,
      %get3A_736 = arith.constant 7 : i32
      %get3A_737 = arith.index_cast %get3A_736 : i32 to index
      %get3A_738 = arith.constant 0 : index
      %get3A_739 = tpu.vector_load %arg5[%get3A_737, %get3A_738] {strides = array<i32>} : memref<16x64xf32, #tpu.memory_space<vmem>>, vector<16xf32>,
      %add3A_740 = arith.constant 0 : i32
      %add3A_741 = vector.broadcast %add3A_740 : i32 to vector<16xi32>
      %add3A_742 = arith.addi %iota3A, %add3A_741 : vector<16xi32>
      %masked_sort3A_743 = arith.constant dense<true> : vector<16xi1>
      %masked_sort3A_744, %masked_sort3A_745, %masked_sort3A_746 = tpu.sort %get3A_739, %add3A_742 masked %masked_sort3A_743 {descending = true} : (vector<16xf32>, vector<16xi32>, vector<16xi1>) -> (vector<16xi1>, vector<16xf32>, vector<16xi32>)
      %get3A_747 = arith.constant 7 : i32
      %get3A_748 = arith.index_cast %get3A_747 : i32 to index
      %get3A_749 = arith.constant 16 : index
      %get3A_750 = tpu.vector_load %arg5[%get3A_748, %get3A_749] {strides = array<i32>} : memref<16x64xf32, #tpu.memory_space<vmem>>, vector<16xf32>,
      %add3A_751 = arith.constant 16 : i32
      %add3A_752 = vector.broadcast %add3A_751 : i32 to vector<16xi32>
      %add3A_753 = arith.addi %iota3A, %add3A_752 : vector<16xi32>
      %masked_sort3A_754 = arith.constant dense<true> : vector<16xi1>
      %masked_sort3A_755, %masked_sort3A_756, %masked_sort3A_757 = tpu.sort %get3A_750, %add3A_753 masked %masked_sort3A_754 : (vector<16xf32>, vector<16xi32>, vector<16xi1>) -> (vector<16xi1>, vector<16xf32>, vector<16xi32>)
      %get3A_758 = arith.constant 7 : i32
      %get3A_759 = arith.index_cast %get3A_758 : i32 to index
      %get3A_760 = arith.constant 32 : index
      %get3A_761 = tpu.vector_load %arg5[%get3A_759, %get3A_760] {strides = array<i32>} : memref<16x64xf32, #tpu.memory_space<vmem>>, vector<16xf32>,
      %add3A_762 = arith.constant 32 : i32
      %add3A_763 = vector.broadcast %add3A_762 : i32 to vector<16xi32>
      %add3A_764 = arith.addi %iota3A, %add3A_763 : vector<16xi32>
      %masked_sort3A_765 = arith.constant dense<true> : vector<16xi1>
      %masked_sort3A_766, %masked_sort3A_767, %masked_sort3A_768 = tpu.sort %get3A_761, %add3A_764 masked %masked_sort3A_765 : (vector<16xf32>, vector<16xi32>, vector<16xi1>) -> (vector<16xi1>, vector<16xf32>, vector<16xi32>)
      %get3A_769 = arith.constant 7 : i32
      %get3A_770 = arith.index_cast %get3A_769 : i32 to index
      %get3A_771 = arith.constant 48 : index
      %get3A_772 = tpu.vector_load %arg5[%get3A_770, %get3A_771] {strides = array<i32>} : memref<16x64xf32, #tpu.memory_space<vmem>>, vector<16xf32>,
      %add3A_773 = arith.constant 48 : i32
      %add3A_774 = vector.broadcast %add3A_773 : i32 to vector<16xi32>
      %add3A_775 = arith.addi %iota3A, %add3A_774 : vector<16xi32>
      %masked_sort3A_776 = arith.constant dense<true> : vector<16xi1>
      %masked_sort3A_777, %masked_sort3A_778, %masked_sort3A_779 = tpu.sort %get3A_772, %add3A_775 masked %masked_sort3A_776 {descending = true} : (vector<16xf32>, vector<16xi32>, vector<16xi1>) -> (vector<16xi1>, vector<16xf32>, vector<16xi32>)
      %iota3A_780 = tpu.iota {dimensions = array<i32: 0>} : vector<16xi32>
      %lt3A_781 = arith.constant 8 : i32
      %lt3A_782 = vector.broadcast %lt3A_781 : i32 to vector<16xi32>
      %lt3A_783 = arith.cmpi slt, %iota3A_780, %lt3A_782 : vector<16xi32>
      %select_n3A_784 = arith.select %lt3A_783, %masked_sort3A_745, %masked_sort3A_756 : vector<16xi1>, vector<16xf32>
      %select_n3A_785 = arith.select %lt3A_783, %masked_sort3A_746, %masked_sort3A_757 : vector<16xi1>, vector<16xi32>
      %masked_sort3A_786 = arith.constant dense<true> : vector<16xi1>
      %masked_sort3A_787, %masked_sort3A_788, %masked_sort3A_789 = tpu.sort %select_n3A_784, %select_n3A_785 masked %masked_sort3A_786 {descending = true} : (vector<16xf32>, vector<16xi32>, vector<16xi1>) -> (vector<16xi1>, vector<16xf32>, vector<16xi32>)
      %iota3A_790 = tpu.iota {dimensions = array<i32: 0>} : vector<16xi32>
      %lt3A_791 = arith.constant 8 : i32
      %lt3A_792 = vector.broadcast %lt3A_791 : i32 to vector<16xi32>
      %lt3A_793 = arith.cmpi slt, %iota3A_790, %lt3A_792 : vector<16xi32>
      %select_n3A_794 = arith.select %lt3A_793, %masked_sort3A_778, %masked_sort3A_767 : vector<16xi1>, vector<16xf32>
      %select_n3A_795 = arith.select %lt3A_793, %masked_sort3A_779, %masked_sort3A_768 : vector<16xi1>, vector<16xi32>
      %masked_sort3A_796 = arith.constant dense<true> : vector<16xi1>
      %masked_sort3A_797, %masked_sort3A_798, %masked_sort3A_799 = tpu.sort %select_n3A_794, %select_n3A_795 masked %masked_sort3A_796 : (vector<16xf32>, vector<16xi32>, vector<16xi1>) -> (vector<16xi1>, vector<16xf32>, vector<16xi32>)
      %iota3A_800 = tpu.iota {dimensions = array<i32: 0>} : vector<16xi32>
      %lt3A_801 = arith.constant 8 : i32
      %lt3A_802 = vector.broadcast %lt3A_801 : i32 to vector<16xi32>
      %lt3A_803 = arith.cmpi slt, %iota3A_800, %lt3A_802 : vector<16xi32>
      %select_n3A_804 = arith.select %lt3A_803, %masked_sort3A_788, %masked_sort3A_798 : vector<16xi1>, vector<16xf32>
      %select_n3A_805 = arith.select %lt3A_803, %masked_sort3A_789, %masked_sort3A_799 : vector<16xi1>, vector<16xi32>
      %masked_sort3A_806 = arith.constant dense<true> : vector<16xi1>
      %masked_sort3A_807, %masked_sort3A_808, %masked_sort3A_809 = tpu.sort %select_n3A_804, %select_n3A_805 masked %masked_sort3A_806 {descending = true} : (vector<16xf32>, vector<16xi32>, vector<16xi1>) -> (vector<16xi1>, vector<16xf32>, vector<16xi32>)
      %exp3A_810 = math.exp %masked_sort3A_808 : vector<16xf32>
      %jit3A_811 = arith.constant 0.000000e+00 : f32
      %broadcast_in_dim3A_812 = vector.broadcast %jit3A_811 : f32 to vector<16xf32>
      %select_n3A_813 = arith.select %lt3A_93, %exp3A_810, %broadcast_in_dim3A_812 : vector<16xi1>, vector<16xf32>
      %broadcast_in_dim3A_814 = arith.constant true
      %broadcast_in_dim3A_815 = vector.broadcast %broadcast_in_dim3A_814 : i1 to vector<16xi1>
      %masked_cumsum3A_816 = tpu.scan <sum>, %select_n3A_813 masked %broadcast_in_dim3A_815 : vector<16xf32>, vector<16xi1> -> vector<16xf32>
      %broadcast_in_dim3A_817 = vector.shape_cast %broadcast_in_dim3A_91 : vector<16xi32> to vector<16x1xi32>
      %gather3A_818 = vector.shape_cast %broadcast_in_dim3A_817 : vector<16x1xi32> to vector<16xi32>
      %gather3A_819 = tpu.dynamic_gather %masked_cumsum3A_816[%gather3A_818] in [0] : vector<16xf32>, vector<16xi32> -> vector<16xf32>
      %div3A_820 = arith.divf %select_n3A_813, %gather3A_819 : vector<16xf32>
      %swap3A_821 = arith.constant 7 : i32
      %swap3A_822 = arith.index_cast %swap3A_821 : i32 to index
      %swap3A_823 = arith.constant 0 : index
      %swap3A_824 = tpu.vector_load %arg7[%swap3A_822, %swap3A_823] {strides = array<i32>} : memref<16x16xf32, #tpu.memory_space<vmem>>, vector<16xf32>,
      tpu.vector_store %arg7[%swap3A_822, %swap3A_823], %div3A_820 {strides = array<i32>} : memref<16x16xf32, #tpu.memory_space<vmem>>, vector<16xf32>,
      %swap3A_825 = arith.constant 7 : i32
      %swap3A_826 = arith.index_cast %swap3A_825 : i32 to index
      %swap3A_827 = arith.constant 0 : index
      %swap3A_828 = tpu.vector_load %arg8[%swap3A_826, %swap3A_827] {strides = array<i32>} : memref<16x16xi32, #tpu.memory_space<vmem>>, vector<16xi32>,
      tpu.vector_store %arg8[%swap3A_826, %swap3A_827], %masked_sort3A_809 {strides = array<i32>} : memref<16x16xi32, #tpu.memory_space<vmem>>, vector<16xi32>,
      %get3A_829 = arith.constant 8 : i32
      %get3A_830 = arith.index_cast %get3A_829 : i32 to index
      %get3A_831 = arith.constant 0 : index
      %get3A_832 = tpu.vector_load %arg5[%get3A_830, %get3A_831] {strides = array<i32>} : memref<16x64xf32, #tpu.memory_space<vmem>>, vector<16xf32>,
      %add3A_833 = arith.constant 0 : i32
      %add3A_834 = vector.broadcast %add3A_833 : i32 to vector<16xi32>
      %add3A_835 = arith.addi %iota3A, %add3A_834 : vector<16xi32>
      %masked_sort3A_836 = arith.constant dense<true> : vector<16xi1>
      %masked_sort3A_837, %masked_sort3A_838, %masked_sort3A_839 = tpu.sort %get3A_832, %add3A_835 masked %masked_sort3A_836 {descending = true} : (vector<16xf32>, vector<16xi32>, vector<16xi1>) -> (vector<16xi1>, vector<16xf32>, vector<16xi32>)
      %get3A_840 = arith.constant 8 : i32
      %get3A_841 = arith.index_cast %get3A_840 : i32 to index
      %get3A_842 = arith.constant 16 : index
      %get3A_843 = tpu.vector_load %arg5[%get3A_841, %get3A_842] {strides = array<i32>} : memref<16x64xf32, #tpu.memory_space<vmem>>, vector<16xf32>,
      %add3A_844 = arith.constant 16 : i32
      %add3A_845 = vector.broadcast %add3A_844 : i32 to vector<16xi32>
      %add3A_846 = arith.addi %iota3A, %add3A_845 : vector<16xi32>
      %masked_sort3A_847 = arith.constant dense<true> : vector<16xi1>
      %masked_sort3A_848, %masked_sort3A_849, %masked_sort3A_850 = tpu.sort %get3A_843, %add3A_846 masked %masked_sort3A_847 : (vector<16xf32>, vector<16xi32>, vector<16xi1>) -> (vector<16xi1>, vector<16xf32>, vector<16xi32>)
      %get3A_851 = arith.constant 8 : i32
      %get3A_852 = arith.index_cast %get3A_851 : i32 to index
      %get3A_853 = arith.constant 32 : index
      %get3A_854 = tpu.vector_load %arg5[%get3A_852, %get3A_853] {strides = array<i32>} : memref<16x64xf32, #tpu.memory_space<vmem>>, vector<16xf32>,
      %add3A_855 = arith.constant 32 : i32
      %add3A_856 = vector.broadcast %add3A_855 : i32 to vector<16xi32>
      %add3A_857 = arith.addi %iota3A, %add3A_856 : vector<16xi32>
      %masked_sort3A_858 = arith.constant dense<true> : vector<16xi1>
      %masked_sort3A_859, %masked_sort3A_860, %masked_sort3A_861 = tpu.sort %get3A_854, %add3A_857 masked %masked_sort3A_858 : (vector<16xf32>, vector<16xi32>, vector<16xi1>) -> (vector<16xi1>, vector<16xf32>, vector<16xi32>)
      %get3A_862 = arith.constant 8 : i32
      %get3A_863 = arith.index_cast %get3A_862 : i32 to index
      %get3A_864 = arith.constant 48 : index
      %get3A_865 = tpu.vector_load %arg5[%get3A_863, %get3A_864] {strides = array<i32>} : memref<16x64xf32, #tpu.memory_space<vmem>>, vector<16xf32>,
      %add3A_866 = arith.constant 48 : i32
      %add3A_867 = vector.broadcast %add3A_866 : i32 to vector<16xi32>
      %add3A_868 = arith.addi %iota3A, %add3A_867 : vector<16xi32>
      %masked_sort3A_869 = arith.constant dense<true> : vector<16xi1>
      %masked_sort3A_870, %masked_sort3A_871, %masked_sort3A_872 = tpu.sort %get3A_865, %add3A_868 masked %masked_sort3A_869 {descending = true} : (vector<16xf32>, vector<16xi32>, vector<16xi1>) -> (vector<16xi1>, vector<16xf32>, vector<16xi32>)
      %iota3A_873 = tpu.iota {dimensions = array<i32: 0>} : vector<16xi32>
      %lt3A_874 = arith.constant 8 : i32
      %lt3A_875 = vector.broadcast %lt3A_874 : i32 to vector<16xi32>
      %lt3A_876 = arith.cmpi slt, %iota3A_873, %lt3A_875 : vector<16xi32>
      %select_n3A_877 = arith.select %lt3A_876, %masked_sort3A_838, %masked_sort3A_849 : vector<16xi1>, vector<16xf32>
      %select_n3A_878 = arith.select %lt3A_876, %masked_sort3A_839, %masked_sort3A_850 : vector<16xi1>, vector<16xi32>
      %masked_sort3A_879 = arith.constant dense<true> : vector<16xi1>
      %masked_sort3A_880, %masked_sort3A_881, %masked_sort3A_882 = tpu.sort %select_n3A_877, %select_n3A_878 masked %masked_sort3A_879 {descending = true} : (vector<16xf32>, vector<16xi32>, vector<16xi1>) -> (vector<16xi1>, vector<16xf32>, vector<16xi32>)
      %iota3A_883 = tpu.iota {dimensions = array<i32: 0>} : vector<16xi32>
      %lt3A_884 = arith.constant 8 : i32
      %lt3A_885 = vector.broadcast %lt3A_884 : i32 to vector<16xi32>
      %lt3A_886 = arith.cmpi slt, %iota3A_883, %lt3A_885 : vector<16xi32>
      %select_n3A_887 = arith.select %lt3A_886, %masked_sort3A_871, %masked_sort3A_860 : vector<16xi1>, vector<16xf32>
      %select_n3A_888 = arith.select %lt3A_886, %masked_sort3A_872, %masked_sort3A_861 : vector<16xi1>, vector<16xi32>
      %masked_sort3A_889 = arith.constant dense<true> : vector<16xi1>
      %masked_sort3A_890, %masked_sort3A_891, %masked_sort3A_892 = tpu.sort %select_n3A_887, %select_n3A_888 masked %masked_sort3A_889 : (vector<16xf32>, vector<16xi32>, vector<16xi1>) -> (vector<16xi1>, vector<16xf32>, vector<16xi32>)
      %iota3A_893 = tpu.iota {dimensions = array<i32: 0>} : vector<16xi32>
      %lt3A_894 = arith.constant 8 : i32
      %lt3A_895 = vector.broadcast %lt3A_894 : i32 to vector<16xi32>
      %lt3A_896 = arith.cmpi slt, %iota3A_893, %lt3A_895 : vector<16xi32>
      %select_n3A_897 = arith.select %lt3A_896, %masked_sort3A_881, %masked_sort3A_891 : vector<16xi1>, vector<16xf32>
      %select_n3A_898 = arith.select %lt3A_896, %masked_sort3A_882, %masked_sort3A_892 : vector<16xi1>, vector<16xi32>
      %masked_sort3A_899 = arith.constant dense<true> : vector<16xi1>
      %masked_sort3A_900, %masked_sort3A_901, %masked_sort3A_902 = tpu.sort %select_n3A_897, %select_n3A_898 masked %masked_sort3A_899 {descending = true} : (vector<16xf32>, vector<16xi32>, vector<16xi1>) -> (vector<16xi1>, vector<16xf32>, vector<16xi32>)
      %exp3A_903 = math.exp %masked_sort3A_901 : vector<16xf32>
      %jit3A_904 = arith.constant 0.000000e+00 : f32
      %broadcast_in_dim3A_905 = vector.broadcast %jit3A_904 : f32 to vector<16xf32>
      %select_n3A_906 = arith.select %lt3A_93, %exp3A_903, %broadcast_in_dim3A_905 : vector<16xi1>, vector<16xf32>
      %broadcast_in_dim3A_907 = arith.constant true
      %broadcast_in_dim3A_908 = vector.broadcast %broadcast_in_dim3A_907 : i1 to vector<16xi1>
      %masked_cumsum3A_909 = tpu.scan <sum>, %select_n3A_906 masked %broadcast_in_dim3A_908 : vector<16xf32>, vector<16xi1> -> vector<16xf32>
      %broadcast_in_dim3A_910 = vector.shape_cast %broadcast_in_dim3A_91 : vector<16xi32> to vector<16x1xi32>
      %gather3A_911 = vector.shape_cast %broadcast_in_dim3A_910 : vector<16x1xi32> to vector<16xi32>
      %gather3A_912 = tpu.dynamic_gather %masked_cumsum3A_909[%gather3A_911] in [0] : vector<16xf32>, vector<16xi32> -> vector<16xf32>
      %div3A_913 = arith.divf %select_n3A_906, %gather3A_912 : vector<16xf32>
      %swap3A_914 = arith.constant 8 : i32
      %swap3A_915 = arith.index_cast %swap3A_914 : i32 to index
      %swap3A_916 = arith.constant 0 : index
      %swap3A_917 = tpu.vector_load %arg7[%swap3A_915, %swap3A_916] {strides = array<i32>} : memref<16x16xf32, #tpu.memory_space<vmem>>, vector<16xf32>,
      tpu.vector_store %arg7[%swap3A_915, %swap3A_916], %div3A_913 {strides = array<i32>} : memref<16x16xf32, #tpu.memory_space<vmem>>, vector<16xf32>,
      %swap3A_918 = arith.constant 8 : i32
      %swap3A_919 = arith.index_cast %swap3A_918 : i32 to index
      %swap3A_920 = arith.constant 0 : index
      %swap3A_921 = tpu.vector_load %arg8[%swap3A_919, %swap3A_920] {strides = array<i32>} : memref<16x16xi32, #tpu.memory_space<vmem>>, vector<16xi32>,
      tpu.vector_store %arg8[%swap3A_919, %swap3A_920], %masked_sort3A_902 {strides = array<i32>} : memref<16x16xi32, #tpu.memory_space<vmem>>, vector<16xi32>,
      %get3A_922 = arith.constant 9 : i32
      %get3A_923 = arith.index_cast %get3A_922 : i32 to index
      %get3A_924 = arith.constant 0 : index
      %get3A_925 = tpu.vector_load %arg5[%get3A_923, %get3A_924] {strides = array<i32>} : memref<16x64xf32, #tpu.memory_space<vmem>>, vector<16xf32>,
      %add3A_926 = arith.constant 0 : i32
      %add3A_927 = vector.broadcast %add3A_926 : i32 to vector<16xi32>
      %add3A_928 = arith.addi %iota3A, %add3A_927 : vector<16xi32>
      %masked_sort3A_929 = arith.constant dense<true> : vector<16xi1>
      %masked_sort3A_930, %masked_sort3A_931, %masked_sort3A_932 = tpu.sort %get3A_925, %add3A_928 masked %masked_sort3A_929 {descending = true} : (vector<16xf32>, vector<16xi32>, vector<16xi1>) -> (vector<16xi1>, vector<16xf32>, vector<16xi32>)
      %get3A_933 = arith.constant 9 : i32
      %get3A_934 = arith.index_cast %get3A_933 : i32 to index
      %get3A_935 = arith.constant 16 : index
      %get3A_936 = tpu.vector_load %arg5[%get3A_934, %get3A_935] {strides = array<i32>} : memref<16x64xf32, #tpu.memory_space<vmem>>, vector<16xf32>,
      %add3A_937 = arith.constant 16 : i32
      %add3A_938 = vector.broadcast %add3A_937 : i32 to vector<16xi32>
      %add3A_939 = arith.addi %iota3A, %add3A_938 : vector<16xi32>
      %masked_sort3A_940 = arith.constant dense<true> : vector<16xi1>
      %masked_sort3A_941, %masked_sort3A_942, %masked_sort3A_943 = tpu.sort %get3A_936, %add3A_939 masked %masked_sort3A_940 : (vector<16xf32>, vector<16xi32>, vector<16xi1>) -> (vector<16xi1>, vector<16xf32>, vector<16xi32>)
      %get3A_944 = arith.constant 9 : i32
      %get3A_945 = arith.index_cast %get3A_944 : i32 to index
      %get3A_946 = arith.constant 32 : index
      %get3A_947 = tpu.vector_load %arg5[%get3A_945, %get3A_946] {strides = array<i32>} : memref<16x64xf32, #tpu.memory_space<vmem>>, vector<16xf32>,
      %add3A_948 = arith.constant 32 : i32
      %add3A_949 = vector.broadcast %add3A_948 : i32 to vector<16xi32>
      %add3A_950 = arith.addi %iota3A, %add3A_949 : vector<16xi32>
      %masked_sort3A_951 = arith.constant dense<true> : vector<16xi1>
      %masked_sort3A_952, %masked_sort3A_953, %masked_sort3A_954 = tpu.sort %get3A_947, %add3A_950 masked %masked_sort3A_951 : (vector<16xf32>, vector<16xi32>, vector<16xi1>) -> (vector<16xi1>, vector<16xf32>, vector<16xi32>)
      %get3A_955 = arith.constant 9 : i32
      %get3A_956 = arith.index_cast %get3A_955 : i32 to index
      %get3A_957 = arith.constant 48 : index
      %get3A_958 = tpu.vector_load %arg5[%get3A_956, %get3A_957] {strides = array<i32>} : memref<16x64xf32, #tpu.memory_space<vmem>>, vector<16xf32>,
      %add3A_959 = arith.constant 48 : i32
      %add3A_960 = vector.broadcast %add3A_959 : i32 to vector<16xi32>
      %add3A_961 = arith.addi %iota3A, %add3A_960 : vector<16xi32>
      %masked_sort3A_962 = arith.constant dense<true> : vector<16xi1>
      %masked_sort3A_963, %masked_sort3A_964, %masked_sort3A_965 = tpu.sort %get3A_958, %add3A_961 masked %masked_sort3A_962 {descending = true} : (vector<16xf32>, vector<16xi32>, vector<16xi1>) -> (vector<16xi1>, vector<16xf32>, vector<16xi32>)
      %iota3A_966 = tpu.iota {dimensions = array<i32: 0>} : vector<16xi32>
      %lt3A_967 = arith.constant 8 : i32
      %lt3A_968 = vector.broadcast %lt3A_967 : i32 to vector<16xi32>
      %lt3A_969 = arith.cmpi slt, %iota3A_966, %lt3A_968 : vector<16xi32>
      %select_n3A_970 = arith.select %lt3A_969, %masked_sort3A_931, %masked_sort3A_942 : vector<16xi1>, vector<16xf32>
      %select_n3A_971 = arith.select %lt3A_969, %masked_sort3A_932, %masked_sort3A_943 : vector<16xi1>, vector<16xi32>
      %masked_sort3A_972 = arith.constant dense<true> : vector<16xi1>
      %masked_sort3A_973, %masked_sort3A_974, %masked_sort3A_975 = tpu.sort %select_n3A_970, %select_n3A_971 masked %masked_sort3A_972 {descending = true} : (vector<16xf32>, vector<16xi32>, vector<16xi1>) -> (vector<16xi1>, vector<16xf32>, vector<16xi32>)
      %iota3A_976 = tpu.iota {dimensions = array<i32: 0>} : vector<16xi32>
      %lt3A_977 = arith.constant 8 : i32
      %lt3A_978 = vector.broadcast %lt3A_977 : i32 to vector<16xi32>
      %lt3A_979 = arith.cmpi slt, %iota3A_976, %lt3A_978 : vector<16xi32>
      %select_n3A_980 = arith.select %lt3A_979, %masked_sort3A_964, %masked_sort3A_953 : vector<16xi1>, vector<16xf32>
      %select_n3A_981 = arith.select %lt3A_979, %masked_sort3A_965, %masked_sort3A_954 : vector<16xi1>, vector<16xi32>
      %masked_sort3A_982 = arith.constant dense<true> : vector<16xi1>
      %masked_sort3A_983, %masked_sort3A_984, %masked_sort3A_985 = tpu.sort %select_n3A_980, %select_n3A_981 masked %masked_sort3A_982 : (vector<16xf32>, vector<16xi32>, vector<16xi1>) -> (vector<16xi1>, vector<16xf32>, vector<16xi32>)
      %iota3A_986 = tpu.iota {dimensions = array<i32: 0>} : vector<16xi32>
      %lt3A_987 = arith.constant 8 : i32
      %lt3A_988 = vector.broadcast %lt3A_987 : i32 to vector<16xi32>
      %lt3A_989 = arith.cmpi slt, %iota3A_986, %lt3A_988 : vector<16xi32>
      %select_n3A_990 = arith.select %lt3A_989, %masked_sort3A_974, %masked_sort3A_984 : vector<16xi1>, vector<16xf32>
      %select_n3A_991 = arith.select %lt3A_989, %masked_sort3A_975, %masked_sort3A_985 : vector<16xi1>, vector<16xi32>
      %masked_sort3A_992 = arith.constant dense<true> : vector<16xi1>
      %masked_sort3A_993, %masked_sort3A_994, %masked_sort3A_995 = tpu.sort %select_n3A_990, %select_n3A_991 masked %masked_sort3A_992 {descending = true} : (vector<16xf32>, vector<16xi32>, vector<16xi1>) -> (vector<16xi1>, vector<16xf32>, vector<16xi32>)
      %exp3A_996 = math.exp %masked_sort3A_994 : vector<16xf32>
      %jit3A_997 = arith.constant 0.000000e+00 : f32
      %broadcast_in_dim3A_998 = vector.broadcast %jit3A_997 : f32 to vector<16xf32>
      %select_n3A_999 = arith.select %lt3A_93, %exp3A_996, %broadcast_in_dim3A_998 : vector<16xi1>, vector<16xf32>
      %broadcast_in_dim3A_1000 = arith.constant true
      %broadcast_in_dim3A_1001 = vector.broadcast %broadcast_in_dim3A_1000 : i1 to vector<16xi1>
      %masked_cumsum3A_1002 = tpu.scan <sum>, %select_n3A_999 masked %broadcast_in_dim3A_1001 : vector<16xf32>, vector<16xi1> -> vector<16xf32>
      %broadcast_in_dim3A_1003 = vector.shape_cast %broadcast_in_dim3A_91 : vector<16xi32> to vector<16x1xi32>
      %gather3A_1004 = vector.shape_cast %broadcast_in_dim3A_1003 : vector<16x1xi32> to vector<16xi32>
      %gather3A_1005 = tpu.dynamic_gather %masked_cumsum3A_1002[%gather3A_1004] in [0] : vector<16xf32>, vector<16xi32> -> vector<16xf32>
      %div3A_1006 = arith.divf %select_n3A_999, %gather3A_1005 : vector<16xf32>
      %swap3A_1007 = arith.constant 9 : i32
      %swap3A_1008 = arith.index_cast %swap3A_1007 : i32 to index
      %swap3A_1009 = arith.constant 0 : index
      %swap3A_1010 = tpu.vector_load %arg7[%swap3A_1008, %swap3A_1009] {strides = array<i32>} : memref<16x16xf32, #tpu.memory_space<vmem>>, vector<16xf32>,
      tpu.vector_store %arg7[%swap3A_1008, %swap3A_1009], %div3A_1006 {strides = array<i32>} : memref<16x16xf32, #tpu.memory_space<vmem>>, vector<16xf32>,
      %swap3A_1011 = arith.constant 9 : i32
      %swap3A_1012 = arith.index_cast %swap3A_1011 : i32 to index
      %swap3A_1013 = arith.constant 0 : index
      %swap3A_1014 = tpu.vector_load %arg8[%swap3A_1012, %swap3A_1013] {strides = array<i32>} : memref<16x16xi32, #tpu.memory_space<vmem>>, vector<16xi32>,
      tpu.vector_store %arg8[%swap3A_1012, %swap3A_1013], %masked_sort3A_995 {strides = array<i32>} : memref<16x16xi32, #tpu.memory_space<vmem>>, vector<16xi32>,
      %get3A_1015 = arith.constant 10 : i32
      %get3A_1016 = arith.index_cast %get3A_1015 : i32 to index
      %get3A_1017 = arith.constant 0 : index
      %get3A_1018 = tpu.vector_load %arg5[%get3A_1016, %get3A_1017] {strides = array<i32>} : memref<16x64xf32, #tpu.memory_space<vmem>>, vector<16xf32>,
      %add3A_1019 = arith.constant 0 : i32
      %add3A_1020 = vector.broadcast %add3A_1019 : i32 to vector<16xi32>
      %add3A_1021 = arith.addi %iota3A, %add3A_1020 : vector<16xi32>
      %masked_sort3A_1022 = arith.constant dense<true> : vector<16xi1>
      %masked_sort3A_1023, %masked_sort3A_1024, %masked_sort3A_1025 = tpu.sort %get3A_1018, %add3A_1021 masked %masked_sort3A_1022 {descending = true} : (vector<16xf32>, vector<16xi32>, vector<16xi1>) -> (vector<16xi1>, vector<16xf32>, vector<16xi32>)
      %get3A_1026 = arith.constant 10 : i32
      %get3A_1027 = arith.index_cast %get3A_1026 : i32 to index
      %get3A_1028 = arith.constant 16 : index
      %get3A_1029 = tpu.vector_load %arg5[%get3A_1027, %get3A_1028] {strides = array<i32>} : memref<16x64xf32, #tpu.memory_space<vmem>>, vector<16xf32>,
      %add3A_1030 = arith.constant 16 : i32
      %add3A_1031 = vector.broadcast %add3A_1030 : i32 to vector<16xi32>
      %add3A_1032 = arith.addi %iota3A, %add3A_1031 : vector<16xi32>
      %masked_sort3A_1033 = arith.constant dense<true> : vector<16xi1>
      %masked_sort3A_1034, %masked_sort3A_1035, %masked_sort3A_1036 = tpu.sort %get3A_1029, %add3A_1032 masked %masked_sort3A_1033 : (vector<16xf32>, vector<16xi32>, vector<16xi1>) -> (vector<16xi1>, vector<16xf32>, vector<16xi32>)
      %get3A_1037 = arith.constant 10 : i32
      %get3A_1038 = arith.index_cast %get3A_1037 : i32 to index
      %get3A_1039 = arith.constant 32 : index
      %get3A_1040 = tpu.vector_load %arg5[%get3A_1038, %get3A_1039] {strides = array<i32>} : memref<16x64xf32, #tpu.memory_space<vmem>>, vector<16xf32>,
      %add3A_1041 = arith.constant 32 : i32
      %add3A_1042 = vector.broadcast %add3A_1041 : i32 to vector<16xi32>
      %add3A_1043 = arith.addi %iota3A, %add3A_1042 : vector<16xi32>
      %masked_sort3A_1044 = arith.constant dense<true> : vector<16xi1>
      %masked_sort3A_1045, %masked_sort3A_1046, %masked_sort3A_1047 = tpu.sort %get3A_1040, %add3A_1043 masked %masked_sort3A_1044 : (vector<16xf32>, vector<16xi32>, vector<16xi1>) -> (vector<16xi1>, vector<16xf32>, vector<16xi32>)
      %get3A_1048 = arith.constant 10 : i32
      %get3A_1049 = arith.index_cast %get3A_1048 : i32 to index
      %get3A_1050 = arith.constant 48 : index
      %get3A_1051 = tpu.vector_load %arg5[%get3A_1049, %get3A_1050] {strides = array<i32>} : memref<16x64xf32, #tpu.memory_space<vmem>>, vector<16xf32>,
      %add3A_1052 = arith.constant 48 : i32
      %add3A_1053 = vector.broadcast %add3A_1052 : i32 to vector<16xi32>
      %add3A_1054 = arith.addi %iota3A, %add3A_1053 : vector<16xi32>
      %masked_sort3A_1055 = arith.constant dense<true> : vector<16xi1>
      %masked_sort3A_1056, %masked_sort3A_1057, %masked_sort3A_1058 = tpu.sort %get3A_1051, %add3A_1054 masked %masked_sort3A_1055 {descending = true} : (vector<16xf32>, vector<16xi32>, vector<16xi1>) -> (vector<16xi1>, vector<16xf32>, vector<16xi32>)
      %iota3A_1059 = tpu.iota {dimensions = array<i32: 0>} : vector<16xi32>
      %lt3A_1060 = arith.constant 8 : i32
      %lt3A_1061 = vector.broadcast %lt3A_1060 : i32 to vector<16xi32>
      %lt3A_1062 = arith.cmpi slt, %iota3A_1059, %lt3A_1061 : vector<16xi32>
      %select_n3A_1063 = arith.select %lt3A_1062, %masked_sort3A_1024, %masked_sort3A_1035 : vector<16xi1>, vector<16xf32>
      %select_n3A_1064 = arith.select %lt3A_1062, %masked_sort3A_1025, %masked_sort3A_1036 : vector<16xi1>, vector<16xi32>
      %masked_sort3A_1065 = arith.constant dense<true> : vector<16xi1>
      %masked_sort3A_1066, %masked_sort3A_1067, %masked_sort3A_1068 = tpu.sort %select_n3A_1063, %select_n3A_1064 masked %masked_sort3A_1065 {descending = true} : (vector<16xf32>, vector<16xi32>, vector<16xi1>) -> (vector<16xi1>, vector<16xf32>, vector<16xi32>)
      %iota3A_1069 = tpu.iota {dimensions = array<i32: 0>} : vector<16xi32>
      %lt3A_1070 = arith.constant 8 : i32
      %lt3A_1071 = vector.broadcast %lt3A_1070 : i32 to vector<16xi32>
      %lt3A_1072 = arith.cmpi slt, %iota3A_1069, %lt3A_1071 : vector<16xi32>
      %select_n3A_1073 = arith.select %lt3A_1072, %masked_sort3A_1057, %masked_sort3A_1046 : vector<16xi1>, vector<16xf32>
      %select_n3A_1074 = arith.select %lt3A_1072, %masked_sort3A_1058, %masked_sort3A_1047 : vector<16xi1>, vector<16xi32>
      %masked_sort3A_1075 = arith.constant dense<true> : vector<16xi1>
      %masked_sort3A_1076, %masked_sort3A_1077, %masked_sort3A_1078 = tpu.sort %select_n3A_1073, %select_n3A_1074 masked %masked_sort3A_1075 : (vector<16xf32>, vector<16xi32>, vector<16xi1>) -> (vector<16xi1>, vector<16xf32>, vector<16xi32>)
      %iota3A_1079 = tpu.iota {dimensions = array<i32: 0>} : vector<16xi32>
      %lt3A_1080 = arith.constant 8 : i32
      %lt3A_1081 = vector.broadcast %lt3A_1080 : i32 to vector<16xi32>
      %lt3A_1082 = arith.cmpi slt, %iota3A_1079, %lt3A_1081 : vector<16xi32>
      %select_n3A_1083 = arith.select %lt3A_1082, %masked_sort3A_1067, %masked_sort3A_1077 : vector<16xi1>, vector<16xf32>
      %select_n3A_1084 = arith.select %lt3A_1082, %masked_sort3A_1068, %masked_sort3A_1078 : vector<16xi1>, vector<16xi32>
      %masked_sort3A_1085 = arith.constant dense<true> : vector<16xi1>
      %masked_sort3A_1086, %masked_sort3A_1087, %masked_sort3A_1088 = tpu.sort %select_n3A_1083, %select_n3A_1084 masked %masked_sort3A_1085 {descending = true} : (vector<16xf32>, vector<16xi32>, vector<16xi1>) -> (vector<16xi1>, vector<16xf32>, vector<16xi32>)
      %exp3A_1089 = math.exp %masked_sort3A_1087 : vector<16xf32>
      %jit3A_1090 = arith.constant 0.000000e+00 : f32
      %broadcast_in_dim3A_1091 = vector.broadcast %jit3A_1090 : f32 to vector<16xf32>
      %select_n3A_1092 = arith.select %lt3A_93, %exp3A_1089, %broadcast_in_dim3A_1091 : vector<16xi1>, vector<16xf32>
      %broadcast_in_dim3A_1093 = arith.constant true
      %broadcast_in_dim3A_1094 = vector.broadcast %broadcast_in_dim3A_1093 : i1 to vector<16xi1>
      %masked_cumsum3A_1095 = tpu.scan <sum>, %select_n3A_1092 masked %broadcast_in_dim3A_1094 : vector<16xf32>, vector<16xi1> -> vector<16xf32>
      %broadcast_in_dim3A_1096 = vector.shape_cast %broadcast_in_dim3A_91 : vector<16xi32> to vector<16x1xi32>
      %gather3A_1097 = vector.shape_cast %broadcast_in_dim3A_1096 : vector<16x1xi32> to vector<16xi32>
      %gather3A_1098 = tpu.dynamic_gather %masked_cumsum3A_1095[%gather3A_1097] in [0] : vector<16xf32>, vector<16xi32> -> vector<16xf32>
      %div3A_1099 = arith.divf %select_n3A_1092, %gather3A_1098 : vector<16xf32>
      %swap3A_1100 = arith.constant 10 : i32
      %swap3A_1101 = arith.index_cast %swap3A_1100 : i32 to index
      %swap3A_1102 = arith.constant 0 : index
      %swap3A_1103 = tpu.vector_load %arg7[%swap3A_1101, %swap3A_1102] {strides = array<i32>} : memref<16x16xf32, #tpu.memory_space<vmem>>, vector<16xf32>,
      tpu.vector_store %arg7[%swap3A_1101, %swap3A_1102], %div3A_1099 {strides = array<i32>} : memref<16x16xf32, #tpu.memory_space<vmem>>, vector<16xf32>,
      %swap3A_1104 = arith.constant 10 : i32
      %swap3A_1105 = arith.index_cast %swap3A_1104 : i32 to index
      %swap3A_1106 = arith.constant 0 : index
      %swap3A_1107 = tpu.vector_load %arg8[%swap3A_1105, %swap3A_1106] {strides = array<i32>} : memref<16x16xi32, #tpu.memory_space<vmem>>, vector<16xi32>,
      tpu.vector_store %arg8[%swap3A_1105, %swap3A_1106], %masked_sort3A_1088 {strides = array<i32>} : memref<16x16xi32, #tpu.memory_space<vmem>>, vector<16xi32>,
      %get3A_1108 = arith.constant 11 : i32
      %get3A_1109 = arith.index_cast %get3A_1108 : i32 to index
      %get3A_1110 = arith.constant 0 : index
      %get3A_1111 = tpu.vector_load %arg5[%get3A_1109, %get3A_1110] {strides = array<i32>} : memref<16x64xf32, #tpu.memory_space<vmem>>, vector<16xf32>,
      %add3A_1112 = arith.constant 0 : i32
      %add3A_1113 = vector.broadcast %add3A_1112 : i32 to vector<16xi32>
      %add3A_1114 = arith.addi %iota3A, %add3A_1113 : vector<16xi32>
      %masked_sort3A_1115 = arith.constant dense<true> : vector<16xi1>
      %masked_sort3A_1116, %masked_sort3A_1117, %masked_sort3A_1118 = tpu.sort %get3A_1111, %add3A_1114 masked %masked_sort3A_1115 {descending = true} : (vector<16xf32>, vector<16xi32>, vector<16xi1>) -> (vector<16xi1>, vector<16xf32>, vector<16xi32>)
      %get3A_1119 = arith.constant 11 : i32
      %get3A_1120 = arith.index_cast %get3A_1119 : i32 to index
      %get3A_1121 = arith.constant 16 : index
      %get3A_1122 = tpu.vector_load %arg5[%get3A_1120, %get3A_1121] {strides = array<i32>} : memref<16x64xf32, #tpu.memory_space<vmem>>, vector<16xf32>,
      %add3A_1123 = arith.constant 16 : i32
      %add3A_1124 = vector.broadcast %add3A_1123 : i32 to vector<16xi32>
      %add3A_1125 = arith.addi %iota3A, %add3A_1124 : vector<16xi32>
      %masked_sort3A_1126 = arith.constant dense<true> : vector<16xi1>
      %masked_sort3A_1127, %masked_sort3A_1128, %masked_sort3A_1129 = tpu.sort %get3A_1122, %add3A_1125 masked %masked_sort3A_1126 : (vector<16xf32>, vector<16xi32>, vector<16xi1>) -> (vector<16xi1>, vector<16xf32>, vector<16xi32>)
      %get3A_1130 = arith.constant 11 : i32
      %get3A_1131 = arith.index_cast %get3A_1130 : i32 to index
      %get3A_1132 = arith.constant 32 : index
      %get3A_1133 = tpu.vector_load %arg5[%get3A_1131, %get3A_1132] {strides = array<i32>} : memref<16x64xf32, #tpu.memory_space<vmem>>, vector<16xf32>,
      %add3A_1134 = arith.constant 32 : i32
      %add3A_1135 = vector.broadcast %add3A_1134 : i32 to vector<16xi32>
      %add3A_1136 = arith.addi %iota3A, %add3A_1135 : vector<16xi32>
      %masked_sort3A_1137 = arith.constant dense<true> : vector<16xi1>
      %masked_sort3A_1138, %masked_sort3A_1139, %masked_sort3A_1140 = tpu.sort %get3A_1133, %add3A_1136 masked %masked_sort3A_1137 : (vector<16xf32>, vector<16xi32>, vector<16xi1>) -> (vector<16xi1>, vector<16xf32>, vector<16xi32>)
      %get3A_1141 = arith.constant 11 : i32
      %get3A_1142 = arith.index_cast %get3A_1141 : i32 to index
      %get3A_1143 = arith.constant 48 : index
      %get3A_1144 = tpu.vector_load %arg5[%get3A_1142, %get3A_1143] {strides = array<i32>} : memref<16x64xf32, #tpu.memory_space<vmem>>, vector<16xf32>,
      %add3A_1145 = arith.constant 48 : i32
      %add3A_1146 = vector.broadcast %add3A_1145 : i32 to vector<16xi32>
      %add3A_1147 = arith.addi %iota3A, %add3A_1146 : vector<16xi32>
      %masked_sort3A_1148 = arith.constant dense<true> : vector<16xi1>
      %masked_sort3A_1149, %masked_sort3A_1150, %masked_sort3A_1151 = tpu.sort %get3A_1144, %add3A_1147 masked %masked_sort3A_1148 {descending = true} : (vector<16xf32>, vector<16xi32>, vector<16xi1>) -> (vector<16xi1>, vector<16xf32>, vector<16xi32>)
      %iota3A_1152 = tpu.iota {dimensions = array<i32: 0>} : vector<16xi32>
      %lt3A_1153 = arith.constant 8 : i32
      %lt3A_1154 = vector.broadcast %lt3A_1153 : i32 to vector<16xi32>
      %lt3A_1155 = arith.cmpi slt, %iota3A_1152, %lt3A_1154 : vector<16xi32>
      %select_n3A_1156 = arith.select %lt3A_1155, %masked_sort3A_1117, %masked_sort3A_1128 : vector<16xi1>, vector<16xf32>
      %select_n3A_1157 = arith.select %lt3A_1155, %masked_sort3A_1118, %masked_sort3A_1129 : vector<16xi1>, vector<16xi32>
      %masked_sort3A_1158 = arith.constant dense<true> : vector<16xi1>
      %masked_sort3A_1159, %masked_sort3A_1160, %masked_sort3A_1161 = tpu.sort %select_n3A_1156, %select_n3A_1157 masked %masked_sort3A_1158 {descending = true} : (vector<16xf32>, vector<16xi32>, vector<16xi1>) -> (vector<16xi1>, vector<16xf32>, vector<16xi32>)
      %iota3A_1162 = tpu.iota {dimensions = array<i32: 0>} : vector<16xi32>
      %lt3A_1163 = arith.constant 8 : i32
      %lt3A_1164 = vector.broadcast %lt3A_1163 : i32 to vector<16xi32>
      %lt3A_1165 = arith.cmpi slt, %iota3A_1162, %lt3A_1164 : vector<16xi32>
      %select_n3A_1166 = arith.select %lt3A_1165, %masked_sort3A_1150, %masked_sort3A_1139 : vector<16xi1>, vector<16xf32>
      %select_n3A_1167 = arith.select %lt3A_1165, %masked_sort3A_1151, %masked_sort3A_1140 : vector<16xi1>, vector<16xi32>
      %masked_sort3A_1168 = arith.constant dense<true> : vector<16xi1>
      %masked_sort3A_1169, %masked_sort3A_1170, %masked_sort3A_1171 = tpu.sort %select_n3A_1166, %select_n3A_1167 masked %masked_sort3A_1168 : (vector<16xf32>, vector<16xi32>, vector<16xi1>) -> (vector<16xi1>, vector<16xf32>, vector<16xi32>)
      %iota3A_1172 = tpu.iota {dimensions = array<i32: 0>} : vector<16xi32>
      %lt3A_1173 = arith.constant 8 : i32
      %lt3A_1174 = vector.broadcast %lt3A_1173 : i32 to vector<16xi32>
      %lt3A_1175 = arith.cmpi slt, %iota3A_1172, %lt3A_1174 : vector<16xi32>
      %select_n3A_1176 = arith.select %lt3A_1175, %masked_sort3A_1160, %masked_sort3A_1170 : vector<16xi1>, vector<16xf32>
      %select_n3A_1177 = arith.select %lt3A_1175, %masked_sort3A_1161, %masked_sort3A_1171 : vector<16xi1>, vector<16xi32>
      %masked_sort3A_1178 = arith.constant dense<true> : vector<16xi1>
      %masked_sort3A_1179, %masked_sort3A_1180, %masked_sort3A_1181 = tpu.sort %select_n3A_1176, %select_n3A_1177 masked %masked_sort3A_1178 {descending = true} : (vector<16xf32>, vector<16xi32>, vector<16xi1>) -> (vector<16xi1>, vector<16xf32>, vector<16xi32>)
      %exp3A_1182 = math.exp %masked_sort3A_1180 : vector<16xf32>
      %jit3A_1183 = arith.constant 0.000000e+00 : f32
      %broadcast_in_dim3A_1184 = vector.broadcast %jit3A_1183 : f32 to vector<16xf32>
      %select_n3A_1185 = arith.select %lt3A_93, %exp3A_1182, %broadcast_in_dim3A_1184 : vector<16xi1>, vector<16xf32>
      %broadcast_in_dim3A_1186 = arith.constant true
      %broadcast_in_dim3A_1187 = vector.broadcast %broadcast_in_dim3A_1186 : i1 to vector<16xi1>
      %masked_cumsum3A_1188 = tpu.scan <sum>, %select_n3A_1185 masked %broadcast_in_dim3A_1187 : vector<16xf32>, vector<16xi1> -> vector<16xf32>
      %broadcast_in_dim3A_1189 = vector.shape_cast %broadcast_in_dim3A_91 : vector<16xi32> to vector<16x1xi32>
      %gather3A_1190 = vector.shape_cast %broadcast_in_dim3A_1189 : vector<16x1xi32> to vector<16xi32>
      %gather3A_1191 = tpu.dynamic_gather %masked_cumsum3A_1188[%gather3A_1190] in [0] : vector<16xf32>, vector<16xi32> -> vector<16xf32>
      %div3A_1192 = arith.divf %select_n3A_1185, %gather3A_1191 : vector<16xf32>
      %swap3A_1193 = arith.constant 11 : i32
      %swap3A_1194 = arith.index_cast %swap3A_1193 : i32 to index
      %swap3A_1195 = arith.constant 0 : index
      %swap3A_1196 = tpu.vector_load %arg7[%swap3A_1194, %swap3A_1195] {strides = array<i32>} : memref<16x16xf32, #tpu.memory_space<vmem>>, vector<16xf32>,
      tpu.vector_store %arg7[%swap3A_1194, %swap3A_1195], %div3A_1192 {strides = array<i32>} : memref<16x16xf32, #tpu.memory_space<vmem>>, vector<16xf32>,
      %swap3A_1197 = arith.constant 11 : i32
      %swap3A_1198 = arith.index_cast %swap3A_1197 : i32 to index
      %swap3A_1199 = arith.constant 0 : index
      %swap3A_1200 = tpu.vector_load %arg8[%swap3A_1198, %swap3A_1199] {strides = array<i32>} : memref<16x16xi32, #tpu.memory_space<vmem>>, vector<16xi32>,
      tpu.vector_store %arg8[%swap3A_1198, %swap3A_1199], %masked_sort3A_1181 {strides = array<i32>} : memref<16x16xi32, #tpu.memory_space<vmem>>, vector<16xi32>,
      %get3A_1201 = arith.constant 12 : i32
      %get3A_1202 = arith.index_cast %get3A_1201 : i32 to index
      %get3A_1203 = arith.constant 0 : index
      %get3A_1204 = tpu.vector_load %arg5[%get3A_1202, %get3A_1203] {strides = array<i32>} : memref<16x64xf32, #tpu.memory_space<vmem>>, vector<16xf32>,
      %add3A_1205 = arith.constant 0 : i32
      %add3A_1206 = vector.broadcast %add3A_1205 : i32 to vector<16xi32>
      %add3A_1207 = arith.addi %iota3A, %add3A_1206 : vector<16xi32>
      %masked_sort3A_1208 = arith.constant dense<true> : vector<16xi1>
      %masked_sort3A_1209, %masked_sort3A_1210, %masked_sort3A_1211 = tpu.sort %get3A_1204, %add3A_1207 masked %masked_sort3A_1208 {descending = true} : (vector<16xf32>, vector<16xi32>, vector<16xi1>) -> (vector<16xi1>, vector<16xf32>, vector<16xi32>)
      %get3A_1212 = arith.constant 12 : i32
      %get3A_1213 = arith.index_cast %get3A_1212 : i32 to index
      %get3A_1214 = arith.constant 16 : index
      %get3A_1215 = tpu.vector_load %arg5[%get3A_1213, %get3A_1214] {strides = array<i32>} : memref<16x64xf32, #tpu.memory_space<vmem>>, vector<16xf32>,
      %add3A_1216 = arith.constant 16 : i32
      %add3A_1217 = vector.broadcast %add3A_1216 : i32 to vector<16xi32>
      %add3A_1218 = arith.addi %iota3A, %add3A_1217 : vector<16xi32>
      %masked_sort3A_1219 = arith.constant dense<true> : vector<16xi1>
      %masked_sort3A_1220, %masked_sort3A_1221, %masked_sort3A_1222 = tpu.sort %get3A_1215, %add3A_1218 masked %masked_sort3A_1219 : (vector<16xf32>, vector<16xi32>, vector<16xi1>) -> (vector<16xi1>, vector<16xf32>, vector<16xi32>)
      %get3A_1223 = arith.constant 12 : i32
      %get3A_1224 = arith.index_cast %get3A_1223 : i32 to index
      %get3A_1225 = arith.constant 32 : index
      %get3A_1226 = tpu.vector_load %arg5[%get3A_1224, %get3A_1225] {strides = array<i32>} : memref<16x64xf32, #tpu.memory_space<vmem>>, vector<16xf32>,
      %add3A_1227 = arith.constant 32 : i32
      %add3A_1228 = vector.broadcast %add3A_1227 : i32 to vector<16xi32>
      %add3A_1229 = arith.addi %iota3A, %add3A_1228 : vector<16xi32>
      %masked_sort3A_1230 = arith.constant dense<true> : vector<16xi1>
      %masked_sort3A_1231, %masked_sort3A_1232, %masked_sort3A_1233 = tpu.sort %get3A_1226, %add3A_1229 masked %masked_sort3A_1230 : (vector<16xf32>, vector<16xi32>, vector<16xi1>) -> (vector<16xi1>, vector<16xf32>, vector<16xi32>)
      %get3A_1234 = arith.constant 12 : i32
      %get3A_1235 = arith.index_cast %get3A_1234 : i32 to index
      %get3A_1236 = arith.constant 48 : index
      %get3A_1237 = tpu.vector_load %arg5[%get3A_1235, %get3A_1236] {strides = array<i32>} : memref<16x64xf32, #tpu.memory_space<vmem>>, vector<16xf32>,
      %add3A_1238 = arith.constant 48 : i32
      %add3A_1239 = vector.broadcast %add3A_1238 : i32 to vector<16xi32>
      %add3A_1240 = arith.addi %iota3A, %add3A_1239 : vector<16xi32>
      %masked_sort3A_1241 = arith.constant dense<true> : vector<16xi1>
      %masked_sort3A_1242, %masked_sort3A_1243, %masked_sort3A_1244 = tpu.sort %get3A_1237, %add3A_1240 masked %masked_sort3A_1241 {descending = true} : (vector<16xf32>, vector<16xi32>, vector<16xi1>) -> (vector<16xi1>, vector<16xf32>, vector<16xi32>)
      %iota3A_1245 = tpu.iota {dimensions = array<i32: 0>} : vector<16xi32>
      %lt3A_1246 = arith.constant 8 : i32
      %lt3A_1247 = vector.broadcast %lt3A_1246 : i32 to vector<16xi32>
      %lt3A_1248 = arith.cmpi slt, %iota3A_1245, %lt3A_1247 : vector<16xi32>
      %select_n3A_1249 = arith.select %lt3A_1248, %masked_sort3A_1210, %masked_sort3A_1221 : vector<16xi1>, vector<16xf32>
      %select_n3A_1250 = arith.select %lt3A_1248, %masked_sort3A_1211, %masked_sort3A_1222 : vector<16xi1>, vector<16xi32>
      %masked_sort3A_1251 = arith.constant dense<true> : vector<16xi1>
      %masked_sort3A_1252, %masked_sort3A_1253, %masked_sort3A_1254 = tpu.sort %select_n3A_1249, %select_n3A_1250 masked %masked_sort3A_1251 {descending = true} : (vector<16xf32>, vector<16xi32>, vector<16xi1>) -> (vector<16xi1>, vector<16xf32>, vector<16xi32>)
      %iota3A_1255 = tpu.iota {dimensions = array<i32: 0>} : vector<16xi32>
      %lt3A_1256 = arith.constant 8 : i32
      %lt3A_1257 = vector.broadcast %lt3A_1256 : i32 to vector<16xi32>
      %lt3A_1258 = arith.cmpi slt, %iota3A_1255, %lt3A_1257 : vector<16xi32>
      %select_n3A_1259 = arith.select %lt3A_1258, %masked_sort3A_1243, %masked_sort3A_1232 : vector<16xi1>, vector<16xf32>
      %select_n3A_1260 = arith.select %lt3A_1258, %masked_sort3A_1244, %masked_sort3A_1233 : vector<16xi1>, vector<16xi32>
      %masked_sort3A_1261 = arith.constant dense<true> : vector<16xi1>
      %masked_sort3A_1262, %masked_sort3A_1263, %masked_sort3A_1264 = tpu.sort %select_n3A_1259, %select_n3A_1260 masked %masked_sort3A_1261 : (vector<16xf32>, vector<16xi32>, vector<16xi1>) -> (vector<16xi1>, vector<16xf32>, vector<16xi32>)
      %iota3A_1265 = tpu.iota {dimensions = array<i32: 0>} : vector<16xi32>
      %lt3A_1266 = arith.constant 8 : i32
      %lt3A_1267 = vector.broadcast %lt3A_1266 : i32 to vector<16xi32>
      %lt3A_1268 = arith.cmpi slt, %iota3A_1265, %lt3A_1267 : vector<16xi32>
      %select_n3A_1269 = arith.select %lt3A_1268, %masked_sort3A_1253, %masked_sort3A_1263 : vector<16xi1>, vector<16xf32>
      %select_n3A_1270 = arith.select %lt3A_1268, %masked_sort3A_1254, %masked_sort3A_1264 : vector<16xi1>, vector<16xi32>
      %masked_sort3A_1271 = arith.constant dense<true> : vector<16xi1>
      %masked_sort3A_1272, %masked_sort3A_1273, %masked_sort3A_1274 = tpu.sort %select_n3A_1269, %select_n3A_1270 masked %masked_sort3A_1271 {descending = true} : (vector<16xf32>, vector<16xi32>, vector<16xi1>) -> (vector<16xi1>, vector<16xf32>, vector<16xi32>)
      %exp3A_1275 = math.exp %masked_sort3A_1273 : vector<16xf32>
      %jit3A_1276 = arith.constant 0.000000e+00 : f32
      %broadcast_in_dim3A_1277 = vector.broadcast %jit3A_1276 : f32 to vector<16xf32>
      %select_n3A_1278 = arith.select %lt3A_93, %exp3A_1275, %broadcast_in_dim3A_1277 : vector<16xi1>, vector<16xf32>
      %broadcast_in_dim3A_1279 = arith.constant true
      %broadcast_in_dim3A_1280 = vector.broadcast %broadcast_in_dim3A_1279 : i1 to vector<16xi1>
      %masked_cumsum3A_1281 = tpu.scan <sum>, %select_n3A_1278 masked %broadcast_in_dim3A_1280 : vector<16xf32>, vector<16xi1> -> vector<16xf32>
      %broadcast_in_dim3A_1282 = vector.shape_cast %broadcast_in_dim3A_91 : vector<16xi32> to vector<16x1xi32>
      %gather3A_1283 = vector.shape_cast %broadcast_in_dim3A_1282 : vector<16x1xi32> to vector<16xi32>
      %gather3A_1284 = tpu.dynamic_gather %masked_cumsum3A_1281[%gather3A_1283] in [0] : vector<16xf32>, vector<16xi32> -> vector<16xf32>
      %div3A_1285 = arith.divf %select_n3A_1278, %gather3A_1284 : vector<16xf32>
      %swap3A_1286 = arith.constant 12 : i32
      %swap3A_1287 = arith.index_cast %swap3A_1286 : i32 to index
      %swap3A_1288 = arith.constant 0 : index
      %swap3A_1289 = tpu.vector_load %arg7[%swap3A_1287, %swap3A_1288] {strides = array<i32>} : memref<16x16xf32, #tpu.memory_space<vmem>>, vector<16xf32>,
      tpu.vector_store %arg7[%swap3A_1287, %swap3A_1288], %div3A_1285 {strides = array<i32>} : memref<16x16xf32, #tpu.memory_space<vmem>>, vector<16xf32>,
      %swap3A_1290 = arith.constant 12 : i32
      %swap3A_1291 = arith.index_cast %swap3A_1290 : i32 to index
      %swap3A_1292 = arith.constant 0 : index
      %swap3A_1293 = tpu.vector_load %arg8[%swap3A_1291, %swap3A_1292] {strides = array<i32>} : memref<16x16xi32, #tpu.memory_space<vmem>>, vector<16xi32>,
      tpu.vector_store %arg8[%swap3A_1291, %swap3A_1292], %masked_sort3A_1274 {strides = array<i32>} : memref<16x16xi32, #tpu.memory_space<vmem>>, vector<16xi32>,
      %get3A_1294 = arith.constant 13 : i32
      %get3A_1295 = arith.index_cast %get3A_1294 : i32 to index
      %get3A_1296 = arith.constant 0 : index
      %get3A_1297 = tpu.vector_load %arg5[%get3A_1295, %get3A_1296] {strides = array<i32>} : memref<16x64xf32, #tpu.memory_space<vmem>>, vector<16xf32>,
      %add3A_1298 = arith.constant 0 : i32
      %add3A_1299 = vector.broadcast %add3A_1298 : i32 to vector<16xi32>
      %add3A_1300 = arith.addi %iota3A, %add3A_1299 : vector<16xi32>
      %masked_sort3A_1301 = arith.constant dense<true> : vector<16xi1>
      %masked_sort3A_1302, %masked_sort3A_1303, %masked_sort3A_1304 = tpu.sort %get3A_1297, %add3A_1300 masked %masked_sort3A_1301 {descending = true} : (vector<16xf32>, vector<16xi32>, vector<16xi1>) -> (vector<16xi1>, vector<16xf32>, vector<16xi32>)
      %get3A_1305 = arith.constant 13 : i32
      %get3A_1306 = arith.index_cast %get3A_1305 : i32 to index
      %get3A_1307 = arith.constant 16 : index
      %get3A_1308 = tpu.vector_load %arg5[%get3A_1306, %get3A_1307] {strides = array<i32>} : memref<16x64xf32, #tpu.memory_space<vmem>>, vector<16xf32>,
      %add3A_1309 = arith.constant 16 : i32
      %add3A_1310 = vector.broadcast %add3A_1309 : i32 to vector<16xi32>
      %add3A_1311 = arith.addi %iota3A, %add3A_1310 : vector<16xi32>
      %masked_sort3A_1312 = arith.constant dense<true> : vector<16xi1>
      %masked_sort3A_1313, %masked_sort3A_1314, %masked_sort3A_1315 = tpu.sort %get3A_1308, %add3A_1311 masked %masked_sort3A_1312 : (vector<16xf32>, vector<16xi32>, vector<16xi1>) -> (vector<16xi1>, vector<16xf32>, vector<16xi32>)
      %get3A_1316 = arith.constant 13 : i32
      %get3A_1317 = arith.index_cast %get3A_1316 : i32 to index
      %get3A_1318 = arith.constant 32 : index
      %get3A_1319 = tpu.vector_load %arg5[%get3A_1317, %get3A_1318] {strides = array<i32>} : memref<16x64xf32, #tpu.memory_space<vmem>>, vector<16xf32>,
      %add3A_1320 = arith.constant 32 : i32
      %add3A_1321 = vector.broadcast %add3A_1320 : i32 to vector<16xi32>
      %add3A_1322 = arith.addi %iota3A, %add3A_1321 : vector<16xi32>
      %masked_sort3A_1323 = arith.constant dense<true> : vector<16xi1>
      %masked_sort3A_1324, %masked_sort3A_1325, %masked_sort3A_1326 = tpu.sort %get3A_1319, %add3A_1322 masked %masked_sort3A_1323 : (vector<16xf32>, vector<16xi32>, vector<16xi1>) -> (vector<16xi1>, vector<16xf32>, vector<16xi32>)
      %get3A_1327 = arith.constant 13 : i32
      %get3A_1328 = arith.index_cast %get3A_1327 : i32 to index
      %get3A_1329 = arith.constant 48 : index
      %get3A_1330 = tpu.vector_load %arg5[%get3A_1328, %get3A_1329] {strides = array<i32>} : memref<16x64xf32, #tpu.memory_space<vmem>>, vector<16xf32>,
      %add3A_1331 = arith.constant 48 : i32
      %add3A_1332 = vector.broadcast %add3A_1331 : i32 to vector<16xi32>
      %add3A_1333 = arith.addi %iota3A, %add3A_1332 : vector<16xi32>
      %masked_sort3A_1334 = arith.constant dense<true> : vector<16xi1>
      %masked_sort3A_1335, %masked_sort3A_1336, %masked_sort3A_1337 = tpu.sort %get3A_1330, %add3A_1333 masked %masked_sort3A_1334 {descending = true} : (vector<16xf32>, vector<16xi32>, vector<16xi1>) -> (vector<16xi1>, vector<16xf32>, vector<16xi32>)
      %iota3A_1338 = tpu.iota {dimensions = array<i32: 0>} : vector<16xi32>
      %lt3A_1339 = arith.constant 8 : i32
      %lt3A_1340 = vector.broadcast %lt3A_1339 : i32 to vector<16xi32>
      %lt3A_1341 = arith.cmpi slt, %iota3A_1338, %lt3A_1340 : vector<16xi32>
      %select_n3A_1342 = arith.select %lt3A_1341, %masked_sort3A_1303, %masked_sort3A_1314 : vector<16xi1>, vector<16xf32>
      %select_n3A_1343 = arith.select %lt3A_1341, %masked_sort3A_1304, %masked_sort3A_1315 : vector<16xi1>, vector<16xi32>
      %masked_sort3A_1344 = arith.constant dense<true> : vector<16xi1>
      %masked_sort3A_1345, %masked_sort3A_1346, %masked_sort3A_1347 = tpu.sort %select_n3A_1342, %select_n3A_1343 masked %masked_sort3A_1344 {descending = true} : (vector<16xf32>, vector<16xi32>, vector<16xi1>) -> (vector<16xi1>, vector<16xf32>, vector<16xi32>)
      %iota3A_1348 = tpu.iota {dimensions = array<i32: 0>} : vector<16xi32>
      %lt3A_1349 = arith.constant 8 : i32
      %lt3A_1350 = vector.broadcast %lt3A_1349 : i32 to vector<16xi32>
      %lt3A_1351 = arith.cmpi slt, %iota3A_1348, %lt3A_1350 : vector<16xi32>
      %select_n3A_1352 = arith.select %lt3A_1351, %masked_sort3A_1336, %masked_sort3A_1325 : vector<16xi1>, vector<16xf32>
      %select_n3A_1353 = arith.select %lt3A_1351, %masked_sort3A_1337, %masked_sort3A_1326 : vector<16xi1>, vector<16xi32>
      %masked_sort3A_1354 = arith.constant dense<true> : vector<16xi1>
      %masked_sort3A_1355, %masked_sort3A_1356, %masked_sort3A_1357 = tpu.sort %select_n3A_1352, %select_n3A_1353 masked %masked_sort3A_1354 : (vector<16xf32>, vector<16xi32>, vector<16xi1>) -> (vector<16xi1>, vector<16xf32>, vector<16xi32>)
      %iota3A_1358 = tpu.iota {dimensions = array<i32: 0>} : vector<16xi32>
      %lt3A_1359 = arith.constant 8 : i32
      %lt3A_1360 = vector.broadcast %lt3A_1359 : i32 to vector<16xi32>
      %lt3A_1361 = arith.cmpi slt, %iota3A_1358, %lt3A_1360 : vector<16xi32>
      %select_n3A_1362 = arith.select %lt3A_1361, %masked_sort3A_1346, %masked_sort3A_1356 : vector<16xi1>, vector<16xf32>
      %select_n3A_1363 = arith.select %lt3A_1361, %masked_sort3A_1347, %masked_sort3A_1357 : vector<16xi1>, vector<16xi32>
      %masked_sort3A_1364 = arith.constant dense<true> : vector<16xi1>
      %masked_sort3A_1365, %masked_sort3A_1366, %masked_sort3A_1367 = tpu.sort %select_n3A_1362, %select_n3A_1363 masked %masked_sort3A_1364 {descending = true} : (vector<16xf32>, vector<16xi32>, vector<16xi1>) -> (vector<16xi1>, vector<16xf32>, vector<16xi32>)
      %exp3A_1368 = math.exp %masked_sort3A_1366 : vector<16xf32>
      %jit3A_1369 = arith.constant 0.000000e+00 : f32
      %broadcast_in_dim3A_1370 = vector.broadcast %jit3A_1369 : f32 to vector<16xf32>
      %select_n3A_1371 = arith.select %lt3A_93, %exp3A_1368, %broadcast_in_dim3A_1370 : vector<16xi1>, vector<16xf32>
      %broadcast_in_dim3A_1372 = arith.constant true
      %broadcast_in_dim3A_1373 = vector.broadcast %broadcast_in_dim3A_1372 : i1 to vector<16xi1>
      %masked_cumsum3A_1374 = tpu.scan <sum>, %select_n3A_1371 masked %broadcast_in_dim3A_1373 : vector<16xf32>, vector<16xi1> -> vector<16xf32>
      %broadcast_in_dim3A_1375 = vector.shape_cast %broadcast_in_dim3A_91 : vector<16xi32> to vector<16x1xi32>
      %gather3A_1376 = vector.shape_cast %broadcast_in_dim3A_1375 : vector<16x1xi32> to vector<16xi32>
      %gather3A_1377 = tpu.dynamic_gather %masked_cumsum3A_1374[%gather3A_1376] in [0] : vector<16xf32>, vector<16xi32> -> vector<16xf32>
      %div3A_1378 = arith.divf %select_n3A_1371, %gather3A_1377 : vector<16xf32>
      %swap3A_1379 = arith.constant 13 : i32
      %swap3A_1380 = arith.index_cast %swap3A_1379 : i32 to index
      %swap3A_1381 = arith.constant 0 : index
      %swap3A_1382 = tpu.vector_load %arg7[%swap3A_1380, %swap3A_1381] {strides = array<i32>} : memref<16x16xf32, #tpu.memory_space<vmem>>, vector<16xf32>,
      tpu.vector_store %arg7[%swap3A_1380, %swap3A_1381], %div3A_1378 {strides = array<i32>} : memref<16x16xf32, #tpu.memory_space<vmem>>, vector<16xf32>,
      %swap3A_1383 = arith.constant 13 : i32
      %swap3A_1384 = arith.index_cast %swap3A_1383 : i32 to index
      %swap3A_1385 = arith.constant 0 : index
      %swap3A_1386 = tpu.vector_load %arg8[%swap3A_1384, %swap3A_1385] {strides = array<i32>} : memref<16x16xi32, #tpu.memory_space<vmem>>, vector<16xi32>,
      tpu.vector_store %arg8[%swap3A_1384, %swap3A_1385], %masked_sort3A_1367 {strides = array<i32>} : memref<16x16xi32, #tpu.memory_space<vmem>>, vector<16xi32>,
      %get3A_1387 = arith.constant 14 : i32
      %get3A_1388 = arith.index_cast %get3A_1387 : i32 to index
      %get3A_1389 = arith.constant 0 : index
      %get3A_1390 = tpu.vector_load %arg5[%get3A_1388, %get3A_1389] {strides = array<i32>} : memref<16x64xf32, #tpu.memory_space<vmem>>, vector<16xf32>,
      %add3A_1391 = arith.constant 0 : i32
      %add3A_1392 = vector.broadcast %add3A_1391 : i32 to vector<16xi32>
      %add3A_1393 = arith.addi %iota3A, %add3A_1392 : vector<16xi32>
      %masked_sort3A_1394 = arith.constant dense<true> : vector<16xi1>
      %masked_sort3A_1395, %masked_sort3A_1396, %masked_sort3A_1397 = tpu.sort %get3A_1390, %add3A_1393 masked %masked_sort3A_1394 {descending = true} : (vector<16xf32>, vector<16xi32>, vector<16xi1>) -> (vector<16xi1>, vector<16xf32>, vector<16xi32>)
      %get3A_1398 = arith.constant 14 : i32
      %get3A_1399 = arith.index_cast %get3A_1398 : i32 to index
      %get3A_1400 = arith.constant 16 : index
      %get3A_1401 = tpu.vector_load %arg5[%get3A_1399, %get3A_1400] {strides = array<i32>} : memref<16x64xf32, #tpu.memory_space<vmem>>, vector<16xf32>,
      %add3A_1402 = arith.constant 16 : i32
      %add3A_1403 = vector.broadcast %add3A_1402 : i32 to vector<16xi32>
      %add3A_1404 = arith.addi %iota3A, %add3A_1403 : vector<16xi32>
      %masked_sort3A_1405 = arith.constant dense<true> : vector<16xi1>
      %masked_sort3A_1406, %masked_sort3A_1407, %masked_sort3A_1408 = tpu.sort %get3A_1401, %add3A_1404 masked %masked_sort3A_1405 : (vector<16xf32>, vector<16xi32>, vector<16xi1>) -> (vector<16xi1>, vector<16xf32>, vector<16xi32>)
      %get3A_1409 = arith.constant 14 : i32
      %get3A_1410 = arith.index_cast %get3A_1409 : i32 to index
      %get3A_1411 = arith.constant 32 : index
      %get3A_1412 = tpu.vector_load %arg5[%get3A_1410, %get3A_1411] {strides = array<i32>} : memref<16x64xf32, #tpu.memory_space<vmem>>, vector<16xf32>,
      %add3A_1413 = arith.constant 32 : i32
      %add3A_1414 = vector.broadcast %add3A_1413 : i32 to vector<16xi32>
      %add3A_1415 = arith.addi %iota3A, %add3A_1414 : vector<16xi32>
      %masked_sort3A_1416 = arith.constant dense<true> : vector<16xi1>
      %masked_sort3A_1417, %masked_sort3A_1418, %masked_sort3A_1419 = tpu.sort %get3A_1412, %add3A_1415 masked %masked_sort3A_1416 : (vector<16xf32>, vector<16xi32>, vector<16xi1>) -> (vector<16xi1>, vector<16xf32>, vector<16xi32>)
      %get3A_1420 = arith.constant 14 : i32
      %get3A_1421 = arith.index_cast %get3A_1420 : i32 to index
      %get3A_1422 = arith.constant 48 : index
      %get3A_1423 = tpu.vector_load %arg5[%get3A_1421, %get3A_1422] {strides = array<i32>} : memref<16x64xf32, #tpu.memory_space<vmem>>, vector<16xf32>,
      %add3A_1424 = arith.constant 48 : i32
      %add3A_1425 = vector.broadcast %add3A_1424 : i32 to vector<16xi32>
      %add3A_1426 = arith.addi %iota3A, %add3A_1425 : vector<16xi32>
      %masked_sort3A_1427 = arith.constant dense<true> : vector<16xi1>
      %masked_sort3A_1428, %masked_sort3A_1429, %masked_sort3A_1430 = tpu.sort %get3A_1423, %add3A_1426 masked %masked_sort3A_1427 {descending = true} : (vector<16xf32>, vector<16xi32>, vector<16xi1>) -> (vector<16xi1>, vector<16xf32>, vector<16xi32>)
      %iota3A_1431 = tpu.iota {dimensions = array<i32: 0>} : vector<16xi32>
      %lt3A_1432 = arith.constant 8 : i32
      %lt3A_1433 = vector.broadcast %lt3A_1432 : i32 to vector<16xi32>
      %lt3A_1434 = arith.cmpi slt, %iota3A_1431, %lt3A_1433 : vector<16xi32>
      %select_n3A_1435 = arith.select %lt3A_1434, %masked_sort3A_1396, %masked_sort3A_1407 : vector<16xi1>, vector<16xf32>
      %select_n3A_1436 = arith.select %lt3A_1434, %masked_sort3A_1397, %masked_sort3A_1408 : vector<16xi1>, vector<16xi32>
      %masked_sort3A_1437 = arith.constant dense<true> : vector<16xi1>
      %masked_sort3A_1438, %masked_sort3A_1439, %masked_sort3A_1440 = tpu.sort %select_n3A_1435, %select_n3A_1436 masked %masked_sort3A_1437 {descending = true} : (vector<16xf32>, vector<16xi32>, vector<16xi1>) -> (vector<16xi1>, vector<16xf32>, vector<16xi32>)
      %iota3A_1441 = tpu.iota {dimensions = array<i32: 0>} : vector<16xi32>
      %lt3A_1442 = arith.constant 8 : i32
      %lt3A_1443 = vector.broadcast %lt3A_1442 : i32 to vector<16xi32>
      %lt3A_1444 = arith.cmpi slt, %iota3A_1441, %lt3A_1443 : vector<16xi32>
      %select_n3A_1445 = arith.select %lt3A_1444, %masked_sort3A_1429, %masked_sort3A_1418 : vector<16xi1>, vector<16xf32>
      %select_n3A_1446 = arith.select %lt3A_1444, %masked_sort3A_1430, %masked_sort3A_1419 : vector<16xi1>, vector<16xi32>
      %masked_sort3A_1447 = arith.constant dense<true> : vector<16xi1>
      %masked_sort3A_1448, %masked_sort3A_1449, %masked_sort3A_1450 = tpu.sort %select_n3A_1445, %select_n3A_1446 masked %masked_sort3A_1447 : (vector<16xf32>, vector<16xi32>, vector<16xi1>) -> (vector<16xi1>, vector<16xf32>, vector<16xi32>)
      %iota3A_1451 = tpu.iota {dimensions = array<i32: 0>} : vector<16xi32>
      %lt3A_1452 = arith.constant 8 : i32
      %lt3A_1453 = vector.broadcast %lt3A_1452 : i32 to vector<16xi32>
      %lt3A_1454 = arith.cmpi slt, %iota3A_1451, %lt3A_1453 : vector<16xi32>
      %select_n3A_1455 = arith.select %lt3A_1454, %masked_sort3A_1439, %masked_sort3A_1449 : vector<16xi1>, vector<16xf32>
      %select_n3A_1456 = arith.select %lt3A_1454, %masked_sort3A_1440, %masked_sort3A_1450 : vector<16xi1>, vector<16xi32>
      %masked_sort3A_1457 = arith.constant dense<true> : vector<16xi1>
      %masked_sort3A_1458, %masked_sort3A_1459, %masked_sort3A_1460 = tpu.sort %select_n3A_1455, %select_n3A_1456 masked %masked_sort3A_1457 {descending = true} : (vector<16xf32>, vector<16xi32>, vector<16xi1>) -> (vector<16xi1>, vector<16xf32>, vector<16xi32>)
      %exp3A_1461 = math.exp %masked_sort3A_1459 : vector<16xf32>
      %jit3A_1462 = arith.constant 0.000000e+00 : f32
      %broadcast_in_dim3A_1463 = vector.broadcast %jit3A_1462 : f32 to vector<16xf32>
      %select_n3A_1464 = arith.select %lt3A_93, %exp3A_1461, %broadcast_in_dim3A_1463 : vector<16xi1>, vector<16xf32>
      %broadcast_in_dim3A_1465 = arith.constant true
      %broadcast_in_dim3A_1466 = vector.broadcast %broadcast_in_dim3A_1465 : i1 to vector<16xi1>
      %masked_cumsum3A_1467 = tpu.scan <sum>, %select_n3A_1464 masked %broadcast_in_dim3A_1466 : vector<16xf32>, vector<16xi1> -> vector<16xf32>
      %broadcast_in_dim3A_1468 = vector.shape_cast %broadcast_in_dim3A_91 : vector<16xi32> to vector<16x1xi32>
      %gather3A_1469 = vector.shape_cast %broadcast_in_dim3A_1468 : vector<16x1xi32> to vector<16xi32>
      %gather3A_1470 = tpu.dynamic_gather %masked_cumsum3A_1467[%gather3A_1469] in [0] : vector<16xf32>, vector<16xi32> -> vector<16xf32>
      %div3A_1471 = arith.divf %select_n3A_1464, %gather3A_1470 : vector<16xf32>
      %swap3A_1472 = arith.constant 14 : i32
      %swap3A_1473 = arith.index_cast %swap3A_1472 : i32 to index
      %swap3A_1474 = arith.constant 0 : index
      %swap3A_1475 = tpu.vector_load %arg7[%swap3A_1473, %swap3A_1474] {strides = array<i32>} : memref<16x16xf32, #tpu.memory_space<vmem>>, vector<16xf32>,
      tpu.vector_store %arg7[%swap3A_1473, %swap3A_1474], %div3A_1471 {strides = array<i32>} : memref<16x16xf32, #tpu.memory_space<vmem>>, vector<16xf32>,
      %swap3A_1476 = arith.constant 14 : i32
      %swap3A_1477 = arith.index_cast %swap3A_1476 : i32 to index
      %swap3A_1478 = arith.constant 0 : index
      %swap3A_1479 = tpu.vector_load %arg8[%swap3A_1477, %swap3A_1478] {strides = array<i32>} : memref<16x16xi32, #tpu.memory_space<vmem>>, vector<16xi32>,
      tpu.vector_store %arg8[%swap3A_1477, %swap3A_1478], %masked_sort3A_1460 {strides = array<i32>} : memref<16x16xi32, #tpu.memory_space<vmem>>, vector<16xi32>,
      %get3A_1480 = arith.constant 15 : i32
      %get3A_1481 = arith.index_cast %get3A_1480 : i32 to index
      %get3A_1482 = arith.constant 0 : index
      %get3A_1483 = tpu.vector_load %arg5[%get3A_1481, %get3A_1482] {strides = array<i32>} : memref<16x64xf32, #tpu.memory_space<vmem>>, vector<16xf32>,
      %add3A_1484 = arith.constant 0 : i32
      %add3A_1485 = vector.broadcast %add3A_1484 : i32 to vector<16xi32>
      %add3A_1486 = arith.addi %iota3A, %add3A_1485 : vector<16xi32>
      %masked_sort3A_1487 = arith.constant dense<true> : vector<16xi1>
      %masked_sort3A_1488, %masked_sort3A_1489, %masked_sort3A_1490 = tpu.sort %get3A_1483, %add3A_1486 masked %masked_sort3A_1487 {descending = true} : (vector<16xf32>, vector<16xi32>, vector<16xi1>) -> (vector<16xi1>, vector<16xf32>, vector<16xi32>)
      %get3A_1491 = arith.constant 15 : i32
      %get3A_1492 = arith.index_cast %get3A_1491 : i32 to index
      %get3A_1493 = arith.constant 16 : index
      %get3A_1494 = tpu.vector_load %arg5[%get3A_1492, %get3A_1493] {strides = array<i32>} : memref<16x64xf32, #tpu.memory_space<vmem>>, vector<16xf32>,
      %add3A_1495 = arith.constant 16 : i32
      %add3A_1496 = vector.broadcast %add3A_1495 : i32 to vector<16xi32>
      %add3A_1497 = arith.addi %iota3A, %add3A_1496 : vector<16xi32>
      %masked_sort3A_1498 = arith.constant dense<true> : vector<16xi1>
      %masked_sort3A_1499, %masked_sort3A_1500, %masked_sort3A_1501 = tpu.sort %get3A_1494, %add3A_1497 masked %masked_sort3A_1498 : (vector<16xf32>, vector<16xi32>, vector<16xi1>) -> (vector<16xi1>, vector<16xf32>, vector<16xi32>)
      %get3A_1502 = arith.constant 15 : i32
      %get3A_1503 = arith.index_cast %get3A_1502 : i32 to index
      %get3A_1504 = arith.constant 32 : index
      %get3A_1505 = tpu.vector_load %arg5[%get3A_1503, %get3A_1504] {strides = array<i32>} : memref<16x64xf32, #tpu.memory_space<vmem>>, vector<16xf32>,
      %add3A_1506 = arith.constant 32 : i32
      %add3A_1507 = vector.broadcast %add3A_1506 : i32 to vector<16xi32>
      %add3A_1508 = arith.addi %iota3A, %add3A_1507 : vector<16xi32>
      %masked_sort3A_1509 = arith.constant dense<true> : vector<16xi1>
      %masked_sort3A_1510, %masked_sort3A_1511, %masked_sort3A_1512 = tpu.sort %get3A_1505, %add3A_1508 masked %masked_sort3A_1509 : (vector<16xf32>, vector<16xi32>, vector<16xi1>) -> (vector<16xi1>, vector<16xf32>, vector<16xi32>)
      %get3A_1513 = arith.constant 15 : i32
      %get3A_1514 = arith.index_cast %get3A_1513 : i32 to index
      %get3A_1515 = arith.constant 48 : index
      %get3A_1516 = tpu.vector_load %arg5[%get3A_1514, %get3A_1515] {strides = array<i32>} : memref<16x64xf32, #tpu.memory_space<vmem>>, vector<16xf32>,
      %add3A_1517 = arith.constant 48 : i32
      %add3A_1518 = vector.broadcast %add3A_1517 : i32 to vector<16xi32>
      %add3A_1519 = arith.addi %iota3A, %add3A_1518 : vector<16xi32>
      %masked_sort3A_1520 = arith.constant dense<true> : vector<16xi1>
      %masked_sort3A_1521, %masked_sort3A_1522, %masked_sort3A_1523 = tpu.sort %get3A_1516, %add3A_1519 masked %masked_sort3A_1520 {descending = true} : (vector<16xf32>, vector<16xi32>, vector<16xi1>) -> (vector<16xi1>, vector<16xf32>, vector<16xi32>)
      %iota3A_1524 = tpu.iota {dimensions = array<i32: 0>} : vector<16xi32>
      %lt3A_1525 = arith.constant 8 : i32
      %lt3A_1526 = vector.broadcast %lt3A_1525 : i32 to vector<16xi32>
      %lt3A_1527 = arith.cmpi slt, %iota3A_1524, %lt3A_1526 : vector<16xi32>
      %select_n3A_1528 = arith.select %lt3A_1527, %masked_sort3A_1489, %masked_sort3A_1500 : vector<16xi1>, vector<16xf32>
      %select_n3A_1529 = arith.select %lt3A_1527, %masked_sort3A_1490, %masked_sort3A_1501 : vector<16xi1>, vector<16xi32>
      %masked_sort3A_1530 = arith.constant dense<true> : vector<16xi1>
      %masked_sort3A_1531, %masked_sort3A_1532, %masked_sort3A_1533 = tpu.sort %select_n3A_1528, %select_n3A_1529 masked %masked_sort3A_1530 {descending = true} : (vector<16xf32>, vector<16xi32>, vector<16xi1>) -> (vector<16xi1>, vector<16xf32>, vector<16xi32>)
      %iota3A_1534 = tpu.iota {dimensions = array<i32: 0>} : vector<16xi32>
      %lt3A_1535 = arith.constant 8 : i32
      %lt3A_1536 = vector.broadcast %lt3A_1535 : i32 to vector<16xi32>
      %lt3A_1537 = arith.cmpi slt, %iota3A_1534, %lt3A_1536 : vector<16xi32>
      %select_n3A_1538 = arith.select %lt3A_1537, %masked_sort3A_1522, %masked_sort3A_1511 : vector<16xi1>, vector<16xf32>
      %select_n3A_1539 = arith.select %lt3A_1537, %masked_sort3A_1523, %masked_sort3A_1512 : vector<16xi1>, vector<16xi32>
      %masked_sort3A_1540 = arith.constant dense<true> : vector<16xi1>
      %masked_sort3A_1541, %masked_sort3A_1542, %masked_sort3A_1543 = tpu.sort %select_n3A_1538, %select_n3A_1539 masked %masked_sort3A_1540 : (vector<16xf32>, vector<16xi32>, vector<16xi1>) -> (vector<16xi1>, vector<16xf32>, vector<16xi32>)
      %iota3A_1544 = tpu.iota {dimensions = array<i32: 0>} : vector<16xi32>
      %lt3A_1545 = arith.constant 8 : i32
      %lt3A_1546 = vector.broadcast %lt3A_1545 : i32 to vector<16xi32>
      %lt3A_1547 = arith.cmpi slt, %iota3A_1544, %lt3A_1546 : vector<16xi32>
      %select_n3A_1548 = arith.select %lt3A_1547, %masked_sort3A_1532, %masked_sort3A_1542 : vector<16xi1>, vector<16xf32>
      %select_n3A_1549 = arith.select %lt3A_1547, %masked_sort3A_1533, %masked_sort3A_1543 : vector<16xi1>, vector<16xi32>
      %masked_sort3A_1550 = arith.constant dense<true> : vector<16xi1>
      %masked_sort3A_1551, %masked_sort3A_1552, %masked_sort3A_1553 = tpu.sort %select_n3A_1548, %select_n3A_1549 masked %masked_sort3A_1550 {descending = true} : (vector<16xf32>, vector<16xi32>, vector<16xi1>) -> (vector<16xi1>, vector<16xf32>, vector<16xi32>)
      %exp3A_1554 = math.exp %masked_sort3A_1552 : vector<16xf32>
      %jit3A_1555 = arith.constant 0.000000e+00 : f32
      %broadcast_in_dim3A_1556 = vector.broadcast %jit3A_1555 : f32 to vector<16xf32>
      %select_n3A_1557 = arith.select %lt3A_93, %exp3A_1554, %broadcast_in_dim3A_1556 : vector<16xi1>, vector<16xf32>
      %broadcast_in_dim3A_1558 = arith.constant true
      %broadcast_in_dim3A_1559 = vector.broadcast %broadcast_in_dim3A_1558 : i1 to vector<16xi1>
      %masked_cumsum3A_1560 = tpu.scan <sum>, %select_n3A_1557 masked %broadcast_in_dim3A_1559 : vector<16xf32>, vector<16xi1> -> vector<16xf32>
      %broadcast_in_dim3A_1561 = vector.shape_cast %broadcast_in_dim3A_91 : vector<16xi32> to vector<16x1xi32>
      %gather3A_1562 = vector.shape_cast %broadcast_in_dim3A_1561 : vector<16x1xi32> to vector<16xi32>
      %gather3A_1563 = tpu.dynamic_gather %masked_cumsum3A_1560[%gather3A_1562] in [0] : vector<16xf32>, vector<16xi32> -> vector<16xf32>
      %div3A_1564 = arith.divf %select_n3A_1557, %gather3A_1563 : vector<16xf32>
      %swap3A_1565 = arith.constant 15 : i32
      %swap3A_1566 = arith.index_cast %swap3A_1565 : i32 to index
      %swap3A_1567 = arith.constant 0 : index
      %swap3A_1568 = tpu.vector_load %arg7[%swap3A_1566, %swap3A_1567] {strides = array<i32>} : memref<16x16xf32, #tpu.memory_space<vmem>>, vector<16xf32>,
      tpu.vector_store %arg7[%swap3A_1566, %swap3A_1567], %div3A_1564 {strides = array<i32>} : memref<16x16xf32, #tpu.memory_space<vmem>>, vector<16xf32>,
      %swap3A_1569 = arith.constant 15 : i32
      %swap3A_1570 = arith.index_cast %swap3A_1569 : i32 to index
      %swap3A_1571 = arith.constant 0 : index
      %swap3A_1572 = tpu.vector_load %arg8[%swap3A_1570, %swap3A_1571] {strides = array<i32>} : memref<16x16xi32, #tpu.memory_space<vmem>>, vector<16xi32>,
      tpu.vector_store %arg8[%swap3A_1570, %swap3A_1571], %masked_sort3A_1553 {strides = array<i32>} : memref<16x16xi32, #tpu.memory_space<vmem>>, vector<16xi32>,
      %dma_start3A_1573 = arith.constant 0 : i32
      %dma_start3A_1574 = arith.constant 0 : i32
      %dma_start3A_1575 = arith.constant 0 : i32
      %dma_start3A_1576 = tpu.memref_slice %arg3[%add3A_64, %dma_start3A_1574, %dma_start3A_1575] : memref<1024x16x16xf32, #tpu.memory_space<hbm>> -> memref<1x16x16xf32, #tpu.memory_space<hbm>>
      %dma_start3A_1577 = tpu.memref_squeeze %dma_start3A_1576 : memref<1x16x16xf32, #tpu.memory_space<hbm>> -> memref<16x16xf32, #tpu.memory_space<hbm>>
      %dma_start3A_1578 = tpu.memref_slice %arg12[%dma_start3A_1573] : memref<4x!tpu.dma_semaphore, #tpu.memory_space<semaphore_mem>> -> memref<1x!tpu.dma_semaphore, #tpu.memory_space<semaphore_mem>>
      %dma_start3A_1579 = tpu.memref_squeeze %dma_start3A_1578 : memref<1x!tpu.dma_semaphore, #tpu.memory_space<semaphore_mem>> -> memref<!tpu.dma_semaphore, #tpu.memory_space<semaphore_mem>>
      %dma_start3A_1580 = arith.constant 0 : i32
      %dma_start3A_1581 = arith.constant 0 : i32
      %dma_start3A_1582 = tpu.memref_slice %arg3[%add3A_64, %dma_start3A_1580, %dma_start3A_1581] : memref<1024x16x16xf32, #tpu.memory_space<hbm>> -> memref<1x16x16xf32, #tpu.memory_space<hbm>>
      %dma_start3A_1583 = tpu.memref_squeeze %dma_start3A_1582 : memref<1x16x16xf32, #tpu.memory_space<hbm>> -> memref<16x16xf32, #tpu.memory_space<hbm>>
      tpu.enqueue_dma source(%arg7 : memref<16x16xf32, #tpu.memory_space<vmem>>) target(%dma_start3A_1583 : memref<16x16xf32, #tpu.memory_space<hbm>>) target_semaphore(%dma_start3A_1579 : memref<!tpu.dma_semaphore, #tpu.memory_space<semaphore_mem>>)
      %dma_start3A_1584 = arith.constant 1 : i32
      %dma_start3A_1585 = arith.constant 0 : i32
      %dma_start3A_1586 = arith.constant 0 : i32
      %dma_start3A_1587 = tpu.memref_slice %arg4[%add3A_64, %dma_start3A_1585, %dma_start3A_1586] : memref<1024x16x16xi32, #tpu.memory_space<hbm>> -> memref<1x16x16xi32, #tpu.memory_space<hbm>>
      %dma_start3A_1588 = tpu.memref_squeeze %dma_start3A_1587 : memref<1x16x16xi32, #tpu.memory_space<hbm>> -> memref<16x16xi32, #tpu.memory_space<hbm>>
      %dma_start3A_1589 = tpu.memref_slice %arg12[%dma_start3A_1584] : memref<4x!tpu.dma_semaphore, #tpu.memory_space<semaphore_mem>> -> memref<1x!tpu.dma_semaphore, #tpu.memory_space<semaphore_mem>>
      %dma_start3A_1590 = tpu.memref_squeeze %dma_start3A_1589 : memref<1x!tpu.dma_semaphore, #tpu.memory_space<semaphore_mem>> -> memref<!tpu.dma_semaphore, #tpu.memory_space<semaphore_mem>>
      %dma_start3A_1591 = arith.constant 0 : i32
      %dma_start3A_1592 = arith.constant 0 : i32
      %dma_start3A_1593 = tpu.memref_slice %arg4[%add3A_64, %dma_start3A_1591, %dma_start3A_1592] : memref<1024x16x16xi32, #tpu.memory_space<hbm>> -> memref<1x16x16xi32, #tpu.memory_space<hbm>>
      %dma_start3A_1594 = tpu.memref_squeeze %dma_start3A_1593 : memref<1x16x16xi32, #tpu.memory_space<hbm>> -> memref<16x16xi32, #tpu.memory_space<hbm>>
      tpu.enqueue_dma source(%arg8 : memref<16x16xi32, #tpu.memory_space<vmem>>) target(%dma_start3A_1594 : memref<16x16xi32, #tpu.memory_space<hbm>>) target_semaphore(%dma_start3A_1590 : memref<!tpu.dma_semaphore, #tpu.memory_space<semaphore_mem>>)
      %add3A_1595 = arith.constant 1 : i32
      %add3A_1596 = arith.addi %scan3A_61, %add3A_1595 : i32
      %lt3A_1597 = arith.constant 16 : i32
      %lt3A_1598 = arith.cmpi slt, %add3A_1596, %lt3A_1597 : i32
      %convert_element_type3A_1599 = arith.extui %lt3A_1598 : i1 to i32
      %cond3A_1600 = arith.constant 0 : i32
      %cond3A_1601 = arith.cmpi ne, %convert_element_type3A_1599, %cond3A_1600 : i32
      scf.if %cond3A_1601 {
        %add3A_3129 = arith.constant 2 : i32
        %add3A_3130 = arith.addi %add3A_64, %add3A_3129 : i32
        %dma_start3A_3131 = arith.constant 0 : i32
        %dma_start3A_3132 = arith.constant 0 : i32
        %dma_start3A_3133 = arith.constant 0 : i32
        %dma_start3A_3134 = tpu.memref_slice %arg2[%add3A_3130, %dma_start3A_3132, %dma_start3A_3133] : memref<1024x16x64xf32, #tpu.memory_space<hbm>> -> memref<1x16x64xf32, #tpu.memory_space<hbm>>
        %dma_start3A_3135 = tpu.memref_squeeze %dma_start3A_3134 : memref<1x16x64xf32, #tpu.memory_space<hbm>> -> memref<16x64xf32, #tpu.memory_space<hbm>>
        %dma_start3A_3136 = tpu.memref_slice %arg11[%dma_start3A_3131] : memref<2x!tpu.dma_semaphore, #tpu.memory_space<semaphore_mem>> -> memref<1x!tpu.dma_semaphore, #tpu.memory_space<semaphore_mem>>
        %dma_start3A_3137 = tpu.memref_squeeze %dma_start3A_3136 : memref<1x!tpu.dma_semaphore, #tpu.memory_space<semaphore_mem>> -> memref<!tpu.dma_semaphore, #tpu.memory_space<semaphore_mem>>
        %dma_start3A_3138 = arith.constant 0 : i32
        %dma_start3A_3139 = arith.constant 0 : i32
        %dma_start3A_3140 = tpu.memref_slice %arg2[%add3A_3130, %dma_start3A_3138, %dma_start3A_3139] : memref<1024x16x64xf32, #tpu.memory_space<hbm>> -> memref<1x16x64xf32, #tpu.memory_space<hbm>>
        %dma_start3A_3141 = tpu.memref_squeeze %dma_start3A_3140 : memref<1x16x64xf32, #tpu.memory_space<hbm>> -> memref<16x64xf32, #tpu.memory_space<hbm>>
        tpu.enqueue_dma source(%dma_start3A_3141 : memref<16x64xf32, #tpu.memory_space<hbm>>) target(%arg5 : memref<16x64xf32, #tpu.memory_space<vmem>>) target_semaphore(%dma_start3A_3137 : memref<!tpu.dma_semaphore, #tpu.memory_space<semaphore_mem>>)
      } else {
      }
      %dma_wait3A_1602 = arith.constant 1 : i32
      %dma_wait3A_1603 = arith.constant 0 : i32
      %dma_wait3A_1604 = arith.constant 0 : i32
      %dma_wait3A_1605 = tpu.memref_slice %arg2[%add3A_66, %dma_wait3A_1603, %dma_wait3A_1604] : memref<1024x16x64xf32, #tpu.memory_space<hbm>> -> memref<1x16x64xf32, #tpu.memory_space<hbm>>
      %dma_wait3A_1606 = tpu.memref_squeeze %dma_wait3A_1605 : memref<1x16x64xf32, #tpu.memory_space<hbm>> -> memref<16x64xf32, #tpu.memory_space<hbm>>
      %dma_wait3A_1607 = tpu.memref_slice %arg11[%dma_wait3A_1602] : memref<2x!tpu.dma_semaphore, #tpu.memory_space<semaphore_mem>> -> memref<1x!tpu.dma_semaphore, #tpu.memory_space<semaphore_mem>>
      %dma_wait3A_1608 = tpu.memref_squeeze %dma_wait3A_1607 : memref<1x!tpu.dma_semaphore, #tpu.memory_space<semaphore_mem>> -> memref<!tpu.dma_semaphore, #tpu.memory_space<semaphore_mem>>
      %dma_wait3A_1609 = arith.constant 0 : i32
      %dma_wait3A_1610 = arith.constant 0 : i32
      %dma_wait3A_1611 = tpu.memref_slice %arg2[%add3A_66, %dma_wait3A_1609, %dma_wait3A_1610] : memref<1024x16x64xf32, #tpu.memory_space<hbm>> -> memref<1x16x64xf32, #tpu.memory_space<hbm>>
      %dma_wait3A_1612 = tpu.memref_squeeze %dma_wait3A_1611 : memref<1x16x64xf32, #tpu.memory_space<hbm>> -> memref<16x64xf32, #tpu.memory_space<hbm>>
      tpu.wait_dma2 semaphore(%dma_wait3A_1608 : memref<!tpu.dma_semaphore, #tpu.memory_space<semaphore_mem>>) src(%dma_wait3A_1612 : memref<16x64xf32, #tpu.memory_space<hbm>>) dst(%arg6 : memref<16x64xf32, #tpu.memory_space<vmem>>)
      %iota3A_1613 = tpu.iota {dimensions = array<i32: 0>} : vector<16xi32>
      %broadcast_in_dim3A_1614 = arith.constant 15 : i32
      %broadcast_in_dim3A_1615 = vector.broadcast %broadcast_in_dim3A_1614 : i32 to vector<16xi32>
      %lt3A_1616 = arith.constant 8 : i32
      %lt3A_1617 = vector.broadcast %lt3A_1616 : i32 to vector<16xi32>
      %lt3A_1618 = arith.cmpi slt, %iota3A_1613, %lt3A_1617 : vector<16xi32>
      %get3A_1619 = arith.constant 0 : i32
      %get3A_1620 = arith.index_cast %get3A_1619 : i32 to index
      %get3A_1621 = arith.constant 0 : index
      %get3A_1622 = tpu.vector_load %arg6[%get3A_1620, %get3A_1621] {strides = array<i32>} : memref<16x64xf32, #tpu.memory_space<vmem>>, vector<16xf32>,
      %add3A_1623 = arith.constant 0 : i32
      %add3A_1624 = vector.broadcast %add3A_1623 : i32 to vector<16xi32>
      %add3A_1625 = arith.addi %iota3A_1613, %add3A_1624 : vector<16xi32>
      %masked_sort3A_1626 = arith.constant dense<true> : vector<16xi1>
      %masked_sort3A_1627, %masked_sort3A_1628, %masked_sort3A_1629 = tpu.sort %get3A_1622, %add3A_1625 masked %masked_sort3A_1626 {descending = true} : (vector<16xf32>, vector<16xi32>, vector<16xi1>) -> (vector<16xi1>, vector<16xf32>, vector<16xi32>)
      %get3A_1630 = arith.constant 0 : i32
      %get3A_1631 = arith.index_cast %get3A_1630 : i32 to index
      %get3A_1632 = arith.constant 16 : index
      %get3A_1633 = tpu.vector_load %arg6[%get3A_1631, %get3A_1632] {strides = array<i32>} : memref<16x64xf32, #tpu.memory_space<vmem>>, vector<16xf32>,
      %add3A_1634 = arith.constant 16 : i32
      %add3A_1635 = vector.broadcast %add3A_1634 : i32 to vector<16xi32>
      %add3A_1636 = arith.addi %iota3A_1613, %add3A_1635 : vector<16xi32>
      %masked_sort3A_1637 = arith.constant dense<true> : vector<16xi1>
      %masked_sort3A_1638, %masked_sort3A_1639, %masked_sort3A_1640 = tpu.sort %get3A_1633, %add3A_1636 masked %masked_sort3A_1637 : (vector<16xf32>, vector<16xi32>, vector<16xi1>) -> (vector<16xi1>, vector<16xf32>, vector<16xi32>)
      %get3A_1641 = arith.constant 0 : i32
      %get3A_1642 = arith.index_cast %get3A_1641 : i32 to index
      %get3A_1643 = arith.constant 32 : index
      %get3A_1644 = tpu.vector_load %arg6[%get3A_1642, %get3A_1643] {strides = array<i32>} : memref<16x64xf32, #tpu.memory_space<vmem>>, vector<16xf32>,
      %add3A_1645 = arith.constant 32 : i32
      %add3A_1646 = vector.broadcast %add3A_1645 : i32 to vector<16xi32>
      %add3A_1647 = arith.addi %iota3A_1613, %add3A_1646 : vector<16xi32>
      %masked_sort3A_1648 = arith.constant dense<true> : vector<16xi1>
      %masked_sort3A_1649, %masked_sort3A_1650, %masked_sort3A_1651 = tpu.sort %get3A_1644, %add3A_1647 masked %masked_sort3A_1648 : (vector<16xf32>, vector<16xi32>, vector<16xi1>) -> (vector<16xi1>, vector<16xf32>, vector<16xi32>)
      %get3A_1652 = arith.constant 0 : i32
      %get3A_1653 = arith.index_cast %get3A_1652 : i32 to index
      %get3A_1654 = arith.constant 48 : index
      %get3A_1655 = tpu.vector_load %arg6[%get3A_1653, %get3A_1654] {strides = array<i32>} : memref<16x64xf32, #tpu.memory_space<vmem>>, vector<16xf32>,
      %add3A_1656 = arith.constant 48 : i32
      %add3A_1657 = vector.broadcast %add3A_1656 : i32 to vector<16xi32>
      %add3A_1658 = arith.addi %iota3A_1613, %add3A_1657 : vector<16xi32>
      %masked_sort3A_1659 = arith.constant dense<true> : vector<16xi1>
      %masked_sort3A_1660, %masked_sort3A_1661, %masked_sort3A_1662 = tpu.sort %get3A_1655, %add3A_1658 masked %masked_sort3A_1659 {descending = true} : (vector<16xf32>, vector<16xi32>, vector<16xi1>) -> (vector<16xi1>, vector<16xf32>, vector<16xi32>)
      %iota3A_1663 = tpu.iota {dimensions = array<i32: 0>} : vector<16xi32>
      %lt3A_1664 = arith.constant 8 : i32
      %lt3A_1665 = vector.broadcast %lt3A_1664 : i32 to vector<16xi32>
      %lt3A_1666 = arith.cmpi slt, %iota3A_1663, %lt3A_1665 : vector<16xi32>
      %select_n3A_1667 = arith.select %lt3A_1666, %masked_sort3A_1628, %masked_sort3A_1639 : vector<16xi1>, vector<16xf32>
      %select_n3A_1668 = arith.select %lt3A_1666, %masked_sort3A_1629, %masked_sort3A_1640 : vector<16xi1>, vector<16xi32>
      %masked_sort3A_1669 = arith.constant dense<true> : vector<16xi1>
      %masked_sort3A_1670, %masked_sort3A_1671, %masked_sort3A_1672 = tpu.sort %select_n3A_1667, %select_n3A_1668 masked %masked_sort3A_1669 {descending = true} : (vector<16xf32>, vector<16xi32>, vector<16xi1>) -> (vector<16xi1>, vector<16xf32>, vector<16xi32>)
      %iota3A_1673 = tpu.iota {dimensions = array<i32: 0>} : vector<16xi32>
      %lt3A_1674 = arith.constant 8 : i32
      %lt3A_1675 = vector.broadcast %lt3A_1674 : i32 to vector<16xi32>
      %lt3A_1676 = arith.cmpi slt, %iota3A_1673, %lt3A_1675 : vector<16xi32>
      %select_n3A_1677 = arith.select %lt3A_1676, %masked_sort3A_1661, %masked_sort3A_1650 : vector<16xi1>, vector<16xf32>
      %select_n3A_1678 = arith.select %lt3A_1676, %masked_sort3A_1662, %masked_sort3A_1651 : vector<16xi1>, vector<16xi32>
      %masked_sort3A_1679 = arith.constant dense<true> : vector<16xi1>
      %masked_sort3A_1680, %masked_sort3A_1681, %masked_sort3A_1682 = tpu.sort %select_n3A_1677, %select_n3A_1678 masked %masked_sort3A_1679 : (vector<16xf32>, vector<16xi32>, vector<16xi1>) -> (vector<16xi1>, vector<16xf32>, vector<16xi32>)
      %iota3A_1683 = tpu.iota {dimensions = array<i32: 0>} : vector<16xi32>
      %lt3A_1684 = arith.constant 8 : i32
      %lt3A_1685 = vector.broadcast %lt3A_1684 : i32 to vector<16xi32>
      %lt3A_1686 = arith.cmpi slt, %iota3A_1683, %lt3A_1685 : vector<16xi32>
      %select_n3A_1687 = arith.select %lt3A_1686, %masked_sort3A_1671, %masked_sort3A_1681 : vector<16xi1>, vector<16xf32>
      %select_n3A_1688 = arith.select %lt3A_1686, %masked_sort3A_1672, %masked_sort3A_1682 : vector<16xi1>, vector<16xi32>
      %masked_sort3A_1689 = arith.constant dense<true> : vector<16xi1>
      %masked_sort3A_1690, %masked_sort3A_1691, %masked_sort3A_1692 = tpu.sort %select_n3A_1687, %select_n3A_1688 masked %masked_sort3A_1689 {descending = true} : (vector<16xf32>, vector<16xi32>, vector<16xi1>) -> (vector<16xi1>, vector<16xf32>, vector<16xi32>)
      %exp3A_1693 = math.exp %masked_sort3A_1691 : vector<16xf32>
      %jit3A_1694 = arith.constant 0.000000e+00 : f32
      %broadcast_in_dim3A_1695 = vector.broadcast %jit3A_1694 : f32 to vector<16xf32>
      %select_n3A_1696 = arith.select %lt3A_1618, %exp3A_1693, %broadcast_in_dim3A_1695 : vector<16xi1>, vector<16xf32>
      %broadcast_in_dim3A_1697 = arith.constant true
      %broadcast_in_dim3A_1698 = vector.broadcast %broadcast_in_dim3A_1697 : i1 to vector<16xi1>
      %masked_cumsum3A_1699 = tpu.scan <sum>, %select_n3A_1696 masked %broadcast_in_dim3A_1698 : vector<16xf32>, vector<16xi1> -> vector<16xf32>
      %broadcast_in_dim3A_1700 = vector.shape_cast %broadcast_in_dim3A_1615 : vector<16xi32> to vector<16x1xi32>
      %gather3A_1701 = vector.shape_cast %broadcast_in_dim3A_1700 : vector<16x1xi32> to vector<16xi32>
      %gather3A_1702 = tpu.dynamic_gather %masked_cumsum3A_1699[%gather3A_1701] in [0] : vector<16xf32>, vector<16xi32> -> vector<16xf32>
      %div3A_1703 = arith.divf %select_n3A_1696, %gather3A_1702 : vector<16xf32>
      %swap3A_1704 = arith.constant 0 : i32
      %swap3A_1705 = arith.index_cast %swap3A_1704 : i32 to index
      %swap3A_1706 = arith.constant 0 : index
      %swap3A_1707 = tpu.vector_load %arg9[%swap3A_1705, %swap3A_1706] {strides = array<i32>} : memref<16x16xf32, #tpu.memory_space<vmem>>, vector<16xf32>,
      tpu.vector_store %arg9[%swap3A_1705, %swap3A_1706], %div3A_1703 {strides = array<i32>} : memref<16x16xf32, #tpu.memory_space<vmem>>, vector<16xf32>,
      %swap3A_1708 = arith.constant 0 : i32
      %swap3A_1709 = arith.index_cast %swap3A_1708 : i32 to index
      %swap3A_1710 = arith.constant 0 : index
      %swap3A_1711 = tpu.vector_load %arg10[%swap3A_1709, %swap3A_1710] {strides = array<i32>} : memref<16x16xi32, #tpu.memory_space<vmem>>, vector<16xi32>,
      tpu.vector_store %arg10[%swap3A_1709, %swap3A_1710], %masked_sort3A_1692 {strides = array<i32>} : memref<16x16xi32, #tpu.memory_space<vmem>>, vector<16xi32>,
      %get3A_1712 = arith.constant 1 : i32
      %get3A_1713 = arith.index_cast %get3A_1712 : i32 to index
      %get3A_1714 = arith.constant 0 : index
      %get3A_1715 = tpu.vector_load %arg6[%get3A_1713, %get3A_1714] {strides = array<i32>} : memref<16x64xf32, #tpu.memory_space<vmem>>, vector<16xf32>,
      %add3A_1716 = arith.constant 0 : i32
      %add3A_1717 = vector.broadcast %add3A_1716 : i32 to vector<16xi32>
      %add3A_1718 = arith.addi %iota3A_1613, %add3A_1717 : vector<16xi32>
      %masked_sort3A_1719 = arith.constant dense<true> : vector<16xi1>
      %masked_sort3A_1720, %masked_sort3A_1721, %masked_sort3A_1722 = tpu.sort %get3A_1715, %add3A_1718 masked %masked_sort3A_1719 {descending = true} : (vector<16xf32>, vector<16xi32>, vector<16xi1>) -> (vector<16xi1>, vector<16xf32>, vector<16xi32>)
      %get3A_1723 = arith.constant 1 : i32
      %get3A_1724 = arith.index_cast %get3A_1723 : i32 to index
      %get3A_1725 = arith.constant 16 : index
      %get3A_1726 = tpu.vector_load %arg6[%get3A_1724, %get3A_1725] {strides = array<i32>} : memref<16x64xf32, #tpu.memory_space<vmem>>, vector<16xf32>,
      %add3A_1727 = arith.constant 16 : i32
      %add3A_1728 = vector.broadcast %add3A_1727 : i32 to vector<16xi32>
      %add3A_1729 = arith.addi %iota3A_1613, %add3A_1728 : vector<16xi32>
      %masked_sort3A_1730 = arith.constant dense<true> : vector<16xi1>
      %masked_sort3A_1731, %masked_sort3A_1732, %masked_sort3A_1733 = tpu.sort %get3A_1726, %add3A_1729 masked %masked_sort3A_1730 : (vector<16xf32>, vector<16xi32>, vector<16xi1>) -> (vector<16xi1>, vector<16xf32>, vector<16xi32>)
      %get3A_1734 = arith.constant 1 : i32
      %get3A_1735 = arith.index_cast %get3A_1734 : i32 to index
      %get3A_1736 = arith.constant 32 : index
      %get3A_1737 = tpu.vector_load %arg6[%get3A_1735, %get3A_1736] {strides = array<i32>} : memref<16x64xf32, #tpu.memory_space<vmem>>, vector<16xf32>,
      %add3A_1738 = arith.constant 32 : i32
      %add3A_1739 = vector.broadcast %add3A_1738 : i32 to vector<16xi32>
      %add3A_1740 = arith.addi %iota3A_1613, %add3A_1739 : vector<16xi32>
      %masked_sort3A_1741 = arith.constant dense<true> : vector<16xi1>
      %masked_sort3A_1742, %masked_sort3A_1743, %masked_sort3A_1744 = tpu.sort %get3A_1737, %add3A_1740 masked %masked_sort3A_1741 : (vector<16xf32>, vector<16xi32>, vector<16xi1>) -> (vector<16xi1>, vector<16xf32>, vector<16xi32>)
      %get3A_1745 = arith.constant 1 : i32
      %get3A_1746 = arith.index_cast %get3A_1745 : i32 to index
      %get3A_1747 = arith.constant 48 : index
      %get3A_1748 = tpu.vector_load %arg6[%get3A_1746, %get3A_1747] {strides = array<i32>} : memref<16x64xf32, #tpu.memory_space<vmem>>, vector<16xf32>,
      %add3A_1749 = arith.constant 48 : i32
      %add3A_1750 = vector.broadcast %add3A_1749 : i32 to vector<16xi32>
      %add3A_1751 = arith.addi %iota3A_1613, %add3A_1750 : vector<16xi32>
      %masked_sort3A_1752 = arith.constant dense<true> : vector<16xi1>
      %masked_sort3A_1753, %masked_sort3A_1754, %masked_sort3A_1755 = tpu.sort %get3A_1748, %add3A_1751 masked %masked_sort3A_1752 {descending = true} : (vector<16xf32>, vector<16xi32>, vector<16xi1>) -> (vector<16xi1>, vector<16xf32>, vector<16xi32>)
      %iota3A_1756 = tpu.iota {dimensions = array<i32: 0>} : vector<16xi32>
      %lt3A_1757 = arith.constant 8 : i32
      %lt3A_1758 = vector.broadcast %lt3A_1757 : i32 to vector<16xi32>
      %lt3A_1759 = arith.cmpi slt, %iota3A_1756, %lt3A_1758 : vector<16xi32>
      %select_n3A_1760 = arith.select %lt3A_1759, %masked_sort3A_1721, %masked_sort3A_1732 : vector<16xi1>, vector<16xf32>
      %select_n3A_1761 = arith.select %lt3A_1759, %masked_sort3A_1722, %masked_sort3A_1733 : vector<16xi1>, vector<16xi32>
      %masked_sort3A_1762 = arith.constant dense<true> : vector<16xi1>
      %masked_sort3A_1763, %masked_sort3A_1764, %masked_sort3A_1765 = tpu.sort %select_n3A_1760, %select_n3A_1761 masked %masked_sort3A_1762 {descending = true} : (vector<16xf32>, vector<16xi32>, vector<16xi1>) -> (vector<16xi1>, vector<16xf32>, vector<16xi32>)
      %iota3A_1766 = tpu.iota {dimensions = array<i32: 0>} : vector<16xi32>
      %lt3A_1767 = arith.constant 8 : i32
      %lt3A_1768 = vector.broadcast %lt3A_1767 : i32 to vector<16xi32>
      %lt3A_1769 = arith.cmpi slt, %iota3A_1766, %lt3A_1768 : vector<16xi32>
      %select_n3A_1770 = arith.select %lt3A_1769, %masked_sort3A_1754, %masked_sort3A_1743 : vector<16xi1>, vector<16xf32>
      %select_n3A_1771 = arith.select %lt3A_1769, %masked_sort3A_1755, %masked_sort3A_1744 : vector<16xi1>, vector<16xi32>
      %masked_sort3A_1772 = arith.constant dense<true> : vector<16xi1>
      %masked_sort3A_1773, %masked_sort3A_1774, %masked_sort3A_1775 = tpu.sort %select_n3A_1770, %select_n3A_1771 masked %masked_sort3A_1772 : (vector<16xf32>, vector<16xi32>, vector<16xi1>) -> (vector<16xi1>, vector<16xf32>, vector<16xi32>)
      %iota3A_1776 = tpu.iota {dimensions = array<i32: 0>} : vector<16xi32>
      %lt3A_1777 = arith.constant 8 : i32
      %lt3A_1778 = vector.broadcast %lt3A_1777 : i32 to vector<16xi32>
      %lt3A_1779 = arith.cmpi slt, %iota3A_1776, %lt3A_1778 : vector<16xi32>
      %select_n3A_1780 = arith.select %lt3A_1779, %masked_sort3A_1764, %masked_sort3A_1774 : vector<16xi1>, vector<16xf32>
      %select_n3A_1781 = arith.select %lt3A_1779, %masked_sort3A_1765, %masked_sort3A_1775 : vector<16xi1>, vector<16xi32>
      %masked_sort3A_1782 = arith.constant dense<true> : vector<16xi1>
      %masked_sort3A_1783, %masked_sort3A_1784, %masked_sort3A_1785 = tpu.sort %select_n3A_1780, %select_n3A_1781 masked %masked_sort3A_1782 {descending = true} : (vector<16xf32>, vector<16xi32>, vector<16xi1>) -> (vector<16xi1>, vector<16xf32>, vector<16xi32>)
      %exp3A_1786 = math.exp %masked_sort3A_1784 : vector<16xf32>
      %jit3A_1787 = arith.constant 0.000000e+00 : f32
      %broadcast_in_dim3A_1788 = vector.broadcast %jit3A_1787 : f32 to vector<16xf32>
      %select_n3A_1789 = arith.select %lt3A_1618, %exp3A_1786, %broadcast_in_dim3A_1788 : vector<16xi1>, vector<16xf32>
      %broadcast_in_dim3A_1790 = arith.constant true
      %broadcast_in_dim3A_1791 = vector.broadcast %broadcast_in_dim3A_1790 : i1 to vector<16xi1>
      %masked_cumsum3A_1792 = tpu.scan <sum>, %select_n3A_1789 masked %broadcast_in_dim3A_1791 : vector<16xf32>, vector<16xi1> -> vector<16xf32>
      %broadcast_in_dim3A_1793 = vector.shape_cast %broadcast_in_dim3A_1615 : vector<16xi32> to vector<16x1xi32>
      %gather3A_1794 = vector.shape_cast %broadcast_in_dim3A_1793 : vector<16x1xi32> to vector<16xi32>
      %gather3A_1795 = tpu.dynamic_gather %masked_cumsum3A_1792[%gather3A_1794] in [0] : vector<16xf32>, vector<16xi32> -> vector<16xf32>
      %div3A_1796 = arith.divf %select_n3A_1789, %gather3A_1795 : vector<16xf32>
      %swap3A_1797 = arith.constant 1 : i32
      %swap3A_1798 = arith.index_cast %swap3A_1797 : i32 to index
      %swap3A_1799 = arith.constant 0 : index
      %swap3A_1800 = tpu.vector_load %arg9[%swap3A_1798, %swap3A_1799] {strides = array<i32>} : memref<16x16xf32, #tpu.memory_space<vmem>>, vector<16xf32>,
      tpu.vector_store %arg9[%swap3A_1798, %swap3A_1799], %div3A_1796 {strides = array<i32>} : memref<16x16xf32, #tpu.memory_space<vmem>>, vector<16xf32>,
      %swap3A_1801 = arith.constant 1 : i32
      %swap3A_1802 = arith.index_cast %swap3A_1801 : i32 to index
      %swap3A_1803 = arith.constant 0 : index
      %swap3A_1804 = tpu.vector_load %arg10[%swap3A_1802, %swap3A_1803] {strides = array<i32>} : memref<16x16xi32, #tpu.memory_space<vmem>>, vector<16xi32>,
      tpu.vector_store %arg10[%swap3A_1802, %swap3A_1803], %masked_sort3A_1785 {strides = array<i32>} : memref<16x16xi32, #tpu.memory_space<vmem>>, vector<16xi32>,
      %get3A_1805 = arith.constant 2 : i32
      %get3A_1806 = arith.index_cast %get3A_1805 : i32 to index
      %get3A_1807 = arith.constant 0 : index
      %get3A_1808 = tpu.vector_load %arg6[%get3A_1806, %get3A_1807] {strides = array<i32>} : memref<16x64xf32, #tpu.memory_space<vmem>>, vector<16xf32>,
      %add3A_1809 = arith.constant 0 : i32
      %add3A_1810 = vector.broadcast %add3A_1809 : i32 to vector<16xi32>
      %add3A_1811 = arith.addi %iota3A_1613, %add3A_1810 : vector<16xi32>
      %masked_sort3A_1812 = arith.constant dense<true> : vector<16xi1>
      %masked_sort3A_1813, %masked_sort3A_1814, %masked_sort3A_1815 = tpu.sort %get3A_1808, %add3A_1811 masked %masked_sort3A_1812 {descending = true} : (vector<16xf32>, vector<16xi32>, vector<16xi1>) -> (vector<16xi1>, vector<16xf32>, vector<16xi32>)
      %get3A_1816 = arith.constant 2 : i32
      %get3A_1817 = arith.index_cast %get3A_1816 : i32 to index
      %get3A_1818 = arith.constant 16 : index
      %get3A_1819 = tpu.vector_load %arg6[%get3A_1817, %get3A_1818] {strides = array<i32>} : memref<16x64xf32, #tpu.memory_space<vmem>>, vector<16xf32>,
      %add3A_1820 = arith.constant 16 : i32
      %add3A_1821 = vector.broadcast %add3A_1820 : i32 to vector<16xi32>
      %add3A_1822 = arith.addi %iota3A_1613, %add3A_1821 : vector<16xi32>
      %masked_sort3A_1823 = arith.constant dense<true> : vector<16xi1>
      %masked_sort3A_1824, %masked_sort3A_1825, %masked_sort3A_1826 = tpu.sort %get3A_1819, %add3A_1822 masked %masked_sort3A_1823 : (vector<16xf32>, vector<16xi32>, vector<16xi1>) -> (vector<16xi1>, vector<16xf32>, vector<16xi32>)
      %get3A_1827 = arith.constant 2 : i32
      %get3A_1828 = arith.index_cast %get3A_1827 : i32 to index
      %get3A_1829 = arith.constant 32 : index
      %get3A_1830 = tpu.vector_load %arg6[%get3A_1828, %get3A_1829] {strides = array<i32>} : memref<16x64xf32, #tpu.memory_space<vmem>>, vector<16xf32>,
      %add3A_1831 = arith.constant 32 : i32
      %add3A_1832 = vector.broadcast %add3A_1831 : i32 to vector<16xi32>
      %add3A_1833 = arith.addi %iota3A_1613, %add3A_1832 : vector<16xi32>
      %masked_sort3A_1834 = arith.constant dense<true> : vector<16xi1>
      %masked_sort3A_1835, %masked_sort3A_1836, %masked_sort3A_1837 = tpu.sort %get3A_1830, %add3A_1833 masked %masked_sort3A_1834 : (vector<16xf32>, vector<16xi32>, vector<16xi1>) -> (vector<16xi1>, vector<16xf32>, vector<16xi32>)
      %get3A_1838 = arith.constant 2 : i32
      %get3A_1839 = arith.index_cast %get3A_1838 : i32 to index
      %get3A_1840 = arith.constant 48 : index
      %get3A_1841 = tpu.vector_load %arg6[%get3A_1839, %get3A_1840] {strides = array<i32>} : memref<16x64xf32, #tpu.memory_space<vmem>>, vector<16xf32>,
      %add3A_1842 = arith.constant 48 : i32
      %add3A_1843 = vector.broadcast %add3A_1842 : i32 to vector<16xi32>
      %add3A_1844 = arith.addi %iota3A_1613, %add3A_1843 : vector<16xi32>
      %masked_sort3A_1845 = arith.constant dense<true> : vector<16xi1>
      %masked_sort3A_1846, %masked_sort3A_1847, %masked_sort3A_1848 = tpu.sort %get3A_1841, %add3A_1844 masked %masked_sort3A_1845 {descending = true} : (vector<16xf32>, vector<16xi32>, vector<16xi1>) -> (vector<16xi1>, vector<16xf32>, vector<16xi32>)
      %iota3A_1849 = tpu.iota {dimensions = array<i32: 0>} : vector<16xi32>
      %lt3A_1850 = arith.constant 8 : i32
      %lt3A_1851 = vector.broadcast %lt3A_1850 : i32 to vector<16xi32>
      %lt3A_1852 = arith.cmpi slt, %iota3A_1849, %lt3A_1851 : vector<16xi32>
      %select_n3A_1853 = arith.select %lt3A_1852, %masked_sort3A_1814, %masked_sort3A_1825 : vector<16xi1>, vector<16xf32>
      %select_n3A_1854 = arith.select %lt3A_1852, %masked_sort3A_1815, %masked_sort3A_1826 : vector<16xi1>, vector<16xi32>
      %masked_sort3A_1855 = arith.constant dense<true> : vector<16xi1>
      %masked_sort3A_1856, %masked_sort3A_1857, %masked_sort3A_1858 = tpu.sort %select_n3A_1853, %select_n3A_1854 masked %masked_sort3A_1855 {descending = true} : (vector<16xf32>, vector<16xi32>, vector<16xi1>) -> (vector<16xi1>, vector<16xf32>, vector<16xi32>)
      %iota3A_1859 = tpu.iota {dimensions = array<i32: 0>} : vector<16xi32>
      %lt3A_1860 = arith.constant 8 : i32
      %lt3A_1861 = vector.broadcast %lt3A_1860 : i32 to vector<16xi32>
      %lt3A_1862 = arith.cmpi slt, %iota3A_1859, %lt3A_1861 : vector<16xi32>
      %select_n3A_1863 = arith.select %lt3A_1862, %masked_sort3A_1847, %masked_sort3A_1836 : vector<16xi1>, vector<16xf32>
      %select_n3A_1864 = arith.select %lt3A_1862, %masked_sort3A_1848, %masked_sort3A_1837 : vector<16xi1>, vector<16xi32>
      %masked_sort3A_1865 = arith.constant dense<true> : vector<16xi1>
      %masked_sort3A_1866, %masked_sort3A_1867, %masked_sort3A_1868 = tpu.sort %select_n3A_1863, %select_n3A_1864 masked %masked_sort3A_1865 : (vector<16xf32>, vector<16xi32>, vector<16xi1>) -> (vector<16xi1>, vector<16xf32>, vector<16xi32>)
      %iota3A_1869 = tpu.iota {dimensions = array<i32: 0>} : vector<16xi32>
      %lt3A_1870 = arith.constant 8 : i32
      %lt3A_1871 = vector.broadcast %lt3A_1870 : i32 to vector<16xi32>
      %lt3A_1872 = arith.cmpi slt, %iota3A_1869, %lt3A_1871 : vector<16xi32>
      %select_n3A_1873 = arith.select %lt3A_1872, %masked_sort3A_1857, %masked_sort3A_1867 : vector<16xi1>, vector<16xf32>
      %select_n3A_1874 = arith.select %lt3A_1872, %masked_sort3A_1858, %masked_sort3A_1868 : vector<16xi1>, vector<16xi32>
      %masked_sort3A_1875 = arith.constant dense<true> : vector<16xi1>
      %masked_sort3A_1876, %masked_sort3A_1877, %masked_sort3A_1878 = tpu.sort %select_n3A_1873, %select_n3A_1874 masked %masked_sort3A_1875 {descending = true} : (vector<16xf32>, vector<16xi32>, vector<16xi1>) -> (vector<16xi1>, vector<16xf32>, vector<16xi32>)
      %exp3A_1879 = math.exp %masked_sort3A_1877 : vector<16xf32>
      %jit3A_1880 = arith.constant 0.000000e+00 : f32
      %broadcast_in_dim3A_1881 = vector.broadcast %jit3A_1880 : f32 to vector<16xf32>
      %select_n3A_1882 = arith.select %lt3A_1618, %exp3A_1879, %broadcast_in_dim3A_1881 : vector<16xi1>, vector<16xf32>
      %broadcast_in_dim3A_1883 = arith.constant true
      %broadcast_in_dim3A_1884 = vector.broadcast %broadcast_in_dim3A_1883 : i1 to vector<16xi1>
      %masked_cumsum3A_1885 = tpu.scan <sum>, %select_n3A_1882 masked %broadcast_in_dim3A_1884 : vector<16xf32>, vector<16xi1> -> vector<16xf32>
      %broadcast_in_dim3A_1886 = vector.shape_cast %broadcast_in_dim3A_1615 : vector<16xi32> to vector<16x1xi32>
      %gather3A_1887 = vector.shape_cast %broadcast_in_dim3A_1886 : vector<16x1xi32> to vector<16xi32>
      %gather3A_1888 = tpu.dynamic_gather %masked_cumsum3A_1885[%gather3A_1887] in [0] : vector<16xf32>, vector<16xi32> -> vector<16xf32>
      %div3A_1889 = arith.divf %select_n3A_1882, %gather3A_1888 : vector<16xf32>
      %swap3A_1890 = arith.constant 2 : i32
      %swap3A_1891 = arith.index_cast %swap3A_1890 : i32 to index
      %swap3A_1892 = arith.constant 0 : index
      %swap3A_1893 = tpu.vector_load %arg9[%swap3A_1891, %swap3A_1892] {strides = array<i32>} : memref<16x16xf32, #tpu.memory_space<vmem>>, vector<16xf32>,
      tpu.vector_store %arg9[%swap3A_1891, %swap3A_1892], %div3A_1889 {strides = array<i32>} : memref<16x16xf32, #tpu.memory_space<vmem>>, vector<16xf32>,
      %swap3A_1894 = arith.constant 2 : i32
      %swap3A_1895 = arith.index_cast %swap3A_1894 : i32 to index
      %swap3A_1896 = arith.constant 0 : index
      %swap3A_1897 = tpu.vector_load %arg10[%swap3A_1895, %swap3A_1896] {strides = array<i32>} : memref<16x16xi32, #tpu.memory_space<vmem>>, vector<16xi32>,
      tpu.vector_store %arg10[%swap3A_1895, %swap3A_1896], %masked_sort3A_1878 {strides = array<i32>} : memref<16x16xi32, #tpu.memory_space<vmem>>, vector<16xi32>,
      %get3A_1898 = arith.constant 3 : i32
      %get3A_1899 = arith.index_cast %get3A_1898 : i32 to index
      %get3A_1900 = arith.constant 0 : index
      %get3A_1901 = tpu.vector_load %arg6[%get3A_1899, %get3A_1900] {strides = array<i32>} : memref<16x64xf32, #tpu.memory_space<vmem>>, vector<16xf32>,
      %add3A_1902 = arith.constant 0 : i32
      %add3A_1903 = vector.broadcast %add3A_1902 : i32 to vector<16xi32>
      %add3A_1904 = arith.addi %iota3A_1613, %add3A_1903 : vector<16xi32>
      %masked_sort3A_1905 = arith.constant dense<true> : vector<16xi1>
      %masked_sort3A_1906, %masked_sort3A_1907, %masked_sort3A_1908 = tpu.sort %get3A_1901, %add3A_1904 masked %masked_sort3A_1905 {descending = true} : (vector<16xf32>, vector<16xi32>, vector<16xi1>) -> (vector<16xi1>, vector<16xf32>, vector<16xi32>)
      %get3A_1909 = arith.constant 3 : i32
      %get3A_1910 = arith.index_cast %get3A_1909 : i32 to index
      %get3A_1911 = arith.constant 16 : index
      %get3A_1912 = tpu.vector_load %arg6[%get3A_1910, %get3A_1911] {strides = array<i32>} : memref<16x64xf32, #tpu.memory_space<vmem>>, vector<16xf32>,
      %add3A_1913 = arith.constant 16 : i32
      %add3A_1914 = vector.broadcast %add3A_1913 : i32 to vector<16xi32>
      %add3A_1915 = arith.addi %iota3A_1613, %add3A_1914 : vector<16xi32>
      %masked_sort3A_1916 = arith.constant dense<true> : vector<16xi1>
      %masked_sort3A_1917, %masked_sort3A_1918, %masked_sort3A_1919 = tpu.sort %get3A_1912, %add3A_1915 masked %masked_sort3A_1916 : (vector<16xf32>, vector<16xi32>, vector<16xi1>) -> (vector<16xi1>, vector<16xf32>, vector<16xi32>)
      %get3A_1920 = arith.constant 3 : i32
      %get3A_1921 = arith.index_cast %get3A_1920 : i32 to index
      %get3A_1922 = arith.constant 32 : index
      %get3A_1923 = tpu.vector_load %arg6[%get3A_1921, %get3A_1922] {strides = array<i32>} : memref<16x64xf32, #tpu.memory_space<vmem>>, vector<16xf32>,
      %add3A_1924 = arith.constant 32 : i32
      %add3A_1925 = vector.broadcast %add3A_1924 : i32 to vector<16xi32>
      %add3A_1926 = arith.addi %iota3A_1613, %add3A_1925 : vector<16xi32>
      %masked_sort3A_1927 = arith.constant dense<true> : vector<16xi1>
      %masked_sort3A_1928, %masked_sort3A_1929, %masked_sort3A_1930 = tpu.sort %get3A_1923, %add3A_1926 masked %masked_sort3A_1927 : (vector<16xf32>, vector<16xi32>, vector<16xi1>) -> (vector<16xi1>, vector<16xf32>, vector<16xi32>)
      %get3A_1931 = arith.constant 3 : i32
      %get3A_1932 = arith.index_cast %get3A_1931 : i32 to index
      %get3A_1933 = arith.constant 48 : index
      %get3A_1934 = tpu.vector_load %arg6[%get3A_1932, %get3A_1933] {strides = array<i32>} : memref<16x64xf32, #tpu.memory_space<vmem>>, vector<16xf32>,
      %add3A_1935 = arith.constant 48 : i32
      %add3A_1936 = vector.broadcast %add3A_1935 : i32 to vector<16xi32>
      %add3A_1937 = arith.addi %iota3A_1613, %add3A_1936 : vector<16xi32>
      %masked_sort3A_1938 = arith.constant dense<true> : vector<16xi1>
      %masked_sort3A_1939, %masked_sort3A_1940, %masked_sort3A_1941 = tpu.sort %get3A_1934, %add3A_1937 masked %masked_sort3A_1938 {descending = true} : (vector<16xf32>, vector<16xi32>, vector<16xi1>) -> (vector<16xi1>, vector<16xf32>, vector<16xi32>)
      %iota3A_1942 = tpu.iota {dimensions = array<i32: 0>} : vector<16xi32>
      %lt3A_1943 = arith.constant 8 : i32
      %lt3A_1944 = vector.broadcast %lt3A_1943 : i32 to vector<16xi32>
      %lt3A_1945 = arith.cmpi slt, %iota3A_1942, %lt3A_1944 : vector<16xi32>
      %select_n3A_1946 = arith.select %lt3A_1945, %masked_sort3A_1907, %masked_sort3A_1918 : vector<16xi1>, vector<16xf32>
      %select_n3A_1947 = arith.select %lt3A_1945, %masked_sort3A_1908, %masked_sort3A_1919 : vector<16xi1>, vector<16xi32>
      %masked_sort3A_1948 = arith.constant dense<true> : vector<16xi1>
      %masked_sort3A_1949, %masked_sort3A_1950, %masked_sort3A_1951 = tpu.sort %select_n3A_1946, %select_n3A_1947 masked %masked_sort3A_1948 {descending = true} : (vector<16xf32>, vector<16xi32>, vector<16xi1>) -> (vector<16xi1>, vector<16xf32>, vector<16xi32>)
      %iota3A_1952 = tpu.iota {dimensions = array<i32: 0>} : vector<16xi32>
      %lt3A_1953 = arith.constant 8 : i32
      %lt3A_1954 = vector.broadcast %lt3A_1953 : i32 to vector<16xi32>
      %lt3A_1955 = arith.cmpi slt, %iota3A_1952, %lt3A_1954 : vector<16xi32>
      %select_n3A_1956 = arith.select %lt3A_1955, %masked_sort3A_1940, %masked_sort3A_1929 : vector<16xi1>, vector<16xf32>
      %select_n3A_1957 = arith.select %lt3A_1955, %masked_sort3A_1941, %masked_sort3A_1930 : vector<16xi1>, vector<16xi32>
      %masked_sort3A_1958 = arith.constant dense<true> : vector<16xi1>
      %masked_sort3A_1959, %masked_sort3A_1960, %masked_sort3A_1961 = tpu.sort %select_n3A_1956, %select_n3A_1957 masked %masked_sort3A_1958 : (vector<16xf32>, vector<16xi32>, vector<16xi1>) -> (vector<16xi1>, vector<16xf32>, vector<16xi32>)
      %iota3A_1962 = tpu.iota {dimensions = array<i32: 0>} : vector<16xi32>
      %lt3A_1963 = arith.constant 8 : i32
      %lt3A_1964 = vector.broadcast %lt3A_1963 : i32 to vector<16xi32>
      %lt3A_1965 = arith.cmpi slt, %iota3A_1962, %lt3A_1964 : vector<16xi32>
      %select_n3A_1966 = arith.select %lt3A_1965, %masked_sort3A_1950, %masked_sort3A_1960 : vector<16xi1>, vector<16xf32>
      %select_n3A_1967 = arith.select %lt3A_1965, %masked_sort3A_1951, %masked_sort3A_1961 : vector<16xi1>, vector<16xi32>
      %masked_sort3A_1968 = arith.constant dense<true> : vector<16xi1>
      %masked_sort3A_1969, %masked_sort3A_1970, %masked_sort3A_1971 = tpu.sort %select_n3A_1966, %select_n3A_1967 masked %masked_sort3A_1968 {descending = true} : (vector<16xf32>, vector<16xi32>, vector<16xi1>) -> (vector<16xi1>, vector<16xf32>, vector<16xi32>)
      %exp3A_1972 = math.exp %masked_sort3A_1970 : vector<16xf32>
      %jit3A_1973 = arith.constant 0.000000e+00 : f32
      %broadcast_in_dim3A_1974 = vector.broadcast %jit3A_1973 : f32 to vector<16xf32>
      %select_n3A_1975 = arith.select %lt3A_1618, %exp3A_1972, %broadcast_in_dim3A_1974 : vector<16xi1>, vector<16xf32>
      %broadcast_in_dim3A_1976 = arith.constant true
      %broadcast_in_dim3A_1977 = vector.broadcast %broadcast_in_dim3A_1976 : i1 to vector<16xi1>
      %masked_cumsum3A_1978 = tpu.scan <sum>, %select_n3A_1975 masked %broadcast_in_dim3A_1977 : vector<16xf32>, vector<16xi1> -> vector<16xf32>
      %broadcast_in_dim3A_1979 = vector.shape_cast %broadcast_in_dim3A_1615 : vector<16xi32> to vector<16x1xi32>
      %gather3A_1980 = vector.shape_cast %broadcast_in_dim3A_1979 : vector<16x1xi32> to vector<16xi32>
      %gather3A_1981 = tpu.dynamic_gather %masked_cumsum3A_1978[%gather3A_1980] in [0] : vector<16xf32>, vector<16xi32> -> vector<16xf32>
      %div3A_1982 = arith.divf %select_n3A_1975, %gather3A_1981 : vector<16xf32>
      %swap3A_1983 = arith.constant 3 : i32
      %swap3A_1984 = arith.index_cast %swap3A_1983 : i32 to index
      %swap3A_1985 = arith.constant 0 : index
      %swap3A_1986 = tpu.vector_load %arg9[%swap3A_1984, %swap3A_1985] {strides = array<i32>} : memref<16x16xf32, #tpu.memory_space<vmem>>, vector<16xf32>,
      tpu.vector_store %arg9[%swap3A_1984, %swap3A_1985], %div3A_1982 {strides = array<i32>} : memref<16x16xf32, #tpu.memory_space<vmem>>, vector<16xf32>,
      %swap3A_1987 = arith.constant 3 : i32
      %swap3A_1988 = arith.index_cast %swap3A_1987 : i32 to index
      %swap3A_1989 = arith.constant 0 : index
      %swap3A_1990 = tpu.vector_load %arg10[%swap3A_1988, %swap3A_1989] {strides = array<i32>} : memref<16x16xi32, #tpu.memory_space<vmem>>, vector<16xi32>,
      tpu.vector_store %arg10[%swap3A_1988, %swap3A_1989], %masked_sort3A_1971 {strides = array<i32>} : memref<16x16xi32, #tpu.memory_space<vmem>>, vector<16xi32>,
      %get3A_1991 = arith.constant 4 : i32
      %get3A_1992 = arith.index_cast %get3A_1991 : i32 to index
      %get3A_1993 = arith.constant 0 : index
      %get3A_1994 = tpu.vector_load %arg6[%get3A_1992, %get3A_1993] {strides = array<i32>} : memref<16x64xf32, #tpu.memory_space<vmem>>, vector<16xf32>,
      %add3A_1995 = arith.constant 0 : i32
      %add3A_1996 = vector.broadcast %add3A_1995 : i32 to vector<16xi32>
      %add3A_1997 = arith.addi %iota3A_1613, %add3A_1996 : vector<16xi32>
      %masked_sort3A_1998 = arith.constant dense<true> : vector<16xi1>
      %masked_sort3A_1999, %masked_sort3A_2000, %masked_sort3A_2001 = tpu.sort %get3A_1994, %add3A_1997 masked %masked_sort3A_1998 {descending = true} : (vector<16xf32>, vector<16xi32>, vector<16xi1>) -> (vector<16xi1>, vector<16xf32>, vector<16xi32>)
      %get3A_2002 = arith.constant 4 : i32
      %get3A_2003 = arith.index_cast %get3A_2002 : i32 to index
      %get3A_2004 = arith.constant 16 : index
      %get3A_2005 = tpu.vector_load %arg6[%get3A_2003, %get3A_2004] {strides = array<i32>} : memref<16x64xf32, #tpu.memory_space<vmem>>, vector<16xf32>,
      %add3A_2006 = arith.constant 16 : i32
      %add3A_2007 = vector.broadcast %add3A_2006 : i32 to vector<16xi32>
      %add3A_2008 = arith.addi %iota3A_1613, %add3A_2007 : vector<16xi32>
      %masked_sort3A_2009 = arith.constant dense<true> : vector<16xi1>
      %masked_sort3A_2010, %masked_sort3A_2011, %masked_sort3A_2012 = tpu.sort %get3A_2005, %add3A_2008 masked %masked_sort3A_2009 : (vector<16xf32>, vector<16xi32>, vector<16xi1>) -> (vector<16xi1>, vector<16xf32>, vector<16xi32>)
      %get3A_2013 = arith.constant 4 : i32
      %get3A_2014 = arith.index_cast %get3A_2013 : i32 to index
      %get3A_2015 = arith.constant 32 : index
      %get3A_2016 = tpu.vector_load %arg6[%get3A_2014, %get3A_2015] {strides = array<i32>} : memref<16x64xf32, #tpu.memory_space<vmem>>, vector<16xf32>,
      %add3A_2017 = arith.constant 32 : i32
      %add3A_2018 = vector.broadcast %add3A_2017 : i32 to vector<16xi32>
      %add3A_2019 = arith.addi %iota3A_1613, %add3A_2018 : vector<16xi32>
      %masked_sort3A_2020 = arith.constant dense<true> : vector<16xi1>
      %masked_sort3A_2021, %masked_sort3A_2022, %masked_sort3A_2023 = tpu.sort %get3A_2016, %add3A_2019 masked %masked_sort3A_2020 : (vector<16xf32>, vector<16xi32>, vector<16xi1>) -> (vector<16xi1>, vector<16xf32>, vector<16xi32>)
      %get3A_2024 = arith.constant 4 : i32
      %get3A_2025 = arith.index_cast %get3A_2024 : i32 to index
      %get3A_2026 = arith.constant 48 : index
      %get3A_2027 = tpu.vector_load %arg6[%get3A_2025, %get3A_2026] {strides = array<i32>} : memref<16x64xf32, #tpu.memory_space<vmem>>, vector<16xf32>,
      %add3A_2028 = arith.constant 48 : i32
      %add3A_2029 = vector.broadcast %add3A_2028 : i32 to vector<16xi32>
      %add3A_2030 = arith.addi %iota3A_1613, %add3A_2029 : vector<16xi32>
      %masked_sort3A_2031 = arith.constant dense<true> : vector<16xi1>
      %masked_sort3A_2032, %masked_sort3A_2033, %masked_sort3A_2034 = tpu.sort %get3A_2027, %add3A_2030 masked %masked_sort3A_2031 {descending = true} : (vector<16xf32>, vector<16xi32>, vector<16xi1>) -> (vector<16xi1>, vector<16xf32>, vector<16xi32>)
      %iota3A_2035 = tpu.iota {dimensions = array<i32: 0>} : vector<16xi32>
      %lt3A_2036 = arith.constant 8 : i32
      %lt3A_2037 = vector.broadcast %lt3A_2036 : i32 to vector<16xi32>
      %lt3A_2038 = arith.cmpi slt, %iota3A_2035, %lt3A_2037 : vector<16xi32>
      %select_n3A_2039 = arith.select %lt3A_2038, %masked_sort3A_2000, %masked_sort3A_2011 : vector<16xi1>, vector<16xf32>
      %select_n3A_2040 = arith.select %lt3A_2038, %masked_sort3A_2001, %masked_sort3A_2012 : vector<16xi1>, vector<16xi32>
      %masked_sort3A_2041 = arith.constant dense<true> : vector<16xi1>
      %masked_sort3A_2042, %masked_sort3A_2043, %masked_sort3A_2044 = tpu.sort %select_n3A_2039, %select_n3A_2040 masked %masked_sort3A_2041 {descending = true} : (vector<16xf32>, vector<16xi32>, vector<16xi1>) -> (vector<16xi1>, vector<16xf32>, vector<16xi32>)
      %iota3A_2045 = tpu.iota {dimensions = array<i32: 0>} : vector<16xi32>
      %lt3A_2046 = arith.constant 8 : i32
      %lt3A_2047 = vector.broadcast %lt3A_2046 : i32 to vector<16xi32>
      %lt3A_2048 = arith.cmpi slt, %iota3A_2045, %lt3A_2047 : vector<16xi32>
      %select_n3A_2049 = arith.select %lt3A_2048, %masked_sort3A_2033, %masked_sort3A_2022 : vector<16xi1>, vector<16xf32>
      %select_n3A_2050 = arith.select %lt3A_2048, %masked_sort3A_2034, %masked_sort3A_2023 : vector<16xi1>, vector<16xi32>
      %masked_sort3A_2051 = arith.constant dense<true> : vector<16xi1>
      %masked_sort3A_2052, %masked_sort3A_2053, %masked_sort3A_2054 = tpu.sort %select_n3A_2049, %select_n3A_2050 masked %masked_sort3A_2051 : (vector<16xf32>, vector<16xi32>, vector<16xi1>) -> (vector<16xi1>, vector<16xf32>, vector<16xi32>)
      %iota3A_2055 = tpu.iota {dimensions = array<i32: 0>} : vector<16xi32>
      %lt3A_2056 = arith.constant 8 : i32
      %lt3A_2057 = vector.broadcast %lt3A_2056 : i32 to vector<16xi32>
      %lt3A_2058 = arith.cmpi slt, %iota3A_2055, %lt3A_2057 : vector<16xi32>
      %select_n3A_2059 = arith.select %lt3A_2058, %masked_sort3A_2043, %masked_sort3A_2053 : vector<16xi1>, vector<16xf32>
      %select_n3A_2060 = arith.select %lt3A_2058, %masked_sort3A_2044, %masked_sort3A_2054 : vector<16xi1>, vector<16xi32>
      %masked_sort3A_2061 = arith.constant dense<true> : vector<16xi1>
      %masked_sort3A_2062, %masked_sort3A_2063, %masked_sort3A_2064 = tpu.sort %select_n3A_2059, %select_n3A_2060 masked %masked_sort3A_2061 {descending = true} : (vector<16xf32>, vector<16xi32>, vector<16xi1>) -> (vector<16xi1>, vector<16xf32>, vector<16xi32>)
      %exp3A_2065 = math.exp %masked_sort3A_2063 : vector<16xf32>
      %jit3A_2066 = arith.constant 0.000000e+00 : f32
      %broadcast_in_dim3A_2067 = vector.broadcast %jit3A_2066 : f32 to vector<16xf32>
      %select_n3A_2068 = arith.select %lt3A_1618, %exp3A_2065, %broadcast_in_dim3A_2067 : vector<16xi1>, vector<16xf32>
      %broadcast_in_dim3A_2069 = arith.constant true
      %broadcast_in_dim3A_2070 = vector.broadcast %broadcast_in_dim3A_2069 : i1 to vector<16xi1>
      %masked_cumsum3A_2071 = tpu.scan <sum>, %select_n3A_2068 masked %broadcast_in_dim3A_2070 : vector<16xf32>, vector<16xi1> -> vector<16xf32>
      %broadcast_in_dim3A_2072 = vector.shape_cast %broadcast_in_dim3A_1615 : vector<16xi32> to vector<16x1xi32>
      %gather3A_2073 = vector.shape_cast %broadcast_in_dim3A_2072 : vector<16x1xi32> to vector<16xi32>
      %gather3A_2074 = tpu.dynamic_gather %masked_cumsum3A_2071[%gather3A_2073] in [0] : vector<16xf32>, vector<16xi32> -> vector<16xf32>
      %div3A_2075 = arith.divf %select_n3A_2068, %gather3A_2074 : vector<16xf32>
      %swap3A_2076 = arith.constant 4 : i32
      %swap3A_2077 = arith.index_cast %swap3A_2076 : i32 to index
      %swap3A_2078 = arith.constant 0 : index
      %swap3A_2079 = tpu.vector_load %arg9[%swap3A_2077, %swap3A_2078] {strides = array<i32>} : memref<16x16xf32, #tpu.memory_space<vmem>>, vector<16xf32>,
      tpu.vector_store %arg9[%swap3A_2077, %swap3A_2078], %div3A_2075 {strides = array<i32>} : memref<16x16xf32, #tpu.memory_space<vmem>>, vector<16xf32>,
      %swap3A_2080 = arith.constant 4 : i32
      %swap3A_2081 = arith.index_cast %swap3A_2080 : i32 to index
      %swap3A_2082 = arith.constant 0 : index
      %swap3A_2083 = tpu.vector_load %arg10[%swap3A_2081, %swap3A_2082] {strides = array<i32>} : memref<16x16xi32, #tpu.memory_space<vmem>>, vector<16xi32>,
      tpu.vector_store %arg10[%swap3A_2081, %swap3A_2082], %masked_sort3A_2064 {strides = array<i32>} : memref<16x16xi32, #tpu.memory_space<vmem>>, vector<16xi32>,
      %get3A_2084 = arith.constant 5 : i32
      %get3A_2085 = arith.index_cast %get3A_2084 : i32 to index
      %get3A_2086 = arith.constant 0 : index
      %get3A_2087 = tpu.vector_load %arg6[%get3A_2085, %get3A_2086] {strides = array<i32>} : memref<16x64xf32, #tpu.memory_space<vmem>>, vector<16xf32>,
      %add3A_2088 = arith.constant 0 : i32
      %add3A_2089 = vector.broadcast %add3A_2088 : i32 to vector<16xi32>
      %add3A_2090 = arith.addi %iota3A_1613, %add3A_2089 : vector<16xi32>
      %masked_sort3A_2091 = arith.constant dense<true> : vector<16xi1>
      %masked_sort3A_2092, %masked_sort3A_2093, %masked_sort3A_2094 = tpu.sort %get3A_2087, %add3A_2090 masked %masked_sort3A_2091 {descending = true} : (vector<16xf32>, vector<16xi32>, vector<16xi1>) -> (vector<16xi1>, vector<16xf32>, vector<16xi32>)
      %get3A_2095 = arith.constant 5 : i32
      %get3A_2096 = arith.index_cast %get3A_2095 : i32 to index
      %get3A_2097 = arith.constant 16 : index
      %get3A_2098 = tpu.vector_load %arg6[%get3A_2096, %get3A_2097] {strides = array<i32>} : memref<16x64xf32, #tpu.memory_space<vmem>>, vector<16xf32>,
      %add3A_2099 = arith.constant 16 : i32
      %add3A_2100 = vector.broadcast %add3A_2099 : i32 to vector<16xi32>
      %add3A_2101 = arith.addi %iota3A_1613, %add3A_2100 : vector<16xi32>
      %masked_sort3A_2102 = arith.constant dense<true> : vector<16xi1>
      %masked_sort3A_2103, %masked_sort3A_2104, %masked_sort3A_2105 = tpu.sort %get3A_2098, %add3A_2101 masked %masked_sort3A_2102 : (vector<16xf32>, vector<16xi32>, vector<16xi1>) -> (vector<16xi1>, vector<16xf32>, vector<16xi32>)
      %get3A_2106 = arith.constant 5 : i32
      %get3A_2107 = arith.index_cast %get3A_2106 : i32 to index
      %get3A_2108 = arith.constant 32 : index
      %get3A_2109 = tpu.vector_load %arg6[%get3A_2107, %get3A_2108] {strides = array<i32>} : memref<16x64xf32, #tpu.memory_space<vmem>>, vector<16xf32>,
      %add3A_2110 = arith.constant 32 : i32
      %add3A_2111 = vector.broadcast %add3A_2110 : i32 to vector<16xi32>
      %add3A_2112 = arith.addi %iota3A_1613, %add3A_2111 : vector<16xi32>
      %masked_sort3A_2113 = arith.constant dense<true> : vector<16xi1>
      %masked_sort3A_2114, %masked_sort3A_2115, %masked_sort3A_2116 = tpu.sort %get3A_2109, %add3A_2112 masked %masked_sort3A_2113 : (vector<16xf32>, vector<16xi32>, vector<16xi1>) -> (vector<16xi1>, vector<16xf32>, vector<16xi32>)
      %get3A_2117 = arith.constant 5 : i32
      %get3A_2118 = arith.index_cast %get3A_2117 : i32 to index
      %get3A_2119 = arith.constant 48 : index
      %get3A_2120 = tpu.vector_load %arg6[%get3A_2118, %get3A_2119] {strides = array<i32>} : memref<16x64xf32, #tpu.memory_space<vmem>>, vector<16xf32>,
      %add3A_2121 = arith.constant 48 : i32
      %add3A_2122 = vector.broadcast %add3A_2121 : i32 to vector<16xi32>
      %add3A_2123 = arith.addi %iota3A_1613, %add3A_2122 : vector<16xi32>
      %masked_sort3A_2124 = arith.constant dense<true> : vector<16xi1>
      %masked_sort3A_2125, %masked_sort3A_2126, %masked_sort3A_2127 = tpu.sort %get3A_2120, %add3A_2123 masked %masked_sort3A_2124 {descending = true} : (vector<16xf32>, vector<16xi32>, vector<16xi1>) -> (vector<16xi1>, vector<16xf32>, vector<16xi32>)
      %iota3A_2128 = tpu.iota {dimensions = array<i32: 0>} : vector<16xi32>
      %lt3A_2129 = arith.constant 8 : i32
      %lt3A_2130 = vector.broadcast %lt3A_2129 : i32 to vector<16xi32>
      %lt3A_2131 = arith.cmpi slt, %iota3A_2128, %lt3A_2130 : vector<16xi32>
      %select_n3A_2132 = arith.select %lt3A_2131, %masked_sort3A_2093, %masked_sort3A_2104 : vector<16xi1>, vector<16xf32>
      %select_n3A_2133 = arith.select %lt3A_2131, %masked_sort3A_2094, %masked_sort3A_2105 : vector<16xi1>, vector<16xi32>
      %masked_sort3A_2134 = arith.constant dense<true> : vector<16xi1>
      %masked_sort3A_2135, %masked_sort3A_2136, %masked_sort3A_2137 = tpu.sort %select_n3A_2132, %select_n3A_2133 masked %masked_sort3A_2134 {descending = true} : (vector<16xf32>, vector<16xi32>, vector<16xi1>) -> (vector<16xi1>, vector<16xf32>, vector<16xi32>)
      %iota3A_2138 = tpu.iota {dimensions = array<i32: 0>} : vector<16xi32>
      %lt3A_2139 = arith.constant 8 : i32
      %lt3A_2140 = vector.broadcast %lt3A_2139 : i32 to vector<16xi32>
      %lt3A_2141 = arith.cmpi slt, %iota3A_2138, %lt3A_2140 : vector<16xi32>
      %select_n3A_2142 = arith.select %lt3A_2141, %masked_sort3A_2126, %masked_sort3A_2115 : vector<16xi1>, vector<16xf32>
      %select_n3A_2143 = arith.select %lt3A_2141, %masked_sort3A_2127, %masked_sort3A_2116 : vector<16xi1>, vector<16xi32>
      %masked_sort3A_2144 = arith.constant dense<true> : vector<16xi1>
      %masked_sort3A_2145, %masked_sort3A_2146, %masked_sort3A_2147 = tpu.sort %select_n3A_2142, %select_n3A_2143 masked %masked_sort3A_2144 : (vector<16xf32>, vector<16xi32>, vector<16xi1>) -> (vector<16xi1>, vector<16xf32>, vector<16xi32>)
      %iota3A_2148 = tpu.iota {dimensions = array<i32: 0>} : vector<16xi32>
      %lt3A_2149 = arith.constant 8 : i32
      %lt3A_2150 = vector.broadcast %lt3A_2149 : i32 to vector<16xi32>
      %lt3A_2151 = arith.cmpi slt, %iota3A_2148, %lt3A_2150 : vector<16xi32>
      %select_n3A_2152 = arith.select %lt3A_2151, %masked_sort3A_2136, %masked_sort3A_2146 : vector<16xi1>, vector<16xf32>
      %select_n3A_2153 = arith.select %lt3A_2151, %masked_sort3A_2137, %masked_sort3A_2147 : vector<16xi1>, vector<16xi32>
      %masked_sort3A_2154 = arith.constant dense<true> : vector<16xi1>
      %masked_sort3A_2155, %masked_sort3A_2156, %masked_sort3A_2157 = tpu.sort %select_n3A_2152, %select_n3A_2153 masked %masked_sort3A_2154 {descending = true} : (vector<16xf32>, vector<16xi32>, vector<16xi1>) -> (vector<16xi1>, vector<16xf32>, vector<16xi32>)
      %exp3A_2158 = math.exp %masked_sort3A_2156 : vector<16xf32>
      %jit3A_2159 = arith.constant 0.000000e+00 : f32
      %broadcast_in_dim3A_2160 = vector.broadcast %jit3A_2159 : f32 to vector<16xf32>
      %select_n3A_2161 = arith.select %lt3A_1618, %exp3A_2158, %broadcast_in_dim3A_2160 : vector<16xi1>, vector<16xf32>
      %broadcast_in_dim3A_2162 = arith.constant true
      %broadcast_in_dim3A_2163 = vector.broadcast %broadcast_in_dim3A_2162 : i1 to vector<16xi1>
      %masked_cumsum3A_2164 = tpu.scan <sum>, %select_n3A_2161 masked %broadcast_in_dim3A_2163 : vector<16xf32>, vector<16xi1> -> vector<16xf32>
      %broadcast_in_dim3A_2165 = vector.shape_cast %broadcast_in_dim3A_1615 : vector<16xi32> to vector<16x1xi32>
      %gather3A_2166 = vector.shape_cast %broadcast_in_dim3A_2165 : vector<16x1xi32> to vector<16xi32>
      %gather3A_2167 = tpu.dynamic_gather %masked_cumsum3A_2164[%gather3A_2166] in [0] : vector<16xf32>, vector<16xi32> -> vector<16xf32>
      %div3A_2168 = arith.divf %select_n3A_2161, %gather3A_2167 : vector<16xf32>
      %swap3A_2169 = arith.constant 5 : i32
      %swap3A_2170 = arith.index_cast %swap3A_2169 : i32 to index
      %swap3A_2171 = arith.constant 0 : index
      %swap3A_2172 = tpu.vector_load %arg9[%swap3A_2170, %swap3A_2171] {strides = array<i32>} : memref<16x16xf32, #tpu.memory_space<vmem>>, vector<16xf32>,
      tpu.vector_store %arg9[%swap3A_2170, %swap3A_2171], %div3A_2168 {strides = array<i32>} : memref<16x16xf32, #tpu.memory_space<vmem>>, vector<16xf32>,
      %swap3A_2173 = arith.constant 5 : i32
      %swap3A_2174 = arith.index_cast %swap3A_2173 : i32 to index
      %swap3A_2175 = arith.constant 0 : index
      %swap3A_2176 = tpu.vector_load %arg10[%swap3A_2174, %swap3A_2175] {strides = array<i32>} : memref<16x16xi32, #tpu.memory_space<vmem>>, vector<16xi32>,
      tpu.vector_store %arg10[%swap3A_2174, %swap3A_2175], %masked_sort3A_2157 {strides = array<i32>} : memref<16x16xi32, #tpu.memory_space<vmem>>, vector<16xi32>,
      %get3A_2177 = arith.constant 6 : i32
      %get3A_2178 = arith.index_cast %get3A_2177 : i32 to index
      %get3A_2179 = arith.constant 0 : index
      %get3A_2180 = tpu.vector_load %arg6[%get3A_2178, %get3A_2179] {strides = array<i32>} : memref<16x64xf32, #tpu.memory_space<vmem>>, vector<16xf32>,
      %add3A_2181 = arith.constant 0 : i32
      %add3A_2182 = vector.broadcast %add3A_2181 : i32 to vector<16xi32>
      %add3A_2183 = arith.addi %iota3A_1613, %add3A_2182 : vector<16xi32>
      %masked_sort3A_2184 = arith.constant dense<true> : vector<16xi1>
      %masked_sort3A_2185, %masked_sort3A_2186, %masked_sort3A_2187 = tpu.sort %get3A_2180, %add3A_2183 masked %masked_sort3A_2184 {descending = true} : (vector<16xf32>, vector<16xi32>, vector<16xi1>) -> (vector<16xi1>, vector<16xf32>, vector<16xi32>)
      %get3A_2188 = arith.constant 6 : i32
      %get3A_2189 = arith.index_cast %get3A_2188 : i32 to index
      %get3A_2190 = arith.constant 16 : index
      %get3A_2191 = tpu.vector_load %arg6[%get3A_2189, %get3A_2190] {strides = array<i32>} : memref<16x64xf32, #tpu.memory_space<vmem>>, vector<16xf32>,
      %add3A_2192 = arith.constant 16 : i32
      %add3A_2193 = vector.broadcast %add3A_2192 : i32 to vector<16xi32>
      %add3A_2194 = arith.addi %iota3A_1613, %add3A_2193 : vector<16xi32>
      %masked_sort3A_2195 = arith.constant dense<true> : vector<16xi1>
      %masked_sort3A_2196, %masked_sort3A_2197, %masked_sort3A_2198 = tpu.sort %get3A_2191, %add3A_2194 masked %masked_sort3A_2195 : (vector<16xf32>, vector<16xi32>, vector<16xi1>) -> (vector<16xi1>, vector<16xf32>, vector<16xi32>)
      %get3A_2199 = arith.constant 6 : i32
      %get3A_2200 = arith.index_cast %get3A_2199 : i32 to index
      %get3A_2201 = arith.constant 32 : index
      %get3A_2202 = tpu.vector_load %arg6[%get3A_2200, %get3A_2201] {strides = array<i32>} : memref<16x64xf32, #tpu.memory_space<vmem>>, vector<16xf32>,
      %add3A_2203 = arith.constant 32 : i32
      %add3A_2204 = vector.broadcast %add3A_2203 : i32 to vector<16xi32>
      %add3A_2205 = arith.addi %iota3A_1613, %add3A_2204 : vector<16xi32>
      %masked_sort3A_2206 = arith.constant dense<true> : vector<16xi1>
      %masked_sort3A_2207, %masked_sort3A_2208, %masked_sort3A_2209 = tpu.sort %get3A_2202, %add3A_2205 masked %masked_sort3A_2206 : (vector<16xf32>, vector<16xi32>, vector<16xi1>) -> (vector<16xi1>, vector<16xf32>, vector<16xi32>)
      %get3A_2210 = arith.constant 6 : i32
      %get3A_2211 = arith.index_cast %get3A_2210 : i32 to index
      %get3A_2212 = arith.constant 48 : index
      %get3A_2213 = tpu.vector_load %arg6[%get3A_2211, %get3A_2212] {strides = array<i32>} : memref<16x64xf32, #tpu.memory_space<vmem>>, vector<16xf32>,
      %add3A_2214 = arith.constant 48 : i32
      %add3A_2215 = vector.broadcast %add3A_2214 : i32 to vector<16xi32>
      %add3A_2216 = arith.addi %iota3A_1613, %add3A_2215 : vector<16xi32>
      %masked_sort3A_2217 = arith.constant dense<true> : vector<16xi1>
      %masked_sort3A_2218, %masked_sort3A_2219, %masked_sort3A_2220 = tpu.sort %get3A_2213, %add3A_2216 masked %masked_sort3A_2217 {descending = true} : (vector<16xf32>, vector<16xi32>, vector<16xi1>) -> (vector<16xi1>, vector<16xf32>, vector<16xi32>)
      %iota3A_2221 = tpu.iota {dimensions = array<i32: 0>} : vector<16xi32>
      %lt3A_2222 = arith.constant 8 : i32
      %lt3A_2223 = vector.broadcast %lt3A_2222 : i32 to vector<16xi32>
      %lt3A_2224 = arith.cmpi slt, %iota3A_2221, %lt3A_2223 : vector<16xi32>
      %select_n3A_2225 = arith.select %lt3A_2224, %masked_sort3A_2186, %masked_sort3A_2197 : vector<16xi1>, vector<16xf32>
      %select_n3A_2226 = arith.select %lt3A_2224, %masked_sort3A_2187, %masked_sort3A_2198 : vector<16xi1>, vector<16xi32>
      %masked_sort3A_2227 = arith.constant dense<true> : vector<16xi1>
      %masked_sort3A_2228, %masked_sort3A_2229, %masked_sort3A_2230 = tpu.sort %select_n3A_2225, %select_n3A_2226 masked %masked_sort3A_2227 {descending = true} : (vector<16xf32>, vector<16xi32>, vector<16xi1>) -> (vector<16xi1>, vector<16xf32>, vector<16xi32>)
      %iota3A_2231 = tpu.iota {dimensions = array<i32: 0>} : vector<16xi32>
      %lt3A_2232 = arith.constant 8 : i32
      %lt3A_2233 = vector.broadcast %lt3A_2232 : i32 to vector<16xi32>
      %lt3A_2234 = arith.cmpi slt, %iota3A_2231, %lt3A_2233 : vector<16xi32>
      %select_n3A_2235 = arith.select %lt3A_2234, %masked_sort3A_2219, %masked_sort3A_2208 : vector<16xi1>, vector<16xf32>
      %select_n3A_2236 = arith.select %lt3A_2234, %masked_sort3A_2220, %masked_sort3A_2209 : vector<16xi1>, vector<16xi32>
      %masked_sort3A_2237 = arith.constant dense<true> : vector<16xi1>
      %masked_sort3A_2238, %masked_sort3A_2239, %masked_sort3A_2240 = tpu.sort %select_n3A_2235, %select_n3A_2236 masked %masked_sort3A_2237 : (vector<16xf32>, vector<16xi32>, vector<16xi1>) -> (vector<16xi1>, vector<16xf32>, vector<16xi32>)
      %iota3A_2241 = tpu.iota {dimensions = array<i32: 0>} : vector<16xi32>
      %lt3A_2242 = arith.constant 8 : i32
      %lt3A_2243 = vector.broadcast %lt3A_2242 : i32 to vector<16xi32>
      %lt3A_2244 = arith.cmpi slt, %iota3A_2241, %lt3A_2243 : vector<16xi32>
      %select_n3A_2245 = arith.select %lt3A_2244, %masked_sort3A_2229, %masked_sort3A_2239 : vector<16xi1>, vector<16xf32>
      %select_n3A_2246 = arith.select %lt3A_2244, %masked_sort3A_2230, %masked_sort3A_2240 : vector<16xi1>, vector<16xi32>
      %masked_sort3A_2247 = arith.constant dense<true> : vector<16xi1>
      %masked_sort3A_2248, %masked_sort3A_2249, %masked_sort3A_2250 = tpu.sort %select_n3A_2245, %select_n3A_2246 masked %masked_sort3A_2247 {descending = true} : (vector<16xf32>, vector<16xi32>, vector<16xi1>) -> (vector<16xi1>, vector<16xf32>, vector<16xi32>)
      %exp3A_2251 = math.exp %masked_sort3A_2249 : vector<16xf32>
      %jit3A_2252 = arith.constant 0.000000e+00 : f32
      %broadcast_in_dim3A_2253 = vector.broadcast %jit3A_2252 : f32 to vector<16xf32>
      %select_n3A_2254 = arith.select %lt3A_1618, %exp3A_2251, %broadcast_in_dim3A_2253 : vector<16xi1>, vector<16xf32>
      %broadcast_in_dim3A_2255 = arith.constant true
      %broadcast_in_dim3A_2256 = vector.broadcast %broadcast_in_dim3A_2255 : i1 to vector<16xi1>
      %masked_cumsum3A_2257 = tpu.scan <sum>, %select_n3A_2254 masked %broadcast_in_dim3A_2256 : vector<16xf32>, vector<16xi1> -> vector<16xf32>
      %broadcast_in_dim3A_2258 = vector.shape_cast %broadcast_in_dim3A_1615 : vector<16xi32> to vector<16x1xi32>
      %gather3A_2259 = vector.shape_cast %broadcast_in_dim3A_2258 : vector<16x1xi32> to vector<16xi32>
      %gather3A_2260 = tpu.dynamic_gather %masked_cumsum3A_2257[%gather3A_2259] in [0] : vector<16xf32>, vector<16xi32> -> vector<16xf32>
      %div3A_2261 = arith.divf %select_n3A_2254, %gather3A_2260 : vector<16xf32>
      %swap3A_2262 = arith.constant 6 : i32
      %swap3A_2263 = arith.index_cast %swap3A_2262 : i32 to index
      %swap3A_2264 = arith.constant 0 : index
      %swap3A_2265 = tpu.vector_load %arg9[%swap3A_2263, %swap3A_2264] {strides = array<i32>} : memref<16x16xf32, #tpu.memory_space<vmem>>, vector<16xf32>,
      tpu.vector_store %arg9[%swap3A_2263, %swap3A_2264], %div3A_2261 {strides = array<i32>} : memref<16x16xf32, #tpu.memory_space<vmem>>, vector<16xf32>,
      %swap3A_2266 = arith.constant 6 : i32
      %swap3A_2267 = arith.index_cast %swap3A_2266 : i32 to index
      %swap3A_2268 = arith.constant 0 : index
      %swap3A_2269 = tpu.vector_load %arg10[%swap3A_2267, %swap3A_2268] {strides = array<i32>} : memref<16x16xi32, #tpu.memory_space<vmem>>, vector<16xi32>,
      tpu.vector_store %arg10[%swap3A_2267, %swap3A_2268], %masked_sort3A_2250 {strides = array<i32>} : memref<16x16xi32, #tpu.memory_space<vmem>>, vector<16xi32>,
      %get3A_2270 = arith.constant 7 : i32
      %get3A_2271 = arith.index_cast %get3A_2270 : i32 to index
      %get3A_2272 = arith.constant 0 : index
      %get3A_2273 = tpu.vector_load %arg6[%get3A_2271, %get3A_2272] {strides = array<i32>} : memref<16x64xf32, #tpu.memory_space<vmem>>, vector<16xf32>,
      %add3A_2274 = arith.constant 0 : i32
      %add3A_2275 = vector.broadcast %add3A_2274 : i32 to vector<16xi32>
      %add3A_2276 = arith.addi %iota3A_1613, %add3A_2275 : vector<16xi32>
      %masked_sort3A_2277 = arith.constant dense<true> : vector<16xi1>
      %masked_sort3A_2278, %masked_sort3A_2279, %masked_sort3A_2280 = tpu.sort %get3A_2273, %add3A_2276 masked %masked_sort3A_2277 {descending = true} : (vector<16xf32>, vector<16xi32>, vector<16xi1>) -> (vector<16xi1>, vector<16xf32>, vector<16xi32>)
      %get3A_2281 = arith.constant 7 : i32
      %get3A_2282 = arith.index_cast %get3A_2281 : i32 to index
      %get3A_2283 = arith.constant 16 : index
      %get3A_2284 = tpu.vector_load %arg6[%get3A_2282, %get3A_2283] {strides = array<i32>} : memref<16x64xf32, #tpu.memory_space<vmem>>, vector<16xf32>,
      %add3A_2285 = arith.constant 16 : i32
      %add3A_2286 = vector.broadcast %add3A_2285 : i32 to vector<16xi32>
      %add3A_2287 = arith.addi %iota3A_1613, %add3A_2286 : vector<16xi32>
      %masked_sort3A_2288 = arith.constant dense<true> : vector<16xi1>
      %masked_sort3A_2289, %masked_sort3A_2290, %masked_sort3A_2291 = tpu.sort %get3A_2284, %add3A_2287 masked %masked_sort3A_2288 : (vector<16xf32>, vector<16xi32>, vector<16xi1>) -> (vector<16xi1>, vector<16xf32>, vector<16xi32>)
      %get3A_2292 = arith.constant 7 : i32
      %get3A_2293 = arith.index_cast %get3A_2292 : i32 to index
      %get3A_2294 = arith.constant 32 : index
      %get3A_2295 = tpu.vector_load %arg6[%get3A_2293, %get3A_2294] {strides = array<i32>} : memref<16x64xf32, #tpu.memory_space<vmem>>, vector<16xf32>,
      %add3A_2296 = arith.constant 32 : i32
      %add3A_2297 = vector.broadcast %add3A_2296 : i32 to vector<16xi32>
      %add3A_2298 = arith.addi %iota3A_1613, %add3A_2297 : vector<16xi32>
      %masked_sort3A_2299 = arith.constant dense<true> : vector<16xi1>
      %masked_sort3A_2300, %masked_sort3A_2301, %masked_sort3A_2302 = tpu.sort %get3A_2295, %add3A_2298 masked %masked_sort3A_2299 : (vector<16xf32>, vector<16xi32>, vector<16xi1>) -> (vector<16xi1>, vector<16xf32>, vector<16xi32>)
      %get3A_2303 = arith.constant 7 : i32
      %get3A_2304 = arith.index_cast %get3A_2303 : i32 to index
      %get3A_2305 = arith.constant 48 : index
      %get3A_2306 = tpu.vector_load %arg6[%get3A_2304, %get3A_2305] {strides = array<i32>} : memref<16x64xf32, #tpu.memory_space<vmem>>, vector<16xf32>,
      %add3A_2307 = arith.constant 48 : i32
      %add3A_2308 = vector.broadcast %add3A_2307 : i32 to vector<16xi32>
      %add3A_2309 = arith.addi %iota3A_1613, %add3A_2308 : vector<16xi32>
      %masked_sort3A_2310 = arith.constant dense<true> : vector<16xi1>
      %masked_sort3A_2311, %masked_sort3A_2312, %masked_sort3A_2313 = tpu.sort %get3A_2306, %add3A_2309 masked %masked_sort3A_2310 {descending = true} : (vector<16xf32>, vector<16xi32>, vector<16xi1>) -> (vector<16xi1>, vector<16xf32>, vector<16xi32>)
      %iota3A_2314 = tpu.iota {dimensions = array<i32: 0>} : vector<16xi32>
      %lt3A_2315 = arith.constant 8 : i32
      %lt3A_2316 = vector.broadcast %lt3A_2315 : i32 to vector<16xi32>
      %lt3A_2317 = arith.cmpi slt, %iota3A_2314, %lt3A_2316 : vector<16xi32>
      %select_n3A_2318 = arith.select %lt3A_2317, %masked_sort3A_2279, %masked_sort3A_2290 : vector<16xi1>, vector<16xf32>
      %select_n3A_2319 = arith.select %lt3A_2317, %masked_sort3A_2280, %masked_sort3A_2291 : vector<16xi1>, vector<16xi32>
      %masked_sort3A_2320 = arith.constant dense<true> : vector<16xi1>
      %masked_sort3A_2321, %masked_sort3A_2322, %masked_sort3A_2323 = tpu.sort %select_n3A_2318, %select_n3A_2319 masked %masked_sort3A_2320 {descending = true} : (vector<16xf32>, vector<16xi32>, vector<16xi1>) -> (vector<16xi1>, vector<16xf32>, vector<16xi32>)
      %iota3A_2324 = tpu.iota {dimensions = array<i32: 0>} : vector<16xi32>
      %lt3A_2325 = arith.constant 8 : i32
      %lt3A_2326 = vector.broadcast %lt3A_2325 : i32 to vector<16xi32>
      %lt3A_2327 = arith.cmpi slt, %iota3A_2324, %lt3A_2326 : vector<16xi32>
      %select_n3A_2328 = arith.select %lt3A_2327, %masked_sort3A_2312, %masked_sort3A_2301 : vector<16xi1>, vector<16xf32>
      %select_n3A_2329 = arith.select %lt3A_2327, %masked_sort3A_2313, %masked_sort3A_2302 : vector<16xi1>, vector<16xi32>
      %masked_sort3A_2330 = arith.constant dense<true> : vector<16xi1>
      %masked_sort3A_2331, %masked_sort3A_2332, %masked_sort3A_2333 = tpu.sort %select_n3A_2328, %select_n3A_2329 masked %masked_sort3A_2330 : (vector<16xf32>, vector<16xi32>, vector<16xi1>) -> (vector<16xi1>, vector<16xf32>, vector<16xi32>)
      %iota3A_2334 = tpu.iota {dimensions = array<i32: 0>} : vector<16xi32>
      %lt3A_2335 = arith.constant 8 : i32
      %lt3A_2336 = vector.broadcast %lt3A_2335 : i32 to vector<16xi32>
      %lt3A_2337 = arith.cmpi slt, %iota3A_2334, %lt3A_2336 : vector<16xi32>
      %select_n3A_2338 = arith.select %lt3A_2337, %masked_sort3A_2322, %masked_sort3A_2332 : vector<16xi1>, vector<16xf32>
      %select_n3A_2339 = arith.select %lt3A_2337, %masked_sort3A_2323, %masked_sort3A_2333 : vector<16xi1>, vector<16xi32>
      %masked_sort3A_2340 = arith.constant dense<true> : vector<16xi1>
      %masked_sort3A_2341, %masked_sort3A_2342, %masked_sort3A_2343 = tpu.sort %select_n3A_2338, %select_n3A_2339 masked %masked_sort3A_2340 {descending = true} : (vector<16xf32>, vector<16xi32>, vector<16xi1>) -> (vector<16xi1>, vector<16xf32>, vector<16xi32>)
      %exp3A_2344 = math.exp %masked_sort3A_2342 : vector<16xf32>
      %jit3A_2345 = arith.constant 0.000000e+00 : f32
      %broadcast_in_dim3A_2346 = vector.broadcast %jit3A_2345 : f32 to vector<16xf32>
      %select_n3A_2347 = arith.select %lt3A_1618, %exp3A_2344, %broadcast_in_dim3A_2346 : vector<16xi1>, vector<16xf32>
      %broadcast_in_dim3A_2348 = arith.constant true
      %broadcast_in_dim3A_2349 = vector.broadcast %broadcast_in_dim3A_2348 : i1 to vector<16xi1>
      %masked_cumsum3A_2350 = tpu.scan <sum>, %select_n3A_2347 masked %broadcast_in_dim3A_2349 : vector<16xf32>, vector<16xi1> -> vector<16xf32>
      %broadcast_in_dim3A_2351 = vector.shape_cast %broadcast_in_dim3A_1615 : vector<16xi32> to vector<16x1xi32>
      %gather3A_2352 = vector.shape_cast %broadcast_in_dim3A_2351 : vector<16x1xi32> to vector<16xi32>
      %gather3A_2353 = tpu.dynamic_gather %masked_cumsum3A_2350[%gather3A_2352] in [0] : vector<16xf32>, vector<16xi32> -> vector<16xf32>
      %div3A_2354 = arith.divf %select_n3A_2347, %gather3A_2353 : vector<16xf32>
      %swap3A_2355 = arith.constant 7 : i32
      %swap3A_2356 = arith.index_cast %swap3A_2355 : i32 to index
      %swap3A_2357 = arith.constant 0 : index
      %swap3A_2358 = tpu.vector_load %arg9[%swap3A_2356, %swap3A_2357] {strides = array<i32>} : memref<16x16xf32, #tpu.memory_space<vmem>>, vector<16xf32>,
      tpu.vector_store %arg9[%swap3A_2356, %swap3A_2357], %div3A_2354 {strides = array<i32>} : memref<16x16xf32, #tpu.memory_space<vmem>>, vector<16xf32>,
      %swap3A_2359 = arith.constant 7 : i32
      %swap3A_2360 = arith.index_cast %swap3A_2359 : i32 to index
      %swap3A_2361 = arith.constant 0 : index
      %swap3A_2362 = tpu.vector_load %arg10[%swap3A_2360, %swap3A_2361] {strides = array<i32>} : memref<16x16xi32, #tpu.memory_space<vmem>>, vector<16xi32>,
      tpu.vector_store %arg10[%swap3A_2360, %swap3A_2361], %masked_sort3A_2343 {strides = array<i32>} : memref<16x16xi32, #tpu.memory_space<vmem>>, vector<16xi32>,
      %get3A_2363 = arith.constant 8 : i32
      %get3A_2364 = arith.index_cast %get3A_2363 : i32 to index
      %get3A_2365 = arith.constant 0 : index
      %get3A_2366 = tpu.vector_load %arg6[%get3A_2364, %get3A_2365] {strides = array<i32>} : memref<16x64xf32, #tpu.memory_space<vmem>>, vector<16xf32>,
      %add3A_2367 = arith.constant 0 : i32
      %add3A_2368 = vector.broadcast %add3A_2367 : i32 to vector<16xi32>
      %add3A_2369 = arith.addi %iota3A_1613, %add3A_2368 : vector<16xi32>
      %masked_sort3A_2370 = arith.constant dense<true> : vector<16xi1>
      %masked_sort3A_2371, %masked_sort3A_2372, %masked_sort3A_2373 = tpu.sort %get3A_2366, %add3A_2369 masked %masked_sort3A_2370 {descending = true} : (vector<16xf32>, vector<16xi32>, vector<16xi1>) -> (vector<16xi1>, vector<16xf32>, vector<16xi32>)
      %get3A_2374 = arith.constant 8 : i32
      %get3A_2375 = arith.index_cast %get3A_2374 : i32 to index
      %get3A_2376 = arith.constant 16 : index
      %get3A_2377 = tpu.vector_load %arg6[%get3A_2375, %get3A_2376] {strides = array<i32>} : memref<16x64xf32, #tpu.memory_space<vmem>>, vector<16xf32>,
      %add3A_2378 = arith.constant 16 : i32
      %add3A_2379 = vector.broadcast %add3A_2378 : i32 to vector<16xi32>
      %add3A_2380 = arith.addi %iota3A_1613, %add3A_2379 : vector<16xi32>
      %masked_sort3A_2381 = arith.constant dense<true> : vector<16xi1>
      %masked_sort3A_2382, %masked_sort3A_2383, %masked_sort3A_2384 = tpu.sort %get3A_2377, %add3A_2380 masked %masked_sort3A_2381 : (vector<16xf32>, vector<16xi32>, vector<16xi1>) -> (vector<16xi1>, vector<16xf32>, vector<16xi32>)
      %get3A_2385 = arith.constant 8 : i32
      %get3A_2386 = arith.index_cast %get3A_2385 : i32 to index
      %get3A_2387 = arith.constant 32 : index
      %get3A_2388 = tpu.vector_load %arg6[%get3A_2386, %get3A_2387] {strides = array<i32>} : memref<16x64xf32, #tpu.memory_space<vmem>>, vector<16xf32>,
      %add3A_2389 = arith.constant 32 : i32
      %add3A_2390 = vector.broadcast %add3A_2389 : i32 to vector<16xi32>
      %add3A_2391 = arith.addi %iota3A_1613, %add3A_2390 : vector<16xi32>
      %masked_sort3A_2392 = arith.constant dense<true> : vector<16xi1>
      %masked_sort3A_2393, %masked_sort3A_2394, %masked_sort3A_2395 = tpu.sort %get3A_2388, %add3A_2391 masked %masked_sort3A_2392 : (vector<16xf32>, vector<16xi32>, vector<16xi1>) -> (vector<16xi1>, vector<16xf32>, vector<16xi32>)
      %get3A_2396 = arith.constant 8 : i32
      %get3A_2397 = arith.index_cast %get3A_2396 : i32 to index
      %get3A_2398 = arith.constant 48 : index
      %get3A_2399 = tpu.vector_load %arg6[%get3A_2397, %get3A_2398] {strides = array<i32>} : memref<16x64xf32, #tpu.memory_space<vmem>>, vector<16xf32>,
      %add3A_2400 = arith.constant 48 : i32
      %add3A_2401 = vector.broadcast %add3A_2400 : i32 to vector<16xi32>
      %add3A_2402 = arith.addi %iota3A_1613, %add3A_2401 : vector<16xi32>
      %masked_sort3A_2403 = arith.constant dense<true> : vector<16xi1>
      %masked_sort3A_2404, %masked_sort3A_2405, %masked_sort3A_2406 = tpu.sort %get3A_2399, %add3A_2402 masked %masked_sort3A_2403 {descending = true} : (vector<16xf32>, vector<16xi32>, vector<16xi1>) -> (vector<16xi1>, vector<16xf32>, vector<16xi32>)
      %iota3A_2407 = tpu.iota {dimensions = array<i32: 0>} : vector<16xi32>
      %lt3A_2408 = arith.constant 8 : i32
      %lt3A_2409 = vector.broadcast %lt3A_2408 : i32 to vector<16xi32>
      %lt3A_2410 = arith.cmpi slt, %iota3A_2407, %lt3A_2409 : vector<16xi32>
      %select_n3A_2411 = arith.select %lt3A_2410, %masked_sort3A_2372, %masked_sort3A_2383 : vector<16xi1>, vector<16xf32>
      %select_n3A_2412 = arith.select %lt3A_2410, %masked_sort3A_2373, %masked_sort3A_2384 : vector<16xi1>, vector<16xi32>
      %masked_sort3A_2413 = arith.constant dense<true> : vector<16xi1>
      %masked_sort3A_2414, %masked_sort3A_2415, %masked_sort3A_2416 = tpu.sort %select_n3A_2411, %select_n3A_2412 masked %masked_sort3A_2413 {descending = true} : (vector<16xf32>, vector<16xi32>, vector<16xi1>) -> (vector<16xi1>, vector<16xf32>, vector<16xi32>)
      %iota3A_2417 = tpu.iota {dimensions = array<i32: 0>} : vector<16xi32>
      %lt3A_2418 = arith.constant 8 : i32
      %lt3A_2419 = vector.broadcast %lt3A_2418 : i32 to vector<16xi32>
      %lt3A_2420 = arith.cmpi slt, %iota3A_2417, %lt3A_2419 : vector<16xi32>
      %select_n3A_2421 = arith.select %lt3A_2420, %masked_sort3A_2405, %masked_sort3A_2394 : vector<16xi1>, vector<16xf32>
      %select_n3A_2422 = arith.select %lt3A_2420, %masked_sort3A_2406, %masked_sort3A_2395 : vector<16xi1>, vector<16xi32>
      %masked_sort3A_2423 = arith.constant dense<true> : vector<16xi1>
      %masked_sort3A_2424, %masked_sort3A_2425, %masked_sort3A_2426 = tpu.sort %select_n3A_2421, %select_n3A_2422 masked %masked_sort3A_2423 : (vector<16xf32>, vector<16xi32>, vector<16xi1>) -> (vector<16xi1>, vector<16xf32>, vector<16xi32>)
      %iota3A_2427 = tpu.iota {dimensions = array<i32: 0>} : vector<16xi32>
      %lt3A_2428 = arith.constant 8 : i32
      %lt3A_2429 = vector.broadcast %lt3A_2428 : i32 to vector<16xi32>
      %lt3A_2430 = arith.cmpi slt, %iota3A_2427, %lt3A_2429 : vector<16xi32>
      %select_n3A_2431 = arith.select %lt3A_2430, %masked_sort3A_2415, %masked_sort3A_2425 : vector<16xi1>, vector<16xf32>
      %select_n3A_2432 = arith.select %lt3A_2430, %masked_sort3A_2416, %masked_sort3A_2426 : vector<16xi1>, vector<16xi32>
      %masked_sort3A_2433 = arith.constant dense<true> : vector<16xi1>
      %masked_sort3A_2434, %masked_sort3A_2435, %masked_sort3A_2436 = tpu.sort %select_n3A_2431, %select_n3A_2432 masked %masked_sort3A_2433 {descending = true} : (vector<16xf32>, vector<16xi32>, vector<16xi1>) -> (vector<16xi1>, vector<16xf32>, vector<16xi32>)
      %exp3A_2437 = math.exp %masked_sort3A_2435 : vector<16xf32>
      %jit3A_2438 = arith.constant 0.000000e+00 : f32
      %broadcast_in_dim3A_2439 = vector.broadcast %jit3A_2438 : f32 to vector<16xf32>
      %select_n3A_2440 = arith.select %lt3A_1618, %exp3A_2437, %broadcast_in_dim3A_2439 : vector<16xi1>, vector<16xf32>
      %broadcast_in_dim3A_2441 = arith.constant true
      %broadcast_in_dim3A_2442 = vector.broadcast %broadcast_in_dim3A_2441 : i1 to vector<16xi1>
      %masked_cumsum3A_2443 = tpu.scan <sum>, %select_n3A_2440 masked %broadcast_in_dim3A_2442 : vector<16xf32>, vector<16xi1> -> vector<16xf32>
      %broadcast_in_dim3A_2444 = vector.shape_cast %broadcast_in_dim3A_1615 : vector<16xi32> to vector<16x1xi32>
      %gather3A_2445 = vector.shape_cast %broadcast_in_dim3A_2444 : vector<16x1xi32> to vector<16xi32>
      %gather3A_2446 = tpu.dynamic_gather %masked_cumsum3A_2443[%gather3A_2445] in [0] : vector<16xf32>, vector<16xi32> -> vector<16xf32>
      %div3A_2447 = arith.divf %select_n3A_2440, %gather3A_2446 : vector<16xf32>
      %swap3A_2448 = arith.constant 8 : i32
      %swap3A_2449 = arith.index_cast %swap3A_2448 : i32 to index
      %swap3A_2450 = arith.constant 0 : index
      %swap3A_2451 = tpu.vector_load %arg9[%swap3A_2449, %swap3A_2450] {strides = array<i32>} : memref<16x16xf32, #tpu.memory_space<vmem>>, vector<16xf32>,
      tpu.vector_store %arg9[%swap3A_2449, %swap3A_2450], %div3A_2447 {strides = array<i32>} : memref<16x16xf32, #tpu.memory_space<vmem>>, vector<16xf32>,
      %swap3A_2452 = arith.constant 8 : i32
      %swap3A_2453 = arith.index_cast %swap3A_2452 : i32 to index
      %swap3A_2454 = arith.constant 0 : index
      %swap3A_2455 = tpu.vector_load %arg10[%swap3A_2453, %swap3A_2454] {strides = array<i32>} : memref<16x16xi32, #tpu.memory_space<vmem>>, vector<16xi32>,
      tpu.vector_store %arg10[%swap3A_2453, %swap3A_2454], %masked_sort3A_2436 {strides = array<i32>} : memref<16x16xi32, #tpu.memory_space<vmem>>, vector<16xi32>,
      %get3A_2456 = arith.constant 9 : i32
      %get3A_2457 = arith.index_cast %get3A_2456 : i32 to index
      %get3A_2458 = arith.constant 0 : index
      %get3A_2459 = tpu.vector_load %arg6[%get3A_2457, %get3A_2458] {strides = array<i32>} : memref<16x64xf32, #tpu.memory_space<vmem>>, vector<16xf32>,
      %add3A_2460 = arith.constant 0 : i32
      %add3A_2461 = vector.broadcast %add3A_2460 : i32 to vector<16xi32>
      %add3A_2462 = arith.addi %iota3A_1613, %add3A_2461 : vector<16xi32>
      %masked_sort3A_2463 = arith.constant dense<true> : vector<16xi1>
      %masked_sort3A_2464, %masked_sort3A_2465, %masked_sort3A_2466 = tpu.sort %get3A_2459, %add3A_2462 masked %masked_sort3A_2463 {descending = true} : (vector<16xf32>, vector<16xi32>, vector<16xi1>) -> (vector<16xi1>, vector<16xf32>, vector<16xi32>)
      %get3A_2467 = arith.constant 9 : i32
      %get3A_2468 = arith.index_cast %get3A_2467 : i32 to index
      %get3A_2469 = arith.constant 16 : index
      %get3A_2470 = tpu.vector_load %arg6[%get3A_2468, %get3A_2469] {strides = array<i32>} : memref<16x64xf32, #tpu.memory_space<vmem>>, vector<16xf32>,
      %add3A_2471 = arith.constant 16 : i32
      %add3A_2472 = vector.broadcast %add3A_2471 : i32 to vector<16xi32>
      %add3A_2473 = arith.addi %iota3A_1613, %add3A_2472 : vector<16xi32>
      %masked_sort3A_2474 = arith.constant dense<true> : vector<16xi1>
      %masked_sort3A_2475, %masked_sort3A_2476, %masked_sort3A_2477 = tpu.sort %get3A_2470, %add3A_2473 masked %masked_sort3A_2474 : (vector<16xf32>, vector<16xi32>, vector<16xi1>) -> (vector<16xi1>, vector<16xf32>, vector<16xi32>)
      %get3A_2478 = arith.constant 9 : i32
      %get3A_2479 = arith.index_cast %get3A_2478 : i32 to index
      %get3A_2480 = arith.constant 32 : index
      %get3A_2481 = tpu.vector_load %arg6[%get3A_2479, %get3A_2480] {strides = array<i32>} : memref<16x64xf32, #tpu.memory_space<vmem>>, vector<16xf32>,
      %add3A_2482 = arith.constant 32 : i32
      %add3A_2483 = vector.broadcast %add3A_2482 : i32 to vector<16xi32>
      %add3A_2484 = arith.addi %iota3A_1613, %add3A_2483 : vector<16xi32>
      %masked_sort3A_2485 = arith.constant dense<true> : vector<16xi1>
      %masked_sort3A_2486, %masked_sort3A_2487, %masked_sort3A_2488 = tpu.sort %get3A_2481, %add3A_2484 masked %masked_sort3A_2485 : (vector<16xf32>, vector<16xi32>, vector<16xi1>) -> (vector<16xi1>, vector<16xf32>, vector<16xi32>)
      %get3A_2489 = arith.constant 9 : i32
      %get3A_2490 = arith.index_cast %get3A_2489 : i32 to index
      %get3A_2491 = arith.constant 48 : index
      %get3A_2492 = tpu.vector_load %arg6[%get3A_2490, %get3A_2491] {strides = array<i32>} : memref<16x64xf32, #tpu.memory_space<vmem>>, vector<16xf32>,
      %add3A_2493 = arith.constant 48 : i32
      %add3A_2494 = vector.broadcast %add3A_2493 : i32 to vector<16xi32>
      %add3A_2495 = arith.addi %iota3A_1613, %add3A_2494 : vector<16xi32>
      %masked_sort3A_2496 = arith.constant dense<true> : vector<16xi1>
      %masked_sort3A_2497, %masked_sort3A_2498, %masked_sort3A_2499 = tpu.sort %get3A_2492, %add3A_2495 masked %masked_sort3A_2496 {descending = true} : (vector<16xf32>, vector<16xi32>, vector<16xi1>) -> (vector<16xi1>, vector<16xf32>, vector<16xi32>)
      %iota3A_2500 = tpu.iota {dimensions = array<i32: 0>} : vector<16xi32>
      %lt3A_2501 = arith.constant 8 : i32
      %lt3A_2502 = vector.broadcast %lt3A_2501 : i32 to vector<16xi32>
      %lt3A_2503 = arith.cmpi slt, %iota3A_2500, %lt3A_2502 : vector<16xi32>
      %select_n3A_2504 = arith.select %lt3A_2503, %masked_sort3A_2465, %masked_sort3A_2476 : vector<16xi1>, vector<16xf32>
      %select_n3A_2505 = arith.select %lt3A_2503, %masked_sort3A_2466, %masked_sort3A_2477 : vector<16xi1>, vector<16xi32>
      %masked_sort3A_2506 = arith.constant dense<true> : vector<16xi1>
      %masked_sort3A_2507, %masked_sort3A_2508, %masked_sort3A_2509 = tpu.sort %select_n3A_2504, %select_n3A_2505 masked %masked_sort3A_2506 {descending = true} : (vector<16xf32>, vector<16xi32>, vector<16xi1>) -> (vector<16xi1>, vector<16xf32>, vector<16xi32>)
      %iota3A_2510 = tpu.iota {dimensions = array<i32: 0>} : vector<16xi32>
      %lt3A_2511 = arith.constant 8 : i32
      %lt3A_2512 = vector.broadcast %lt3A_2511 : i32 to vector<16xi32>
      %lt3A_2513 = arith.cmpi slt, %iota3A_2510, %lt3A_2512 : vector<16xi32>
      %select_n3A_2514 = arith.select %lt3A_2513, %masked_sort3A_2498, %masked_sort3A_2487 : vector<16xi1>, vector<16xf32>
      %select_n3A_2515 = arith.select %lt3A_2513, %masked_sort3A_2499, %masked_sort3A_2488 : vector<16xi1>, vector<16xi32>
      %masked_sort3A_2516 = arith.constant dense<true> : vector<16xi1>
      %masked_sort3A_2517, %masked_sort3A_2518, %masked_sort3A_2519 = tpu.sort %select_n3A_2514, %select_n3A_2515 masked %masked_sort3A_2516 : (vector<16xf32>, vector<16xi32>, vector<16xi1>) -> (vector<16xi1>, vector<16xf32>, vector<16xi32>)
      %iota3A_2520 = tpu.iota {dimensions = array<i32: 0>} : vector<16xi32>
      %lt3A_2521 = arith.constant 8 : i32
      %lt3A_2522 = vector.broadcast %lt3A_2521 : i32 to vector<16xi32>
      %lt3A_2523 = arith.cmpi slt, %iota3A_2520, %lt3A_2522 : vector<16xi32>
      %select_n3A_2524 = arith.select %lt3A_2523, %masked_sort3A_2508, %masked_sort3A_2518 : vector<16xi1>, vector<16xf32>
      %select_n3A_2525 = arith.select %lt3A_2523, %masked_sort3A_2509, %masked_sort3A_2519 : vector<16xi1>, vector<16xi32>
      %masked_sort3A_2526 = arith.constant dense<true> : vector<16xi1>
      %masked_sort3A_2527, %masked_sort3A_2528, %masked_sort3A_2529 = tpu.sort %select_n3A_2524, %select_n3A_2525 masked %masked_sort3A_2526 {descending = true} : (vector<16xf32>, vector<16xi32>, vector<16xi1>) -> (vector<16xi1>, vector<16xf32>, vector<16xi32>)
      %exp3A_2530 = math.exp %masked_sort3A_2528 : vector<16xf32>
      %jit3A_2531 = arith.constant 0.000000e+00 : f32
      %broadcast_in_dim3A_2532 = vector.broadcast %jit3A_2531 : f32 to vector<16xf32>
      %select_n3A_2533 = arith.select %lt3A_1618, %exp3A_2530, %broadcast_in_dim3A_2532 : vector<16xi1>, vector<16xf32>
      %broadcast_in_dim3A_2534 = arith.constant true
      %broadcast_in_dim3A_2535 = vector.broadcast %broadcast_in_dim3A_2534 : i1 to vector<16xi1>
      %masked_cumsum3A_2536 = tpu.scan <sum>, %select_n3A_2533 masked %broadcast_in_dim3A_2535 : vector<16xf32>, vector<16xi1> -> vector<16xf32>
      %broadcast_in_dim3A_2537 = vector.shape_cast %broadcast_in_dim3A_1615 : vector<16xi32> to vector<16x1xi32>
      %gather3A_2538 = vector.shape_cast %broadcast_in_dim3A_2537 : vector<16x1xi32> to vector<16xi32>
      %gather3A_2539 = tpu.dynamic_gather %masked_cumsum3A_2536[%gather3A_2538] in [0] : vector<16xf32>, vector<16xi32> -> vector<16xf32>
      %div3A_2540 = arith.divf %select_n3A_2533, %gather3A_2539 : vector<16xf32>
      %swap3A_2541 = arith.constant 9 : i32
      %swap3A_2542 = arith.index_cast %swap3A_2541 : i32 to index
      %swap3A_2543 = arith.constant 0 : index
      %swap3A_2544 = tpu.vector_load %arg9[%swap3A_2542, %swap3A_2543] {strides = array<i32>} : memref<16x16xf32, #tpu.memory_space<vmem>>, vector<16xf32>,
      tpu.vector_store %arg9[%swap3A_2542, %swap3A_2543], %div3A_2540 {strides = array<i32>} : memref<16x16xf32, #tpu.memory_space<vmem>>, vector<16xf32>,
      %swap3A_2545 = arith.constant 9 : i32
      %swap3A_2546 = arith.index_cast %swap3A_2545 : i32 to index
      %swap3A_2547 = arith.constant 0 : index
      %swap3A_2548 = tpu.vector_load %arg10[%swap3A_2546, %swap3A_2547] {strides = array<i32>} : memref<16x16xi32, #tpu.memory_space<vmem>>, vector<16xi32>,
      tpu.vector_store %arg10[%swap3A_2546, %swap3A_2547], %masked_sort3A_2529 {strides = array<i32>} : memref<16x16xi32, #tpu.memory_space<vmem>>, vector<16xi32>,
      %get3A_2549 = arith.constant 10 : i32
      %get3A_2550 = arith.index_cast %get3A_2549 : i32 to index
      %get3A_2551 = arith.constant 0 : index
      %get3A_2552 = tpu.vector_load %arg6[%get3A_2550, %get3A_2551] {strides = array<i32>} : memref<16x64xf32, #tpu.memory_space<vmem>>, vector<16xf32>,
      %add3A_2553 = arith.constant 0 : i32
      %add3A_2554 = vector.broadcast %add3A_2553 : i32 to vector<16xi32>
      %add3A_2555 = arith.addi %iota3A_1613, %add3A_2554 : vector<16xi32>
      %masked_sort3A_2556 = arith.constant dense<true> : vector<16xi1>
      %masked_sort3A_2557, %masked_sort3A_2558, %masked_sort3A_2559 = tpu.sort %get3A_2552, %add3A_2555 masked %masked_sort3A_2556 {descending = true} : (vector<16xf32>, vector<16xi32>, vector<16xi1>) -> (vector<16xi1>, vector<16xf32>, vector<16xi32>)
      %get3A_2560 = arith.constant 10 : i32
      %get3A_2561 = arith.index_cast %get3A_2560 : i32 to index
      %get3A_2562 = arith.constant 16 : index
      %get3A_2563 = tpu.vector_load %arg6[%get3A_2561, %get3A_2562] {strides = array<i32>} : memref<16x64xf32, #tpu.memory_space<vmem>>, vector<16xf32>,
      %add3A_2564 = arith.constant 16 : i32
      %add3A_2565 = vector.broadcast %add3A_2564 : i32 to vector<16xi32>
      %add3A_2566 = arith.addi %iota3A_1613, %add3A_2565 : vector<16xi32>
      %masked_sort3A_2567 = arith.constant dense<true> : vector<16xi1>
      %masked_sort3A_2568, %masked_sort3A_2569, %masked_sort3A_2570 = tpu.sort %get3A_2563, %add3A_2566 masked %masked_sort3A_2567 : (vector<16xf32>, vector<16xi32>, vector<16xi1>) -> (vector<16xi1>, vector<16xf32>, vector<16xi32>)
      %get3A_2571 = arith.constant 10 : i32
      %get3A_2572 = arith.index_cast %get3A_2571 : i32 to index
      %get3A_2573 = arith.constant 32 : index
      %get3A_2574 = tpu.vector_load %arg6[%get3A_2572, %get3A_2573] {strides = array<i32>} : memref<16x64xf32, #tpu.memory_space<vmem>>, vector<16xf32>,
      %add3A_2575 = arith.constant 32 : i32
      %add3A_2576 = vector.broadcast %add3A_2575 : i32 to vector<16xi32>
      %add3A_2577 = arith.addi %iota3A_1613, %add3A_2576 : vector<16xi32>
      %masked_sort3A_2578 = arith.constant dense<true> : vector<16xi1>
      %masked_sort3A_2579, %masked_sort3A_2580, %masked_sort3A_2581 = tpu.sort %get3A_2574, %add3A_2577 masked %masked_sort3A_2578 : (vector<16xf32>, vector<16xi32>, vector<16xi1>) -> (vector<16xi1>, vector<16xf32>, vector<16xi32>)
      %get3A_2582 = arith.constant 10 : i32
      %get3A_2583 = arith.index_cast %get3A_2582 : i32 to index
      %get3A_2584 = arith.constant 48 : index
      %get3A_2585 = tpu.vector_load %arg6[%get3A_2583, %get3A_2584] {strides = array<i32>} : memref<16x64xf32, #tpu.memory_space<vmem>>, vector<16xf32>,
      %add3A_2586 = arith.constant 48 : i32
      %add3A_2587 = vector.broadcast %add3A_2586 : i32 to vector<16xi32>
      %add3A_2588 = arith.addi %iota3A_1613, %add3A_2587 : vector<16xi32>
      %masked_sort3A_2589 = arith.constant dense<true> : vector<16xi1>
      %masked_sort3A_2590, %masked_sort3A_2591, %masked_sort3A_2592 = tpu.sort %get3A_2585, %add3A_2588 masked %masked_sort3A_2589 {descending = true} : (vector<16xf32>, vector<16xi32>, vector<16xi1>) -> (vector<16xi1>, vector<16xf32>, vector<16xi32>)
      %iota3A_2593 = tpu.iota {dimensions = array<i32: 0>} : vector<16xi32>
      %lt3A_2594 = arith.constant 8 : i32
      %lt3A_2595 = vector.broadcast %lt3A_2594 : i32 to vector<16xi32>
      %lt3A_2596 = arith.cmpi slt, %iota3A_2593, %lt3A_2595 : vector<16xi32>
      %select_n3A_2597 = arith.select %lt3A_2596, %masked_sort3A_2558, %masked_sort3A_2569 : vector<16xi1>, vector<16xf32>
      %select_n3A_2598 = arith.select %lt3A_2596, %masked_sort3A_2559, %masked_sort3A_2570 : vector<16xi1>, vector<16xi32>
      %masked_sort3A_2599 = arith.constant dense<true> : vector<16xi1>
      %masked_sort3A_2600, %masked_sort3A_2601, %masked_sort3A_2602 = tpu.sort %select_n3A_2597, %select_n3A_2598 masked %masked_sort3A_2599 {descending = true} : (vector<16xf32>, vector<16xi32>, vector<16xi1>) -> (vector<16xi1>, vector<16xf32>, vector<16xi32>)
      %iota3A_2603 = tpu.iota {dimensions = array<i32: 0>} : vector<16xi32>
      %lt3A_2604 = arith.constant 8 : i32
      %lt3A_2605 = vector.broadcast %lt3A_2604 : i32 to vector<16xi32>
      %lt3A_2606 = arith.cmpi slt, %iota3A_2603, %lt3A_2605 : vector<16xi32>
      %select_n3A_2607 = arith.select %lt3A_2606, %masked_sort3A_2591, %masked_sort3A_2580 : vector<16xi1>, vector<16xf32>
      %select_n3A_2608 = arith.select %lt3A_2606, %masked_sort3A_2592, %masked_sort3A_2581 : vector<16xi1>, vector<16xi32>
      %masked_sort3A_2609 = arith.constant dense<true> : vector<16xi1>
      %masked_sort3A_2610, %masked_sort3A_2611, %masked_sort3A_2612 = tpu.sort %select_n3A_2607, %select_n3A_2608 masked %masked_sort3A_2609 : (vector<16xf32>, vector<16xi32>, vector<16xi1>) -> (vector<16xi1>, vector<16xf32>, vector<16xi32>)
      %iota3A_2613 = tpu.iota {dimensions = array<i32: 0>} : vector<16xi32>
      %lt3A_2614 = arith.constant 8 : i32
      %lt3A_2615 = vector.broadcast %lt3A_2614 : i32 to vector<16xi32>
      %lt3A_2616 = arith.cmpi slt, %iota3A_2613, %lt3A_2615 : vector<16xi32>
      %select_n3A_2617 = arith.select %lt3A_2616, %masked_sort3A_2601, %masked_sort3A_2611 : vector<16xi1>, vector<16xf32>
      %select_n3A_2618 = arith.select %lt3A_2616, %masked_sort3A_2602, %masked_sort3A_2612 : vector<16xi1>, vector<16xi32>
      %masked_sort3A_2619 = arith.constant dense<true> : vector<16xi1>
      %masked_sort3A_2620, %masked_sort3A_2621, %masked_sort3A_2622 = tpu.sort %select_n3A_2617, %select_n3A_2618 masked %masked_sort3A_2619 {descending = true} : (vector<16xf32>, vector<16xi32>, vector<16xi1>) -> (vector<16xi1>, vector<16xf32>, vector<16xi32>)
      %exp3A_2623 = math.exp %masked_sort3A_2621 : vector<16xf32>
      %jit3A_2624 = arith.constant 0.000000e+00 : f32
      %broadcast_in_dim3A_2625 = vector.broadcast %jit3A_2624 : f32 to vector<16xf32>
      %select_n3A_2626 = arith.select %lt3A_1618, %exp3A_2623, %broadcast_in_dim3A_2625 : vector<16xi1>, vector<16xf32>
      %broadcast_in_dim3A_2627 = arith.constant true
      %broadcast_in_dim3A_2628 = vector.broadcast %broadcast_in_dim3A_2627 : i1 to vector<16xi1>
      %masked_cumsum3A_2629 = tpu.scan <sum>, %select_n3A_2626 masked %broadcast_in_dim3A_2628 : vector<16xf32>, vector<16xi1> -> vector<16xf32>
      %broadcast_in_dim3A_2630 = vector.shape_cast %broadcast_in_dim3A_1615 : vector<16xi32> to vector<16x1xi32>
      %gather3A_2631 = vector.shape_cast %broadcast_in_dim3A_2630 : vector<16x1xi32> to vector<16xi32>
      %gather3A_2632 = tpu.dynamic_gather %masked_cumsum3A_2629[%gather3A_2631] in [0] : vector<16xf32>, vector<16xi32> -> vector<16xf32>
      %div3A_2633 = arith.divf %select_n3A_2626, %gather3A_2632 : vector<16xf32>
      %swap3A_2634 = arith.constant 10 : i32
      %swap3A_2635 = arith.index_cast %swap3A_2634 : i32 to index
      %swap3A_2636 = arith.constant 0 : index
      %swap3A_2637 = tpu.vector_load %arg9[%swap3A_2635, %swap3A_2636] {strides = array<i32>} : memref<16x16xf32, #tpu.memory_space<vmem>>, vector<16xf32>,
      tpu.vector_store %arg9[%swap3A_2635, %swap3A_2636], %div3A_2633 {strides = array<i32>} : memref<16x16xf32, #tpu.memory_space<vmem>>, vector<16xf32>,
      %swap3A_2638 = arith.constant 10 : i32
      %swap3A_2639 = arith.index_cast %swap3A_2638 : i32 to index
      %swap3A_2640 = arith.constant 0 : index
      %swap3A_2641 = tpu.vector_load %arg10[%swap3A_2639, %swap3A_2640] {strides = array<i32>} : memref<16x16xi32, #tpu.memory_space<vmem>>, vector<16xi32>,
      tpu.vector_store %arg10[%swap3A_2639, %swap3A_2640], %masked_sort3A_2622 {strides = array<i32>} : memref<16x16xi32, #tpu.memory_space<vmem>>, vector<16xi32>,
      %get3A_2642 = arith.constant 11 : i32
      %get3A_2643 = arith.index_cast %get3A_2642 : i32 to index
      %get3A_2644 = arith.constant 0 : index
      %get3A_2645 = tpu.vector_load %arg6[%get3A_2643, %get3A_2644] {strides = array<i32>} : memref<16x64xf32, #tpu.memory_space<vmem>>, vector<16xf32>,
      %add3A_2646 = arith.constant 0 : i32
      %add3A_2647 = vector.broadcast %add3A_2646 : i32 to vector<16xi32>
      %add3A_2648 = arith.addi %iota3A_1613, %add3A_2647 : vector<16xi32>
      %masked_sort3A_2649 = arith.constant dense<true> : vector<16xi1>
      %masked_sort3A_2650, %masked_sort3A_2651, %masked_sort3A_2652 = tpu.sort %get3A_2645, %add3A_2648 masked %masked_sort3A_2649 {descending = true} : (vector<16xf32>, vector<16xi32>, vector<16xi1>) -> (vector<16xi1>, vector<16xf32>, vector<16xi32>)
      %get3A_2653 = arith.constant 11 : i32
      %get3A_2654 = arith.index_cast %get3A_2653 : i32 to index
      %get3A_2655 = arith.constant 16 : index
      %get3A_2656 = tpu.vector_load %arg6[%get3A_2654, %get3A_2655] {strides = array<i32>} : memref<16x64xf32, #tpu.memory_space<vmem>>, vector<16xf32>,
      %add3A_2657 = arith.constant 16 : i32
      %add3A_2658 = vector.broadcast %add3A_2657 : i32 to vector<16xi32>
      %add3A_2659 = arith.addi %iota3A_1613, %add3A_2658 : vector<16xi32>
      %masked_sort3A_2660 = arith.constant dense<true> : vector<16xi1>
      %masked_sort3A_2661, %masked_sort3A_2662, %masked_sort3A_2663 = tpu.sort %get3A_2656, %add3A_2659 masked %masked_sort3A_2660 : (vector<16xf32>, vector<16xi32>, vector<16xi1>) -> (vector<16xi1>, vector<16xf32>, vector<16xi32>)
      %get3A_2664 = arith.constant 11 : i32
      %get3A_2665 = arith.index_cast %get3A_2664 : i32 to index
      %get3A_2666 = arith.constant 32 : index
      %get3A_2667 = tpu.vector_load %arg6[%get3A_2665, %get3A_2666] {strides = array<i32>} : memref<16x64xf32, #tpu.memory_space<vmem>>, vector<16xf32>,
      %add3A_2668 = arith.constant 32 : i32
      %add3A_2669 = vector.broadcast %add3A_2668 : i32 to vector<16xi32>
      %add3A_2670 = arith.addi %iota3A_1613, %add3A_2669 : vector<16xi32>
      %masked_sort3A_2671 = arith.constant dense<true> : vector<16xi1>
      %masked_sort3A_2672, %masked_sort3A_2673, %masked_sort3A_2674 = tpu.sort %get3A_2667, %add3A_2670 masked %masked_sort3A_2671 : (vector<16xf32>, vector<16xi32>, vector<16xi1>) -> (vector<16xi1>, vector<16xf32>, vector<16xi32>)
      %get3A_2675 = arith.constant 11 : i32
      %get3A_2676 = arith.index_cast %get3A_2675 : i32 to index
      %get3A_2677 = arith.constant 48 : index
      %get3A_2678 = tpu.vector_load %arg6[%get3A_2676, %get3A_2677] {strides = array<i32>} : memref<16x64xf32, #tpu.memory_space<vmem>>, vector<16xf32>,
      %add3A_2679 = arith.constant 48 : i32
      %add3A_2680 = vector.broadcast %add3A_2679 : i32 to vector<16xi32>
      %add3A_2681 = arith.addi %iota3A_1613, %add3A_2680 : vector<16xi32>
      %masked_sort3A_2682 = arith.constant dense<true> : vector<16xi1>
      %masked_sort3A_2683, %masked_sort3A_2684, %masked_sort3A_2685 = tpu.sort %get3A_2678, %add3A_2681 masked %masked_sort3A_2682 {descending = true} : (vector<16xf32>, vector<16xi32>, vector<16xi1>) -> (vector<16xi1>, vector<16xf32>, vector<16xi32>)
      %iota3A_2686 = tpu.iota {dimensions = array<i32: 0>} : vector<16xi32>
      %lt3A_2687 = arith.constant 8 : i32
      %lt3A_2688 = vector.broadcast %lt3A_2687 : i32 to vector<16xi32>
      %lt3A_2689 = arith.cmpi slt, %iota3A_2686, %lt3A_2688 : vector<16xi32>
      %select_n3A_2690 = arith.select %lt3A_2689, %masked_sort3A_2651, %masked_sort3A_2662 : vector<16xi1>, vector<16xf32>
      %select_n3A_2691 = arith.select %lt3A_2689, %masked_sort3A_2652, %masked_sort3A_2663 : vector<16xi1>, vector<16xi32>
      %masked_sort3A_2692 = arith.constant dense<true> : vector<16xi1>
      %masked_sort3A_2693, %masked_sort3A_2694, %masked_sort3A_2695 = tpu.sort %select_n3A_2690, %select_n3A_2691 masked %masked_sort3A_2692 {descending = true} : (vector<16xf32>, vector<16xi32>, vector<16xi1>) -> (vector<16xi1>, vector<16xf32>, vector<16xi32>)
      %iota3A_2696 = tpu.iota {dimensions = array<i32: 0>} : vector<16xi32>
      %lt3A_2697 = arith.constant 8 : i32
      %lt3A_2698 = vector.broadcast %lt3A_2697 : i32 to vector<16xi32>
      %lt3A_2699 = arith.cmpi slt, %iota3A_2696, %lt3A_2698 : vector<16xi32>
      %select_n3A_2700 = arith.select %lt3A_2699, %masked_sort3A_2684, %masked_sort3A_2673 : vector<16xi1>, vector<16xf32>
      %select_n3A_2701 = arith.select %lt3A_2699, %masked_sort3A_2685, %masked_sort3A_2674 : vector<16xi1>, vector<16xi32>
      %masked_sort3A_2702 = arith.constant dense<true> : vector<16xi1>
      %masked_sort3A_2703, %masked_sort3A_2704, %masked_sort3A_2705 = tpu.sort %select_n3A_2700, %select_n3A_2701 masked %masked_sort3A_2702 : (vector<16xf32>, vector<16xi32>, vector<16xi1>) -> (vector<16xi1>, vector<16xf32>, vector<16xi32>)
      %iota3A_2706 = tpu.iota {dimensions = array<i32: 0>} : vector<16xi32>
      %lt3A_2707 = arith.constant 8 : i32
      %lt3A_2708 = vector.broadcast %lt3A_2707 : i32 to vector<16xi32>
      %lt3A_2709 = arith.cmpi slt, %iota3A_2706, %lt3A_2708 : vector<16xi32>
      %select_n3A_2710 = arith.select %lt3A_2709, %masked_sort3A_2694, %masked_sort3A_2704 : vector<16xi1>, vector<16xf32>
      %select_n3A_2711 = arith.select %lt3A_2709, %masked_sort3A_2695, %masked_sort3A_2705 : vector<16xi1>, vector<16xi32>
      %masked_sort3A_2712 = arith.constant dense<true> : vector<16xi1>
      %masked_sort3A_2713, %masked_sort3A_2714, %masked_sort3A_2715 = tpu.sort %select_n3A_2710, %select_n3A_2711 masked %masked_sort3A_2712 {descending = true} : (vector<16xf32>, vector<16xi32>, vector<16xi1>) -> (vector<16xi1>, vector<16xf32>, vector<16xi32>)
      %exp3A_2716 = math.exp %masked_sort3A_2714 : vector<16xf32>
      %jit3A_2717 = arith.constant 0.000000e+00 : f32
      %broadcast_in_dim3A_2718 = vector.broadcast %jit3A_2717 : f32 to vector<16xf32>
      %select_n3A_2719 = arith.select %lt3A_1618, %exp3A_2716, %broadcast_in_dim3A_2718 : vector<16xi1>, vector<16xf32>
      %broadcast_in_dim3A_2720 = arith.constant true
      %broadcast_in_dim3A_2721 = vector.broadcast %broadcast_in_dim3A_2720 : i1 to vector<16xi1>
      %masked_cumsum3A_2722 = tpu.scan <sum>, %select_n3A_2719 masked %broadcast_in_dim3A_2721 : vector<16xf32>, vector<16xi1> -> vector<16xf32>
      %broadcast_in_dim3A_2723 = vector.shape_cast %broadcast_in_dim3A_1615 : vector<16xi32> to vector<16x1xi32>
      %gather3A_2724 = vector.shape_cast %broadcast_in_dim3A_2723 : vector<16x1xi32> to vector<16xi32>
      %gather3A_2725 = tpu.dynamic_gather %masked_cumsum3A_2722[%gather3A_2724] in [0] : vector<16xf32>, vector<16xi32> -> vector<16xf32>
      %div3A_2726 = arith.divf %select_n3A_2719, %gather3A_2725 : vector<16xf32>
      %swap3A_2727 = arith.constant 11 : i32
      %swap3A_2728 = arith.index_cast %swap3A_2727 : i32 to index
      %swap3A_2729 = arith.constant 0 : index
      %swap3A_2730 = tpu.vector_load %arg9[%swap3A_2728, %swap3A_2729] {strides = array<i32>} : memref<16x16xf32, #tpu.memory_space<vmem>>, vector<16xf32>,
      tpu.vector_store %arg9[%swap3A_2728, %swap3A_2729], %div3A_2726 {strides = array<i32>} : memref<16x16xf32, #tpu.memory_space<vmem>>, vector<16xf32>,
      %swap3A_2731 = arith.constant 11 : i32
      %swap3A_2732 = arith.index_cast %swap3A_2731 : i32 to index
      %swap3A_2733 = arith.constant 0 : index
      %swap3A_2734 = tpu.vector_load %arg10[%swap3A_2732, %swap3A_2733] {strides = array<i32>} : memref<16x16xi32, #tpu.memory_space<vmem>>, vector<16xi32>,
      tpu.vector_store %arg10[%swap3A_2732, %swap3A_2733], %masked_sort3A_2715 {strides = array<i32>} : memref<16x16xi32, #tpu.memory_space<vmem>>, vector<16xi32>,
      %get3A_2735 = arith.constant 12 : i32
      %get3A_2736 = arith.index_cast %get3A_2735 : i32 to index
      %get3A_2737 = arith.constant 0 : index
      %get3A_2738 = tpu.vector_load %arg6[%get3A_2736, %get3A_2737] {strides = array<i32>} : memref<16x64xf32, #tpu.memory_space<vmem>>, vector<16xf32>,
      %add3A_2739 = arith.constant 0 : i32
      %add3A_2740 = vector.broadcast %add3A_2739 : i32 to vector<16xi32>
      %add3A_2741 = arith.addi %iota3A_1613, %add3A_2740 : vector<16xi32>
      %masked_sort3A_2742 = arith.constant dense<true> : vector<16xi1>
      %masked_sort3A_2743, %masked_sort3A_2744, %masked_sort3A_2745 = tpu.sort %get3A_2738, %add3A_2741 masked %masked_sort3A_2742 {descending = true} : (vector<16xf32>, vector<16xi32>, vector<16xi1>) -> (vector<16xi1>, vector<16xf32>, vector<16xi32>)
      %get3A_2746 = arith.constant 12 : i32
      %get3A_2747 = arith.index_cast %get3A_2746 : i32 to index
      %get3A_2748 = arith.constant 16 : index
      %get3A_2749 = tpu.vector_load %arg6[%get3A_2747, %get3A_2748] {strides = array<i32>} : memref<16x64xf32, #tpu.memory_space<vmem>>, vector<16xf32>,
      %add3A_2750 = arith.constant 16 : i32
      %add3A_2751 = vector.broadcast %add3A_2750 : i32 to vector<16xi32>
      %add3A_2752 = arith.addi %iota3A_1613, %add3A_2751 : vector<16xi32>
      %masked_sort3A_2753 = arith.constant dense<true> : vector<16xi1>
      %masked_sort3A_2754, %masked_sort3A_2755, %masked_sort3A_2756 = tpu.sort %get3A_2749, %add3A_2752 masked %masked_sort3A_2753 : (vector<16xf32>, vector<16xi32>, vector<16xi1>) -> (vector<16xi1>, vector<16xf32>, vector<16xi32>)
      %get3A_2757 = arith.constant 12 : i32
      %get3A_2758 = arith.index_cast %get3A_2757 : i32 to index
      %get3A_2759 = arith.constant 32 : index
      %get3A_2760 = tpu.vector_load %arg6[%get3A_2758, %get3A_2759] {strides = array<i32>} : memref<16x64xf32, #tpu.memory_space<vmem>>, vector<16xf32>,
      %add3A_2761 = arith.constant 32 : i32
      %add3A_2762 = vector.broadcast %add3A_2761 : i32 to vector<16xi32>
      %add3A_2763 = arith.addi %iota3A_1613, %add3A_2762 : vector<16xi32>
      %masked_sort3A_2764 = arith.constant dense<true> : vector<16xi1>
      %masked_sort3A_2765, %masked_sort3A_2766, %masked_sort3A_2767 = tpu.sort %get3A_2760, %add3A_2763 masked %masked_sort3A_2764 : (vector<16xf32>, vector<16xi32>, vector<16xi1>) -> (vector<16xi1>, vector<16xf32>, vector<16xi32>)
      %get3A_2768 = arith.constant 12 : i32
      %get3A_2769 = arith.index_cast %get3A_2768 : i32 to index
      %get3A_2770 = arith.constant 48 : index
      %get3A_2771 = tpu.vector_load %arg6[%get3A_2769, %get3A_2770] {strides = array<i32>} : memref<16x64xf32, #tpu.memory_space<vmem>>, vector<16xf32>,
      %add3A_2772 = arith.constant 48 : i32
      %add3A_2773 = vector.broadcast %add3A_2772 : i32 to vector<16xi32>
      %add3A_2774 = arith.addi %iota3A_1613, %add3A_2773 : vector<16xi32>
      %masked_sort3A_2775 = arith.constant dense<true> : vector<16xi1>
      %masked_sort3A_2776, %masked_sort3A_2777, %masked_sort3A_2778 = tpu.sort %get3A_2771, %add3A_2774 masked %masked_sort3A_2775 {descending = true} : (vector<16xf32>, vector<16xi32>, vector<16xi1>) -> (vector<16xi1>, vector<16xf32>, vector<16xi32>)
      %iota3A_2779 = tpu.iota {dimensions = array<i32: 0>} : vector<16xi32>
      %lt3A_2780 = arith.constant 8 : i32
      %lt3A_2781 = vector.broadcast %lt3A_2780 : i32 to vector<16xi32>
      %lt3A_2782 = arith.cmpi slt, %iota3A_2779, %lt3A_2781 : vector<16xi32>
      %select_n3A_2783 = arith.select %lt3A_2782, %masked_sort3A_2744, %masked_sort3A_2755 : vector<16xi1>, vector<16xf32>
      %select_n3A_2784 = arith.select %lt3A_2782, %masked_sort3A_2745, %masked_sort3A_2756 : vector<16xi1>, vector<16xi32>
      %masked_sort3A_2785 = arith.constant dense<true> : vector<16xi1>
      %masked_sort3A_2786, %masked_sort3A_2787, %masked_sort3A_2788 = tpu.sort %select_n3A_2783, %select_n3A_2784 masked %masked_sort3A_2785 {descending = true} : (vector<16xf32>, vector<16xi32>, vector<16xi1>) -> (vector<16xi1>, vector<16xf32>, vector<16xi32>)
      %iota3A_2789 = tpu.iota {dimensions = array<i32: 0>} : vector<16xi32>
      %lt3A_2790 = arith.constant 8 : i32
      %lt3A_2791 = vector.broadcast %lt3A_2790 : i32 to vector<16xi32>
      %lt3A_2792 = arith.cmpi slt, %iota3A_2789, %lt3A_2791 : vector<16xi32>
      %select_n3A_2793 = arith.select %lt3A_2792, %masked_sort3A_2777, %masked_sort3A_2766 : vector<16xi1>, vector<16xf32>
      %select_n3A_2794 = arith.select %lt3A_2792, %masked_sort3A_2778, %masked_sort3A_2767 : vector<16xi1>, vector<16xi32>
      %masked_sort3A_2795 = arith.constant dense<true> : vector<16xi1>
      %masked_sort3A_2796, %masked_sort3A_2797, %masked_sort3A_2798 = tpu.sort %select_n3A_2793, %select_n3A_2794 masked %masked_sort3A_2795 : (vector<16xf32>, vector<16xi32>, vector<16xi1>) -> (vector<16xi1>, vector<16xf32>, vector<16xi32>)
      %iota3A_2799 = tpu.iota {dimensions = array<i32: 0>} : vector<16xi32>
      %lt3A_2800 = arith.constant 8 : i32
      %lt3A_2801 = vector.broadcast %lt3A_2800 : i32 to vector<16xi32>
      %lt3A_2802 = arith.cmpi slt, %iota3A_2799, %lt3A_2801 : vector<16xi32>
      %select_n3A_2803 = arith.select %lt3A_2802, %masked_sort3A_2787, %masked_sort3A_2797 : vector<16xi1>, vector<16xf32>
      %select_n3A_2804 = arith.select %lt3A_2802, %masked_sort3A_2788, %masked_sort3A_2798 : vector<16xi1>, vector<16xi32>
      %masked_sort3A_2805 = arith.constant dense<true> : vector<16xi1>
      %masked_sort3A_2806, %masked_sort3A_2807, %masked_sort3A_2808 = tpu.sort %select_n3A_2803, %select_n3A_2804 masked %masked_sort3A_2805 {descending = true} : (vector<16xf32>, vector<16xi32>, vector<16xi1>) -> (vector<16xi1>, vector<16xf32>, vector<16xi32>)
      %exp3A_2809 = math.exp %masked_sort3A_2807 : vector<16xf32>
      %jit3A_2810 = arith.constant 0.000000e+00 : f32
      %broadcast_in_dim3A_2811 = vector.broadcast %jit3A_2810 : f32 to vector<16xf32>
      %select_n3A_2812 = arith.select %lt3A_1618, %exp3A_2809, %broadcast_in_dim3A_2811 : vector<16xi1>, vector<16xf32>
      %broadcast_in_dim3A_2813 = arith.constant true
      %broadcast_in_dim3A_2814 = vector.broadcast %broadcast_in_dim3A_2813 : i1 to vector<16xi1>
      %masked_cumsum3A_2815 = tpu.scan <sum>, %select_n3A_2812 masked %broadcast_in_dim3A_2814 : vector<16xf32>, vector<16xi1> -> vector<16xf32>
      %broadcast_in_dim3A_2816 = vector.shape_cast %broadcast_in_dim3A_1615 : vector<16xi32> to vector<16x1xi32>
      %gather3A_2817 = vector.shape_cast %broadcast_in_dim3A_2816 : vector<16x1xi32> to vector<16xi32>
      %gather3A_2818 = tpu.dynamic_gather %masked_cumsum3A_2815[%gather3A_2817] in [0] : vector<16xf32>, vector<16xi32> -> vector<16xf32>
      %div3A_2819 = arith.divf %select_n3A_2812, %gather3A_2818 : vector<16xf32>
      %swap3A_2820 = arith.constant 12 : i32
      %swap3A_2821 = arith.index_cast %swap3A_2820 : i32 to index
      %swap3A_2822 = arith.constant 0 : index
      %swap3A_2823 = tpu.vector_load %arg9[%swap3A_2821, %swap3A_2822] {strides = array<i32>} : memref<16x16xf32, #tpu.memory_space<vmem>>, vector<16xf32>,
      tpu.vector_store %arg9[%swap3A_2821, %swap3A_2822], %div3A_2819 {strides = array<i32>} : memref<16x16xf32, #tpu.memory_space<vmem>>, vector<16xf32>,
      %swap3A_2824 = arith.constant 12 : i32
      %swap3A_2825 = arith.index_cast %swap3A_2824 : i32 to index
      %swap3A_2826 = arith.constant 0 : index
      %swap3A_2827 = tpu.vector_load %arg10[%swap3A_2825, %swap3A_2826] {strides = array<i32>} : memref<16x16xi32, #tpu.memory_space<vmem>>, vector<16xi32>,
      tpu.vector_store %arg10[%swap3A_2825, %swap3A_2826], %masked_sort3A_2808 {strides = array<i32>} : memref<16x16xi32, #tpu.memory_space<vmem>>, vector<16xi32>,
      %get3A_2828 = arith.constant 13 : i32
      %get3A_2829 = arith.index_cast %get3A_2828 : i32 to index
      %get3A_2830 = arith.constant 0 : index
      %get3A_2831 = tpu.vector_load %arg6[%get3A_2829, %get3A_2830] {strides = array<i32>} : memref<16x64xf32, #tpu.memory_space<vmem>>, vector<16xf32>,
      %add3A_2832 = arith.constant 0 : i32
      %add3A_2833 = vector.broadcast %add3A_2832 : i32 to vector<16xi32>
      %add3A_2834 = arith.addi %iota3A_1613, %add3A_2833 : vector<16xi32>
      %masked_sort3A_2835 = arith.constant dense<true> : vector<16xi1>
      %masked_sort3A_2836, %masked_sort3A_2837, %masked_sort3A_2838 = tpu.sort %get3A_2831, %add3A_2834 masked %masked_sort3A_2835 {descending = true} : (vector<16xf32>, vector<16xi32>, vector<16xi1>) -> (vector<16xi1>, vector<16xf32>, vector<16xi32>)
      %get3A_2839 = arith.constant 13 : i32
      %get3A_2840 = arith.index_cast %get3A_2839 : i32 to index
      %get3A_2841 = arith.constant 16 : index
      %get3A_2842 = tpu.vector_load %arg6[%get3A_2840, %get3A_2841] {strides = array<i32>} : memref<16x64xf32, #tpu.memory_space<vmem>>, vector<16xf32>,
      %add3A_2843 = arith.constant 16 : i32
      %add3A_2844 = vector.broadcast %add3A_2843 : i32 to vector<16xi32>
      %add3A_2845 = arith.addi %iota3A_1613, %add3A_2844 : vector<16xi32>
      %masked_sort3A_2846 = arith.constant dense<true> : vector<16xi1>
      %masked_sort3A_2847, %masked_sort3A_2848, %masked_sort3A_2849 = tpu.sort %get3A_2842, %add3A_2845 masked %masked_sort3A_2846 : (vector<16xf32>, vector<16xi32>, vector<16xi1>) -> (vector<16xi1>, vector<16xf32>, vector<16xi32>)
      %get3A_2850 = arith.constant 13 : i32
      %get3A_2851 = arith.index_cast %get3A_2850 : i32 to index
      %get3A_2852 = arith.constant 32 : index
      %get3A_2853 = tpu.vector_load %arg6[%get3A_2851, %get3A_2852] {strides = array<i32>} : memref<16x64xf32, #tpu.memory_space<vmem>>, vector<16xf32>,
      %add3A_2854 = arith.constant 32 : i32
      %add3A_2855 = vector.broadcast %add3A_2854 : i32 to vector<16xi32>
      %add3A_2856 = arith.addi %iota3A_1613, %add3A_2855 : vector<16xi32>
      %masked_sort3A_2857 = arith.constant dense<true> : vector<16xi1>
      %masked_sort3A_2858, %masked_sort3A_2859, %masked_sort3A_2860 = tpu.sort %get3A_2853, %add3A_2856 masked %masked_sort3A_2857 : (vector<16xf32>, vector<16xi32>, vector<16xi1>) -> (vector<16xi1>, vector<16xf32>, vector<16xi32>)
      %get3A_2861 = arith.constant 13 : i32
      %get3A_2862 = arith.index_cast %get3A_2861 : i32 to index
      %get3A_2863 = arith.constant 48 : index
      %get3A_2864 = tpu.vector_load %arg6[%get3A_2862, %get3A_2863] {strides = array<i32>} : memref<16x64xf32, #tpu.memory_space<vmem>>, vector<16xf32>,
      %add3A_2865 = arith.constant 48 : i32
      %add3A_2866 = vector.broadcast %add3A_2865 : i32 to vector<16xi32>
      %add3A_2867 = arith.addi %iota3A_1613, %add3A_2866 : vector<16xi32>
      %masked_sort3A_2868 = arith.constant dense<true> : vector<16xi1>
      %masked_sort3A_2869, %masked_sort3A_2870, %masked_sort3A_2871 = tpu.sort %get3A_2864, %add3A_2867 masked %masked_sort3A_2868 {descending = true} : (vector<16xf32>, vector<16xi32>, vector<16xi1>) -> (vector<16xi1>, vector<16xf32>, vector<16xi32>)
      %iota3A_2872 = tpu.iota {dimensions = array<i32: 0>} : vector<16xi32>
      %lt3A_2873 = arith.constant 8 : i32
      %lt3A_2874 = vector.broadcast %lt3A_2873 : i32 to vector<16xi32>
      %lt3A_2875 = arith.cmpi slt, %iota3A_2872, %lt3A_2874 : vector<16xi32>
      %select_n3A_2876 = arith.select %lt3A_2875, %masked_sort3A_2837, %masked_sort3A_2848 : vector<16xi1>, vector<16xf32>
      %select_n3A_2877 = arith.select %lt3A_2875, %masked_sort3A_2838, %masked_sort3A_2849 : vector<16xi1>, vector<16xi32>
      %masked_sort3A_2878 = arith.constant dense<true> : vector<16xi1>
      %masked_sort3A_2879, %masked_sort3A_2880, %masked_sort3A_2881 = tpu.sort %select_n3A_2876, %select_n3A_2877 masked %masked_sort3A_2878 {descending = true} : (vector<16xf32>, vector<16xi32>, vector<16xi1>) -> (vector<16xi1>, vector<16xf32>, vector<16xi32>)
      %iota3A_2882 = tpu.iota {dimensions = array<i32: 0>} : vector<16xi32>
      %lt3A_2883 = arith.constant 8 : i32
      %lt3A_2884 = vector.broadcast %lt3A_2883 : i32 to vector<16xi32>
      %lt3A_2885 = arith.cmpi slt, %iota3A_2882, %lt3A_2884 : vector<16xi32>
      %select_n3A_2886 = arith.select %lt3A_2885, %masked_sort3A_2870, %masked_sort3A_2859 : vector<16xi1>, vector<16xf32>
      %select_n3A_2887 = arith.select %lt3A_2885, %masked_sort3A_2871, %masked_sort3A_2860 : vector<16xi1>, vector<16xi32>
      %masked_sort3A_2888 = arith.constant dense<true> : vector<16xi1>
      %masked_sort3A_2889, %masked_sort3A_2890, %masked_sort3A_2891 = tpu.sort %select_n3A_2886, %select_n3A_2887 masked %masked_sort3A_2888 : (vector<16xf32>, vector<16xi32>, vector<16xi1>) -> (vector<16xi1>, vector<16xf32>, vector<16xi32>)
      %iota3A_2892 = tpu.iota {dimensions = array<i32: 0>} : vector<16xi32>
      %lt3A_2893 = arith.constant 8 : i32
      %lt3A_2894 = vector.broadcast %lt3A_2893 : i32 to vector<16xi32>
      %lt3A_2895 = arith.cmpi slt, %iota3A_2892, %lt3A_2894 : vector<16xi32>
      %select_n3A_2896 = arith.select %lt3A_2895, %masked_sort3A_2880, %masked_sort3A_2890 : vector<16xi1>, vector<16xf32>
      %select_n3A_2897 = arith.select %lt3A_2895, %masked_sort3A_2881, %masked_sort3A_2891 : vector<16xi1>, vector<16xi32>
      %masked_sort3A_2898 = arith.constant dense<true> : vector<16xi1>
      %masked_sort3A_2899, %masked_sort3A_2900, %masked_sort3A_2901 = tpu.sort %select_n3A_2896, %select_n3A_2897 masked %masked_sort3A_2898 {descending = true} : (vector<16xf32>, vector<16xi32>, vector<16xi1>) -> (vector<16xi1>, vector<16xf32>, vector<16xi32>)
      %exp3A_2902 = math.exp %masked_sort3A_2900 : vector<16xf32>
      %jit3A_2903 = arith.constant 0.000000e+00 : f32
      %broadcast_in_dim3A_2904 = vector.broadcast %jit3A_2903 : f32 to vector<16xf32>
      %select_n3A_2905 = arith.select %lt3A_1618, %exp3A_2902, %broadcast_in_dim3A_2904 : vector<16xi1>, vector<16xf32>
      %broadcast_in_dim3A_2906 = arith.constant true
      %broadcast_in_dim3A_2907 = vector.broadcast %broadcast_in_dim3A_2906 : i1 to vector<16xi1>
      %masked_cumsum3A_2908 = tpu.scan <sum>, %select_n3A_2905 masked %broadcast_in_dim3A_2907 : vector<16xf32>, vector<16xi1> -> vector<16xf32>
      %broadcast_in_dim3A_2909 = vector.shape_cast %broadcast_in_dim3A_1615 : vector<16xi32> to vector<16x1xi32>
      %gather3A_2910 = vector.shape_cast %broadcast_in_dim3A_2909 : vector<16x1xi32> to vector<16xi32>
      %gather3A_2911 = tpu.dynamic_gather %masked_cumsum3A_2908[%gather3A_2910] in [0] : vector<16xf32>, vector<16xi32> -> vector<16xf32>
      %div3A_2912 = arith.divf %select_n3A_2905, %gather3A_2911 : vector<16xf32>
      %swap3A_2913 = arith.constant 13 : i32
      %swap3A_2914 = arith.index_cast %swap3A_2913 : i32 to index
      %swap3A_2915 = arith.constant 0 : index
      %swap3A_2916 = tpu.vector_load %arg9[%swap3A_2914, %swap3A_2915] {strides = array<i32>} : memref<16x16xf32, #tpu.memory_space<vmem>>, vector<16xf32>,
      tpu.vector_store %arg9[%swap3A_2914, %swap3A_2915], %div3A_2912 {strides = array<i32>} : memref<16x16xf32, #tpu.memory_space<vmem>>, vector<16xf32>,
      %swap3A_2917 = arith.constant 13 : i32
      %swap3A_2918 = arith.index_cast %swap3A_2917 : i32 to index
      %swap3A_2919 = arith.constant 0 : index
      %swap3A_2920 = tpu.vector_load %arg10[%swap3A_2918, %swap3A_2919] {strides = array<i32>} : memref<16x16xi32, #tpu.memory_space<vmem>>, vector<16xi32>,
      tpu.vector_store %arg10[%swap3A_2918, %swap3A_2919], %masked_sort3A_2901 {strides = array<i32>} : memref<16x16xi32, #tpu.memory_space<vmem>>, vector<16xi32>,
      %get3A_2921 = arith.constant 14 : i32
      %get3A_2922 = arith.index_cast %get3A_2921 : i32 to index
      %get3A_2923 = arith.constant 0 : index
      %get3A_2924 = tpu.vector_load %arg6[%get3A_2922, %get3A_2923] {strides = array<i32>} : memref<16x64xf32, #tpu.memory_space<vmem>>, vector<16xf32>,
      %add3A_2925 = arith.constant 0 : i32
      %add3A_2926 = vector.broadcast %add3A_2925 : i32 to vector<16xi32>
      %add3A_2927 = arith.addi %iota3A_1613, %add3A_2926 : vector<16xi32>
      %masked_sort3A_2928 = arith.constant dense<true> : vector<16xi1>
      %masked_sort3A_2929, %masked_sort3A_2930, %masked_sort3A_2931 = tpu.sort %get3A_2924, %add3A_2927 masked %masked_sort3A_2928 {descending = true} : (vector<16xf32>, vector<16xi32>, vector<16xi1>) -> (vector<16xi1>, vector<16xf32>, vector<16xi32>)
      %get3A_2932 = arith.constant 14 : i32
      %get3A_2933 = arith.index_cast %get3A_2932 : i32 to index
      %get3A_2934 = arith.constant 16 : index
      %get3A_2935 = tpu.vector_load %arg6[%get3A_2933, %get3A_2934] {strides = array<i32>} : memref<16x64xf32, #tpu.memory_space<vmem>>, vector<16xf32>,
      %add3A_2936 = arith.constant 16 : i32
      %add3A_2937 = vector.broadcast %add3A_2936 : i32 to vector<16xi32>
      %add3A_2938 = arith.addi %iota3A_1613, %add3A_2937 : vector<16xi32>
      %masked_sort3A_2939 = arith.constant dense<true> : vector<16xi1>
      %masked_sort3A_2940, %masked_sort3A_2941, %masked_sort3A_2942 = tpu.sort %get3A_2935, %add3A_2938 masked %masked_sort3A_2939 : (vector<16xf32>, vector<16xi32>, vector<16xi1>) -> (vector<16xi1>, vector<16xf32>, vector<16xi32>)
      %get3A_2943 = arith.constant 14 : i32
      %get3A_2944 = arith.index_cast %get3A_2943 : i32 to index
      %get3A_2945 = arith.constant 32 : index
      %get3A_2946 = tpu.vector_load %arg6[%get3A_2944, %get3A_2945] {strides = array<i32>} : memref<16x64xf32, #tpu.memory_space<vmem>>, vector<16xf32>,
      %add3A_2947 = arith.constant 32 : i32
      %add3A_2948 = vector.broadcast %add3A_2947 : i32 to vector<16xi32>
      %add3A_2949 = arith.addi %iota3A_1613, %add3A_2948 : vector<16xi32>
      %masked_sort3A_2950 = arith.constant dense<true> : vector<16xi1>
      %masked_sort3A_2951, %masked_sort3A_2952, %masked_sort3A_2953 = tpu.sort %get3A_2946, %add3A_2949 masked %masked_sort3A_2950 : (vector<16xf32>, vector<16xi32>, vector<16xi1>) -> (vector<16xi1>, vector<16xf32>, vector<16xi32>)
      %get3A_2954 = arith.constant 14 : i32
      %get3A_2955 = arith.index_cast %get3A_2954 : i32 to index
      %get3A_2956 = arith.constant 48 : index
      %get3A_2957 = tpu.vector_load %arg6[%get3A_2955, %get3A_2956] {strides = array<i32>} : memref<16x64xf32, #tpu.memory_space<vmem>>, vector<16xf32>,
      %add3A_2958 = arith.constant 48 : i32
      %add3A_2959 = vector.broadcast %add3A_2958 : i32 to vector<16xi32>
      %add3A_2960 = arith.addi %iota3A_1613, %add3A_2959 : vector<16xi32>
      %masked_sort3A_2961 = arith.constant dense<true> : vector<16xi1>
      %masked_sort3A_2962, %masked_sort3A_2963, %masked_sort3A_2964 = tpu.sort %get3A_2957, %add3A_2960 masked %masked_sort3A_2961 {descending = true} : (vector<16xf32>, vector<16xi32>, vector<16xi1>) -> (vector<16xi1>, vector<16xf32>, vector<16xi32>)
      %iota3A_2965 = tpu.iota {dimensions = array<i32: 0>} : vector<16xi32>
      %lt3A_2966 = arith.constant 8 : i32
      %lt3A_2967 = vector.broadcast %lt3A_2966 : i32 to vector<16xi32>
      %lt3A_2968 = arith.cmpi slt, %iota3A_2965, %lt3A_2967 : vector<16xi32>
      %select_n3A_2969 = arith.select %lt3A_2968, %masked_sort3A_2930, %masked_sort3A_2941 : vector<16xi1>, vector<16xf32>
      %select_n3A_2970 = arith.select %lt3A_2968, %masked_sort3A_2931, %masked_sort3A_2942 : vector<16xi1>, vector<16xi32>
      %masked_sort3A_2971 = arith.constant dense<true> : vector<16xi1>
      %masked_sort3A_2972, %masked_sort3A_2973, %masked_sort3A_2974 = tpu.sort %select_n3A_2969, %select_n3A_2970 masked %masked_sort3A_2971 {descending = true} : (vector<16xf32>, vector<16xi32>, vector<16xi1>) -> (vector<16xi1>, vector<16xf32>, vector<16xi32>)
      %iota3A_2975 = tpu.iota {dimensions = array<i32: 0>} : vector<16xi32>
      %lt3A_2976 = arith.constant 8 : i32
      %lt3A_2977 = vector.broadcast %lt3A_2976 : i32 to vector<16xi32>
      %lt3A_2978 = arith.cmpi slt, %iota3A_2975, %lt3A_2977 : vector<16xi32>
      %select_n3A_2979 = arith.select %lt3A_2978, %masked_sort3A_2963, %masked_sort3A_2952 : vector<16xi1>, vector<16xf32>
      %select_n3A_2980 = arith.select %lt3A_2978, %masked_sort3A_2964, %masked_sort3A_2953 : vector<16xi1>, vector<16xi32>
      %masked_sort3A_2981 = arith.constant dense<true> : vector<16xi1>
      %masked_sort3A_2982, %masked_sort3A_2983, %masked_sort3A_2984 = tpu.sort %select_n3A_2979, %select_n3A_2980 masked %masked_sort3A_2981 : (vector<16xf32>, vector<16xi32>, vector<16xi1>) -> (vector<16xi1>, vector<16xf32>, vector<16xi32>)
      %iota3A_2985 = tpu.iota {dimensions = array<i32: 0>} : vector<16xi32>
      %lt3A_2986 = arith.constant 8 : i32
      %lt3A_2987 = vector.broadcast %lt3A_2986 : i32 to vector<16xi32>
      %lt3A_2988 = arith.cmpi slt, %iota3A_2985, %lt3A_2987 : vector<16xi32>
      %select_n3A_2989 = arith.select %lt3A_2988, %masked_sort3A_2973, %masked_sort3A_2983 : vector<16xi1>, vector<16xf32>
      %select_n3A_2990 = arith.select %lt3A_2988, %masked_sort3A_2974, %masked_sort3A_2984 : vector<16xi1>, vector<16xi32>
      %masked_sort3A_2991 = arith.constant dense<true> : vector<16xi1>
      %masked_sort3A_2992, %masked_sort3A_2993, %masked_sort3A_2994 = tpu.sort %select_n3A_2989, %select_n3A_2990 masked %masked_sort3A_2991 {descending = true} : (vector<16xf32>, vector<16xi32>, vector<16xi1>) -> (vector<16xi1>, vector<16xf32>, vector<16xi32>)
      %exp3A_2995 = math.exp %masked_sort3A_2993 : vector<16xf32>
      %jit3A_2996 = arith.constant 0.000000e+00 : f32
      %broadcast_in_dim3A_2997 = vector.broadcast %jit3A_2996 : f32 to vector<16xf32>
      %select_n3A_2998 = arith.select %lt3A_1618, %exp3A_2995, %broadcast_in_dim3A_2997 : vector<16xi1>, vector<16xf32>
      %broadcast_in_dim3A_2999 = arith.constant true
      %broadcast_in_dim3A_3000 = vector.broadcast %broadcast_in_dim3A_2999 : i1 to vector<16xi1>
      %masked_cumsum3A_3001 = tpu.scan <sum>, %select_n3A_2998 masked %broadcast_in_dim3A_3000 : vector<16xf32>, vector<16xi1> -> vector<16xf32>
      %broadcast_in_dim3A_3002 = vector.shape_cast %broadcast_in_dim3A_1615 : vector<16xi32> to vector<16x1xi32>
      %gather3A_3003 = vector.shape_cast %broadcast_in_dim3A_3002 : vector<16x1xi32> to vector<16xi32>
      %gather3A_3004 = tpu.dynamic_gather %masked_cumsum3A_3001[%gather3A_3003] in [0] : vector<16xf32>, vector<16xi32> -> vector<16xf32>
      %div3A_3005 = arith.divf %select_n3A_2998, %gather3A_3004 : vector<16xf32>
      %swap3A_3006 = arith.constant 14 : i32
      %swap3A_3007 = arith.index_cast %swap3A_3006 : i32 to index
      %swap3A_3008 = arith.constant 0 : index
      %swap3A_3009 = tpu.vector_load %arg9[%swap3A_3007, %swap3A_3008] {strides = array<i32>} : memref<16x16xf32, #tpu.memory_space<vmem>>, vector<16xf32>,
      tpu.vector_store %arg9[%swap3A_3007, %swap3A_3008], %div3A_3005 {strides = array<i32>} : memref<16x16xf32, #tpu.memory_space<vmem>>, vector<16xf32>,
      %swap3A_3010 = arith.constant 14 : i32
      %swap3A_3011 = arith.index_cast %swap3A_3010 : i32 to index
      %swap3A_3012 = arith.constant 0 : index
      %swap3A_3013 = tpu.vector_load %arg10[%swap3A_3011, %swap3A_3012] {strides = array<i32>} : memref<16x16xi32, #tpu.memory_space<vmem>>, vector<16xi32>,
      tpu.vector_store %arg10[%swap3A_3011, %swap3A_3012], %masked_sort3A_2994 {strides = array<i32>} : memref<16x16xi32, #tpu.memory_space<vmem>>, vector<16xi32>,
      %get3A_3014 = arith.constant 15 : i32
      %get3A_3015 = arith.index_cast %get3A_3014 : i32 to index
      %get3A_3016 = arith.constant 0 : index
      %get3A_3017 = tpu.vector_load %arg6[%get3A_3015, %get3A_3016] {strides = array<i32>} : memref<16x64xf32, #tpu.memory_space<vmem>>, vector<16xf32>,
      %add3A_3018 = arith.constant 0 : i32
      %add3A_3019 = vector.broadcast %add3A_3018 : i32 to vector<16xi32>
      %add3A_3020 = arith.addi %iota3A_1613, %add3A_3019 : vector<16xi32>
      %masked_sort3A_3021 = arith.constant dense<true> : vector<16xi1>
      %masked_sort3A_3022, %masked_sort3A_3023, %masked_sort3A_3024 = tpu.sort %get3A_3017, %add3A_3020 masked %masked_sort3A_3021 {descending = true} : (vector<16xf32>, vector<16xi32>, vector<16xi1>) -> (vector<16xi1>, vector<16xf32>, vector<16xi32>)
      %get3A_3025 = arith.constant 15 : i32
      %get3A_3026 = arith.index_cast %get3A_3025 : i32 to index
      %get3A_3027 = arith.constant 16 : index
      %get3A_3028 = tpu.vector_load %arg6[%get3A_3026, %get3A_3027] {strides = array<i32>} : memref<16x64xf32, #tpu.memory_space<vmem>>, vector<16xf32>,
      %add3A_3029 = arith.constant 16 : i32
      %add3A_3030 = vector.broadcast %add3A_3029 : i32 to vector<16xi32>
      %add3A_3031 = arith.addi %iota3A_1613, %add3A_3030 : vector<16xi32>
      %masked_sort3A_3032 = arith.constant dense<true> : vector<16xi1>
      %masked_sort3A_3033, %masked_sort3A_3034, %masked_sort3A_3035 = tpu.sort %get3A_3028, %add3A_3031 masked %masked_sort3A_3032 : (vector<16xf32>, vector<16xi32>, vector<16xi1>) -> (vector<16xi1>, vector<16xf32>, vector<16xi32>)
      %get3A_3036 = arith.constant 15 : i32
      %get3A_3037 = arith.index_cast %get3A_3036 : i32 to index
      %get3A_3038 = arith.constant 32 : index
      %get3A_3039 = tpu.vector_load %arg6[%get3A_3037, %get3A_3038] {strides = array<i32>} : memref<16x64xf32, #tpu.memory_space<vmem>>, vector<16xf32>,
      %add3A_3040 = arith.constant 32 : i32
      %add3A_3041 = vector.broadcast %add3A_3040 : i32 to vector<16xi32>
      %add3A_3042 = arith.addi %iota3A_1613, %add3A_3041 : vector<16xi32>
      %masked_sort3A_3043 = arith.constant dense<true> : vector<16xi1>
      %masked_sort3A_3044, %masked_sort3A_3045, %masked_sort3A_3046 = tpu.sort %get3A_3039, %add3A_3042 masked %masked_sort3A_3043 : (vector<16xf32>, vector<16xi32>, vector<16xi1>) -> (vector<16xi1>, vector<16xf32>, vector<16xi32>)
      %get3A_3047 = arith.constant 15 : i32
      %get3A_3048 = arith.index_cast %get3A_3047 : i32 to index
      %get3A_3049 = arith.constant 48 : index
      %get3A_3050 = tpu.vector_load %arg6[%get3A_3048, %get3A_3049] {strides = array<i32>} : memref<16x64xf32, #tpu.memory_space<vmem>>, vector<16xf32>,
      %add3A_3051 = arith.constant 48 : i32
      %add3A_3052 = vector.broadcast %add3A_3051 : i32 to vector<16xi32>
      %add3A_3053 = arith.addi %iota3A_1613, %add3A_3052 : vector<16xi32>
      %masked_sort3A_3054 = arith.constant dense<true> : vector<16xi1>
      %masked_sort3A_3055, %masked_sort3A_3056, %masked_sort3A_3057 = tpu.sort %get3A_3050, %add3A_3053 masked %masked_sort3A_3054 {descending = true} : (vector<16xf32>, vector<16xi32>, vector<16xi1>) -> (vector<16xi1>, vector<16xf32>, vector<16xi32>)
      %iota3A_3058 = tpu.iota {dimensions = array<i32: 0>} : vector<16xi32>
      %lt3A_3059 = arith.constant 8 : i32
      %lt3A_3060 = vector.broadcast %lt3A_3059 : i32 to vector<16xi32>
      %lt3A_3061 = arith.cmpi slt, %iota3A_3058, %lt3A_3060 : vector<16xi32>
      %select_n3A_3062 = arith.select %lt3A_3061, %masked_sort3A_3023, %masked_sort3A_3034 : vector<16xi1>, vector<16xf32>
      %select_n3A_3063 = arith.select %lt3A_3061, %masked_sort3A_3024, %masked_sort3A_3035 : vector<16xi1>, vector<16xi32>
      %masked_sort3A_3064 = arith.constant dense<true> : vector<16xi1>
      %masked_sort3A_3065, %masked_sort3A_3066, %masked_sort3A_3067 = tpu.sort %select_n3A_3062, %select_n3A_3063 masked %masked_sort3A_3064 {descending = true} : (vector<16xf32>, vector<16xi32>, vector<16xi1>) -> (vector<16xi1>, vector<16xf32>, vector<16xi32>)
      %iota3A_3068 = tpu.iota {dimensions = array<i32: 0>} : vector<16xi32>
      %lt3A_3069 = arith.constant 8 : i32
      %lt3A_3070 = vector.broadcast %lt3A_3069 : i32 to vector<16xi32>
      %lt3A_3071 = arith.cmpi slt, %iota3A_3068, %lt3A_3070 : vector<16xi32>
      %select_n3A_3072 = arith.select %lt3A_3071, %masked_sort3A_3056, %masked_sort3A_3045 : vector<16xi1>, vector<16xf32>
      %select_n3A_3073 = arith.select %lt3A_3071, %masked_sort3A_3057, %masked_sort3A_3046 : vector<16xi1>, vector<16xi32>
      %masked_sort3A_3074 = arith.constant dense<true> : vector<16xi1>
      %masked_sort3A_3075, %masked_sort3A_3076, %masked_sort3A_3077 = tpu.sort %select_n3A_3072, %select_n3A_3073 masked %masked_sort3A_3074 : (vector<16xf32>, vector<16xi32>, vector<16xi1>) -> (vector<16xi1>, vector<16xf32>, vector<16xi32>)
      %iota3A_3078 = tpu.iota {dimensions = array<i32: 0>} : vector<16xi32>
      %lt3A_3079 = arith.constant 8 : i32
      %lt3A_3080 = vector.broadcast %lt3A_3079 : i32 to vector<16xi32>
      %lt3A_3081 = arith.cmpi slt, %iota3A_3078, %lt3A_3080 : vector<16xi32>
      %select_n3A_3082 = arith.select %lt3A_3081, %masked_sort3A_3066, %masked_sort3A_3076 : vector<16xi1>, vector<16xf32>
      %select_n3A_3083 = arith.select %lt3A_3081, %masked_sort3A_3067, %masked_sort3A_3077 : vector<16xi1>, vector<16xi32>
      %masked_sort3A_3084 = arith.constant dense<true> : vector<16xi1>
      %masked_sort3A_3085, %masked_sort3A_3086, %masked_sort3A_3087 = tpu.sort %select_n3A_3082, %select_n3A_3083 masked %masked_sort3A_3084 {descending = true} : (vector<16xf32>, vector<16xi32>, vector<16xi1>) -> (vector<16xi1>, vector<16xf32>, vector<16xi32>)
      %exp3A_3088 = math.exp %masked_sort3A_3086 : vector<16xf32>
      %jit3A_3089 = arith.constant 0.000000e+00 : f32
      %broadcast_in_dim3A_3090 = vector.broadcast %jit3A_3089 : f32 to vector<16xf32>
      %select_n3A_3091 = arith.select %lt3A_1618, %exp3A_3088, %broadcast_in_dim3A_3090 : vector<16xi1>, vector<16xf32>
      %broadcast_in_dim3A_3092 = arith.constant true
      %broadcast_in_dim3A_3093 = vector.broadcast %broadcast_in_dim3A_3092 : i1 to vector<16xi1>
      %masked_cumsum3A_3094 = tpu.scan <sum>, %select_n3A_3091 masked %broadcast_in_dim3A_3093 : vector<16xf32>, vector<16xi1> -> vector<16xf32>
      %broadcast_in_dim3A_3095 = vector.shape_cast %broadcast_in_dim3A_1615 : vector<16xi32> to vector<16x1xi32>
      %gather3A_3096 = vector.shape_cast %broadcast_in_dim3A_3095 : vector<16x1xi32> to vector<16xi32>
      %gather3A_3097 = tpu.dynamic_gather %masked_cumsum3A_3094[%gather3A_3096] in [0] : vector<16xf32>, vector<16xi32> -> vector<16xf32>
      %div3A_3098 = arith.divf %select_n3A_3091, %gather3A_3097 : vector<16xf32>
      %swap3A_3099 = arith.constant 15 : i32
      %swap3A_3100 = arith.index_cast %swap3A_3099 : i32 to index
      %swap3A_3101 = arith.constant 0 : index
      %swap3A_3102 = tpu.vector_load %arg9[%swap3A_3100, %swap3A_3101] {strides = array<i32>} : memref<16x16xf32, #tpu.memory_space<vmem>>, vector<16xf32>,
      tpu.vector_store %arg9[%swap3A_3100, %swap3A_3101], %div3A_3098 {strides = array<i32>} : memref<16x16xf32, #tpu.memory_space<vmem>>, vector<16xf32>,
      %swap3A_3103 = arith.constant 15 : i32
      %swap3A_3104 = arith.index_cast %swap3A_3103 : i32 to index
      %swap3A_3105 = arith.constant 0 : index
      %swap3A_3106 = tpu.vector_load %arg10[%swap3A_3104, %swap3A_3105] {strides = array<i32>} : memref<16x16xi32, #tpu.memory_space<vmem>>, vector<16xi32>,
      tpu.vector_store %arg10[%swap3A_3104, %swap3A_3105], %masked_sort3A_3087 {strides = array<i32>} : memref<16x16xi32, #tpu.memory_space<vmem>>, vector<16xi32>,
      %dma_start3A_3107 = arith.constant 2 : i32
      %dma_start3A_3108 = arith.constant 0 : i32
      %dma_start3A_3109 = arith.constant 0 : i32
      %dma_start3A_3110 = tpu.memref_slice %arg3[%add3A_66, %dma_start3A_3108, %dma_start3A_3109] : memref<1024x16x16xf32, #tpu.memory_space<hbm>> -> memref<1x16x16xf32, #tpu.memory_space<hbm>>
      %dma_start3A_3111 = tpu.memref_squeeze %dma_start3A_3110 : memref<1x16x16xf32, #tpu.memory_space<hbm>> -> memref<16x16xf32, #tpu.memory_space<hbm>>
      %dma_start3A_3112 = tpu.memref_slice %arg12[%dma_start3A_3107] : memref<4x!tpu.dma_semaphore, #tpu.memory_space<semaphore_mem>> -> memref<1x!tpu.dma_semaphore, #tpu.memory_space<semaphore_mem>>
      %dma_start3A_3113 = tpu.memref_squeeze %dma_start3A_3112 : memref<1x!tpu.dma_semaphore, #tpu.memory_space<semaphore_mem>> -> memref<!tpu.dma_semaphore, #tpu.memory_space<semaphore_mem>>
      %dma_start3A_3114 = arith.constant 0 : i32
      %dma_start3A_3115 = arith.constant 0 : i32
      %dma_start3A_3116 = tpu.memref_slice %arg3[%add3A_66, %dma_start3A_3114, %dma_start3A_3115] : memref<1024x16x16xf32, #tpu.memory_space<hbm>> -> memref<1x16x16xf32, #tpu.memory_space<hbm>>
      %dma_start3A_3117 = tpu.memref_squeeze %dma_start3A_3116 : memref<1x16x16xf32, #tpu.memory_space<hbm>> -> memref<16x16xf32, #tpu.memory_space<hbm>>
      tpu.enqueue_dma source(%arg9 : memref<16x16xf32, #tpu.memory_space<vmem>>) target(%dma_start3A_3117 : memref<16x16xf32, #tpu.memory_space<hbm>>) target_semaphore(%dma_start3A_3113 : memref<!tpu.dma_semaphore, #tpu.memory_space<semaphore_mem>>)
      %dma_start3A_3118 = arith.constant 3 : i32
      %dma_start3A_3119 = arith.constant 0 : i32
      %dma_start3A_3120 = arith.constant 0 : i32
      %dma_start3A_3121 = tpu.memref_slice %arg4[%add3A_66, %dma_start3A_3119, %dma_start3A_3120] : memref<1024x16x16xi32, #tpu.memory_space<hbm>> -> memref<1x16x16xi32, #tpu.memory_space<hbm>>
      %dma_start3A_3122 = tpu.memref_squeeze %dma_start3A_3121 : memref<1x16x16xi32, #tpu.memory_space<hbm>> -> memref<16x16xi32, #tpu.memory_space<hbm>>
      %dma_start3A_3123 = tpu.memref_slice %arg12[%dma_start3A_3118] : memref<4x!tpu.dma_semaphore, #tpu.memory_space<semaphore_mem>> -> memref<1x!tpu.dma_semaphore, #tpu.memory_space<semaphore_mem>>
      %dma_start3A_3124 = tpu.memref_squeeze %dma_start3A_3123 : memref<1x!tpu.dma_semaphore, #tpu.memory_space<semaphore_mem>> -> memref<!tpu.dma_semaphore, #tpu.memory_space<semaphore_mem>>
      %dma_start3A_3125 = arith.constant 0 : i32
      %dma_start3A_3126 = arith.constant 0 : i32
      %dma_start3A_3127 = tpu.memref_slice %arg4[%add3A_66, %dma_start3A_3125, %dma_start3A_3126] : memref<1024x16x16xi32, #tpu.memory_space<hbm>> -> memref<1x16x16xi32, #tpu.memory_space<hbm>>
      %dma_start3A_3128 = tpu.memref_squeeze %dma_start3A_3127 : memref<1x16x16xi32, #tpu.memory_space<hbm>> -> memref<16x16xi32, #tpu.memory_space<hbm>>
      tpu.enqueue_dma source(%arg10 : memref<16x16xi32, #tpu.memory_space<vmem>>) target(%dma_start3A_3128 : memref<16x16xi32, #tpu.memory_space<hbm>>) target_semaphore(%dma_start3A_3124 : memref<!tpu.dma_semaphore, #tpu.memory_space<semaphore_mem>>)
    }
    %scan3A_17 = arith.constant 16 : i32
    %dma_wait3A = arith.constant 0 : i32
    %dma_wait3A_18 = arith.constant 0 : i32
    %dma_wait3A_19 = arith.constant 0 : i32
    %dma_wait3A_20 = tpu.memref_slice %arg3[%mul3A_2, %dma_wait3A_18, %dma_wait3A_19] : memref<1024x16x16xf32, #tpu.memory_space<hbm>> -> memref<1x16x16xf32, #tpu.memory_space<hbm>>
    %dma_wait3A_21 = tpu.memref_squeeze %dma_wait3A_20 : memref<1x16x16xf32, #tpu.memory_space<hbm>> -> memref<16x16xf32, #tpu.memory_space<hbm>>
    %dma_wait3A_22 = tpu.memref_slice %arg12[%dma_wait3A] : memref<4x!tpu.dma_semaphore, #tpu.memory_space<semaphore_mem>> -> memref<1x!tpu.dma_semaphore, #tpu.memory_space<semaphore_mem>>
    %dma_wait3A_23 = tpu.memref_squeeze %dma_wait3A_22 : memref<1x!tpu.dma_semaphore, #tpu.memory_space<semaphore_mem>> -> memref<!tpu.dma_semaphore, #tpu.memory_space<semaphore_mem>>
    %dma_wait3A_24 = arith.constant 0 : i32
    %dma_wait3A_25 = arith.constant 0 : i32
    %dma_wait3A_26 = tpu.memref_slice %arg3[%mul3A_2, %dma_wait3A_24, %dma_wait3A_25] : memref<1024x16x16xf32, #tpu.memory_space<hbm>> -> memref<1x16x16xf32, #tpu.memory_space<hbm>>
    %dma_wait3A_27 = tpu.memref_squeeze %dma_wait3A_26 : memref<1x16x16xf32, #tpu.memory_space<hbm>> -> memref<16x16xf32, #tpu.memory_space<hbm>>
    tpu.wait_dma2 semaphore(%dma_wait3A_23 : memref<!tpu.dma_semaphore, #tpu.memory_space<semaphore_mem>>) src(%arg7 : memref<16x16xf32, #tpu.memory_space<vmem>>) dst(%dma_wait3A_27 : memref<16x16xf32, #tpu.memory_space<hbm>>)
    %dma_wait3A_28 = arith.constant 1 : i32
    %dma_wait3A_29 = arith.constant 0 : i32
    %dma_wait3A_30 = arith.constant 0 : i32
    %dma_wait3A_31 = tpu.memref_slice %arg4[%mul3A_2, %dma_wait3A_29, %dma_wait3A_30] : memref<1024x16x16xi32, #tpu.memory_space<hbm>> -> memref<1x16x16xi32, #tpu.memory_space<hbm>>
    %dma_wait3A_32 = tpu.memref_squeeze %dma_wait3A_31 : memref<1x16x16xi32, #tpu.memory_space<hbm>> -> memref<16x16xi32, #tpu.memory_space<hbm>>
    %dma_wait3A_33 = tpu.memref_slice %arg12[%dma_wait3A_28] : memref<4x!tpu.dma_semaphore, #tpu.memory_space<semaphore_mem>> -> memref<1x!tpu.dma_semaphore, #tpu.memory_space<semaphore_mem>>
    %dma_wait3A_34 = tpu.memref_squeeze %dma_wait3A_33 : memref<1x!tpu.dma_semaphore, #tpu.memory_space<semaphore_mem>> -> memref<!tpu.dma_semaphore, #tpu.memory_space<semaphore_mem>>
    %dma_wait3A_35 = arith.constant 0 : i32
    %dma_wait3A_36 = arith.constant 0 : i32
    %dma_wait3A_37 = tpu.memref_slice %arg4[%mul3A_2, %dma_wait3A_35, %dma_wait3A_36] : memref<1024x16x16xi32, #tpu.memory_space<hbm>> -> memref<1x16x16xi32, #tpu.memory_space<hbm>>
    %dma_wait3A_38 = tpu.memref_squeeze %dma_wait3A_37 : memref<1x16x16xi32, #tpu.memory_space<hbm>> -> memref<16x16xi32, #tpu.memory_space<hbm>>
    tpu.wait_dma2 semaphore(%dma_wait3A_34 : memref<!tpu.dma_semaphore, #tpu.memory_space<semaphore_mem>>) src(%arg8 : memref<16x16xi32, #tpu.memory_space<vmem>>) dst(%dma_wait3A_38 : memref<16x16xi32, #tpu.memory_space<hbm>>)
    %dma_wait3A_39 = arith.constant 2 : i32
    %dma_wait3A_40 = arith.constant 0 : i32
    %dma_wait3A_41 = arith.constant 0 : i32
    %dma_wait3A_42 = tpu.memref_slice %arg3[%mul3A_2, %dma_wait3A_40, %dma_wait3A_41] : memref<1024x16x16xf32, #tpu.memory_space<hbm>> -> memref<1x16x16xf32, #tpu.memory_space<hbm>>
    %dma_wait3A_43 = tpu.memref_squeeze %dma_wait3A_42 : memref<1x16x16xf32, #tpu.memory_space<hbm>> -> memref<16x16xf32, #tpu.memory_space<hbm>>
    %dma_wait3A_44 = tpu.memref_slice %arg12[%dma_wait3A_39] : memref<4x!tpu.dma_semaphore, #tpu.memory_space<semaphore_mem>> -> memref<1x!tpu.dma_semaphore, #tpu.memory_space<semaphore_mem>>
    %dma_wait3A_45 = tpu.memref_squeeze %dma_wait3A_44 : memref<1x!tpu.dma_semaphore, #tpu.memory_space<semaphore_mem>> -> memref<!tpu.dma_semaphore, #tpu.memory_space<semaphore_mem>>
    %dma_wait3A_46 = arith.constant 0 : i32
    %dma_wait3A_47 = arith.constant 0 : i32
    %dma_wait3A_48 = tpu.memref_slice %arg3[%mul3A_2, %dma_wait3A_46, %dma_wait3A_47] : memref<1024x16x16xf32, #tpu.memory_space<hbm>> -> memref<1x16x16xf32, #tpu.memory_space<hbm>>
    %dma_wait3A_49 = tpu.memref_squeeze %dma_wait3A_48 : memref<1x16x16xf32, #tpu.memory_space<hbm>> -> memref<16x16xf32, #tpu.memory_space<hbm>>
    tpu.wait_dma2 semaphore(%dma_wait3A_45 : memref<!tpu.dma_semaphore, #tpu.memory_space<semaphore_mem>>) src(%arg9 : memref<16x16xf32, #tpu.memory_space<vmem>>) dst(%dma_wait3A_49 : memref<16x16xf32, #tpu.memory_space<hbm>>)
    %dma_wait3A_50 = arith.constant 3 : i32
    %dma_wait3A_51 = arith.constant 0 : i32
    %dma_wait3A_52 = arith.constant 0 : i32
    %dma_wait3A_53 = tpu.memref_slice %arg4[%mul3A_2, %dma_wait3A_51, %dma_wait3A_52] : memref<1024x16x16xi32, #tpu.memory_space<hbm>> -> memref<1x16x16xi32, #tpu.memory_space<hbm>>
    %dma_wait3A_54 = tpu.memref_squeeze %dma_wait3A_53 : memref<1x16x16xi32, #tpu.memory_space<hbm>> -> memref<16x16xi32, #tpu.memory_space<hbm>>
    %dma_wait3A_55 = tpu.memref_slice %arg12[%dma_wait3A_50] : memref<4x!tpu.dma_semaphore, #tpu.memory_space<semaphore_mem>> -> memref<1x!tpu.dma_semaphore, #tpu.memory_space<semaphore_mem>>
    %dma_wait3A_56 = tpu.memref_squeeze %dma_wait3A_55 : memref<1x!tpu.dma_semaphore, #tpu.memory_space<semaphore_mem>> -> memref<!tpu.dma_semaphore, #tpu.memory_space<semaphore_mem>>
    %dma_wait3A_57 = arith.constant 0 : i32
    %dma_wait3A_58 = arith.constant 0 : i32
    %dma_wait3A_59 = tpu.memref_slice %arg4[%mul3A_2, %dma_wait3A_57, %dma_wait3A_58] : memref<1024x16x16xi32, #tpu.memory_space<hbm>> -> memref<1x16x16xi32, #tpu.memory_space<hbm>>
    %dma_wait3A_60 = tpu.memref_squeeze %dma_wait3A_59 : memref<1x16x16xi32, #tpu.memory_space<hbm>> -> memref<16x16xi32, #tpu.memory_space<hbm>>
    tpu.wait_dma2 semaphore(%dma_wait3A_56 : memref<!tpu.dma_semaphore, #tpu.memory_space<semaphore_mem>>) src(%arg10 : memref<16x16xi32, #tpu.memory_space<vmem>>) dst(%dma_wait3A_60 : memref<16x16xi32, #tpu.memory_space<hbm>>)
    return
  }
}

module attributes {stable_mosaic.version = 14 : i64} {
  func.func @_gate_body(%arg0: i32, %arg1: memref<1x768x1024xf32, #tpu.memory_space<vmem>>, %arg2: memref<64x768xf32, #tpu.memory_space<vmem>>, %arg3: memref<1x64xf32, #tpu.memory_space<vmem>>, %arg4: memref<1x1024x64xf32, #tpu.memory_space<vmem>>) attributes {dimension_semantics = [#tpu.dimension_semantics<arbitrary>], iteration_bounds = array<i64: 16>, scalar_prefetch = 0 : i64, scratch_operands = 0 : i64, tpu.core_type = #tpu.core_type<tc>, window_params = [{transform_indices = @transform_0, window_bounds = array<i64: 1, 768, 1024>}, {pipeline_mode = #tpu.pipeline_mode<synchronous>, transform_indices = @transform_1, window_bounds = array<i64: 64, 768>}, {pipeline_mode = #tpu.pipeline_mode<synchronous>, transform_indices = @transform_2, window_bounds = array<i64: 1, 64>}, {transform_indices = @transform_3, window_bounds = array<i64: 1, 1024, 64>}]} {
    %get3A = arith.constant 0 : index
    %get3A_0 = arith.constant 0 : index
    %get3A_1 = arith.constant 0 : index
    %get3A_2 = vector.load %arg1[%get3A, %get3A_0, %get3A_1] : memref<1x768x1024xf32, #tpu.memory_space<vmem>>, vector<1x768x1024xf32>
    %get3A_3 = vector.shape_cast %get3A_2 : vector<1x768x1024xf32> to vector<768x1024xf32>
    %get3A_4 = arith.constant 0 : index
    %get3A_5 = arith.constant 0 : index
    %get3A_6 = vector.load %arg2[%get3A_4, %get3A_5] : memref<64x768xf32, #tpu.memory_space<vmem>>, vector<64x768xf32>
    %dot_general3A = arith.constant dense<0.000000e+00> : vector<1024x64xf32>
    %dot_general3A_7 = tpu.matmul %get3A_3, %get3A_6, %dot_general3A {dimension_numbers = #tpu.dot_dimension_numbers<[0], [1], [1], [0], [0, 1, 1, 0], [], []>, transpose_lhs_hint = false} : vector<768x1024xf32>, vector<64x768xf32>, vector<1024x64xf32> -> vector<1024x64xf32>
    %get3A_8 = arith.constant 0 : index
    %get3A_9 = arith.constant 0 : index
    %get3A_10 = vector.load %arg3[%get3A_8, %get3A_9] : memref<1x64xf32, #tpu.memory_space<vmem>>, vector<1x64xf32>
    %add3A = vector.broadcast %get3A_10 : vector<1x64xf32> to vector<1024x64xf32>
    %add3A_11 = arith.addf %dot_general3A_7, %add3A : vector<1024x64xf32>
    %swap3A = arith.constant 0 : index
    %swap3A_12 = arith.constant 0 : index
    %swap3A_13 = arith.constant 0 : index
    %swap3A_14 = vector.load %arg4[%swap3A, %swap3A_12, %swap3A_13] : memref<1x1024x64xf32, #tpu.memory_space<vmem>>, vector<1x1024x64xf32>
    %swap3A_15 = vector.shape_cast %swap3A_14 : vector<1x1024x64xf32> to vector<1024x64xf32>
    %swap3A_16 = vector.shape_cast %add3A_11 : vector<1024x64xf32> to vector<1x1024x64xf32>
    tpu.vector_store %arg4[%swap3A, %swap3A_12, %swap3A_13], %swap3A_16 {strides = array<i32>} : memref<1x1024x64xf32, #tpu.memory_space<vmem>>, vector<1x1024x64xf32>,
    return
  }
  func.func @transform_0(%arg0: i32) -> (i32, i32, i32) {
    %c0_i32 = arith.constant 0 : i32
    %c0_i32_0 = arith.constant 0 : i32
    %c0_i32_1 = arith.constant 0 : i32
    return %arg0, %c0_i32, %c0_i32_0 : i32, i32, i32
  }
  func.func @transform_1(%arg0: i32) -> (i32, i32) {
    %c0_i32 = arith.constant 0 : i32
    %c0_i32_0 = arith.constant 0 : i32
    %c0_i32_1 = arith.constant 0 : i32
    return %c0_i32, %c0_i32_0 : i32, i32
  }
  func.func @transform_2(%arg0: i32) -> (i32, i32) {
    %c0_i32 = arith.constant 0 : i32
    %c0_i32_0 = arith.constant 0 : i32
    %c0_i32_1 = arith.constant 0 : i32
    return %c0_i32, %c0_i32_0 : i32, i32
  }
  func.func @transform_3(%arg0: i32) -> (i32, i32, i32) {
    %c0_i32 = arith.constant 0 : i32
    %c0_i32_0 = arith.constant 0 : i32
    %c0_i32_1 = arith.constant 0 : i32
    return %arg0, %c0_i32, %c0_i32_0 : i32, i32, i32
  }
}

</mosaic_0001>

<sc_bundles>
// kernel: kernel.4.cloned.1.call-start
scs
__scs_entry_jumppad:
0x0: {  	(pc) =	sbr.rel $0x88, $3  }
0x1: {  	(tag) =	ssettag $0x0;
	lr =	simm.s32 $0x1  }
0x2: {  	[smem:$0x3F9E] =	sst lr;
	_ =	strace $0xD0000000  }
0x3: {  	_ = 	snop  }
0x4: {  	_ = 	snop  }
0x5: {  	_ = 	snop  }
0x6: {  	_ = 	snop  }
0x7: {  	_ = 	snop  }
__scs_overlays_trampoline_lowered:
0x8: {  	[smem:$0x3FAD] =	sst s0  }
0x9: {  	[smem:$0x3FAE] =	sst s1  }
0xa: {  	[smem:$0x3FAF] =	sst s2  }
0xb: {  	[smem:$0x3FB0] =	sst s3  }
0xc: {  	[smem:$0x3FB1] =	sst s4  }
0xd: {  	[smem:$0x3FB2] =	sst s5  }
0xe: {  	[smem:$0x3FB3] =	sst s6  }
0xf: {  	[smem:$0x3FB4] =	sst s7  }
0x10: {  	[smem:$0x3FB5] =	sst s8  }
0x11: {  	[smem:$0x3FB6] =	sst s9;
	s0 =	simm.s32 @!p0 $0x0  }
0x12: {  	s1 =	sld [smem:$0x3F9C];
	s0 =	simm.s32 @p0 $0x1  }
0x13: {  	[smem:$0x3FB7] =	sst s0;
	s0 =	simm.s32 @!p1 $0x0  }
0x14: {  	s2 =	sld [smem:$0x3F9B];
	s0 =	simm.s32 @p1 $0x1  }
0x15: {  	[smem:$0x3FB8] =	sst s0;
	s0 =	simm.s32 @!p2 $0x0  }
0x16: {  	s3 =	sld [smem:$0x3FDB];
	s0 =	simm.s32 @p2 $0x1  }
0x17: {  	s4 =	simm.s32 $0x1BF5;
	[smem:$0x3FBA] =	sst s0  }
0x18: {  	s0 =	sld [smem:$0x3F9D];
	_ =	swait.ge [sflag:s4], $0x0  }
0x19: {  	s7 =	sld [smem:$0x3F9E]  }
0x1a: {  	s8 =	sadd.s32 $0xFFFFE003, lr  }
0x1b: {  	s9 =	sadd.s32 $0xFFFFFEF7, lr;
	s5 =	simm.s32 $0xFFFFFFFF;
	p2 =	slt.u32 s8, $0xFFFFF086  }
0x1c: {  	p1 =	slt.u32 s9, $0xF7A;
	s5 =	simm.s32 @!p2 $0x0  }
0x1d: {  	s5 =	simm.s32 @p1 $0x1;
	p0 =	seq.s32 s7, s2  }
0x1e: {  	s7 =	smul.u32 @!p0 $0xF7A, s2;
	p2 =	seq.s32 @!p0 s5, $0x0  }
0x1f: {  	s9 =	smul.u32 $0xF7A, s1;
	s8 =	simm.s32 @!p0 $0x1BF5;
	p2 =	por !p2, p0  }
0x20: {  	[sflag:s8] =	ssyncset.s32 @!p0 $0xFFFFF086;
	s6 =	sadd.s32 @!p0 s3, s7;
	s7 =	simm.s32 @!p0 $0x108  }
0x21: {  	s3 =	sadd.s32 s3, s9;
	s6 =	sadd.s32 @!p0 $0x88, s6;
	s7 =	simm.s32 @p2 $0x1082  }
0x22: {  	[simem:s7], [sflag:s8] =	dma.local @!p0 [hbm:s6], $0xF7A  }
0x23: {  	s9 =	sor.u32 $0xD0000000, s2;
	s6 =	simm.s32 $0x108;
	_ =	swait.ge @!p0 [sflag:s8], $0x0  }
0x24: {  	s3 =	sadd.s32 $0x88, s3;
	s6 =	simm.s32 @!p1 $0x1082;
	[sflag:s4] =	ssyncset.s32 $0xFFFFF086  }
0x25: {  	[simem:s6], [sflag:s4] =	dma.local [hbm:s3], $0xF7A  }
0x26: {  	[smem:$0x3F9E] =	sst s1;
	(tag) =	ssettag s2;
	_ =	strace s9  }
0x27: {  	s1 =	sld [smem:$0x3FAE]  }
0x28: {  	s2 =	sld [smem:$0x3FAF]  }
0x29: {  	s4 =	sld [smem:$0x3FB1]  }
0x2a: {  	p0 =	seq.s32 s5, $0x0;
	s5 =	sld [smem:$0x3FB2]  }
0x2b: {  	s6 =	sld [smem:$0x3FB3]  }
0x2c: {  	s7 =	sld [smem:$0x3FB4]  }
0x2d: {  	s3 =	simm.s32 $0x108;
	s8 =	sld [smem:$0x3FB5]  }
0x2e: {  	s3 =	simm.s32 @!p0 $0x1082;
	s9 =	sld [smem:$0x3FB6]  }
0x2f: {  	lr =	sadd.s32 s0, s3;
	s0 =	sld [smem:$0x3FAD]  }
0x30: {  	s3 =	sld [smem:$0x3FB0]  }
0x31: {  	[smem:$0x3FB9] =	sst s10  }
0x32: {  	s10 =	sld [smem:$0x3FB7];
	_ =	sdelay $0x3  }
0x33: {  	p0 =	seq.s32 s10, $0x1;
	s10 =	sld [smem:$0x3FB9];
	_ =	sdelay $0x3  }
0x34: {  	[smem:$0x3FB9] =	sst s10  }
0x35: {  	s10 =	sld [smem:$0x3FB8];
	_ =	sdelay $0x3  }
0x36: {  	p1 =	seq.s32 s10, $0x1;
	s10 =	sld [smem:$0x3FB9];
	_ =	sdelay $0x3  }
0x37: {  	[smem:$0x3FB9] =	sst s10  }
0x38: {  	s10 =	sld [smem:$0x3FBA]  }
0x39: {  	_ = 	snop;
	(pc) =	sbr.ind lr, $3  }
0x3a: {  	_ = 	snop  }
0x3b: {  	_ = 	snop  }
0x3c: {  	p2 =	seq.s32 s10, $0x1;
	s10 =	sld [smem:$0x3FB9]  }
0x3d: {  	_ =	shalt  }
0x3e: {  	_ =	shalt  }
0x3f: {  	_ =	shalt  }
0x40: {  	_ =	shalt  }
0x41: {  	_ =	shalt  }
0x42: {  	_ =	shalt  }
0x43: {  	_ =	shalt  }
0x44: {  	_ =	shalt  }
0x45: {  	_ =	shalt  }
0x46: {  	_ =	shalt  }
0x47: {  	_ =	shalt  }
0x48: {  	_ =	shalt  }
0x49: {  	_ =	shalt  }
0x4a: {  	_ =	shalt  }
0x4b: {  	_ =	shalt  }
0x4c: {  	_ =	shalt  }
0x4d: {  	_ =	shalt  }
0x4e: {  	_ =	shalt  }
0x4f: {  	_ =	shalt  }
0x50: {  	_ =	shalt  }
0x51: {  	_ =	shalt  }
0x52: {  	_ =	shalt  }
0x53: {  	_ =	shalt  }
0x54: {  	_ =	shalt  }
0x55: {  	_ =	shalt  }
0x56: {  	_ =	shalt  }
0x57: {  	_ =	shalt  }
0x58: {  	_ =	shalt  }
0x59: {  	_ =	shalt  }
0x5a: {  	_ =	shalt  }
0x5b: {  	_ =	shalt  }
0x5c: {  	_ =	shalt  }
0x5d: {  	_ =	shalt  }
0x5e: {  	_ =	shalt  }
0x5f: {  	_ =	shalt  }
0x60: {  	_ =	shalt  }
0x61: {  	_ =	shalt  }
0x62: {  	_ =	shalt  }
0x63: {  	_ =	shalt  }
0x64: {  	_ =	shalt  }
0x65: {  	_ =	shalt  }
0x66: {  	_ =	shalt  }
0x67: {  	_ =	shalt  }
0x68: {  	_ =	shalt  }
0x69: {  	_ =	shalt  }
0x6a: {  	_ =	shalt  }
0x6b: {  	_ =	shalt  }
0x6c: {  	_ =	shalt  }
0x6d: {  	_ =	shalt  }
0x6e: {  	_ =	shalt  }
0x6f: {  	_ =	shalt  }
0x70: {  	_ =	shalt  }
0x71: {  	_ =	shalt  }
0x72: {  	_ =	shalt  }
0x73: {  	_ =	shalt  }
0x74: {  	_ =	shalt  }
0x75: {  	_ =	shalt  }
0x76: {  	_ =	shalt  }
0x77: {  	_ =	shalt  }
0x78: {  	_ =	shalt  }
0x79: {  	_ =	shalt  }
0x7a: {  	_ =	shalt  }
0x7b: {  	_ =	shalt  }
0x7c: {  	_ =	shalt  }
0x7d: {  	_ =	shalt  }
0x7e: {  	_ =	shalt  }
0x7f: {  	_ =	shalt  }
0x80: {  	_ =	shalt  }
0x81: {  	_ =	shalt  }
0x82: {  	_ =	shalt  }
0x83: {  	_ =	shalt  }
0x84: {  	_ =	shalt  }
0x85: {  	_ =	shalt  }
0x86: {  	_ =	shalt  }
0x87: {  	_ =	shalt  }
.Lfunc_end0:
.L_simem_size_0:
called_computation_lowered:
.L_overlay_start_0:
0x88: {  	s2 =	sld [smem:$0x3FD9]  }
0x89: {  	s3 =	sld [smem:$0x3FFE];
	_ =	sdelay $0x1  }
0x8a: {  	s1 =	srdreg.scid  }
0x8b: {  	s0 =	sand.u32 $0x1, s1  }
0x8c: {  	s16 =	sshll.u32 s0, $0xA;
	s2 =	sadd.s32 s3, s2  }
0x8d: {  	s2 =	sadd.s32 s2, s16  }
0x8e: {  	[smem:$0x3FC5] =	sst s2  }
0x8f: {  	_ = 	snop  }
0x90: {  	(tm) =	ssettm $0x1  }
0x91: {  	s17 =	sld [smem:$0x3FFB];
	_ =	sdelay $0x3  }
0x92: {  	_ =	strace s17  }
0x93: {  	s2 =	sld [smem:$0x3FFC];
	_ =	sdelay $0x3  }
0x94: {  	_ =	strace s2  }
0x95: {  	s2 =	sld [smem:$0x3FFD];
	_ =	sdelay $0x3  }
0x96: {  	_ =	strace s2  }
0x97: {  	_ =	strace $0x8FFFFFFF  }
0x98: {  	s18 =	sld [smem:$0x3FDB];
	_ =	sdelay $0x1  }
0x99: {  	s19 =	simm.s32 $_scs_section_size  }
0x9a: {  	s4 =	simm.s32 $_size__tile_overlayer_lowered;
	s5 =	simm.s32 $_tile_overlayer_lowered  }
0x9b: {  	s22 =	simm.s32 $0x1BFF;
	s21 =	sshll.u32 s5, $0x1;
	s2 =	sadd.s32 s19, s18  }
0x9c: {  	s6 =	simm.s32 $0x0;
	s20 =	sshll.u32 s4, $0x1;
	s4 =	sadd.s32 s21, s2  }
0x9d: {  	[timem:s6], [sflag:s22] =	dma.local [hbm:s4], s20  }
0x9e: {  	_ =	swait.ge [sflag:s22], s20  }
0x9f: {  	s3 =	ssub.s32 $0x0, s20;
	[sflag:s22] =	ssyncset.done $0x0  }
0xa0: {  	[sflag:s22] =	ssyncadd.s32 s3;
	_ =	sdelay $0x1  }
0xa1: {  	s23 =	simm.s32 $0x1B8B  }
0xa2: {  	_ =	swait.ge [sflag:s23], $0x1  }
0xa3: {  	[sflag:s23] =	ssyncset.done $0x0  }
0xa4: {  	s25 =	simm.s32 $0x1B8E;
	s24 =	sld [smem:$0x3FFE];
	[sflag:s23] =	ssyncadd.s32 $0xFFFFFFFF  }
0xa5: {  	s26 =	simm.s32 $execute0_lowered;
	[smem:$0x3FD2] =	sst s25  }
0xa6: {  	s4 =	sshll.u32 s26, $0x1;
	_ =	strace $0x80000046;
	[dreg:$0x1] =	wrdreg $0xFFFFFFFF  }
0xa7: {  	s28 =	simm.s32 $_size_execute0_lowered;
	s2 =	sadd.s32 s2, s4;
	[dreg:$0x0] =	wrdreg $0x0  }
0xa8: {  	s4 =	sshll.u32 s28, $0x1;
	[dreg:$0x2] =	wrdreg s2  }
0xa9: {  	[dreg:$0x3] =	wrdreg s4  }
0xaa: {  	[dreg:$0x4] =	wrdreg $0xC0  }
0xab: {  	_ =	task [dreg:s6], $0x5FFFF  }
0xac: {  	[dreg:$0x1] =	wrdreg $0xFFFFFFFF  }
0xad: {  	[dreg:$0x0] =	wrdreg $0x60  }
0xae: {  	[dreg:$0x2] =	wrdreg s24  }
0xaf: {  	[dreg:$0x3] =	wrdreg $0x9  }
0xb0: {  	_ =	task.clear_ibuf [dreg:s6], $0x4FFFF;
	_ =	strace $0x90000046  }
0xb1: {  	s29 =	simm.s32 $0x9;
	_ =	strace $0x80000048  }
0xb2: {  	_ =	swait.ge [sflag:s29], $0x1  }
0xb3: {  	[sflag:s29] =	ssyncadd.s32 $0xFFFFFFFF  }
0xb4: {  	_ =	strace $0x90000048  }
0xb5: {  	_ =	sfence  }
0xb6: {  	s30 =	sld [smem:$0x0];
	_ =	sdelay $0x2  }
0xb7: {  	s31 =	sshll.u32 s1, $0xD;
	s1 =	sshrl.u32 s1, $0x2  }
0xb8: {  	s3 =	sand.u32 $0x4000, s31;
	s1 =	sadd.s32 s1, s30  }
0xb9: {  	s0 =	sor.u32 s3, s0;
	s1 =	sshll.u32 s1, $0x11  }
0xba: {  	s0 =	sor.u32 s1, s0  }
0xbb: {  	s0 =	sadd.s32 $0x8F2B, s0  }
0xbc: {  	[sflag:s0] =	ssyncadd.remote.s32 $0x1  }
0xbd: {  	_ =	sfence.sel $0xFFFF  }
0xbe: {  	[dreg:$0x0] =	wrdreg $0xFFFFFFFF;
	(pc) =	sbr.abs _section_cstart, $3  }
0xbf: {  	[dreg:$0x1] =	wrdreg $0xFFFFFFFF  }
0xc0: {  	_ =	task.clear_ibuf [dreg:s6], $0x2FFFF;
	_ =	strace $0x9FFFFFFF  }
0xc1: {  	(tm) =	ssettm $0x7FFFFFFF  }
tec
execute0_lowered:
.L_overlay_start_1:
0x0: {  	(tag) =	ssettag $0x1  }
0x1: {  	s3 =	rddreg [dreg:$0x0]  }
0x2: {  	s0 =	rddreg [dreg:$0x1]  }
0x3: {  	s2 =	simm.s32 $0x0;
	s4 =	srdreg.scid;
	s1 =	stileid.u32  }
0x4: {  	s11 =	simm.s32 $0x1800;
	s12 =	simm.s32 $0x2;
	s13 =	simm.s32 $0x2000  }
0x5: {  	s14 =	simm.s32 $0x2800;
	s15 =	simm.s32 $0x3;
	s16 =	simm.s32 $0x4  }
0x6: {  	s17 =	simm.s32 $0x5;
	s18 =	simm.s32 $0x6;
	s19 =	simm.s32 $0x0  }
0x7: {  	[smem:$0x7FF] =	sst s2;
	s4 =	sand.u32 $0x1, s4;
	s5 =	sshll.u32 s1, $0xE  }
0x8: {  	s8 =	sadd.s32 $0x1000, s3;
	_ =	strace $0x80000047;
	s6 =	ssub.s32 $0x2, s4  }
0x9: {  	s7 =	sshll.u32 s4, $0xD;
	s10 =	sadd.s32 s5, s3;
	s30 =	sshrl.u32 s6, $0x1  }
0xa: {  	s9 =	sor.u32 s7, s5;
	s5 =	sadd.s32 s5, s8;
	s31 =	sadd.s32 s7, s10  }
0xb: {  	s10 =	simm.s32 $0x1000;
	s4 =	ssub.s32 s6, s30;
	s3 =	sadd.s32 s8, s9  }
0xc: {  	v0 =	vlaneseq.u32;
	vm0 =	vmmov $0xff;
	v4 =	vimm.s32 $0xF;
	s5 =	sadd.s32 s7, s5;
	s6 =	sadd.s32 $0x41000, s31;
	s7 =	sadd.s32 $0x81000, s31  }
0xd: {  	v1 =	vor.u32 $0x10, v0;
	v2 =	vor.u32 $0x20, v0;
	v3 =	vor.u32 $0x30, v0;
	s8 =	simm.s32 $0x800;
	s9 =	simm.s32 $0x1;
	s4 =	smax.u32 s4, $0x1  }
.LBB2_1:
0xe: {  	[tilespmem:s2], [sflag:$0x1] =	stream.linear.gather [hbm4b:s3+s2], $0x800, $0x38;
	[tilespmem:$0x3000] =	vst v63  }
0xf: {  	s20 =	simm.s32 $0x0  }
.LBB2_2:
0x10: {  	s21 =	sadd.s32 s20, s5  }
0x11: {  	s21 =	sadd.s32 $0x100, s21  }
0x12: {  	[tilespmem:s8], [sflag:$0x2] =	stream.linear.gather [hbm4b:s21+s2], $0x800, $0x38;
	[tilespmem:$0x3000] =	vst v63  }
0x13: {  	_ =	swait.ge [sflag:s9], $0x800  }
0x14: {  	p0 =	seq.s32 s20, $0x0;
	[sflag:s9] =	ssyncset.done $0x0  }
0x15: {  	s21 =	simm.s32 @!p0 $0x3;
	[sflag:s9] =	ssyncadd.s32 $0xFFFFF800  }
0x16: {  	_ =	swait.ge @!p0 [sflag:s21], $0x800  }
0x17: {  	[sflag:s21] =	ssyncset.done @!p0 $0x0  }
0x18: {  	[sflag:s21] =	ssyncadd.s32 @!p0 $0xFFFFF800;
	s21 =	simm.s32 @!p0 $0x4  }
0x19: {  	_ =	swait.ge @!p0 [sflag:s21], $0x800  }
0x1a: {  	[sflag:s21] =	ssyncset.done @!p0 $0x0  }
0x1b: {  	[sflag:s21] =	ssyncadd.s32 @!p0 $0xFFFFF800;
	s21 =	simm.s32 @!p0 $0x5  }
0x1c: {  	_ =	swait.ge @!p0 [sflag:s21], $0x800  }
0x1d: {  	[sflag:s21] =	ssyncset.done @!p0 $0x0  }
0x1e: {  	[sflag:s21] =	ssyncadd.s32 @!p0 $0xFFFFF800;
	s21 =	simm.s32 @!p0 $0x6  }
0x1f: {  	_ =	swait.ge @!p0 [sflag:s21], $0x800  }
0x20: {  	[sflag:s21] =	ssyncset.done @!p0 $0x0  }
0x21: {  	[sflag:s21] =	ssyncadd.s32 @!p0 $0xFFFFF800  }
0x22: {  	v5 =	vld [tilespmem:$0x0]  }
0x23: {  	v6 =	vld [tilespmem:$0x10]  }
0x24: {  	v7 =	vld [tilespmem:$0x20]  }
0x25: {  	v8 =	vld [tilespmem:$0x30];
	_ =	sdelay $0x1  }
0x26: {  	(xrf1) =	vsort.dscd.msk.f32 $0xffff, v5, v0  }
0x27: {  	(xrf1) =	vsort.ascd.msk.f32 $0xffff, v6, v1  }
0x28: {  	(xrf1) =	vsort.ascd.msk.f32 $0xffff, v7, v2  }
0x29: {  	(xrf1) =	vsort.dscd.msk.f32 $0xffff, v8, v3;
	_ =	sdelay $0xa  }
0x2a: {  	v5, v6, _ =	vpop (xrf1)  }
0x2b: {  	v7, v23, _ =	vpop (xrf1)  }
0x2c: {  	v9, v10, _ =	vpop (xrf1)  }
0x2d: {  	v5 =	vsel vm0, v5, v7;
	v6 =	vsel vm0, v6, v23;
	v11, v12, _ =	vpop (xrf1)  }
0x2e: {  	(xrf1) =	vsort.dscd.msk.f32 $0xffff, v5, v6;
	v5 =	vsel vm0, v11, v9;
	v6 =	vsel vm0, v12, v10  }
0x2f: {  	(xrf1) =	vsort.ascd.msk.f32 $0xffff, v5, v6;
	_ =	sdelay $0xb  }
0x30: {  	v5 =	vld [tilespmem:$0x80]  }
0x31: {  	v24 =	vld [tilespmem:$0x90];
	v6, v7, _ =	vpop (xrf1)  }
0x32: {  	v27 =	vld [tilespmem:$0xA0];
	v25, v26, _ =	vpop (xrf1)  }
0x33: {  	v28 =	vld [tilespmem:$0xB0];
	v6 =	vsel vm0, v6, v25;
	v7 =	vsel vm0, v7, v26  }
0x34: {  	(xrf1) =	vsort.dscd.msk.f32 $0xffff, v6, v7  }
0x35: {  	(xrf1) =	vsort.dscd.msk.f32 $0xffff, v5, v0  }
0x36: {  	(xrf1) =	vsort.ascd.msk.f32 $0xffff, v24, v1  }
0x37: {  	(xrf1) =	vsort.ascd.msk.f32 $0xffff, v27, v2  }
0x38: {  	(xrf1) =	vsort.dscd.msk.f32 $0xffff, v28, v3;
	_ =	sdelay $0x9  }
0x39: {  	v29, v5, _ =	vpop (xrf1)  }
0x3a: {  	v6, v7, _ =	vpop (xrf1)  }
0x3b: {  	v8, v30, _ =	vpop (xrf1)  }
0x3c: {  	v11, v31, _ =	vpop (xrf1)  }
0x3d: {  	v6 =	vsel vm0, v6, v8;
	v7 =	vsel vm0, v7, v30;
	v13, v14, _ =	vpop (xrf1)  }
0x3e: {  	(xrf1) =	vsort.dscd.msk.f32 $0xffff, v6, v7;
	v6 =	vsel vm0, v13, v11;
	v7 =	vsel vm0, v14, v31  }
0x3f: {  	(xrf1) =	vsort.ascd.msk.f32 $0xffff, v6, v7;
	_ =	sdelay $0xb  }
0x40: {  	v6 =	vld [tilespmem:$0x100]  }
0x41: {  	v33 =	vld [tilespmem:$0x110];
	v7, v32, _ =	vpop (xrf1)  }
0x42: {  	v36 =	vld [tilespmem:$0x120];
	v34, v35, _ =	vpop (xrf1)  }
0x43: {  	v37 =	vld [tilespmem:$0x130];
	v7 =	vsel vm0, v7, v34;
	v8 =	vsel vm0, v32, v35  }
0x44: {  	(xrf1) =	vsort.dscd.msk.f32 $0xffff, v7, v8  }
0x45: {  	(xrf1) =	vsort.dscd.msk.f32 $0xffff, v6, v0  }
0x46: {  	(xrf1) =	vsort.ascd.msk.f32 $0xffff, v33, v1  }
0x47: {  	(xrf1) =	vsort.ascd.msk.f32 $0xffff, v36, v2  }
0x48: {  	(xrf1) =	vsort.dscd.msk.f32 $0xffff, v37, v3;
	_ =	sdelay $0x9  }
0x49: {  	v38, v6, _ =	vpop (xrf1)  }
0x4a: {  	v7, v8, _ =	vpop (xrf1)  }
0x4b: {  	v10, v39, _ =	vpop (xrf1)  }
0x4c: {  	v13, v40, _ =	vpop (xrf1)  }
0x4d: {  	v7 =	vsel vm0, v7, v10;
	v8 =	vsel vm0, v8, v39;
	v15, v16, _ =	vpop (xrf1)  }
0x4e: {  	(xrf1) =	vsort.dscd.msk.f32 $0xffff, v7, v8;
	v7 =	vsel vm0, v15, v13;
	v41 =	vsel vm0, v16, v40  }
0x4f: {  	(xrf1) =	vsort.ascd.msk.f32 $0xffff, v7, v41;
	_ =	sdelay $0xb  }
0x50: {  	v7 =	vld [tilespmem:$0x180]  }
0x51: {  	v44 =	vld [tilespmem:$0x190];
	v43, v42, _ =	vpop (xrf1)  }
0x52: {  	v47 =	vld [tilespmem:$0x1A0];
	v45, v46, _ =	vpop (xrf1)  }
0x53: {  	v48 =	vld [tilespmem:$0x1B0];
	v8 =	vsel vm0, v43, v45;
	v10 =	vsel vm0, v42, v46  }
0x54: {  	(xrf1) =	vsort.dscd.msk.f32 $0xffff, v8, v10  }
0x55: {  	(xrf1) =	vsort.dscd.msk.f32 $0xffff, v7, v0  }
0x56: {  	(xrf1) =	vsort.ascd.msk.f32 $0xffff, v44, v1  }
0x57: {  	(xrf1) =	vsort.ascd.msk.f32 $0xffff, v47, v2  }
0x58: {  	(xrf1) =	vsort.dscd.msk.f32 $0xffff, v48, v3;
	_ =	sdelay $0x9  }
0x59: {  	v13, v7, _ =	vpop (xrf1)  }
0x5a: {  	v8, v10, _ =	vpop (xrf1)  }
0x5b: {  	v12, v49, _ =	vpop (xrf1)  }
0x5c: {  	v15, v50, _ =	vpop (xrf1)  }
0x5d: {  	v8 =	vsel vm0, v8, v12;
	v10 =	vsel vm0, v10, v49;
	v17, v18, _ =	vpop (xrf1)  }
0x5e: {  	(xrf1) =	vsort.dscd.msk.f32 $0xffff, v8, v10;
	v51 =	vsel vm0, v17, v15;
	v52 =	vsel vm0, v18, v50  }
0x5f: {  	(xrf1) =	vsort.ascd.msk.f32 $0xffff, v51, v52;
	_ =	sdelay $0xb  }
0x60: {  	v53 =	vld [tilespmem:$0x200]  }
0x61: {  	v56 =	vld [tilespmem:$0x210];
	v55, v54, _ =	vpop (xrf1)  }
0x62: {  	v59 =	vld [tilespmem:$0x220];
	v57, v58, _ =	vpop (xrf1)  }
0x63: {  	v60 =	vld [tilespmem:$0x230];
	v10 =	vsel vm0, v55, v57;
	v12 =	vsel vm0, v54, v58  }
0x64: {  	(xrf1) =	vsort.dscd.msk.f32 $0xffff, v10, v12  }
0x65: {  	(xrf1) =	vsort.dscd.msk.f32 $0xffff, v53, v0  }
0x66: {  	(xrf1) =	vsort.ascd.msk.f32 $0xffff, v56, v1  }
0x67: {  	(xrf1) =	vsort.ascd.msk.f32 $0xffff, v59, v2  }
0x68: {  	(xrf1) =	vsort.dscd.msk.f32 $0xffff, v60, v3;
	_ =	sdelay $0x9  }
0x69: {  	v61, v8, _ =	vpop (xrf1)  }
0x6a: {  	v10, v12, _ =	vpop (xrf1)  }
0x6b: {  	v14, v62, _ =	vpop (xrf1)  }
0x6c: {  	v17, v63, _ =	vpop (xrf1)  }
0x6d: {  	v10 =	vsel vm0, v10, v14;
	v12 =	vsel vm0, v12, v62;
	v19, v20, _ =	vpop (xrf1)  }
0x6e: {  	(xrf1) =	vsort.dscd.msk.f32 $0xffff, v10, v12;
	v19 =	vsel vm0, v19, v17;
	v20 =	vsel vm0, v20, v63  }
0x6f: {  	(xrf1) =	vsort.ascd.msk.f32 $0xffff, v19, v20  }
0x70: {  	v9 =	vmul.f32 $1.442695020e+00, v29;
	_ =	sdelay $0x1  }
0x71: {  	(erf) = vpow2.f32 v9;
	_ =	sdelay $0x8  }
0x72: {  	v21 =	vld [tilespmem:$0x280];
	v9 =	vpop (erf)  }
0x73: {  	v24 =	vld [tilespmem:$0x290];
	v10 =	vnsel vm0, $0x0, v9;
	v22, v23, _ =	vpop (xrf1)  }
0x74: {  	v27 =	vld [tilespmem:$0x2A0];
	(xrf2) =	vadd.scan.msk.f32 $0xffff, v10;
	v26, v25, _ =	vpop (xrf1)  }
0x75: {  	v29 =	vld [tilespmem:$0x2B0];
	v9 =	vsel vm0, v22, v26;
	v28 =	vsel vm0, v23, v25  }
0x76: {  	(xrf1) =	vsort.dscd.msk.f32 $0xffff, v9, v28  }
0x77: {  	(xrf1) =	vsort.dscd.msk.f32 $0xffff, v21, v0  }
0x78: {  	(xrf1) =	vsort.ascd.msk.f32 $0xffff, v24, v1  }
0x79: {  	(xrf1) =	vsort.ascd.msk.f32 $0xffff, v27, v2  }
0x7a: {  	(xrf1) =	vsort.dscd.msk.f32 $0xffff, v29, v3;
	_ =	sdelay $0x3  }
0x7b: {  	v30, _, _ =	vpop (xrf2)  }
0x7c: {  	v9 =	vperm.xlane v30, v4;
	_ =	sdelay $0x3  }
0x7d: {  	v11 =	vmul.f32 $1.442695020e+00, v38  }
0x7e: {  	(erf) = vrcp.f32 v9;
	v19, v9, _ =	vpop (xrf1)  }
0x7f: {  	(erf) = vpow2.f32 v11;
	v31, v12, _ =	vpop (xrf1)  }
0x80: {  	v32, v33, _ =	vpop (xrf1)  }
0x81: {  	v35, v34, _ =	vpop (xrf1)  }
0x82: {  	v11 =	vsel vm0, v31, v32;
	v12 =	vsel vm0, v12, v33;
	v36, v21, _ =	vpop (xrf1)  }
0x83: {  	(xrf1) =	vsort.dscd.msk.f32 $0xffff, v11, v12;
	v37 =	vsel vm0, v36, v35;
	v38 =	vsel vm0, v21, v34  }
0x84: {  	(xrf1) =	vsort.ascd.msk.f32 $0xffff, v37, v38;
	_ =	sdelay $0x2  }
0x85: {  	v12 =	vpop (erf)  }
0x86: {  	v39 =	vpop (erf)  }
0x87: {  	v11 =	vnsel vm0, $0x0, v39  }
0x88: {  	(xrf2) =	vadd.scan.msk.f32 $0xffff, v11;
	_ =	sdelay $0x5  }
0x89: {  	v40 =	vld [tilespmem:$0x300]  }
0x8a: {  	v43 =	vld [tilespmem:$0x310];
	v41, v42, _ =	vpop (xrf1)  }
0x8b: {  	v22 =	vld [tilespmem:$0x320];
	v44, v45, _ =	vpop (xrf1)  }
0x8c: {  	v46 =	vld [tilespmem:$0x330];
	v15 =	vsel vm0, v41, v44;
	v17 =	vsel vm0, v42, v45  }
0x8d: {  	v47, _, _ =	vpop (xrf2);
	(xrf1) =	vsort.dscd.msk.f32 $0xffff, v15, v17  }
0x8e: {  	v48 =	vperm.xlane v47, v4;
	(xrf1) =	vsort.dscd.msk.f32 $0xffff, v40, v0  }
0x8f: {  	v13 =	vmul.f32 $1.442695020e+00, v13;
	(xrf1) =	vsort.ascd.msk.f32 $0xffff, v43, v1  }
0x90: {  	(erf) = vrcp.f32 v48;
	(xrf1) =	vsort.ascd.msk.f32 $0xffff, v22, v2  }
0x91: {  	(erf) = vpow2.f32 v13;
	(xrf1) =	vsort.dscd.msk.f32 $0xffff, v46, v3;
	_ =	sdelay $0x7  }
0x92: {  	v14 =	vpop (erf)  }
0x93: {  	v49 =	vpop (erf)  }
0x94: {  	v50, v13, _ =	vpop (xrf1)  }
0x95: {  	v51, v52, _ =	vpop (xrf1)  }
0x96: {  	v54, v53, _ =	vpop (xrf1)  }
0x97: {  	v15 =	vnsel vm0, $0x0, v49;
	v23, v24, _ =	vpop (xrf1)  }
0x98: {  	(xrf2) =	vadd.scan.msk.f32 $0xffff, v15;
	v17 =	vsel vm0, v51, v54;
	v18 =	vsel vm0, v52, v53;
	v25, v26, _ =	vpop (xrf1)  }
0x99: {  	(xrf1) =	vsort.dscd.msk.f32 $0xffff, v17, v18;
	v55 =	vsel vm0, v25, v23;
	v56 =	vsel vm0, v26, v24  }
0x9a: {  	(xrf1) =	vsort.ascd.msk.f32 $0xffff, v55, v56;
	_ =	sdelay $0x9  }
0x9b: {  	v57, _, _ =	vpop (xrf2)  }
0x9c: {  	v17 =	vperm.xlane v57, v4  }
0x9d: {  	v58 =	vld [tilespmem:$0x380];
	v16 =	vmul.f32 $1.442695020e+00, v61  }
0x9e: {  	v61 =	vld [tilespmem:$0x390];
	(erf) = vrcp.f32 v17;
	v60, v59, _ =	vpop (xrf1)  }
0x9f: {  	v28 =	vld [tilespmem:$0x3A0];
	(erf) = vpow2.f32 v16;
	v63, v62, _ =	vpop (xrf1)  }
0xa0: {  	v30 =	vld [tilespmem:$0x3B0];
	v16 =	vsel vm0, v60, v63;
	v29 =	vsel vm0, v59, v62  }
0xa1: {  	(xrf1) =	vsort.dscd.msk.f32 $0xffff, v16, v29  }
0xa2: {  	(xrf1) =	vsort.dscd.msk.f32 $0xffff, v58, v0  }
0xa3: {  	(xrf1) =	vsort.ascd.msk.f32 $0xffff, v61, v1  }
0xa4: {  	(xrf1) =	vsort.ascd.msk.f32 $0xffff, v28, v2  }
0xa5: {  	(xrf1) =	vsort.dscd.msk.f32 $0xffff, v30, v3;
	_ =	sdelay $0x1  }
0xa6: {  	v18 =	vpop (erf)  }
0xa7: {  	v31 =	vpop (erf)  }
0xa8: {  	v17 =	vnsel vm0, $0x0, v31  }
0xa9: {  	(xrf2) =	vadd.scan.msk.f32 $0xffff, v17;
	_ =	sdelay $0x4  }
0xaa: {  	v24, v16, _ =	vpop (xrf1)  }
0xab: {  	v33, v32, _ =	vpop (xrf1)  }
0xac: {  	v35, v34, _ =	vpop (xrf1)  }
0xad: {  	v36, v27, _ =	vpop (xrf1)  }
0xae: {  	v20 =	vsel vm0, v33, v35;
	v22 =	vsel vm0, v32, v34;
	v28, v29, _ =	vpop (xrf1)  }
0xaf: {  	v37, _, _ =	vpop (xrf2);
	(xrf1) =	vsort.dscd.msk.f32 $0xffff, v20, v22;
	v38 =	vsel vm0, v28, v36;
	v39 =	vsel vm0, v29, v27  }
0xb0: {  	v23 =	vperm.xlane v37, v4;
	(xrf1) =	vsort.ascd.msk.f32 $0xffff, v38, v39  }
0xb1: {  	v19 =	vmul.f32 $1.442695020e+00, v19  }
0xb2: {  	(erf) = vrcp.f32 v23  }
0xb3: {  	(erf) = vpow2.f32 v19;
	_ =	sdelay $0x7  }
0xb4: {  	v19 =	vpop (erf)  }
0xb5: {  	v41 =	vld [tilespmem:$0x400];
	v40 =	vpop (erf)  }
0xb6: {  	v44 =	vld [tilespmem:$0x410];
	v43, v42, _ =	vpop (xrf1)  }
0xb7: {  	v47 =	vld [tilespmem:$0x420];
	v20 =	vnsel vm0, $0x0, v40;
	v46, v45, _ =	vpop (xrf1)  }
0xb8: {  	v48 =	vld [tilespmem:$0x430];
	(xrf2) =	vadd.scan.msk.f32 $0xffff, v20;
	v23 =	vsel vm0, v43, v46;
	v25 =	vsel vm0, v42, v45  }
0xb9: {  	(xrf1) =	vsort.dscd.msk.f32 $0xffff, v23, v25  }
0xba: {  	(xrf1) =	vsort.dscd.msk.f32 $0xffff, v41, v0  }
0xbb: {  	(xrf1) =	vsort.ascd.msk.f32 $0xffff, v44, v1  }
0xbc: {  	(xrf1) =	vsort.ascd.msk.f32 $0xffff, v47, v2  }
0xbd: {  	(xrf1) =	vsort.dscd.msk.f32 $0xffff, v48, v3;
	_ =	sdelay $0x6  }
0xbe: {  	v49, _, _ =	vpop (xrf2)  }
0xbf: {  	v22 =	vperm.xlane v49, v4  }
0xc0: {  	v50 =	vmul.f32 $1.442695020e+00, v50  }
0xc1: {  	(erf) = vrcp.f32 v22;
	v51, v21, _ =	vpop (xrf1)  }
0xc2: {  	(erf) = vpow2.f32 v50;
	v52, v53, _ =	vpop (xrf1)  }
0xc3: {  	v54, v26, _ =	vpop (xrf1)  }
0xc4: {  	v55, v29, _ =	vpop (xrf1)  }
0xc5: {  	v22 =	vsel vm0, v52, v54;
	v23 =	vsel vm0, v53, v26;
	v30, v31, _ =	vpop (xrf1)  }
0xc6: {  	(xrf1) =	vsort.dscd.msk.f32 $0xffff, v22, v23;
	v56 =	vsel vm0, v30, v55;
	v57 =	vsel vm0, v31, v29  }
0xc7: {  	(xrf1) =	vsort.ascd.msk.f32 $0xffff, v56, v57;
	_ =	sdelay $0x2  }
0xc8: {  	v23 =	vpop (erf)  }
0xc9: {  	v58 =	vpop (erf)  }
0xca: {  	v22 =	vnsel vm0, $0x0, v58  }
0xcb: {  	(xrf2) =	vadd.scan.msk.f32 $0xffff, v22;
	_ =	sdelay $0x5  }
0xcc: {  	v59 =	vld [tilespmem:$0x480]  }
0xcd: {  	v62 =	vld [tilespmem:$0x490];
	v60, v61, _ =	vpop (xrf1)  }
0xce: {  	v32 =	vld [tilespmem:$0x4A0];
	v63, v36, _ =	vpop (xrf1)  }
0xcf: {  	v37 =	vld [tilespmem:$0x4B0];
	v26 =	vsel vm0, v60, v63;
	v28 =	vsel vm0, v61, v36  }
0xd0: {  	v38, _, _ =	vpop (xrf2);
	(xrf1) =	vsort.dscd.msk.f32 $0xffff, v26, v28  }
0xd1: {  	v39 =	vperm.xlane v38, v4;
	(xrf1) =	vsort.dscd.msk.f32 $0xffff, v59, v0  }
0xd2: {  	v24 =	vmul.f32 $1.442695020e+00, v24;
	(xrf1) =	vsort.ascd.msk.f32 $0xffff, v62, v1  }
0xd3: {  	(erf) = vrcp.f32 v39;
	(xrf1) =	vsort.ascd.msk.f32 $0xffff, v32, v2  }
0xd4: {  	(erf) = vpow2.f32 v24;
	(xrf1) =	vsort.dscd.msk.f32 $0xffff, v37, v3;
	_ =	sdelay $0x7  }
0xd5: {  	v25 =	vpop (erf)  }
0xd6: {  	v40 =	vpop (erf)  }
0xd7: {  	v30, v24, _ =	vpop (xrf1)  }
0xd8: {  	v41, v42, _ =	vpop (xrf1)  }
0xd9: {  	v43, v44, _ =	vpop (xrf1)  }
0xda: {  	v26 =	vnsel vm0, $0x0, v40;
	v33, v34, _ =	vpop (xrf1)  }
0xdb: {  	(xrf2) =	vadd.scan.msk.f32 $0xffff, v26;
	v28 =	vsel vm0, v41, v43;
	v29 =	vsel vm0, v42, v44;
	v35, v36, _ =	vpop (xrf1)  }
0xdc: {  	(xrf1) =	vsort.dscd.msk.f32 $0xffff, v28, v29;
	v45 =	vsel vm0, v35, v33;
	v46 =	vsel vm0, v36, v34  }
0xdd: {  	(xrf1) =	vsort.ascd.msk.f32 $0xffff, v45, v46;
	_ =	sdelay $0x9  }
0xde: {  	v47, _, _ =	vpop (xrf2)  }
0xdf: {  	v28 =	vperm.xlane v47, v4  }
0xe0: {  	v48 =	vld [tilespmem:$0x500];
	v27 =	vmul.f32 $1.442695020e+00, v51  }
0xe1: {  	v51 =	vld [tilespmem:$0x510];
	(erf) = vrcp.f32 v28;
	v50, v49, _ =	vpop (xrf1)  }
0xe2: {  	v54 =	vld [tilespmem:$0x520];
	(erf) = vpow2.f32 v27;
	v53, v52, _ =	vpop (xrf1)  }
0xe3: {  	v56 =	vld [tilespmem:$0x530];
	v27 =	vsel vm0, v50, v53;
	v55 =	vsel vm0, v49, v52  }
0xe4: {  	(xrf1) =	vsort.dscd.msk.f32 $0xffff, v27, v55  }
0xe5: {  	(xrf1) =	vsort.dscd.msk.f32 $0xffff, v48, v0  }
0xe6: {  	(xrf1) =	vsort.ascd.msk.f32 $0xffff, v51, v1  }
0xe7: {  	(xrf1) =	vsort.ascd.msk.f32 $0xffff, v54, v2  }
0xe8: {  	(xrf1) =	vsort.dscd.msk.f32 $0xffff, v56, v3;
	_ =	sdelay $0x1  }
0xe9: {  	v29 =	vpop (erf)  }
0xea: {  	v57 =	vpop (erf)  }
0xeb: {  	v28 =	vnsel vm0, $0x0, v57  }
0xec: {  	(xrf2) =	vadd.scan.msk.f32 $0xffff, v28;
	_ =	sdelay $0x4  }
0xed: {  	v58, v27, _ =	vpop (xrf1)  }
0xee: {  	v60, v59, _ =	vpop (xrf1)  }
0xef: {  	v62, v61, _ =	vpop (xrf1)  }
0xf0: {  	v63, v37, _ =	vpop (xrf1)  }
0xf1: {  	v32 =	vsel vm0, v60, v62;
	v33 =	vsel vm0, v59, v61;
	v38, v39, _ =	vpop (xrf1)  }
0xf2: {  	v40, _, _ =	vpop (xrf2);
	(xrf1) =	vsort.dscd.msk.f32 $0xffff, v32, v33;
	v41 =	vsel vm0, v38, v63;
	v42 =	vsel vm0, v39, v37  }
0xf3: {  	v34 =	vperm.xlane v40, v4;
	(xrf1) =	vsort.ascd.msk.f32 $0xffff, v41, v42  }
0xf4: {  	v30 =	vmul.f32 $1.442695020e+00, v30  }
0xf5: {  	(erf) = vrcp.f32 v34  }
0xf6: {  	(erf) = vpow2.f32 v30;
	_ =	sdelay $0x7  }
0xf7: {  	v30 =	vpop (erf)  }
0xf8: {  	v44 =	vld [tilespmem:$0x580];
	v43 =	vpop (erf)  }
0xf9: {  	v47 =	vld [tilespmem:$0x590];
	v32 =	vnsel vm0, $0x0, v43;
	v46, v45, _ =	vpop (xrf1)  }
0xfa: {  	v50 =	vld [tilespmem:$0x5A0];
	(xrf2) =	vadd.scan.msk.f32 $0xffff, v32;
	v49, v48, _ =	vpop (xrf1)  }
0xfb: {  	v51 =	vld [tilespmem:$0x5B0];
	v34 =	vsel vm0, v46, v49;
	v35 =	vsel vm0, v45, v48  }
0xfc: {  	(xrf1) =	vsort.dscd.msk.f32 $0xffff, v34, v35  }
0xfd: {  	(xrf1) =	vsort.dscd.msk.f32 $0xffff, v44, v0  }
0xfe: {  	(xrf1) =	vsort.ascd.msk.f32 $0xffff, v47, v1  }
0xff: {  	(xrf1) =	vsort.ascd.msk.f32 $0xffff, v50, v2  }
0x100: {  	(xrf1) =	vsort.dscd.msk.f32 $0xffff, v51, v3;
	_ =	sdelay $0x3  }
0x101: {  	v52, _, _ =	vpop (xrf2)  }
0x102: {  	v33 =	vperm.xlane v52, v4;
	_ =	sdelay $0x2  }
0x103: {  	v31 =	vmul.f32 $1.442695020e+00, v58  }
0x104: {  	(erf) = vrcp.f32 v33  }
0x105: {  	(erf) = vpow2.f32 v31;
	v53, v33, _ =	vpop (xrf1)  }
0x106: {  	v34, v35, _ =	vpop (xrf1)  }
0x107: {  	v36, v54, _ =	vpop (xrf1)  }
0x108: {  	v55, v39, _ =	vpop (xrf1)  }
0x109: {  	v34 =	vsel vm0, v34, v36;
	v35 =	vsel vm0, v35, v54;
	v40, v41, _ =	vpop (xrf1)  }
0x10a: {  	(xrf1) =	vsort.dscd.msk.f32 $0xffff, v34, v35;
	v56 =	vsel vm0, v40, v55;
	v57 =	vsel vm0, v41, v39  }
0x10b: {  	(xrf1) =	vsort.ascd.msk.f32 $0xffff, v56, v57;
	_ =	sdelay $0x1  }
0x10c: {  	v34 =	vpop (erf)  }
0x10d: {  	v58 =	vpop (erf)  }
0x10e: {  	v35 =	vnsel vm0, $0x0, v58  }
0x10f: {  	(xrf2) =	vadd.scan.msk.f32 $0xffff, v35;
	_ =	sdelay $0x6  }
0x110: {  	v59 =	vld [tilespmem:$0x600]  }
0x111: {  	v62 =	vld [tilespmem:$0x610];
	v60, v61, _ =	vpop (xrf1)  }
0x112: {  	v42 =	vld [tilespmem:$0x620];
	v63, v45, _ =	vpop (xrf1)  }
0x113: {  	v46 =	vld [tilespmem:$0x630];
	v43, _, _ =	vpop (xrf2);
	v37 =	vsel vm0, v60, v63;
	v38 =	vsel vm0, v61, v45  }
0x114: {  	v47 =	vperm.xlane v43, v4;
	(xrf1) =	vsort.dscd.msk.f32 $0xffff, v37, v38  }
0x115: {  	v31 =	vmul.f32 $1.442695020e+00, v53;
	(xrf1) =	vsort.dscd.msk.f32 $0xffff, v59, v0  }
0x116: {  	(erf) = vrcp.f32 v47;
	(xrf1) =	vsort.ascd.msk.f32 $0xffff, v62, v1  }
0x117: {  	(erf) = vpow2.f32 v31;
	(xrf1) =	vsort.ascd.msk.f32 $0xffff, v42, v2  }
0x118: {  	(xrf1) =	vsort.dscd.msk.f32 $0xffff, v46, v3;
	_ =	sdelay $0x6  }
0x119: {  	v31 =	vpop (erf)  }
0x11a: {  	v48 =	vpop (erf)  }
0x11b: {  	v36 =	vnsel vm0, $0x0, v48  }
0x11c: {  	(xrf2) =	vadd.scan.msk.f32 $0xffff, v36;
	v37, v38, _ =	vpop (xrf1)  }
0x11d: {  	v49, v50, _ =	vpop (xrf1)  }
0x11e: {  	v51, v52, _ =	vpop (xrf1)  }
0x11f: {  	v53, v44, _ =	vpop (xrf1)  }
0x120: {  	v39 =	vsel vm0, v49, v51;
	v40 =	vsel vm0, v50, v52;
	v45, v46, _ =	vpop (xrf1)  }
0x121: {  	(xrf1) =	vsort.dscd.msk.f32 $0xffff, v39, v40;
	v54 =	vsel vm0, v45, v53;
	v55 =	vsel vm0, v46, v44  }
0x122: {  	(xrf1) =	vsort.ascd.msk.f32 $0xffff, v54, v55;
	_ =	sdelay $0x3  }
0x123: {  	v56, _, _ =	vpop (xrf2)  }
0x124: {  	v39 =	vperm.xlane v56, v4  }
0x125: {  	v37 =	vmul.f32 $1.442695020e+00, v37  }
0x126: {  	(erf) = vrcp.f32 v39  }
0x127: {  	(erf) = vpow2.f32 v37;
	_ =	sdelay $0x4  }
0x128: {  	v58, v57, _ =	vpop (xrf1)  }
0x129: {  	v40, v59, _ =	vpop (xrf1)  }
0x12a: {  	v37 =	vsel vm0, v58, v40;
	v39 =	vsel vm0, v57, v59  }
0x12b: {  	v60 =	vpop (erf);
	(xrf1) =	vsort.dscd.msk.f32 $0xffff, v37, v39  }
0x12c: {  	v61 =	vpop (erf)  }
0x12d: {  	v37 =	vnsel vm0, $0x0, v61  }
0x12e: {  	(xrf2) =	vadd.scan.msk.f32 $0xffff, v37;
	_ =	sdelay $0x9  }
0x12f: {  	v62, _, _ =	vpop (xrf2)  }
0x130: {  	v39 =	vperm.xlane v62, v4;
	v45, v63, _ =	vpop (xrf1)  }
0x131: {  	v41 =	vmul.f32 $1.442695020e+00, v45  }
0x132: {  	(erf) = vrcp.f32 v39  }
0x133: {  	(erf) = vpow2.f32 v41;
	_ =	sdelay $0x7  }
0x134: {  	v39 =	vpop (erf)  }
0x135: {  	v41 =	vpop (erf)  }
0x136: {  	v46 =	vnsel vm0, $0x0, v41  }
0x137: {  	[tilespmem:$0x1800] =	vst v5;
	(xrf2) =	vadd.scan.msk.f32 $0xffff, v46  }
0x138: {  	[tilespmem:$0x1880] =	vst v6  }
0x139: {  	[tilespmem:$0x1900] =	vst v7  }
0x13a: {  	[tilespmem:$0x1980] =	vst v8;
	v5 =	vmul.f32 v15, v18  }
0x13b: {  	[tilespmem:$0x1A00] =	vst v9;
	v10 =	vmul.f32 v10, v12  }
0x13c: {  	[tilespmem:$0x1100] =	vst v5;
	v5 =	vmul.f32 v17, v19  }
0x13d: {  	[tilespmem:$0x1000] =	vst v10  }
0x13e: {  	[tilespmem:$0x1180] =	vst v5;
	v5 =	vmul.f32 v20, v23  }
0x13f: {  	[tilespmem:$0x1A80] =	vst v13  }
0x140: {  	[tilespmem:$0x1200] =	vst v5;
	v5 =	vmul.f32 v22, v25  }
0x141: {  	[tilespmem:$0x1B00] =	vst v16;
	v6, _, _ =	vpop (xrf2)  }
0x142: {  	[tilespmem:$0x1280] =	vst v5;
	v5 =	vmul.f32 v26, v29;
	v6 =	vperm.xlane v6, v4  }
0x143: {  	[tilespmem:$0x1B80] =	vst v21  }
0x144: {  	[tilespmem:$0x1300] =	vst v5;
	v5 =	vmul.f32 v28, v30;
	(erf) = vrcp.f32 v6  }
0x145: {  	[tilespmem:$0x1C00] =	vst v24  }
0x146: {  	[tilespmem:$0x1380] =	vst v5;
	v5 =	vmul.f32 v32, v34  }
0x147: {  	[tilespmem:$0x1C80] =	vst v27  }
0x148: {  	[tilespmem:$0x1400] =	vst v5;
	v5 =	vmul.f32 v35, v31  }
0x149: {  	[tilespmem:$0x1D00] =	vst v33;
	v47 =	vmul.f32 v11, v14  }
0x14a: {  	[tilespmem:$0x1480] =	vst v5;
	v5 =	vmul.f32 v36, v60  }
0x14b: {  	[tilespmem:$0x1080] =	vst v47  }
0x14c: {  	v7 =	vld [tilespmem:$0x680];
	[tilespmem:$0x1500] =	vst v5;
	v5 =	vmul.f32 v37, v39  }
0x14d: {  	[tilespmem:$0x1D80] =	vst v38;
	v6 =	vpop (erf)  }
0x14e: {  	[tilespmem:$0x1580] =	vst v5;
	v5 =	vmul.f32 v46, v6  }
0x14f: {  	[tilespmem:$0x1E00] =	vst v63  }
0x150: {  	[tilespmem:$0x1600] =	vst v5  }
0x151: {  	(xrf1) =	vsort.dscd.msk.f32 $0xffff, v7, v0  }
0x152: {  	v5 =	vld [tilespmem:$0x690]  }
0x153: {  	v6 =	vld [tilespmem:$0x6A0]  }
0x154: {  	v7 =	vld [tilespmem:$0x6B0];
	_ =	sdelay $0x2  }
0x155: {  	(xrf1) =	vsort.ascd.msk.f32 $0xffff, v5, v1  }
0x156: {  	(xrf1) =	vsort.ascd.msk.f32 $0xffff, v6, v2  }
0x157: {  	(xrf1) =	vsort.dscd.msk.f32 $0xffff, v7, v3;
	_ =	sdelay $0xa  }
0x158: {  	v5, v6, _ =	vpop (xrf1)  }
0x159: {  	v7, v48, _ =	vpop (xrf1)  }
0x15a: {  	v50, v49, _ =	vpop (xrf1)  }
0x15b: {  	v5 =	vsel vm0, v5, v7;
	v6 =	vsel vm0, v6, v48;
	v51, v52, _ =	vpop (xrf1)  }
0x15c: {  	(xrf1) =	vsort.dscd.msk.f32 $0xffff, v5, v6;
	v5 =	vsel vm0, v51, v50;
	v6 =	vsel vm0, v52, v49  }
0x15d: {  	(xrf1) =	vsort.ascd.msk.f32 $0xffff, v5, v6;
	_ =	sdelay $0xb  }
0x15e: {  	v5 =	vld [tilespmem:$0x700]  }
0x15f: {  	v53 =	vld [tilespmem:$0x710];
	v6, v7, _ =	vpop (xrf1)  }
0x160: {  	v56 =	vld [tilespmem:$0x720];
	v54, v55, _ =	vpop (xrf1)  }
0x161: {  	v57 =	vld [tilespmem:$0x730];
	v6 =	vsel vm0, v6, v54;
	v7 =	vsel vm0, v7, v55  }
0x162: {  	(xrf1) =	vsort.dscd.msk.f32 $0xffff, v6, v7  }
0x163: {  	(xrf1) =	vsort.dscd.msk.f32 $0xffff, v5, v0  }
0x164: {  	(xrf1) =	vsort.ascd.msk.f32 $0xffff, v53, v1  }
0x165: {  	(xrf1) =	vsort.ascd.msk.f32 $0xffff, v56, v2  }
0x166: {  	(xrf1) =	vsort.dscd.msk.f32 $0xffff, v57, v3;
	_ =	sdelay $0x9  }
0x167: {  	v5, v6, _ =	vpop (xrf1)  }
0x168: {  	v7, v58, _ =	vpop (xrf1)  }
0x169: {  	v60, v59, _ =	vpop (xrf1)  }
0x16a: {  	v11, v61, _ =	vpop (xrf1)  }
0x16b: {  	v7 =	vsel vm0, v7, v60;
	v8 =	vsel vm0, v58, v59;
	v63, v62, _ =	vpop (xrf1)  }
0x16c: {  	(xrf1) =	vsort.dscd.msk.f32 $0xffff, v7, v8;
	v7 =	vsel vm0, v63, v11;
	v15 =	vsel vm0, v62, v61  }
0x16d: {  	(xrf1) =	vsort.ascd.msk.f32 $0xffff, v7, v15;
	_ =	sdelay $0xb  }
0x16e: {  	v7 =	vld [tilespmem:$0x780]  }
0x16f: {  	v18 =	vld [tilespmem:$0x790];
	v17, v16, _ =	vpop (xrf1)  }
0x170: {  	v21 =	vld [tilespmem:$0x7A0];
	v19, v20, _ =	vpop (xrf1)  }
0x171: {  	v22 =	vld [tilespmem:$0x7B0];
	v8 =	vsel vm0, v17, v19;
	v9 =	vsel vm0, v16, v20  }
0x172: {  	(xrf1) =	vsort.dscd.msk.f32 $0xffff, v8, v9  }
0x173: {  	(xrf1) =	vsort.dscd.msk.f32 $0xffff, v7, v0  }
0x174: {  	v5 =	vmul.f32 $1.442695020e+00, v5;
	(xrf1) =	vsort.ascd.msk.f32 $0xffff, v18, v1  }
0x175: {  	(xrf1) =	vsort.ascd.msk.f32 $0xffff, v21, v2  }
0x176: {  	(erf) = vpow2.f32 v5;
	(xrf1) =	vsort.dscd.msk.f32 $0xffff, v22, v3;
	_ =	sdelay $0x8  }
0x177: {  	v5 =	vpop (erf)  }
0x178: {  	v5 =	vnsel vm0, $0x0, v5;
	v7, v8, _ =	vpop (xrf1)  }
0x179: {  	(xrf2) =	vadd.scan.msk.f32 $0xffff, v5;
	v23, v24, _ =	vpop (xrf1)  }
0x17a: {  	v26, v25, _ =	vpop (xrf1)  }
0x17b: {  	v13, v27, _ =	vpop (xrf1)  }
0x17c: {  	v9 =	vsel vm0, v23, v26;
	v10 =	vsel vm0, v24, v25;
	v28, v29, _ =	vpop (xrf1)  }
0x17d: {  	(xrf1) =	vsort.dscd.msk.f32 $0xffff, v9, v10;
	v30 =	vsel vm0, v28, v13;
	v31 =	vsel vm0, v29, v27  }
0x17e: {  	(xrf1) =	vsort.ascd.msk.f32 $0xffff, v30, v31;
	_ =	sdelay $0x4  }
0x17f: {  	v32, _, _ =	vpop (xrf2)  }
0x180: {  	v9 =	vperm.xlane v32, v4  }
0x181: {  	v7 =	vmul.f32 $1.442695020e+00, v7  }
0x182: {  	(erf) = vrcp.f32 v9  }
0x183: {  	(erf) = vpow2.f32 v7;
	_ =	sdelay $0x3  }
0x184: {  	v7, v33, _ =	vpop (xrf1)  }
0x185: {  	v10, v34, _ =	vpop (xrf1)  }
0x186: {  	v7 =	vsel vm0, v7, v10  }
0x187: {  	v9 =	vsel vm0, v33, v34  }
0x188: {  	v35 =	vpop (erf);
	(xrf1) =	vsort.dscd.msk.f32 $0xffff, v7, v9  }
0x189: {  	v7 =	vpop (erf)  }
0x18a: {  	v7 =	vnsel vm0, $0x0, v7  }
0x18b: {  	(xrf2) =	vadd.scan.msk.f32 $0xffff, v7;
	_ =	sdelay $0x9  }
0x18c: {  	v36, _, _ =	vpop (xrf2)  }
0x18d: {  	v38, v37, _ =	vpop (xrf1);
	v9 =	vperm.xlane v36, v4  }
0x18e: {  	v11 =	vmul.f32 $1.442695020e+00, v38  }
0x18f: {  	(erf) = vrcp.f32 v9  }
0x190: {  	(erf) = vpow2.f32 v11;
	_ =	sdelay $0x7  }
0x191: {  	v9 =	vpop (erf)  }
0x192: {  	v11 =	vpop (erf)  }
0x193: {  	v11 =	vnsel vm0, $0x0, v11  }
0x194: {  	(xrf2) =	vadd.scan.msk.f32 $0xffff, v11;
	_ =	sdelay $0x9  }
0x195: {  	v39, _, _ =	vpop (xrf2)  }
0x196: {  	v13 =	vperm.xlane v39, v4;
	_ =	sdelay $0x1  }
0x197: {  	(erf) = vrcp.f32 v13;
	_ =	sdelay $0x5  }
0x198: {  	v5 =	vmul.f32 v5, v35  }
0x199: {  	[tilespmem:$0x1E80] =	vst v6  }
0x19a: {  	[tilespmem:$0x1680] =	vst v5;
	v5 =	vmul.f32 v7, v9  }
0x19b: {  	[tilespmem:$0x1F00] =	vst v8;
	v6 =	vpop (erf)  }
0x19c: {  	[tilespmem:$0x1700] =	vst v5;
	v5 =	vmul.f32 v11, v6  }
0x19d: {  	[tilespmem:$0x1F80] =	vst v37  }
0x19e: {  	s30 =	sadd.s32 s20, s6;
	p0 =	seq.s32 s20, $0x1E00;
	[tilespmem:$0x1780] =	vst v5  }
0x19f: {  	[hbm4b:s30+s2] =	stream.linear.scatter [tilespmem:s10], [sflag:$0x3], $0x800, $0x38;
	[tilespmem:$0x3000] =	vst v63  }
0x1a0: {  	s22 =	sadd.s32 s20, s7;
	s23 =	sadd.s32 @!p0 s20, s5  }
0x1a1: {  	[hbm4b:s22+s2] =	stream.linear.scatter [tilespmem:s11], [sflag:$0x4], $0x800, $0x38;
	[tilespmem:$0x3000] =	vst v63  }
0x1a2: {  	s24 =	simm.s32 @!p0 $0x0;
	s23 =	sadd.s32 @!p0 $0x200, s23  }
0x1a3: {  	[tilespmem:s24], [sflag:$0x1] =	stream.linear.gather @!p0 [hbm4b:s23+s24], $0x800, $0x38;
	[tilespmem:$0x3000] =	vst v63  }
0x1a4: {  	_ =	swait.ge [sflag:s12], $0x800  }
0x1a5: {  	[sflag:s12] =	ssyncset.done $0x0  }
0x1a6: {  	[sflag:s12] =	ssyncadd.s32 $0xFFFFF800  }
0x1a7: {  	v5 =	vld [tilespmem:$0x800]  }
0x1a8: {  	v6 =	vld [tilespmem:$0x810]  }
0x1a9: {  	v7 =	vld [tilespmem:$0x820]  }
0x1aa: {  	v40 =	vld [tilespmem:$0x830];
	_ =	sdelay $0x1  }
0x1ab: {  	(xrf1) =	vsort.dscd.msk.f32 $0xffff, v5, v0  }
0x1ac: {  	(xrf1) =	vsort.ascd.msk.f32 $0xffff, v6, v1  }
0x1ad: {  	(xrf1) =	vsort.ascd.msk.f32 $0xffff, v7, v2  }
0x1ae: {  	(xrf1) =	vsort.dscd.msk.f32 $0xffff, v40, v3;
	_ =	sdelay $0xa  }
0x1af: {  	v5, v6, _ =	vpop (xrf1)  }
0x1b0: {  	v7, v41, _ =	vpop (xrf1)  }
0x1b1: {  	v43, v42, _ =	vpop (xrf1)  }
0x1b2: {  	v5 =	vsel vm0, v5, v7;
	v6 =	vsel vm0, v6, v41;
	v44, v45, _ =	vpop (xrf1)  }
0x1b3: {  	(xrf1) =	vsort.dscd.msk.f32 $0xffff, v5, v6;
	v5 =	vsel vm0, v44, v43;
	v6 =	vsel vm0, v45, v42  }
0x1b4: {  	(xrf1) =	vsort.ascd.msk.f32 $0xffff, v5, v6;
	_ =	sdelay $0xb  }
0x1b5: {  	v5 =	vld [tilespmem:$0x880]  }
0x1b6: {  	v46 =	vld [tilespmem:$0x890];
	v6, v7, _ =	vpop (xrf1)  }
0x1b7: {  	v49 =	vld [tilespmem:$0x8A0];
	v47, v48, _ =	vpop (xrf1)  }
0x1b8: {  	v50 =	vld [tilespmem:$0x8B0];
	v6 =	vsel vm0, v6, v47;
	v7 =	vsel vm0, v7, v48  }
0x1b9: {  	(xrf1) =	vsort.dscd.msk.f32 $0xffff, v6, v7  }
0x1ba: {  	(xrf1) =	vsort.dscd.msk.f32 $0xffff, v5, v0  }
0x1bb: {  	(xrf1) =	vsort.ascd.msk.f32 $0xffff, v46, v1  }
0x1bc: {  	(xrf1) =	vsort.ascd.msk.f32 $0xffff, v49, v2  }
0x1bd: {  	(xrf1) =	vsort.dscd.msk.f32 $0xffff, v50, v3;
	_ =	sdelay $0x9  }
0x1be: {  	v9, v5, _ =	vpop (xrf1)  }
0x1bf: {  	v6, v7, _ =	vpop (xrf1)  }
0x1c0: {  	v8, v51, _ =	vpop (xrf1)  }
0x1c1: {  	v11, v52, _ =	vpop (xrf1)  }
0x1c2: {  	v6 =	vsel vm0, v6, v8;
	v7 =	vsel vm0, v7, v51;
	v54, v53, _ =	vpop (xrf1)  }
0x1c3: {  	(xrf1) =	vsort.dscd.msk.f32 $0xffff, v6, v7;
	v6 =	vsel vm0, v54, v11;
	v7 =	vsel vm0, v53, v52  }
0x1c4: {  	(xrf1) =	vsort.ascd.msk.f32 $0xffff, v6, v7;
	_ =	sdelay $0xb  }
0x1c5: {  	v6 =	vld [tilespmem:$0x900]  }
0x1c6: {  	v56 =	vld [tilespmem:$0x910];
	v7, v55, _ =	vpop (xrf1)  }
0x1c7: {  	v59 =	vld [tilespmem:$0x920];
	v57, v58, _ =	vpop (xrf1)  }
0x1c8: {  	v60 =	vld [tilespmem:$0x930];
	v7 =	vsel vm0, v7, v57;
	v8 =	vsel vm0, v55, v58  }
0x1c9: {  	(xrf1) =	vsort.dscd.msk.f32 $0xffff, v7, v8  }
0x1ca: {  	(xrf1) =	vsort.dscd.msk.f32 $0xffff, v6, v0  }
0x1cb: {  	(xrf1) =	vsort.ascd.msk.f32 $0xffff, v56, v1  }
0x1cc: {  	(xrf1) =	vsort.ascd.msk.f32 $0xffff, v59, v2  }
0x1cd: {  	(xrf1) =	vsort.dscd.msk.f32 $0xffff, v60, v3;
	_ =	sdelay $0x9  }
0x1ce: {  	v11, v6, _ =	vpop (xrf1)  }
0x1cf: {  	v7, v8, _ =	vpop (xrf1)  }
0x1d0: {  	v10, v61, _ =	vpop (xrf1)  }
0x1d1: {  	v13, v62, _ =	vpop (xrf1)  }
0x1d2: {  	v7 =	vsel vm0, v7, v10;
	v8 =	vsel vm0, v8, v61;
	v63, v20, _ =	vpop (xrf1)  }
0x1d3: {  	(xrf1) =	vsort.dscd.msk.f32 $0xffff, v7, v8;
	v7 =	vsel vm0, v63, v13;
	v21 =	vsel vm0, v20, v62  }
0x1d4: {  	(xrf1) =	vsort.ascd.msk.f32 $0xffff, v7, v21;
	_ =	sdelay $0xb  }
0x1d5: {  	v7 =	vld [tilespmem:$0x980]  }
0x1d6: {  	v24 =	vld [tilespmem:$0x990];
	v23, v22, _ =	vpop (xrf1)  }
0x1d7: {  	v27 =	vld [tilespmem:$0x9A0];
	v25, v26, _ =	vpop (xrf1)  }
0x1d8: {  	v28 =	vld [tilespmem:$0x9B0];
	v8 =	vsel vm0, v23, v25;
	v10 =	vsel vm0, v22, v26  }
0x1d9: {  	(xrf1) =	vsort.dscd.msk.f32 $0xffff, v8, v10  }
0x1da: {  	(xrf1) =	vsort.dscd.msk.f32 $0xffff, v7, v0  }
0x1db: {  	(xrf1) =	vsort.ascd.msk.f32 $0xffff, v24, v1  }
0x1dc: {  	(xrf1) =	vsort.ascd.msk.f32 $0xffff, v27, v2  }
0x1dd: {  	(xrf1) =	vsort.dscd.msk.f32 $0xffff, v28, v3;
	_ =	sdelay $0x9  }
0x1de: {  	v14, v7, _ =	vpop (xrf1)  }
0x1df: {  	v8, v10, _ =	vpop (xrf1)  }
0x1e0: {  	v12, v29, _ =	vpop (xrf1)  }
0x1e1: {  	v15, v30, _ =	vpop (xrf1)  }
0x1e2: {  	v8 =	vsel vm0, v8, v12;
	v10 =	vsel vm0, v10, v29;
	v32, v31, _ =	vpop (xrf1)  }
0x1e3: {  	(xrf1) =	vsort.dscd.msk.f32 $0xffff, v8, v10;
	v33 =	vsel vm0, v32, v15;
	v34 =	vsel vm0, v31, v30  }
0x1e4: {  	(xrf1) =	vsort.ascd.msk.f32 $0xffff, v33, v34;
	_ =	sdelay $0xb  }
0x1e5: {  	v35 =	vld [tilespmem:$0xA00]  }
0x1e6: {  	v38 =	vld [tilespmem:$0xA10];
	v37, v36, _ =	vpop (xrf1)  }
0x1e7: {  	v41 =	vld [tilespmem:$0xA20];
	v39, v40, _ =	vpop (xrf1)  }
0x1e8: {  	v42 =	vld [tilespmem:$0xA30];
	v10 =	vsel vm0, v37, v39;
	v12 =	vsel vm0, v36, v40  }
0x1e9: {  	(xrf1) =	vsort.dscd.msk.f32 $0xffff, v10, v12  }
0x1ea: {  	(xrf1) =	vsort.dscd.msk.f32 $0xffff, v35, v0  }
0x1eb: {  	(xrf1) =	vsort.ascd.msk.f32 $0xffff, v38, v1  }
0x1ec: {  	(xrf1) =	vsort.ascd.msk.f32 $0xffff, v41, v2  }
0x1ed: {  	(xrf1) =	vsort.dscd.msk.f32 $0xffff, v42, v3;
	_ =	sdelay $0x9  }
0x1ee: {  	v17, v8, _ =	vpop (xrf1)  }
0x1ef: {  	v10, v12, _ =	vpop (xrf1)  }
0x1f0: {  	v13, v43, _ =	vpop (xrf1)  }
0x1f1: {  	v45, v44, _ =	vpop (xrf1)  }
0x1f2: {  	v10 =	vsel vm0, v10, v13;
	v12 =	vsel vm0, v12, v43;
	v46, v47, _ =	vpop (xrf1)  }
0x1f3: {  	(xrf1) =	vsort.dscd.msk.f32 $0xffff, v10, v12;
	v48 =	vsel vm0, v46, v45;
	v49 =	vsel vm0, v47, v44  }
0x1f4: {  	(xrf1) =	vsort.ascd.msk.f32 $0xffff, v48, v49;
	_ =	sdelay $0xb  }
0x1f5: {  	v50 =	vld [tilespmem:$0xA80]  }
0x1f6: {  	v53 =	vld [tilespmem:$0xA90];
	v52, v51, _ =	vpop (xrf1)  }
0x1f7: {  	v56 =	vld [tilespmem:$0xAA0];
	v54, v55, _ =	vpop (xrf1)  }
0x1f8: {  	v57 =	vld [tilespmem:$0xAB0];
	v12 =	vsel vm0, v52, v54;
	v13 =	vsel vm0, v51, v55  }
0x1f9: {  	(xrf1) =	vsort.dscd.msk.f32 $0xffff, v12, v13  }
0x1fa: {  	(xrf1) =	vsort.dscd.msk.f32 $0xffff, v50, v0  }
0x1fb: {  	(xrf1) =	vsort.ascd.msk.f32 $0xffff, v53, v1  }
0x1fc: {  	(xrf1) =	vsort.ascd.msk.f32 $0xffff, v56, v2  }
0x1fd: {  	(xrf1) =	vsort.dscd.msk.f32 $0xffff, v57, v3;
	_ =	sdelay $0x8  }
0x1fe: {  	v58 =	vmul.f32 $1.442695020e+00, v9  }
0x1ff: {  	v20, v9, _ =	vpop (xrf1)  }
0x200: {  	(erf) = vpow2.f32 v58;
	v60, v59, _ =	vpop (xrf1)  }
0x201: {  	v61, v15, _ =	vpop (xrf1)  }
0x202: {  	v63, v62, _ =	vpop (xrf1)  }
0x203: {  	v10 =	vsel vm0, v60, v61;
	v12 =	vsel vm0, v59, v15;
	v25, v24, _ =	vpop (xrf1)  }
0x204: {  	(xrf1) =	vsort.dscd.msk.f32 $0xffff, v10, v12;
	v26 =	vsel vm0, v25, v63;
	v27 =	vsel vm0, v24, v62  }
0x205: {  	(xrf1) =	vsort.ascd.msk.f32 $0xffff, v26, v27;
	_ =	sdelay $0x3  }
0x206: {  	v28 =	vpop (erf)  }
0x207: {  	v10 =	vnsel vm0, $0x0, v28  }
0x208: {  	(xrf2) =	vadd.scan.msk.f32 $0xffff, v10;
	_ =	sdelay $0x5  }
0x209: {  	v29 =	vld [tilespmem:$0xB00]  }
0x20a: {  	v32 =	vld [tilespmem:$0xB10];
	v30, v31, _ =	vpop (xrf1)  }
0x20b: {  	v35 =	vld [tilespmem:$0xB20];
	v34, v33, _ =	vpop (xrf1)  }
0x20c: {  	v36 =	vld [tilespmem:$0xB30];
	v13 =	vsel vm0, v30, v34;
	v15 =	vsel vm0, v31, v33  }
0x20d: {  	v37, _, _ =	vpop (xrf2);
	(xrf1) =	vsort.dscd.msk.f32 $0xffff, v13, v15  }
0x20e: {  	v38 =	vperm.xlane v37, v4;
	(xrf1) =	vsort.dscd.msk.f32 $0xffff, v29, v0  }
0x20f: {  	v11 =	vmul.f32 $1.442695020e+00, v11;
	(xrf1) =	vsort.ascd.msk.f32 $0xffff, v32, v1  }
0x210: {  	(erf) = vrcp.f32 v38;
	(xrf1) =	vsort.ascd.msk.f32 $0xffff, v35, v2  }
0x211: {  	(erf) = vpow2.f32 v11;
	(xrf1) =	vsort.dscd.msk.f32 $0xffff, v36, v3;
	_ =	sdelay $0x7  }
0x212: {  	v12 =	vpop (erf)  }
0x213: {  	v39 =	vpop (erf)  }
0x214: {  	v22, v11, _ =	vpop (xrf1)  }
0x215: {  	v40, v41, _ =	vpop (xrf1)  }
0x216: {  	v43, v42, _ =	vpop (xrf1)  }
0x217: {  	v13 =	vnsel vm0, $0x0, v39;
	v21, v44, _ =	vpop (xrf1)  }
0x218: {  	(xrf2) =	vadd.scan.msk.f32 $0xffff, v13;
	v15 =	vsel vm0, v40, v43;
	v16 =	vsel vm0, v41, v42;
	v46, v45, _ =	vpop (xrf1)  }
0x219: {  	(xrf1) =	vsort.dscd.msk.f32 $0xffff, v15, v16;
	v47 =	vsel vm0, v46, v21;
	v48 =	vsel vm0, v45, v44  }
0x21a: {  	(xrf1) =	vsort.ascd.msk.f32 $0xffff, v47, v48;
	_ =	sdelay $0x9  }
0x21b: {  	v49, _, _ =	vpop (xrf2)  }
0x21c: {  	v15 =	vperm.xlane v49, v4  }
0x21d: {  	v14 =	vmul.f32 $1.442695020e+00, v14;
	v50 =	vld [tilespmem:$0xB80]  }
0x21e: {  	v53 =	vld [tilespmem:$0xB90];
	(erf) = vrcp.f32 v15;
	v52, v51, _ =	vpop (xrf1)  }
0x21f: {  	v56 =	vld [tilespmem:$0xBA0];
	(erf) = vpow2.f32 v14;
	v55, v54, _ =	vpop (xrf1)  }
0x220: {  	v58 =	vld [tilespmem:$0xBB0];
	v14 =	vsel vm0, v52, v55;
	v57 =	vsel vm0, v51, v54  }
0x221: {  	(xrf1) =	vsort.dscd.msk.f32 $0xffff, v14, v57  }
0x222: {  	(xrf1) =	vsort.dscd.msk.f32 $0xffff, v50, v0  }
0x223: {  	(xrf1) =	vsort.ascd.msk.f32 $0xffff, v53, v1  }
0x224: {  	(xrf1) =	vsort.ascd.msk.f32 $0xffff, v56, v2  }
0x225: {  	(xrf1) =	vsort.dscd.msk.f32 $0xffff, v58, v3;
	_ =	sdelay $0x1  }
0x226: {  	v16 =	vpop (erf)  }
0x227: {  	v59 =	vpop (erf)  }
0x228: {  	v15 =	vnsel vm0, $0x0, v59  }
0x229: {  	(xrf2) =	vadd.scan.msk.f32 $0xffff, v15;
	_ =	sdelay $0x4  }
0x22a: {  	v25, v14, _ =	vpop (xrf1)  }
0x22b: {  	v61, v60, _ =	vpop (xrf1)  }
0x22c: {  	v62, v63, _ =	vpop (xrf1)  }
0x22d: {  	v33, v32, _ =	vpop (xrf1)  }
0x22e: {  	v18 =	vsel vm0, v61, v62;
	v19 =	vsel vm0, v60, v63;
	v35, v34, _ =	vpop (xrf1)  }
0x22f: {  	v36, _, _ =	vpop (xrf2);
	(xrf1) =	vsort.dscd.msk.f32 $0xffff, v18, v19;
	v37 =	vsel vm0, v35, v33;
	v38 =	vsel vm0, v34, v32  }
0x230: {  	v21 =	vperm.xlane v36, v4;
	(xrf1) =	vsort.ascd.msk.f32 $0xffff, v37, v38  }
0x231: {  	v17 =	vmul.f32 $1.442695020e+00, v17  }
0x232: {  	(erf) = vrcp.f32 v21  }
0x233: {  	(erf) = vpow2.f32 v17;
	_ =	sdelay $0x7  }
0x234: {  	v18 =	vpop (erf)  }
0x235: {  	v39 =	vld [tilespmem:$0xC00];
	v17 =	vpop (erf)  }
0x236: {  	v42 =	vld [tilespmem:$0xC10];
	v19 =	vnsel vm0, $0x0, v17;
	v40, v41, _ =	vpop (xrf1)  }
0x237: {  	v45 =	vld [tilespmem:$0xC20];
	(xrf2) =	vadd.scan.msk.f32 $0xffff, v19;
	v44, v43, _ =	vpop (xrf1)  }
0x238: {  	v47 =	vld [tilespmem:$0xC30];
	v17 =	vsel vm0, v40, v44;
	v46 =	vsel vm0, v41, v43  }
0x239: {  	(xrf1) =	vsort.dscd.msk.f32 $0xffff, v17, v46  }
0x23a: {  	(xrf1) =	vsort.dscd.msk.f32 $0xffff, v39, v0  }
0x23b: {  	(xrf1) =	vsort.ascd.msk.f32 $0xffff, v42, v1  }
0x23c: {  	(xrf1) =	vsort.ascd.msk.f32 $0xffff, v45, v2  }
0x23d: {  	(xrf1) =	vsort.dscd.msk.f32 $0xffff, v47, v3;
	_ =	sdelay $0x3  }
0x23e: {  	v48, _, _ =	vpop (xrf2)  }
0x23f: {  	v17 =	vperm.xlane v48, v4;
	_ =	sdelay $0x3  }
0x240: {  	v20 =	vmul.f32 $1.442695020e+00, v20  }
0x241: {  	(erf) = vrcp.f32 v17;
	v28, v17, _ =	vpop (xrf1)  }
0x242: {  	(erf) = vpow2.f32 v20;
	v49, v21, _ =	vpop (xrf1)  }
0x243: {  	v50, v51, _ =	vpop (xrf1)  }
0x244: {  	v53, v52, _ =	vpop (xrf1)  }
0x245: {  	v20 =	vsel vm0, v49, v50;
	v21 =	vsel vm0, v21, v51;
	v54, v55, _ =	vpop (xrf1)  }
0x246: {  	(xrf1) =	vsort.dscd.msk.f32 $0xffff, v20, v21;
	v56 =	vsel vm0, v54, v53;
	v57 =	vsel vm0, v55, v52  }
0x247: {  	(xrf1) =	vsort.ascd.msk.f32 $0xffff, v56, v57;
	_ =	sdelay $0x2  }
0x248: {  	v21 =	vpop (erf)  }
0x249: {  	v58 =	vpop (erf)  }
0x24a: {  	v20 =	vnsel vm0, $0x0, v58  }
0x24b: {  	(xrf2) =	vadd.scan.msk.f32 $0xffff, v20;
	_ =	sdelay $0x5  }
0x24c: {  	v59 =	vld [tilespmem:$0xC80]  }
0x24d: {  	v62 =	vld [tilespmem:$0xC90];
	v60, v61, _ =	vpop (xrf1)  }
0x24e: {  	v34 =	vld [tilespmem:$0xCA0];
	v63, v33, _ =	vpop (xrf1)  }
0x24f: {  	v35 =	vld [tilespmem:$0xCB0];
	v24 =	vsel vm0, v60, v63;
	v26 =	vsel vm0, v61, v33  }
0x250: {  	v36, _, _ =	vpop (xrf2);
	(xrf1) =	vsort.dscd.msk.f32 $0xffff, v24, v26  }
0x251: {  	v37 =	vperm.xlane v36, v4;
	(xrf1) =	vsort.dscd.msk.f32 $0xffff, v59, v0  }
0x252: {  	v22 =	vmul.f32 $1.442695020e+00, v22;
	(xrf1) =	vsort.ascd.msk.f32 $0xffff, v62, v1  }
0x253: {  	(erf) = vrcp.f32 v37;
	(xrf1) =	vsort.ascd.msk.f32 $0xffff, v34, v2  }
0x254: {  	(erf) = vpow2.f32 v22;
	(xrf1) =	vsort.dscd.msk.f32 $0xffff, v35, v3;
	_ =	sdelay $0x7  }
0x255: {  	v23 =	vpop (erf)  }
0x256: {  	v38 =	vpop (erf)  }
0x257: {  	v30, v22, _ =	vpop (xrf1)  }
0x258: {  	v39, v40, _ =	vpop (xrf1)  }
0x259: {  	v42, v41, _ =	vpop (xrf1)  }
0x25a: {  	v24 =	vnsel vm0, $0x0, v38;
	v43, v44, _ =	vpop (xrf1)  }
0x25b: {  	(xrf2) =	vadd.scan.msk.f32 $0xffff, v24;
	v26 =	vsel vm0, v39, v42;
	v27 =	vsel vm0, v40, v41;
	v45, v46, _ =	vpop (xrf1)  }
0x25c: {  	(xrf1) =	vsort.dscd.msk.f32 $0xffff, v26, v27;
	v47 =	vsel vm0, v45, v43;
	v48 =	vsel vm0, v46, v44  }
0x25d: {  	(xrf1) =	vsort.ascd.msk.f32 $0xffff, v47, v48;
	_ =	sdelay $0x9  }
0x25e: {  	v49, _, _ =	vpop (xrf2)  }
0x25f: {  	v26 =	vperm.xlane v49, v4  }
0x260: {  	v25 =	vmul.f32 $1.442695020e+00, v25;
	v50 =	vld [tilespmem:$0xD00]  }
0x261: {  	v53 =	vld [tilespmem:$0xD10];
	(erf) = vrcp.f32 v26;
	v52, v51, _ =	vpop (xrf1)  }
0x262: {  	v56 =	vld [tilespmem:$0xD20];
	(erf) = vpow2.f32 v25;
	v55, v54, _ =	vpop (xrf1)  }
0x263: {  	v58 =	vld [tilespmem:$0xD30];
	v25 =	vsel vm0, v52, v55;
	v57 =	vsel vm0, v51, v54  }
0x264: {  	(xrf1) =	vsort.dscd.msk.f32 $0xffff, v25, v57  }
0x265: {  	(xrf1) =	vsort.dscd.msk.f32 $0xffff, v50, v0  }
0x266: {  	(xrf1) =	vsort.ascd.msk.f32 $0xffff, v53, v1  }
0x267: {  	(xrf1) =	vsort.ascd.msk.f32 $0xffff, v56, v2  }
0x268: {  	(xrf1) =	vsort.dscd.msk.f32 $0xffff, v58, v3;
	_ =	sdelay $0x1  }
0x269: {  	v27 =	vpop (erf)  }
0x26a: {  	v59 =	vpop (erf)  }
0x26b: {  	v26 =	vnsel vm0, $0x0, v59  }
0x26c: {  	(xrf2) =	vadd.scan.msk.f32 $0xffff, v26;
	_ =	sdelay $0x4  }
0x26d: {  	v33, v25, _ =	vpop (xrf1)  }
0x26e: {  	v61, v60, _ =	vpop (xrf1)  }
0x26f: {  	v63, v62, _ =	vpop (xrf1)  }
0x270: {  	v41, v40, _ =	vpop (xrf1)  }
0x271: {  	v29 =	vsel vm0, v61, v63;
	v31 =	vsel vm0, v60, v62;
	v42, v43, _ =	vpop (xrf1)  }
0x272: {  	v44, _, _ =	vpop (xrf2);
	(xrf1) =	vsort.dscd.msk.f32 $0xffff, v29, v31;
	v45 =	vsel vm0, v42, v41;
	v46 =	vsel vm0, v43, v40  }
0x273: {  	v32 =	vperm.xlane v44, v4;
	(xrf1) =	vsort.ascd.msk.f32 $0xffff, v45, v46  }
0x274: {  	v28 =	vmul.f32 $1.442695020e+00, v28  }
0x275: {  	(erf) = vrcp.f32 v32  }
0x276: {  	(erf) = vpow2.f32 v28;
	_ =	sdelay $0x7  }
0x277: {  	v28 =	vpop (erf)  }
0x278: {  	v48 =	vld [tilespmem:$0xD80];
	v47 =	vpop (erf)  }
0x279: {  	v51 =	vld [tilespmem:$0xD90];
	v50, v49, _ =	vpop (xrf1)  }
0x27a: {  	v54 =	vld [tilespmem:$0xDA0];
	v29 =	vnsel vm0, $0x0, v47;
	v53, v52, _ =	vpop (xrf1)  }
0x27b: {  	v55 =	vld [tilespmem:$0xDB0];
	(xrf2) =	vadd.scan.msk.f32 $0xffff, v29;
	v32 =	vsel vm0, v50, v53;
	v34 =	vsel vm0, v49, v52  }
0x27c: {  	(xrf1) =	vsort.dscd.msk.f32 $0xffff, v32, v34  }
0x27d: {  	(xrf1) =	vsort.dscd.msk.f32 $0xffff, v48, v0  }
0x27e: {  	(xrf1) =	vsort.ascd.msk.f32 $0xffff, v51, v1  }
0x27f: {  	(xrf1) =	vsort.ascd.msk.f32 $0xffff, v54, v2  }
0x280: {  	(xrf1) =	vsort.dscd.msk.f32 $0xffff, v55, v3;
	_ =	sdelay $0x6  }
0x281: {  	v56, _, _ =	vpop (xrf2)  }
0x282: {  	v31 =	vperm.xlane v56, v4  }
0x283: {  	v57 =	vmul.f32 $1.442695020e+00, v30  }
0x284: {  	(erf) = vrcp.f32 v31;
	v36, v30, _ =	vpop (xrf1)  }
0x285: {  	(erf) = vpow2.f32 v57;
	v58, v59, _ =	vpop (xrf1)  }
0x286: {  	v60, v35, _ =	vpop (xrf1)  }
0x287: {  	v61, v38, _ =	vpop (xrf1)  }
0x288: {  	v31 =	vsel vm0, v58, v60;
	v32 =	vsel vm0, v59, v35;
	v63, v62, _ =	vpop (xrf1)  }
0x289: {  	(xrf1) =	vsort.dscd.msk.f32 $0xffff, v31, v32;
	v42 =	vsel vm0, v63, v61;
	v43 =	vsel vm0, v62, v38  }
0x28a: {  	(xrf1) =	vsort.ascd.msk.f32 $0xffff, v42, v43;
	_ =	sdelay $0x2  }
0x28b: {  	v32 =	vpop (erf)  }
0x28c: {  	v44 =	vpop (erf)  }
0x28d: {  	v31 =	vnsel vm0, $0x0, v44  }
0x28e: {  	(xrf2) =	vadd.scan.msk.f32 $0xffff, v31;
	_ =	sdelay $0x5  }
0x28f: {  	v45 =	vld [tilespmem:$0xE00]  }
0x290: {  	v48 =	vld [tilespmem:$0xE10];
	v46, v47, _ =	vpop (xrf1)  }
0x291: {  	v51 =	vld [tilespmem:$0xE20];
	v49, v50, _ =	vpop (xrf1)  }
0x292: {  	v52 =	vld [tilespmem:$0xE30];
	v35 =	vsel vm0, v46, v49;
	v37 =	vsel vm0, v47, v50  }
0x293: {  	v53, _, _ =	vpop (xrf2);
	(xrf1) =	vsort.dscd.msk.f32 $0xffff, v35, v37  }
0x294: {  	v54 =	vperm.xlane v53, v4;
	(xrf1) =	vsort.dscd.msk.f32 $0xffff, v45, v0  }
0x295: {  	v33 =	vmul.f32 $1.442695020e+00, v33;
	(xrf1) =	vsort.ascd.msk.f32 $0xffff, v48, v1  }
0x296: {  	(erf) = vrcp.f32 v54;
	(xrf1) =	vsort.ascd.msk.f32 $0xffff, v51, v2  }
0x297: {  	(erf) = vpow2.f32 v33;
	(xrf1) =	vsort.dscd.msk.f32 $0xffff, v52, v3;
	_ =	sdelay $0x7  }
0x298: {  	v34 =	vpop (erf)  }
0x299: {  	v55 =	vpop (erf)  }
0x29a: {  	v39, v33, _ =	vpop (xrf1)  }
0x29b: {  	v56, v57, _ =	vpop (xrf1)  }
0x29c: {  	v58, v59, _ =	vpop (xrf1)  }
0x29d: {  	v35 =	vnsel vm0, $0x0, v55;
	v61, v60, _ =	vpop (xrf1)  }
0x29e: {  	(xrf2) =	vadd.scan.msk.f32 $0xffff, v35;
	v37 =	vsel vm0, v56, v58;
	v38 =	vsel vm0, v57, v59;
	v63, v62, _ =	vpop (xrf1)  }
0x29f: {  	(xrf1) =	vsort.dscd.msk.f32 $0xffff, v37, v38;
	v48 =	vsel vm0, v63, v61;
	v49 =	vsel vm0, v62, v60  }
0x2a0: {  	(xrf1) =	vsort.ascd.msk.f32 $0xffff, v48, v49;
	_ =	sdelay $0x9  }
0x2a1: {  	v50, _, _ =	vpop (xrf2)  }
0x2a2: {  	v37 =	vperm.xlane v50, v4  }
0x2a3: {  	v36 =	vmul.f32 $1.442695020e+00, v36;
	v51 =	vld [tilespmem:$0xE80]  }
0x2a4: {  	v54 =	vld [tilespmem:$0xE90];
	(erf) = vrcp.f32 v37;
	v53, v52, _ =	vpop (xrf1)  }
0x2a5: {  	v57 =	vld [tilespmem:$0xEA0];
	(erf) = vpow2.f32 v36;
	v56, v55, _ =	vpop (xrf1)  }
0x2a6: {  	v59 =	vld [tilespmem:$0xEB0];
	v36 =	vsel vm0, v53, v56;
	v58 =	vsel vm0, v52, v55  }
0x2a7: {  	(xrf1) =	vsort.dscd.msk.f32 $0xffff, v36, v58  }
0x2a8: {  	(xrf1) =	vsort.dscd.msk.f32 $0xffff, v51, v0  }
0x2a9: {  	(xrf1) =	vsort.ascd.msk.f32 $0xffff, v54, v1  }
0x2aa: {  	(xrf1) =	vsort.ascd.msk.f32 $0xffff, v57, v2  }
0x2ab: {  	(xrf1) =	vsort.dscd.msk.f32 $0xffff, v59, v3;
	_ =	sdelay $0x1  }
0x2ac: {  	v38 =	vpop (erf)  }
0x2ad: {  	v60 =	vpop (erf)  }
0x2ae: {  	v37 =	vnsel vm0, $0x0, v60  }
0x2af: {  	(xrf2) =	vadd.scan.msk.f32 $0xffff, v37;
	_ =	sdelay $0x4  }
0x2b0: {  	v40, v36, _ =	vpop (xrf1)  }
0x2b1: {  	v62, v61, _ =	vpop (xrf1)  }
0x2b2: {  	v52, v63, _ =	vpop (xrf1)  }
0x2b3: {  	v54, v53, _ =	vpop (xrf1)  }
0x2b4: {  	v41 =	vsel vm0, v62, v52;
	v42 =	vsel vm0, v61, v63;
	v47, v48, _ =	vpop (xrf1)  }
0x2b5: {  	v55, _, _ =	vpop (xrf2);
	(xrf1) =	vsort.dscd.msk.f32 $0xffff, v41, v42;
	v56 =	vsel vm0, v47, v54;
	v57 =	vsel vm0, v48, v53  }
0x2b6: {  	v43 =	vperm.xlane v55, v4;
	(xrf1) =	vsort.ascd.msk.f32 $0xffff, v56, v57  }
0x2b7: {  	v39 =	vmul.f32 $1.442695020e+00, v39  }
0x2b8: {  	(erf) = vrcp.f32 v43  }
0x2b9: {  	(erf) = vpow2.f32 v39;
	_ =	sdelay $0x7  }
0x2ba: {  	v39 =	vpop (erf)  }
0x2bb: {  	v59 =	vld [tilespmem:$0xF00];
	v58 =	vpop (erf)  }
0x2bc: {  	v62 =	vld [tilespmem:$0xF10];
	v41 =	vnsel vm0, $0x0, v58;
	v61, v60, _ =	vpop (xrf1)  }
0x2bd: {  	v53 =	vld [tilespmem:$0xF20];
	(xrf2) =	vadd.scan.msk.f32 $0xffff, v41;
	v52, v63, _ =	vpop (xrf1)  }
0x2be: {  	v54 =	vld [tilespmem:$0xF30];
	v43 =	vsel vm0, v61, v52;
	v44 =	vsel vm0, v60, v63  }
0x2bf: {  	(xrf1) =	vsort.dscd.msk.f32 $0xffff, v43, v44  }
0x2c0: {  	(xrf1) =	vsort.dscd.msk.f32 $0xffff, v59, v0  }
0x2c1: {  	(xrf1) =	vsort.ascd.msk.f32 $0xffff, v62, v1  }
0x2c2: {  	(xrf1) =	vsort.ascd.msk.f32 $0xffff, v53, v2  }
0x2c3: {  	(xrf1) =	vsort.dscd.msk.f32 $0xffff, v54, v3;
	_ =	sdelay $0x3  }
0x2c4: {  	v55, _, _ =	vpop (xrf2)  }
0x2c5: {  	v42 =	vperm.xlane v55, v4  }
0x2c6: {  	v40 =	vmul.f32 $1.442695020e+00, v40;
	_ =	sdelay $0x2  }
0x2c7: {  	(erf) = vrcp.f32 v42  }
0x2c8: {  	(erf) = vpow2.f32 v40;
	v40, v42, _ =	vpop (xrf1)  }
0x2c9: {  	v43, v44, _ =	vpop (xrf1)  }
0x2ca: {  	v45, v56, _ =	vpop (xrf1)  }
0x2cb: {  	v57, v48, _ =	vpop (xrf1)  }
0x2cc: {  	v43 =	vsel vm0, v43, v45;
	v44 =	vsel vm0, v44, v56;
	v49, v50, _ =	vpop (xrf1)  }
0x2cd: {  	(xrf1) =	vsort.dscd.msk.f32 $0xffff, v43, v44;
	v58 =	vsel vm0, v49, v57;
	v59 =	vsel vm0, v50, v48  }
0x2ce: {  	(xrf1) =	vsort.ascd.msk.f32 $0xffff, v58, v59;
	_ =	sdelay $0x1  }
0x2cf: {  	v43 =	vpop (erf)  }
0x2d0: {  	v60 =	vpop (erf)  }
0x2d1: {  	v44 =	vnsel vm0, $0x0, v60  }
0x2d2: {  	(xrf2) =	vadd.scan.msk.f32 $0xffff, v44;
	_ =	sdelay $0x6  }
0x2d3: {  	v61 =	vld [tilespmem:$0xF80]  }
0x2d4: {  	v56 =	vld [tilespmem:$0xF90];
	v62, v63, _ =	vpop (xrf1)  }
0x2d5: {  	v51 =	vld [tilespmem:$0xFA0];
	v57, v58, _ =	vpop (xrf1)  }
0x2d6: {  	v59 =	vld [tilespmem:$0xFB0];
	v52, _, _ =	vpop (xrf2);
	v46 =	vsel vm0, v62, v57;
	v47 =	vsel vm0, v63, v58  }
0x2d7: {  	v60 =	vperm.xlane v52, v4;
	(xrf1) =	vsort.dscd.msk.f32 $0xffff, v46, v47  }
0x2d8: {  	v40 =	vmul.f32 $1.442695020e+00, v40;
	(xrf1) =	vsort.dscd.msk.f32 $0xffff, v61, v0  }
0x2d9: {  	(erf) = vrcp.f32 v60;
	(xrf1) =	vsort.ascd.msk.f32 $0xffff, v56, v1  }
0x2da: {  	(erf) = vpow2.f32 v40;
	(xrf1) =	vsort.ascd.msk.f32 $0xffff, v51, v2  }
0x2db: {  	(xrf1) =	vsort.dscd.msk.f32 $0xffff, v59, v3;
	_ =	sdelay $0x6  }
0x2dc: {  	v40 =	vpop (erf)  }
0x2dd: {  	v61 =	vpop (erf)  }
0x2de: {  	v45 =	vnsel vm0, $0x0, v61  }
0x2df: {  	(xrf2) =	vadd.scan.msk.f32 $0xffff, v45;
	v46, v47, _ =	vpop (xrf1)  }
0x2e0: {  	v62, v63, _ =	vpop (xrf1)  }
0x2e1: {  	v56, v57, _ =	vpop (xrf1)  }
0x2e2: {  	v58, v53, _ =	vpop (xrf1)  }
0x2e3: {  	v48 =	vsel vm0, v62, v56;
	v49 =	vsel vm0, v63, v57;
	v59, v60, _ =	vpop (xrf1)  }
0x2e4: {  	(xrf1) =	vsort.dscd.msk.f32 $0xffff, v48, v49;
	v61 =	vsel vm0, v59, v58;
	v62 =	vsel vm0, v60, v53  }
0x2e5: {  	(xrf1) =	vsort.ascd.msk.f32 $0xffff, v61, v62;
	_ =	sdelay $0x3  }
0x2e6: {  	v63, _, _ =	vpop (xrf2)  }
0x2e7: {  	v48 =	vperm.xlane v63, v4  }
0x2e8: {  	v46 =	vmul.f32 $1.442695020e+00, v46  }
0x2e9: {  	(erf) = vrcp.f32 v48  }
0x2ea: {  	(erf) = vpow2.f32 v46;
	_ =	sdelay $0x4  }
0x2eb: {  	v53, v52, _ =	vpop (xrf1)  }
0x2ec: {  	v49, v54, _ =	vpop (xrf1)  }
0x2ed: {  	v46 =	vsel vm0, v53, v49;
	v48 =	vsel vm0, v52, v54  }
0x2ee: {  	v55 =	vpop (erf);
	(xrf1) =	vsort.dscd.msk.f32 $0xffff, v46, v48  }
0x2ef: {  	v56 =	vpop (erf)  }
0x2f0: {  	v46 =	vnsel vm0, $0x0, v56  }
0x2f1: {  	(xrf2) =	vadd.scan.msk.f32 $0xffff, v46;
	_ =	sdelay $0x9  }
0x2f2: {  	v57, _, _ =	vpop (xrf2)  }
0x2f3: {  	v48 =	vperm.xlane v57, v4;
	v59, v58, _ =	vpop (xrf1)  }
0x2f4: {  	v50 =	vmul.f32 $1.442695020e+00, v59  }
0x2f5: {  	(erf) = vrcp.f32 v48  }
0x2f6: {  	(erf) = vpow2.f32 v50;
	_ =	sdelay $0x4  }
0x2f7: {  	[tilespmem:$0x2800] =	vst v5  }
0x2f8: {  	[tilespmem:$0x2880] =	vst v6  }
0x2f9: {  	[tilespmem:$0x2900] =	vst v7  }
0x2fa: {  	[tilespmem:$0x2980] =	vst v8;
	v10 =	vmul.f32 v10, v12;
	v5 =	vpop (erf)  }
0x2fb: {  	[tilespmem:$0x2A00] =	vst v9;
	v6 =	vpop (erf)  }
0x2fc: {  	[tilespmem:$0x2000] =	vst v10;
	v7 =	vmul.f32 v20, v23;
	v6 =	vnsel vm0, $0x0, v6  }
0x2fd: {  	[tilespmem:$0x2A80] =	vst v11;
	(xrf2) =	vadd.scan.msk.f32 $0xffff, v6  }
0x2fe: {  	[tilespmem:$0x2200] =	vst v7;
	v7 =	vmul.f32 v24, v27  }
0x2ff: {  	[tilespmem:$0x2B00] =	vst v14  }
0x300: {  	[tilespmem:$0x2280] =	vst v7;
	v7 =	vmul.f32 v26, v28  }
0x301: {  	[tilespmem:$0x2B80] =	vst v17  }
0x302: {  	[tilespmem:$0x2300] =	vst v7;
	v7 =	vmul.f32 v29, v32  }
0x303: {  	[tilespmem:$0x2C00] =	vst v22  }
0x304: {  	[tilespmem:$0x2380] =	vst v7;
	v7 =	vmul.f32 v31, v34  }
0x305: {  	[tilespmem:$0x2C80] =	vst v25  }
0x306: {  	[tilespmem:$0x2400] =	vst v7;
	v7 =	vmul.f32 v35, v38  }
0x307: {  	[tilespmem:$0x2D00] =	vst v30;
	v63, _, _ =	vpop (xrf2)  }
0x308: {  	[tilespmem:$0x2480] =	vst v7;
	v7 =	vmul.f32 v37, v39;
	v8 =	vperm.xlane v63, v4  }
0x309: {  	[tilespmem:$0x2D80] =	vst v33  }
0x30a: {  	[tilespmem:$0x2500] =	vst v7;
	v7 =	vmul.f32 v41, v43;
	(erf) = vrcp.f32 v8  }
0x30b: {  	[tilespmem:$0x2E00] =	vst v36  }
0x30c: {  	[tilespmem:$0x2580] =	vst v7;
	v7 =	vmul.f32 v44, v40  }
0x30d: {  	[tilespmem:$0x2E80] =	vst v42  }
0x30e: {  	[tilespmem:$0x2600] =	vst v7;
	v60 =	vmul.f32 v13, v16  }
0x30f: {  	[tilespmem:$0x2F00] =	vst v47;
	v61 =	vmul.f32 v15, v18;
	v7 =	vmul.f32 v45, v55  }
0x310: {  	v62 =	vmul.f32 v19, v21;
	[tilespmem:$0x2080] =	vst v60  }
0x311: {  	[tilespmem:$0x2100] =	vst v61  }
0x312: {  	[tilespmem:$0x2180] =	vst v62;
	v5 =	vmul.f32 v46, v5  }
0x313: {  	s20 =	sadd.s32 $0x200, s20;
	[tilespmem:$0x2680] =	vst v7;
	v7 =	vpop (erf)  }
0x314: {  	p0 =	sne.s32 s20, $0x2000;
	[tilespmem:$0x2700] =	vst v5;
	v5 =	vmul.f32 v6, v7  }
.Ltmp0:
0x315: {  	[tilespmem:$0x2F80] =	vst v58;
	(pc) =	sbr.rel @p0 .LBB2_2-.Ltmp0, $4  }
0x316: {  	s21 =	sadd.s32 $0x100, s30;
	[tilespmem:$0x2780] =	vst v5  }
0x317: {  	[hbm4b:s21+s2] =	stream.linear.scatter [tilespmem:s13], [sflag:$0x5], $0x800, $0x38;
	[tilespmem:$0x3000] =	vst v63  }
0x318: {  	s31 =	sadd.s32 $0x100, s22  }
0x319: {  	[hbm4b:s31+s2] =	stream.linear.scatter [tilespmem:s14], [sflag:$0x6], $0x800, $0x38;
	[tilespmem:$0x3000] =	vst v63  }
0x31a: {  	_ =	swait.ge [sflag:s15], $0x800  }
0x31b: {  	[sflag:s15] =	ssyncset.done $0x0  }
0x31c: {  	[sflag:s15] =	ssyncadd.s32 $0xFFFFF800  }
0x31d: {  	_ =	swait.ge [sflag:s16], $0x800  }
0x31e: {  	[sflag:s16] =	ssyncset.done $0x0  }
0x31f: {  	s19 =	sadd.s32 $0x1, s19;
	[sflag:s16] =	ssyncadd.s32 $0xFFFFF800  }
0x320: {  	p0 =	sne.s32 s19, s4;
	_ =	swait.ge [sflag:s17], $0x800  }
.Ltmp1:
0x321: {  	[sflag:s17] =	ssyncset.done $0x0;
	(pc) =	sbr.rel @p0 .LBB2_1-.Ltmp1, $4  }
0x322: {  	[sflag:s17] =	ssyncadd.s32 $0xFFFFF800  }
0x323: {  	_ =	swait.ge [sflag:s18], $0x800  }
0x324: {  	[sflag:s18] =	ssyncset.done $0x0  }
0x325: {  	[sflag:s18] =	ssyncadd.s32 $0xFFFFF800  }
0x326: {  	_ =	sfence.sel $0x180000  }
0x327: {  	[bflag:$0x0] =	sbarrier.arrive $0xFFFF  }
0x328: {  	p0 =	sne.s32 s1, $0x0;
	_ =	strace $0x90000047  }
0x329: {  	s0 =	sadd.s32 @!p0 $0x100000, s0;
	[bflag:$0x2] =	sbarrier.arrive $0xFFFF  }
0x32a: {  	[sflag:s0] =	ssyncadd.tile.s32 @!p0 $0x1;
	_ =	shalt  }
.Lfunc_end2:
_tile_overlayer_lowered:
.L_overlay_start_2:
0x32b: {  	(tag) =	ssettag $0x2  }
0x32c: {  	s0 =	rddreg [dreg:$0x0];
	s2 =	stileid.u32  }
0x32d: {  	s1 =	rddreg [dreg:$0x1];
	p0 =	sne.s32 s2, $0x0  }
0x32e: {  	s3 =	rddreg [dreg:$0x2];
	[bflag:$0x3] =	sbarrier.arrive $0xFFFF;
	s2 =	simm.s32 @!p0 $0x1C07  }
0x32f: {  	[timem:s3], [sflag:s2] =	dma.local @!p0 [hbm:s0], s1  }
0x330: {  	s0 =	simm.s32 @!p0 $0x7  }
0x331: {  	_ =	swait.ge @!p0 [sflag:s0], s1  }
0x332: {  	s1 =	ssub.s32 @!p0 $0x0, s1;
	[sflag:s0] =	ssyncset.done @!p0 $0x0  }
0x333: {  	[sflag:s0] =	ssyncadd.s32 @!p0 s1  }
0x334: {  	[bflag:$0x3] =	sbarrier.arrive $0xFFFF  }
0x335: {  	_ =	shalt  }

</sc_bundles>
